<compile_context>
chip_gen: v7x
topology: tpu7x:2x2x1
jax: 0.10.2.dev20260603
libtpu: 0.0.44.dev20260713+nightly
codegen_flags: <defaults>
</compile_context>

<pallas_src>
import functools

import jax
import jax.numpy as jnp
from jax import lax
from jax.experimental import pallas as pl
from jax.experimental.pallas import tpu as pltpu
from jax.experimental.pallas import tpu_sc as plsc

_CH = 1000


def _edge(valp_hbm, buf, ebuf, vq0, r0, lo, hi):

    @pl.when(hi > lo)
    def _do():
        ot = lax.div(lo, 8) * 8
        pltpu.sync_copy(valp_hbm.at[pl.ds(pl.multiple_of(vq0 + ot, 8), 8), :], ebuf)
        lanes = lax.iota(jnp.int32, 16)
        for i in range(7):
            r = lo + i

            @pl.when(r < hi)
            def _row(r=r):
                er = jnp.full((16,), r - ot, jnp.int32)
                dr = jnp.full((16,), r - r0, jnp.int32)
                for l in range(4):
                    x = plsc.load_gather(ebuf, [er, l * 16 + lanes])
                    plsc.store_scatter(buf, [dr, l * 16 + lanes], x)


def _patch(nw, w, valp_hbm, out_hbm, buf, ebuf, arc_row, arc_len, val_base, s08):
    c_first = lax.div(arc_row, _CH)
    c_last = lax.div(arc_row + jnp.maximum(arc_len, 1) - 1, _CH)
    c = c_first + lax.rem(lax.rem(w - c_first, nw) + nw, nw)

    @pl.when(jnp.logical_and(arc_len > 0, c <= c_last))
    def _do():
        r0 = c * _CH
        pltpu.sync_copy(out_hbm.at[pl.ds(pl.multiple_of(r0, 8), _CH), :], buf)
        a = jnp.maximum(arc_row, r0)
        b = jnp.minimum(arc_row + arc_len, r0 + _CH)
        vq0 = val_base + s08 - arc_row
        a8 = lax.div(a + 7, 8) * 8
        b8 = lax.div(b, 8) * 8
        li8 = lax.div(jnp.maximum(b8 - a8, 0), 8)
        off = jnp.int32(0)
        for k in reversed(range(7)):
            ln = 8 * (1 << k)
            bit = lax.rem(lax.div(li8, 1 << k), 2) == 1

            @pl.when(bit)
            def _seg(off=off, ln=ln):
                pltpu.sync_copy(
                    valp_hbm.at[pl.ds(pl.multiple_of(vq0 + a8 + off, 8), ln), :],
                    buf.at[pl.ds(pl.multiple_of(a8 - r0 + off, 8), ln), :],
                )

            off = off + jnp.where(bit, jnp.int32(ln), jnp.int32(0))
        _edge(valp_hbm, buf, ebuf, vq0, r0, a, jnp.minimum(a8, b))
        _edge(valp_hbm, buf, ebuf, vq0, r0, jnp.maximum(b8, a), b)
        pltpu.sync_copy(buf, out_hbm.at[pl.ds(pl.multiple_of(r0, 8), _CH), :])


def _sc_body(cap, size, nw, nc, mem_hbm, valp_hbm, svec_hbm, out_hbm, buf, ebuf, sv):
    w = lax.axis_index("s") * nc + lax.axis_index("c")
    nch = cap // _CH

    for t in range(-(-nch // nw)):
        c = w + nw * t

        @pl.when(c < nch)
        def _copy(c=c):
            pltpu.sync_copy(mem_hbm.at[pl.ds(pl.multiple_of(c * _CH, 8), _CH), :], buf)
            pltpu.sync_copy(buf, out_hbm.at[pl.ds(pl.multiple_of(c * _CH, 8), _CH), :])

    pltpu.sync_copy(svec_hbm, sv)
    s0 = lax.reduce_max(sv[...], axes=(0,))
    s08 = lax.rem(s0, 8)
    n1 = jnp.minimum(jnp.int32(size), cap - s0)
    patch = functools.partial(_patch, nw, w, valp_hbm, out_hbm, buf, ebuf)
    patch(s0, n1, jnp.int32(0), s08)
    patch(jnp.int32(0), jnp.int32(size) - n1, n1, s08)


def kernel(mem, val, store_index):
    cap, d = mem.shape
    size = min(val.shape[0], cap)
    assert cap % _CH == 0 and _CH % 8 == 0 and cap % 8 == 0

    info = plsc.get_sparse_core_info()
    nc, ns = info.num_cores, info.num_subcores
    nw = nc * ns
    assert size // _CH + 2 <= nw
    mesh = plsc.VectorSubcoreMesh(core_axis_name="c", subcore_axis_name="s")

    s0 = jnp.remainder(jnp.asarray(store_index, jnp.int32), cap)
    svec = jnp.full((16,), s0, dtype=jnp.int32)
    valp = lax.dynamic_update_slice(
        jnp.zeros((size + 8, d), val.dtype), val[:size], (lax.rem(s0, 8), 0)
    )

    body = functools.partial(_sc_body, cap, size, nw, nc)
    run = functools.partial(
        pl.kernel,
        mesh=mesh,
        out_type=jax.ShapeDtypeStruct((cap, d), mem.dtype),
        scratch_types=[
            pltpu.VMEM((_CH, d), jnp.float32),
            pltpu.VMEM((8, d), jnp.float32),
            pltpu.VMEM((16,), jnp.int32),
        ],
        compiler_params=pltpu.CompilerParams(needs_layout_passes=False),
    )(body)
    return run(mem, valp, svec)

# --- scband reference (transcript-rebuilt; emitter-appended) ---
"""Pipeline reference for scband-buffer-32744830664788 (READ-ONLY COPY).

The authoritative reference and input builder live on the scoring server;
editing this copy changes nothing except your own understanding.
"""

import jax, jax.numpy as jnp
import numpy as np


def setup_inputs(seed: int = 0) -> dict:
    key = jax.random.key(seed)
    k1, k2 = jax.random.split(key)
    capacity = 1000000
    d = 64
    batch = 16384
    mem = jnp.zeros((capacity, d), dtype=jnp.float32)
    val = jax.random.normal(k1, (batch, d), dtype=jnp.float32)
    store_index = 995000  # Python int constant; triggers wrap-around
    return {"mem": mem, "val": val, "store_index": store_index}


def reference(mem, val, store_index):
    # Faithful translation of Buffer.store for a single buffered field.
    # Circular-buffer scatter-overwrite with wrap-around at the capacity boundary.
    capacity = mem.shape[0]
    size = min(val.shape[0], capacity)
    idx = (store_index + jnp.arange(size)) % capacity
    out = mem.at[idx].set(val[:size])
    return out

if __name__ == "__main__":
    import jax
    _d = setup_inputs()
    print(jax.jit(kernel)(*tuple(_d.values())))

</pallas_src>

<mosaic_0001>
#map = affine_map<(d0, d1) -> (0, 0)>
#map1 = affine_map<(d0, d1) -> (0)>
module attributes {stable_mosaic.version = 14 : i64} {
  func.func @_sc_body(%arg0: i32, %arg1: i32, %arg2: memref<1000000x64xf32, #tpu.memory_space<hbm>>, %arg3: memref<16392x64xf32, #tpu.memory_space<hbm>>, %arg4: memref<16xi32, #tpu.memory_space<hbm>>, %arg5: memref<1000000x64xf32, #tpu.memory_space<hbm>>, %arg6: memref<1000x64xf32, #tpu.memory_space<vmem>>, %arg7: memref<8x64xf32, #tpu.memory_space<vmem>>, %arg8: memref<16xi32, #tpu.memory_space<vmem>>) attributes {dimension_semantics = [#tpu.dimension_semantics<core_parallel>, #tpu.dimension_semantics<subcore_parallel>], iteration_bounds = array<i64: 2, 16>, scalar_prefetch = 0 : i64, scratch_operands = 3 : i64, tpu.core_type = #tpu.core_type<sc_vector_subcore>, window_params = [{transform_indices = #map}, {transform_indices = #map}, {transform_indices = #map1}, {transform_indices = #map}]} {
    %mul3A = arith.constant 2 : i32
    %mul3A_0 = arith.muli %arg1, %mul3A : i32
    %add3A = arith.addi %mul3A_0, %arg0 : i32
    %add3A_1 = arith.constant 0 : i32
    %add3A_2 = arith.addi %add3A, %add3A_1 : i32
    %lt3A = arith.constant 1000 : i32
    %lt3A_3 = arith.cmpi slt, %add3A_2, %lt3A : i32
    %convert_element_type3A = arith.extui %lt3A_3 : i1 to i32
    %cond3A = arith.constant 0 : i32
    %cond3A_4 = arith.cmpi ne, %convert_element_type3A, %cond3A : i32
    scf.if %cond3A_4 {
      %mul3A_282 = arith.constant 1000 : i32
      %mul3A_283 = arith.muli %add3A_2, %mul3A_282 : i32
      %multiple_of3A = tpu.assume_multiple %mul3A_283, 8 : i32
      "tpu.region"() ({
        %run_scoped3A = tpu.sem_alloc : memref<!tpu.dma_semaphore, #tpu.memory_space<semaphore_mem>>
        %dma_start3A = arith.constant 0 : i32
        %dma_start3A_287 = tpu.memref_slice %arg2[%multiple_of3A, %dma_start3A] : memref<1000000x64xf32, #tpu.memory_space<hbm>> -> memref<1000x64xf32, #tpu.memory_space<hbm>>
        %dma_start3A_288 = arith.constant 0 : i32
        %dma_start3A_289 = tpu.memref_slice %arg2[%multiple_of3A, %dma_start3A_288] : memref<1000000x64xf32, #tpu.memory_space<hbm>> -> memref<1000x64xf32, #tpu.memory_space<hbm>>
        tpu.enqueue_dma source(%dma_start3A_289 : memref<1000x64xf32, #tpu.memory_space<hbm>>) target(%arg6 : memref<1000x64xf32, #tpu.memory_space<vmem>>) target_semaphore(%run_scoped3A : memref<!tpu.dma_semaphore, #tpu.memory_space<semaphore_mem>>)
        %dma_wait3A = arith.constant 0 : i32
        %dma_wait3A_290 = tpu.memref_slice %arg2[%multiple_of3A, %dma_wait3A] : memref<1000000x64xf32, #tpu.memory_space<hbm>> -> memref<1000x64xf32, #tpu.memory_space<hbm>>
        %dma_wait3A_291 = arith.constant 0 : i32
        %dma_wait3A_292 = tpu.memref_slice %arg2[%multiple_of3A, %dma_wait3A_291] : memref<1000000x64xf32, #tpu.memory_space<hbm>> -> memref<1000x64xf32, #tpu.memory_space<hbm>>
        tpu.wait_dma2 semaphore(%run_scoped3A : memref<!tpu.dma_semaphore, #tpu.memory_space<semaphore_mem>>) src(%dma_wait3A_292 : memref<1000x64xf32, #tpu.memory_space<hbm>>) dst(%arg6 : memref<1000x64xf32, #tpu.memory_space<vmem>>)
        tpu.yield
      }) : () -> ()
      %mul3A_284 = arith.constant 1000 : i32
      %mul3A_285 = arith.muli %add3A_2, %mul3A_284 : i32
      %multiple_of3A_286 = tpu.assume_multiple %mul3A_285, 8 : i32
      "tpu.region"() ({
        %run_scoped3A = tpu.sem_alloc : memref<!tpu.dma_semaphore, #tpu.memory_space<semaphore_mem>>
        %dma_start3A = arith.constant 0 : i32
        %dma_start3A_287 = tpu.memref_slice %arg5[%multiple_of3A_286, %dma_start3A] : memref<1000000x64xf32, #tpu.memory_space<hbm>> -> memref<1000x64xf32, #tpu.memory_space<hbm>>
        %dma_start3A_288 = arith.constant 0 : i32
        %dma_start3A_289 = tpu.memref_slice %arg5[%multiple_of3A_286, %dma_start3A_288] : memref<1000000x64xf32, #tpu.memory_space<hbm>> -> memref<1000x64xf32, #tpu.memory_space<hbm>>
        tpu.enqueue_dma source(%arg6 : memref<1000x64xf32, #tpu.memory_space<vmem>>) target(%dma_start3A_289 : memref<1000x64xf32, #tpu.memory_space<hbm>>) target_semaphore(%run_scoped3A : memref<!tpu.dma_semaphore, #tpu.memory_space<semaphore_mem>>)
        %dma_wait3A = arith.constant 0 : i32
        %dma_wait3A_290 = tpu.memref_slice %arg5[%multiple_of3A_286, %dma_wait3A] : memref<1000000x64xf32, #tpu.memory_space<hbm>> -> memref<1000x64xf32, #tpu.memory_space<hbm>>
        %dma_wait3A_291 = arith.constant 0 : i32
        %dma_wait3A_292 = tpu.memref_slice %arg5[%multiple_of3A_286, %dma_wait3A_291] : memref<1000000x64xf32, #tpu.memory_space<hbm>> -> memref<1000x64xf32, #tpu.memory_space<hbm>>
        tpu.wait_dma2 semaphore(%run_scoped3A : memref<!tpu.dma_semaphore, #tpu.memory_space<semaphore_mem>>) src(%arg6 : memref<1000x64xf32, #tpu.memory_space<vmem>>) dst(%dma_wait3A_292 : memref<1000x64xf32, #tpu.memory_space<hbm>>)
        tpu.yield
      }) : () -> ()
    } else {
    }
    %add3A_5 = arith.constant 32 : i32
    %add3A_6 = arith.addi %add3A, %add3A_5 : i32
    %lt3A_7 = arith.constant 1000 : i32
    %lt3A_8 = arith.cmpi slt, %add3A_6, %lt3A_7 : i32
    %convert_element_type3A_9 = arith.extui %lt3A_8 : i1 to i32
    %cond3A_10 = arith.constant 0 : i32
    %cond3A_11 = arith.cmpi ne, %convert_element_type3A_9, %cond3A_10 : i32
    scf.if %cond3A_11 {
      %mul3A_282 = arith.constant 1000 : i32
      %mul3A_283 = arith.muli %add3A_6, %mul3A_282 : i32
      %multiple_of3A = tpu.assume_multiple %mul3A_283, 8 : i32
      "tpu.region"() ({
        %run_scoped3A = tpu.sem_alloc : memref<!tpu.dma_semaphore, #tpu.memory_space<semaphore_mem>>
        %dma_start3A = arith.constant 0 : i32
        %dma_start3A_287 = tpu.memref_slice %arg2[%multiple_of3A, %dma_start3A] : memref<1000000x64xf32, #tpu.memory_space<hbm>> -> memref<1000x64xf32, #tpu.memory_space<hbm>>
        %dma_start3A_288 = arith.constant 0 : i32
        %dma_start3A_289 = tpu.memref_slice %arg2[%multiple_of3A, %dma_start3A_288] : memref<1000000x64xf32, #tpu.memory_space<hbm>> -> memref<1000x64xf32, #tpu.memory_space<hbm>>
        tpu.enqueue_dma source(%dma_start3A_289 : memref<1000x64xf32, #tpu.memory_space<hbm>>) target(%arg6 : memref<1000x64xf32, #tpu.memory_space<vmem>>) target_semaphore(%run_scoped3A : memref<!tpu.dma_semaphore, #tpu.memory_space<semaphore_mem>>)
        %dma_wait3A = arith.constant 0 : i32
        %dma_wait3A_290 = tpu.memref_slice %arg2[%multiple_of3A, %dma_wait3A] : memref<1000000x64xf32, #tpu.memory_space<hbm>> -> memref<1000x64xf32, #tpu.memory_space<hbm>>
        %dma_wait3A_291 = arith.constant 0 : i32
        %dma_wait3A_292 = tpu.memref_slice %arg2[%multiple_of3A, %dma_wait3A_291] : memref<1000000x64xf32, #tpu.memory_space<hbm>> -> memref<1000x64xf32, #tpu.memory_space<hbm>>
        tpu.wait_dma2 semaphore(%run_scoped3A : memref<!tpu.dma_semaphore, #tpu.memory_space<semaphore_mem>>) src(%dma_wait3A_292 : memref<1000x64xf32, #tpu.memory_space<hbm>>) dst(%arg6 : memref<1000x64xf32, #tpu.memory_space<vmem>>)
        tpu.yield
      }) : () -> ()
      %mul3A_284 = arith.constant 1000 : i32
      %mul3A_285 = arith.muli %add3A_6, %mul3A_284 : i32
      %multiple_of3A_286 = tpu.assume_multiple %mul3A_285, 8 : i32
      "tpu.region"() ({
        %run_scoped3A = tpu.sem_alloc : memref<!tpu.dma_semaphore, #tpu.memory_space<semaphore_mem>>
        %dma_start3A = arith.constant 0 : i32
        %dma_start3A_287 = tpu.memref_slice %arg5[%multiple_of3A_286, %dma_start3A] : memref<1000000x64xf32, #tpu.memory_space<hbm>> -> memref<1000x64xf32, #tpu.memory_space<hbm>>
        %dma_start3A_288 = arith.constant 0 : i32
        %dma_start3A_289 = tpu.memref_slice %arg5[%multiple_of3A_286, %dma_start3A_288] : memref<1000000x64xf32, #tpu.memory_space<hbm>> -> memref<1000x64xf32, #tpu.memory_space<hbm>>
        tpu.enqueue_dma source(%arg6 : memref<1000x64xf32, #tpu.memory_space<vmem>>) target(%dma_start3A_289 : memref<1000x64xf32, #tpu.memory_space<hbm>>) target_semaphore(%run_scoped3A : memref<!tpu.dma_semaphore, #tpu.memory_space<semaphore_mem>>)
        %dma_wait3A = arith.constant 0 : i32
        %dma_wait3A_290 = tpu.memref_slice %arg5[%multiple_of3A_286, %dma_wait3A] : memref<1000000x64xf32, #tpu.memory_space<hbm>> -> memref<1000x64xf32, #tpu.memory_space<hbm>>
        %dma_wait3A_291 = arith.constant 0 : i32
        %dma_wait3A_292 = tpu.memref_slice %arg5[%multiple_of3A_286, %dma_wait3A_291] : memref<1000000x64xf32, #tpu.memory_space<hbm>> -> memref<1000x64xf32, #tpu.memory_space<hbm>>
        tpu.wait_dma2 semaphore(%run_scoped3A : memref<!tpu.dma_semaphore, #tpu.memory_space<semaphore_mem>>) src(%arg6 : memref<1000x64xf32, #tpu.memory_space<vmem>>) dst(%dma_wait3A_292 : memref<1000x64xf32, #tpu.memory_space<hbm>>)
        tpu.yield
      }) : () -> ()
    } else {
    }
    %add3A_12 = arith.constant 64 : i32
    %add3A_13 = arith.addi %add3A, %add3A_12 : i32
    %lt3A_14 = arith.constant 1000 : i32
    %lt3A_15 = arith.cmpi slt, %add3A_13, %lt3A_14 : i32
    %convert_element_type3A_16 = arith.extui %lt3A_15 : i1 to i32
    %cond3A_17 = arith.constant 0 : i32
    %cond3A_18 = arith.cmpi ne, %convert_element_type3A_16, %cond3A_17 : i32
    scf.if %cond3A_18 {
      %mul3A_282 = arith.constant 1000 : i32
      %mul3A_283 = arith.muli %add3A_13, %mul3A_282 : i32
      %multiple_of3A = tpu.assume_multiple %mul3A_283, 8 : i32
      "tpu.region"() ({
        %run_scoped3A = tpu.sem_alloc : memref<!tpu.dma_semaphore, #tpu.memory_space<semaphore_mem>>
        %dma_start3A = arith.constant 0 : i32
        %dma_start3A_287 = tpu.memref_slice %arg2[%multiple_of3A, %dma_start3A] : memref<1000000x64xf32, #tpu.memory_space<hbm>> -> memref<1000x64xf32, #tpu.memory_space<hbm>>
        %dma_start3A_288 = arith.constant 0 : i32
        %dma_start3A_289 = tpu.memref_slice %arg2[%multiple_of3A, %dma_start3A_288] : memref<1000000x64xf32, #tpu.memory_space<hbm>> -> memref<1000x64xf32, #tpu.memory_space<hbm>>
        tpu.enqueue_dma source(%dma_start3A_289 : memref<1000x64xf32, #tpu.memory_space<hbm>>) target(%arg6 : memref<1000x64xf32, #tpu.memory_space<vmem>>) target_semaphore(%run_scoped3A : memref<!tpu.dma_semaphore, #tpu.memory_space<semaphore_mem>>)
        %dma_wait3A = arith.constant 0 : i32
        %dma_wait3A_290 = tpu.memref_slice %arg2[%multiple_of3A, %dma_wait3A] : memref<1000000x64xf32, #tpu.memory_space<hbm>> -> memref<1000x64xf32, #tpu.memory_space<hbm>>
        %dma_wait3A_291 = arith.constant 0 : i32
        %dma_wait3A_292 = tpu.memref_slice %arg2[%multiple_of3A, %dma_wait3A_291] : memref<1000000x64xf32, #tpu.memory_space<hbm>> -> memref<1000x64xf32, #tpu.memory_space<hbm>>
        tpu.wait_dma2 semaphore(%run_scoped3A : memref<!tpu.dma_semaphore, #tpu.memory_space<semaphore_mem>>) src(%dma_wait3A_292 : memref<1000x64xf32, #tpu.memory_space<hbm>>) dst(%arg6 : memref<1000x64xf32, #tpu.memory_space<vmem>>)
        tpu.yield
      }) : () -> ()
      %mul3A_284 = arith.constant 1000 : i32
      %mul3A_285 = arith.muli %add3A_13, %mul3A_284 : i32
      %multiple_of3A_286 = tpu.assume_multiple %mul3A_285, 8 : i32
      "tpu.region"() ({
        %run_scoped3A = tpu.sem_alloc : memref<!tpu.dma_semaphore, #tpu.memory_space<semaphore_mem>>
        %dma_start3A = arith.constant 0 : i32
        %dma_start3A_287 = tpu.memref_slice %arg5[%multiple_of3A_286, %dma_start3A] : memref<1000000x64xf32, #tpu.memory_space<hbm>> -> memref<1000x64xf32, #tpu.memory_space<hbm>>
        %dma_start3A_288 = arith.constant 0 : i32
        %dma_start3A_289 = tpu.memref_slice %arg5[%multiple_of3A_286, %dma_start3A_288] : memref<1000000x64xf32, #tpu.memory_space<hbm>> -> memref<1000x64xf32, #tpu.memory_space<hbm>>
        tpu.enqueue_dma source(%arg6 : memref<1000x64xf32, #tpu.memory_space<vmem>>) target(%dma_start3A_289 : memref<1000x64xf32, #tpu.memory_space<hbm>>) target_semaphore(%run_scoped3A : memref<!tpu.dma_semaphore, #tpu.memory_space<semaphore_mem>>)
        %dma_wait3A = arith.constant 0 : i32
        %dma_wait3A_290 = tpu.memref_slice %arg5[%multiple_of3A_286, %dma_wait3A] : memref<1000000x64xf32, #tpu.memory_space<hbm>> -> memref<1000x64xf32, #tpu.memory_space<hbm>>
        %dma_wait3A_291 = arith.constant 0 : i32
        %dma_wait3A_292 = tpu.memref_slice %arg5[%multiple_of3A_286, %dma_wait3A_291] : memref<1000000x64xf32, #tpu.memory_space<hbm>> -> memref<1000x64xf32, #tpu.memory_space<hbm>>
        tpu.wait_dma2 semaphore(%run_scoped3A : memref<!tpu.dma_semaphore, #tpu.memory_space<semaphore_mem>>) src(%arg6 : memref<1000x64xf32, #tpu.memory_space<vmem>>) dst(%dma_wait3A_292 : memref<1000x64xf32, #tpu.memory_space<hbm>>)
        tpu.yield
      }) : () -> ()
    } else {
    }
    %add3A_19 = arith.constant 96 : i32
    %add3A_20 = arith.addi %add3A, %add3A_19 : i32
    %lt3A_21 = arith.constant 1000 : i32
    %lt3A_22 = arith.cmpi slt, %add3A_20, %lt3A_21 : i32
    %convert_element_type3A_23 = arith.extui %lt3A_22 : i1 to i32
    %cond3A_24 = arith.constant 0 : i32
    %cond3A_25 = arith.cmpi ne, %convert_element_type3A_23, %cond3A_24 : i32
    scf.if %cond3A_25 {
      %mul3A_282 = arith.constant 1000 : i32
      %mul3A_283 = arith.muli %add3A_20, %mul3A_282 : i32
      %multiple_of3A = tpu.assume_multiple %mul3A_283, 8 : i32
      "tpu.region"() ({
        %run_scoped3A = tpu.sem_alloc : memref<!tpu.dma_semaphore, #tpu.memory_space<semaphore_mem>>
        %dma_start3A = arith.constant 0 : i32
        %dma_start3A_287 = tpu.memref_slice %arg2[%multiple_of3A, %dma_start3A] : memref<1000000x64xf32, #tpu.memory_space<hbm>> -> memref<1000x64xf32, #tpu.memory_space<hbm>>
        %dma_start3A_288 = arith.constant 0 : i32
        %dma_start3A_289 = tpu.memref_slice %arg2[%multiple_of3A, %dma_start3A_288] : memref<1000000x64xf32, #tpu.memory_space<hbm>> -> memref<1000x64xf32, #tpu.memory_space<hbm>>
        tpu.enqueue_dma source(%dma_start3A_289 : memref<1000x64xf32, #tpu.memory_space<hbm>>) target(%arg6 : memref<1000x64xf32, #tpu.memory_space<vmem>>) target_semaphore(%run_scoped3A : memref<!tpu.dma_semaphore, #tpu.memory_space<semaphore_mem>>)
        %dma_wait3A = arith.constant 0 : i32
        %dma_wait3A_290 = tpu.memref_slice %arg2[%multiple_of3A, %dma_wait3A] : memref<1000000x64xf32, #tpu.memory_space<hbm>> -> memref<1000x64xf32, #tpu.memory_space<hbm>>
        %dma_wait3A_291 = arith.constant 0 : i32
        %dma_wait3A_292 = tpu.memref_slice %arg2[%multiple_of3A, %dma_wait3A_291] : memref<1000000x64xf32, #tpu.memory_space<hbm>> -> memref<1000x64xf32, #tpu.memory_space<hbm>>
        tpu.wait_dma2 semaphore(%run_scoped3A : memref<!tpu.dma_semaphore, #tpu.memory_space<semaphore_mem>>) src(%dma_wait3A_292 : memref<1000x64xf32, #tpu.memory_space<hbm>>) dst(%arg6 : memref<1000x64xf32, #tpu.memory_space<vmem>>)
        tpu.yield
      }) : () -> ()
      %mul3A_284 = arith.constant 1000 : i32
      %mul3A_285 = arith.muli %add3A_20, %mul3A_284 : i32
      %multiple_of3A_286 = tpu.assume_multiple %mul3A_285, 8 : i32
      "tpu.region"() ({
        %run_scoped3A = tpu.sem_alloc : memref<!tpu.dma_semaphore, #tpu.memory_space<semaphore_mem>>
        %dma_start3A = arith.constant 0 : i32
        %dma_start3A_287 = tpu.memref_slice %arg5[%multiple_of3A_286, %dma_start3A] : memref<1000000x64xf32, #tpu.memory_space<hbm>> -> memref<1000x64xf32, #tpu.memory_space<hbm>>
        %dma_start3A_288 = arith.constant 0 : i32
        %dma_start3A_289 = tpu.memref_slice %arg5[%multiple_of3A_286, %dma_start3A_288] : memref<1000000x64xf32, #tpu.memory_space<hbm>> -> memref<1000x64xf32, #tpu.memory_space<hbm>>
        tpu.enqueue_dma source(%arg6 : memref<1000x64xf32, #tpu.memory_space<vmem>>) target(%dma_start3A_289 : memref<1000x64xf32, #tpu.memory_space<hbm>>) target_semaphore(%run_scoped3A : memref<!tpu.dma_semaphore, #tpu.memory_space<semaphore_mem>>)
        %dma_wait3A = arith.constant 0 : i32
        %dma_wait3A_290 = tpu.memref_slice %arg5[%multiple_of3A_286, %dma_wait3A] : memref<1000000x64xf32, #tpu.memory_space<hbm>> -> memref<1000x64xf32, #tpu.memory_space<hbm>>
        %dma_wait3A_291 = arith.constant 0 : i32
        %dma_wait3A_292 = tpu.memref_slice %arg5[%multiple_of3A_286, %dma_wait3A_291] : memref<1000000x64xf32, #tpu.memory_space<hbm>> -> memref<1000x64xf32, #tpu.memory_space<hbm>>
        tpu.wait_dma2 semaphore(%run_scoped3A : memref<!tpu.dma_semaphore, #tpu.memory_space<semaphore_mem>>) src(%arg6 : memref<1000x64xf32, #tpu.memory_space<vmem>>) dst(%dma_wait3A_292 : memref<1000x64xf32, #tpu.memory_space<hbm>>)
        tpu.yield
      }) : () -> ()
    } else {
    }
    %add3A_26 = arith.constant 128 : i32
    %add3A_27 = arith.addi %add3A, %add3A_26 : i32
    %lt3A_28 = arith.constant 1000 : i32
    %lt3A_29 = arith.cmpi slt, %add3A_27, %lt3A_28 : i32
    %convert_element_type3A_30 = arith.extui %lt3A_29 : i1 to i32
    %cond3A_31 = arith.constant 0 : i32
    %cond3A_32 = arith.cmpi ne, %convert_element_type3A_30, %cond3A_31 : i32
    scf.if %cond3A_32 {
      %mul3A_282 = arith.constant 1000 : i32
      %mul3A_283 = arith.muli %add3A_27, %mul3A_282 : i32
      %multiple_of3A = tpu.assume_multiple %mul3A_283, 8 : i32
      "tpu.region"() ({
        %run_scoped3A = tpu.sem_alloc : memref<!tpu.dma_semaphore, #tpu.memory_space<semaphore_mem>>
        %dma_start3A = arith.constant 0 : i32
        %dma_start3A_287 = tpu.memref_slice %arg2[%multiple_of3A, %dma_start3A] : memref<1000000x64xf32, #tpu.memory_space<hbm>> -> memref<1000x64xf32, #tpu.memory_space<hbm>>
        %dma_start3A_288 = arith.constant 0 : i32
        %dma_start3A_289 = tpu.memref_slice %arg2[%multiple_of3A, %dma_start3A_288] : memref<1000000x64xf32, #tpu.memory_space<hbm>> -> memref<1000x64xf32, #tpu.memory_space<hbm>>
        tpu.enqueue_dma source(%dma_start3A_289 : memref<1000x64xf32, #tpu.memory_space<hbm>>) target(%arg6 : memref<1000x64xf32, #tpu.memory_space<vmem>>) target_semaphore(%run_scoped3A : memref<!tpu.dma_semaphore, #tpu.memory_space<semaphore_mem>>)
        %dma_wait3A = arith.constant 0 : i32
        %dma_wait3A_290 = tpu.memref_slice %arg2[%multiple_of3A, %dma_wait3A] : memref<1000000x64xf32, #tpu.memory_space<hbm>> -> memref<1000x64xf32, #tpu.memory_space<hbm>>
        %dma_wait3A_291 = arith.constant 0 : i32
        %dma_wait3A_292 = tpu.memref_slice %arg2[%multiple_of3A, %dma_wait3A_291] : memref<1000000x64xf32, #tpu.memory_space<hbm>> -> memref<1000x64xf32, #tpu.memory_space<hbm>>
        tpu.wait_dma2 semaphore(%run_scoped3A : memref<!tpu.dma_semaphore, #tpu.memory_space<semaphore_mem>>) src(%dma_wait3A_292 : memref<1000x64xf32, #tpu.memory_space<hbm>>) dst(%arg6 : memref<1000x64xf32, #tpu.memory_space<vmem>>)
        tpu.yield
      }) : () -> ()
      %mul3A_284 = arith.constant 1000 : i32
      %mul3A_285 = arith.muli %add3A_27, %mul3A_284 : i32
      %multiple_of3A_286 = tpu.assume_multiple %mul3A_285, 8 : i32
      "tpu.region"() ({
        %run_scoped3A = tpu.sem_alloc : memref<!tpu.dma_semaphore, #tpu.memory_space<semaphore_mem>>
        %dma_start3A = arith.constant 0 : i32
        %dma_start3A_287 = tpu.memref_slice %arg5[%multiple_of3A_286, %dma_start3A] : memref<1000000x64xf32, #tpu.memory_space<hbm>> -> memref<1000x64xf32, #tpu.memory_space<hbm>>
        %dma_start3A_288 = arith.constant 0 : i32
        %dma_start3A_289 = tpu.memref_slice %arg5[%multiple_of3A_286, %dma_start3A_288] : memref<1000000x64xf32, #tpu.memory_space<hbm>> -> memref<1000x64xf32, #tpu.memory_space<hbm>>
        tpu.enqueue_dma source(%arg6 : memref<1000x64xf32, #tpu.memory_space<vmem>>) target(%dma_start3A_289 : memref<1000x64xf32, #tpu.memory_space<hbm>>) target_semaphore(%run_scoped3A : memref<!tpu.dma_semaphore, #tpu.memory_space<semaphore_mem>>)
        %dma_wait3A = arith.constant 0 : i32
        %dma_wait3A_290 = tpu.memref_slice %arg5[%multiple_of3A_286, %dma_wait3A] : memref<1000000x64xf32, #tpu.memory_space<hbm>> -> memref<1000x64xf32, #tpu.memory_space<hbm>>
        %dma_wait3A_291 = arith.constant 0 : i32
        %dma_wait3A_292 = tpu.memref_slice %arg5[%multiple_of3A_286, %dma_wait3A_291] : memref<1000000x64xf32, #tpu.memory_space<hbm>> -> memref<1000x64xf32, #tpu.memory_space<hbm>>
        tpu.wait_dma2 semaphore(%run_scoped3A : memref<!tpu.dma_semaphore, #tpu.memory_space<semaphore_mem>>) src(%arg6 : memref<1000x64xf32, #tpu.memory_space<vmem>>) dst(%dma_wait3A_292 : memref<1000x64xf32, #tpu.memory_space<hbm>>)
        tpu.yield
      }) : () -> ()
    } else {
    }
    %add3A_33 = arith.constant 160 : i32
    %add3A_34 = arith.addi %add3A, %add3A_33 : i32
    %lt3A_35 = arith.constant 1000 : i32
    %lt3A_36 = arith.cmpi slt, %add3A_34, %lt3A_35 : i32
    %convert_element_type3A_37 = arith.extui %lt3A_36 : i1 to i32
    %cond3A_38 = arith.constant 0 : i32
    %cond3A_39 = arith.cmpi ne, %convert_element_type3A_37, %cond3A_38 : i32
    scf.if %cond3A_39 {
      %mul3A_282 = arith.constant 1000 : i32
      %mul3A_283 = arith.muli %add3A_34, %mul3A_282 : i32
      %multiple_of3A = tpu.assume_multiple %mul3A_283, 8 : i32
      "tpu.region"() ({
        %run_scoped3A = tpu.sem_alloc : memref<!tpu.dma_semaphore, #tpu.memory_space<semaphore_mem>>
        %dma_start3A = arith.constant 0 : i32
        %dma_start3A_287 = tpu.memref_slice %arg2[%multiple_of3A, %dma_start3A] : memref<1000000x64xf32, #tpu.memory_space<hbm>> -> memref<1000x64xf32, #tpu.memory_space<hbm>>
        %dma_start3A_288 = arith.constant 0 : i32
        %dma_start3A_289 = tpu.memref_slice %arg2[%multiple_of3A, %dma_start3A_288] : memref<1000000x64xf32, #tpu.memory_space<hbm>> -> memref<1000x64xf32, #tpu.memory_space<hbm>>
        tpu.enqueue_dma source(%dma_start3A_289 : memref<1000x64xf32, #tpu.memory_space<hbm>>) target(%arg6 : memref<1000x64xf32, #tpu.memory_space<vmem>>) target_semaphore(%run_scoped3A : memref<!tpu.dma_semaphore, #tpu.memory_space<semaphore_mem>>)
        %dma_wait3A = arith.constant 0 : i32
        %dma_wait3A_290 = tpu.memref_slice %arg2[%multiple_of3A, %dma_wait3A] : memref<1000000x64xf32, #tpu.memory_space<hbm>> -> memref<1000x64xf32, #tpu.memory_space<hbm>>
        %dma_wait3A_291 = arith.constant 0 : i32
        %dma_wait3A_292 = tpu.memref_slice %arg2[%multiple_of3A, %dma_wait3A_291] : memref<1000000x64xf32, #tpu.memory_space<hbm>> -> memref<1000x64xf32, #tpu.memory_space<hbm>>
        tpu.wait_dma2 semaphore(%run_scoped3A : memref<!tpu.dma_semaphore, #tpu.memory_space<semaphore_mem>>) src(%dma_wait3A_292 : memref<1000x64xf32, #tpu.memory_space<hbm>>) dst(%arg6 : memref<1000x64xf32, #tpu.memory_space<vmem>>)
        tpu.yield
      }) : () -> ()
      %mul3A_284 = arith.constant 1000 : i32
      %mul3A_285 = arith.muli %add3A_34, %mul3A_284 : i32
      %multiple_of3A_286 = tpu.assume_multiple %mul3A_285, 8 : i32
      "tpu.region"() ({
        %run_scoped3A = tpu.sem_alloc : memref<!tpu.dma_semaphore, #tpu.memory_space<semaphore_mem>>
        %dma_start3A = arith.constant 0 : i32
        %dma_start3A_287 = tpu.memref_slice %arg5[%multiple_of3A_286, %dma_start3A] : memref<1000000x64xf32, #tpu.memory_space<hbm>> -> memref<1000x64xf32, #tpu.memory_space<hbm>>
        %dma_start3A_288 = arith.constant 0 : i32
        %dma_start3A_289 = tpu.memref_slice %arg5[%multiple_of3A_286, %dma_start3A_288] : memref<1000000x64xf32, #tpu.memory_space<hbm>> -> memref<1000x64xf32, #tpu.memory_space<hbm>>
        tpu.enqueue_dma source(%arg6 : memref<1000x64xf32, #tpu.memory_space<vmem>>) target(%dma_start3A_289 : memref<1000x64xf32, #tpu.memory_space<hbm>>) target_semaphore(%run_scoped3A : memref<!tpu.dma_semaphore, #tpu.memory_space<semaphore_mem>>)
        %dma_wait3A = arith.constant 0 : i32
        %dma_wait3A_290 = tpu.memref_slice %arg5[%multiple_of3A_286, %dma_wait3A] : memref<1000000x64xf32, #tpu.memory_space<hbm>> -> memref<1000x64xf32, #tpu.memory_space<hbm>>
        %dma_wait3A_291 = arith.constant 0 : i32
        %dma_wait3A_292 = tpu.memref_slice %arg5[%multiple_of3A_286, %dma_wait3A_291] : memref<1000000x64xf32, #tpu.memory_space<hbm>> -> memref<1000x64xf32, #tpu.memory_space<hbm>>
        tpu.wait_dma2 semaphore(%run_scoped3A : memref<!tpu.dma_semaphore, #tpu.memory_space<semaphore_mem>>) src(%arg6 : memref<1000x64xf32, #tpu.memory_space<vmem>>) dst(%dma_wait3A_292 : memref<1000x64xf32, #tpu.memory_space<hbm>>)
        tpu.yield
      }) : () -> ()
    } else {
    }
    %add3A_40 = arith.constant 192 : i32
    %add3A_41 = arith.addi %add3A, %add3A_40 : i32
    %lt3A_42 = arith.constant 1000 : i32
    %lt3A_43 = arith.cmpi slt, %add3A_41, %lt3A_42 : i32
    %convert_element_type3A_44 = arith.extui %lt3A_43 : i1 to i32
    %cond3A_45 = arith.constant 0 : i32
    %cond3A_46 = arith.cmpi ne, %convert_element_type3A_44, %cond3A_45 : i32
    scf.if %cond3A_46 {
      %mul3A_282 = arith.constant 1000 : i32
      %mul3A_283 = arith.muli %add3A_41, %mul3A_282 : i32
      %multiple_of3A = tpu.assume_multiple %mul3A_283, 8 : i32
      "tpu.region"() ({
        %run_scoped3A = tpu.sem_alloc : memref<!tpu.dma_semaphore, #tpu.memory_space<semaphore_mem>>
        %dma_start3A = arith.constant 0 : i32
        %dma_start3A_287 = tpu.memref_slice %arg2[%multiple_of3A, %dma_start3A] : memref<1000000x64xf32, #tpu.memory_space<hbm>> -> memref<1000x64xf32, #tpu.memory_space<hbm>>
        %dma_start3A_288 = arith.constant 0 : i32
        %dma_start3A_289 = tpu.memref_slice %arg2[%multiple_of3A, %dma_start3A_288] : memref<1000000x64xf32, #tpu.memory_space<hbm>> -> memref<1000x64xf32, #tpu.memory_space<hbm>>
        tpu.enqueue_dma source(%dma_start3A_289 : memref<1000x64xf32, #tpu.memory_space<hbm>>) target(%arg6 : memref<1000x64xf32, #tpu.memory_space<vmem>>) target_semaphore(%run_scoped3A : memref<!tpu.dma_semaphore, #tpu.memory_space<semaphore_mem>>)
        %dma_wait3A = arith.constant 0 : i32
        %dma_wait3A_290 = tpu.memref_slice %arg2[%multiple_of3A, %dma_wait3A] : memref<1000000x64xf32, #tpu.memory_space<hbm>> -> memref<1000x64xf32, #tpu.memory_space<hbm>>
        %dma_wait3A_291 = arith.constant 0 : i32
        %dma_wait3A_292 = tpu.memref_slice %arg2[%multiple_of3A, %dma_wait3A_291] : memref<1000000x64xf32, #tpu.memory_space<hbm>> -> memref<1000x64xf32, #tpu.memory_space<hbm>>
        tpu.wait_dma2 semaphore(%run_scoped3A : memref<!tpu.dma_semaphore, #tpu.memory_space<semaphore_mem>>) src(%dma_wait3A_292 : memref<1000x64xf32, #tpu.memory_space<hbm>>) dst(%arg6 : memref<1000x64xf32, #tpu.memory_space<vmem>>)
        tpu.yield
      }) : () -> ()
      %mul3A_284 = arith.constant 1000 : i32
      %mul3A_285 = arith.muli %add3A_41, %mul3A_284 : i32
      %multiple_of3A_286 = tpu.assume_multiple %mul3A_285, 8 : i32
      "tpu.region"() ({
        %run_scoped3A = tpu.sem_alloc : memref<!tpu.dma_semaphore, #tpu.memory_space<semaphore_mem>>
        %dma_start3A = arith.constant 0 : i32
        %dma_start3A_287 = tpu.memref_slice %arg5[%multiple_of3A_286, %dma_start3A] : memref<1000000x64xf32, #tpu.memory_space<hbm>> -> memref<1000x64xf32, #tpu.memory_space<hbm>>
        %dma_start3A_288 = arith.constant 0 : i32
        %dma_start3A_289 = tpu.memref_slice %arg5[%multiple_of3A_286, %dma_start3A_288] : memref<1000000x64xf32, #tpu.memory_space<hbm>> -> memref<1000x64xf32, #tpu.memory_space<hbm>>
        tpu.enqueue_dma source(%arg6 : memref<1000x64xf32, #tpu.memory_space<vmem>>) target(%dma_start3A_289 : memref<1000x64xf32, #tpu.memory_space<hbm>>) target_semaphore(%run_scoped3A : memref<!tpu.dma_semaphore, #tpu.memory_space<semaphore_mem>>)
        %dma_wait3A = arith.constant 0 : i32
        %dma_wait3A_290 = tpu.memref_slice %arg5[%multiple_of3A_286, %dma_wait3A] : memref<1000000x64xf32, #tpu.memory_space<hbm>> -> memref<1000x64xf32, #tpu.memory_space<hbm>>
        %dma_wait3A_291 = arith.constant 0 : i32
        %dma_wait3A_292 = tpu.memref_slice %arg5[%multiple_of3A_286, %dma_wait3A_291] : memref<1000000x64xf32, #tpu.memory_space<hbm>> -> memref<1000x64xf32, #tpu.memory_space<hbm>>
        tpu.wait_dma2 semaphore(%run_scoped3A : memref<!tpu.dma_semaphore, #tpu.memory_space<semaphore_mem>>) src(%arg6 : memref<1000x64xf32, #tpu.memory_space<vmem>>) dst(%dma_wait3A_292 : memref<1000x64xf32, #tpu.memory_space<hbm>>)
        tpu.yield
      }) : () -> ()
    } else {
    }
    %add3A_47 = arith.constant 224 : i32
    %add3A_48 = arith.addi %add3A, %add3A_47 : i32
    %lt3A_49 = arith.constant 1000 : i32
    %lt3A_50 = arith.cmpi slt, %add3A_48, %lt3A_49 : i32
    %convert_element_type3A_51 = arith.extui %lt3A_50 : i1 to i32
    %cond3A_52 = arith.constant 0 : i32
    %cond3A_53 = arith.cmpi ne, %convert_element_type3A_51, %cond3A_52 : i32
    scf.if %cond3A_53 {
      %mul3A_282 = arith.constant 1000 : i32
      %mul3A_283 = arith.muli %add3A_48, %mul3A_282 : i32
      %multiple_of3A = tpu.assume_multiple %mul3A_283, 8 : i32
      "tpu.region"() ({
        %run_scoped3A = tpu.sem_alloc : memref<!tpu.dma_semaphore, #tpu.memory_space<semaphore_mem>>
        %dma_start3A = arith.constant 0 : i32
        %dma_start3A_287 = tpu.memref_slice %arg2[%multiple_of3A, %dma_start3A] : memref<1000000x64xf32, #tpu.memory_space<hbm>> -> memref<1000x64xf32, #tpu.memory_space<hbm>>
        %dma_start3A_288 = arith.constant 0 : i32
        %dma_start3A_289 = tpu.memref_slice %arg2[%multiple_of3A, %dma_start3A_288] : memref<1000000x64xf32, #tpu.memory_space<hbm>> -> memref<1000x64xf32, #tpu.memory_space<hbm>>
        tpu.enqueue_dma source(%dma_start3A_289 : memref<1000x64xf32, #tpu.memory_space<hbm>>) target(%arg6 : memref<1000x64xf32, #tpu.memory_space<vmem>>) target_semaphore(%run_scoped3A : memref<!tpu.dma_semaphore, #tpu.memory_space<semaphore_mem>>)
        %dma_wait3A = arith.constant 0 : i32
        %dma_wait3A_290 = tpu.memref_slice %arg2[%multiple_of3A, %dma_wait3A] : memref<1000000x64xf32, #tpu.memory_space<hbm>> -> memref<1000x64xf32, #tpu.memory_space<hbm>>
        %dma_wait3A_291 = arith.constant 0 : i32
        %dma_wait3A_292 = tpu.memref_slice %arg2[%multiple_of3A, %dma_wait3A_291] : memref<1000000x64xf32, #tpu.memory_space<hbm>> -> memref<1000x64xf32, #tpu.memory_space<hbm>>
        tpu.wait_dma2 semaphore(%run_scoped3A : memref<!tpu.dma_semaphore, #tpu.memory_space<semaphore_mem>>) src(%dma_wait3A_292 : memref<1000x64xf32, #tpu.memory_space<hbm>>) dst(%arg6 : memref<1000x64xf32, #tpu.memory_space<vmem>>)
        tpu.yield
      }) : () -> ()
      %mul3A_284 = arith.constant 1000 : i32
      %mul3A_285 = arith.muli %add3A_48, %mul3A_284 : i32
      %multiple_of3A_286 = tpu.assume_multiple %mul3A_285, 8 : i32
      "tpu.region"() ({
        %run_scoped3A = tpu.sem_alloc : memref<!tpu.dma_semaphore, #tpu.memory_space<semaphore_mem>>
        %dma_start3A = arith.constant 0 : i32
        %dma_start3A_287 = tpu.memref_slice %arg5[%multiple_of3A_286, %dma_start3A] : memref<1000000x64xf32, #tpu.memory_space<hbm>> -> memref<1000x64xf32, #tpu.memory_space<hbm>>
        %dma_start3A_288 = arith.constant 0 : i32
        %dma_start3A_289 = tpu.memref_slice %arg5[%multiple_of3A_286, %dma_start3A_288] : memref<1000000x64xf32, #tpu.memory_space<hbm>> -> memref<1000x64xf32, #tpu.memory_space<hbm>>
        tpu.enqueue_dma source(%arg6 : memref<1000x64xf32, #tpu.memory_space<vmem>>) target(%dma_start3A_289 : memref<1000x64xf32, #tpu.memory_space<hbm>>) target_semaphore(%run_scoped3A : memref<!tpu.dma_semaphore, #tpu.memory_space<semaphore_mem>>)
        %dma_wait3A = arith.constant 0 : i32
        %dma_wait3A_290 = tpu.memref_slice %arg5[%multiple_of3A_286, %dma_wait3A] : memref<1000000x64xf32, #tpu.memory_space<hbm>> -> memref<1000x64xf32, #tpu.memory_space<hbm>>
        %dma_wait3A_291 = arith.constant 0 : i32
        %dma_wait3A_292 = tpu.memref_slice %arg5[%multiple_of3A_286, %dma_wait3A_291] : memref<1000000x64xf32, #tpu.memory_space<hbm>> -> memref<1000x64xf32, #tpu.memory_space<hbm>>
        tpu.wait_dma2 semaphore(%run_scoped3A : memref<!tpu.dma_semaphore, #tpu.memory_space<semaphore_mem>>) src(%arg6 : memref<1000x64xf32, #tpu.memory_space<vmem>>) dst(%dma_wait3A_292 : memref<1000x64xf32, #tpu.memory_space<hbm>>)
        tpu.yield
      }) : () -> ()
    } else {
    }
    %add3A_54 = arith.constant 256 : i32
    %add3A_55 = arith.addi %add3A, %add3A_54 : i32
    %lt3A_56 = arith.constant 1000 : i32
    %lt3A_57 = arith.cmpi slt, %add3A_55, %lt3A_56 : i32
    %convert_element_type3A_58 = arith.extui %lt3A_57 : i1 to i32
    %cond3A_59 = arith.constant 0 : i32
    %cond3A_60 = arith.cmpi ne, %convert_element_type3A_58, %cond3A_59 : i32
    scf.if %cond3A_60 {
      %mul3A_282 = arith.constant 1000 : i32
      %mul3A_283 = arith.muli %add3A_55, %mul3A_282 : i32
      %multiple_of3A = tpu.assume_multiple %mul3A_283, 8 : i32
      "tpu.region"() ({
        %run_scoped3A = tpu.sem_alloc : memref<!tpu.dma_semaphore, #tpu.memory_space<semaphore_mem>>
        %dma_start3A = arith.constant 0 : i32
        %dma_start3A_287 = tpu.memref_slice %arg2[%multiple_of3A, %dma_start3A] : memref<1000000x64xf32, #tpu.memory_space<hbm>> -> memref<1000x64xf32, #tpu.memory_space<hbm>>
        %dma_start3A_288 = arith.constant 0 : i32
        %dma_start3A_289 = tpu.memref_slice %arg2[%multiple_of3A, %dma_start3A_288] : memref<1000000x64xf32, #tpu.memory_space<hbm>> -> memref<1000x64xf32, #tpu.memory_space<hbm>>
        tpu.enqueue_dma source(%dma_start3A_289 : memref<1000x64xf32, #tpu.memory_space<hbm>>) target(%arg6 : memref<1000x64xf32, #tpu.memory_space<vmem>>) target_semaphore(%run_scoped3A : memref<!tpu.dma_semaphore, #tpu.memory_space<semaphore_mem>>)
        %dma_wait3A = arith.constant 0 : i32
        %dma_wait3A_290 = tpu.memref_slice %arg2[%multiple_of3A, %dma_wait3A] : memref<1000000x64xf32, #tpu.memory_space<hbm>> -> memref<1000x64xf32, #tpu.memory_space<hbm>>
        %dma_wait3A_291 = arith.constant 0 : i32
        %dma_wait3A_292 = tpu.memref_slice %arg2[%multiple_of3A, %dma_wait3A_291] : memref<1000000x64xf32, #tpu.memory_space<hbm>> -> memref<1000x64xf32, #tpu.memory_space<hbm>>
        tpu.wait_dma2 semaphore(%run_scoped3A : memref<!tpu.dma_semaphore, #tpu.memory_space<semaphore_mem>>) src(%dma_wait3A_292 : memref<1000x64xf32, #tpu.memory_space<hbm>>) dst(%arg6 : memref<1000x64xf32, #tpu.memory_space<vmem>>)
        tpu.yield
      }) : () -> ()
      %mul3A_284 = arith.constant 1000 : i32
      %mul3A_285 = arith.muli %add3A_55, %mul3A_284 : i32
      %multiple_of3A_286 = tpu.assume_multiple %mul3A_285, 8 : i32
      "tpu.region"() ({
        %run_scoped3A = tpu.sem_alloc : memref<!tpu.dma_semaphore, #tpu.memory_space<semaphore_mem>>
        %dma_start3A = arith.constant 0 : i32
        %dma_start3A_287 = tpu.memref_slice %arg5[%multiple_of3A_286, %dma_start3A] : memref<1000000x64xf32, #tpu.memory_space<hbm>> -> memref<1000x64xf32, #tpu.memory_space<hbm>>
        %dma_start3A_288 = arith.constant 0 : i32
        %dma_start3A_289 = tpu.memref_slice %arg5[%multiple_of3A_286, %dma_start3A_288] : memref<1000000x64xf32, #tpu.memory_space<hbm>> -> memref<1000x64xf32, #tpu.memory_space<hbm>>
        tpu.enqueue_dma source(%arg6 : memref<1000x64xf32, #tpu.memory_space<vmem>>) target(%dma_start3A_289 : memref<1000x64xf32, #tpu.memory_space<hbm>>) target_semaphore(%run_scoped3A : memref<!tpu.dma_semaphore, #tpu.memory_space<semaphore_mem>>)
        %dma_wait3A = arith.constant 0 : i32
        %dma_wait3A_290 = tpu.memref_slice %arg5[%multiple_of3A_286, %dma_wait3A] : memref<1000000x64xf32, #tpu.memory_space<hbm>> -> memref<1000x64xf32, #tpu.memory_space<hbm>>
        %dma_wait3A_291 = arith.constant 0 : i32
        %dma_wait3A_292 = tpu.memref_slice %arg5[%multiple_of3A_286, %dma_wait3A_291] : memref<1000000x64xf32, #tpu.memory_space<hbm>> -> memref<1000x64xf32, #tpu.memory_space<hbm>>
        tpu.wait_dma2 semaphore(%run_scoped3A : memref<!tpu.dma_semaphore, #tpu.memory_space<semaphore_mem>>) src(%arg6 : memref<1000x64xf32, #tpu.memory_space<vmem>>) dst(%dma_wait3A_292 : memref<1000x64xf32, #tpu.memory_space<hbm>>)
        tpu.yield
      }) : () -> ()
    } else {
    }
    %add3A_61 = arith.constant 288 : i32
    %add3A_62 = arith.addi %add3A, %add3A_61 : i32
    %lt3A_63 = arith.constant 1000 : i32
    %lt3A_64 = arith.cmpi slt, %add3A_62, %lt3A_63 : i32
    %convert_element_type3A_65 = arith.extui %lt3A_64 : i1 to i32
    %cond3A_66 = arith.constant 0 : i32
    %cond3A_67 = arith.cmpi ne, %convert_element_type3A_65, %cond3A_66 : i32
    scf.if %cond3A_67 {
      %mul3A_282 = arith.constant 1000 : i32
      %mul3A_283 = arith.muli %add3A_62, %mul3A_282 : i32
      %multiple_of3A = tpu.assume_multiple %mul3A_283, 8 : i32
      "tpu.region"() ({
        %run_scoped3A = tpu.sem_alloc : memref<!tpu.dma_semaphore, #tpu.memory_space<semaphore_mem>>
        %dma_start3A = arith.constant 0 : i32
        %dma_start3A_287 = tpu.memref_slice %arg2[%multiple_of3A, %dma_start3A] : memref<1000000x64xf32, #tpu.memory_space<hbm>> -> memref<1000x64xf32, #tpu.memory_space<hbm>>
        %dma_start3A_288 = arith.constant 0 : i32
        %dma_start3A_289 = tpu.memref_slice %arg2[%multiple_of3A, %dma_start3A_288] : memref<1000000x64xf32, #tpu.memory_space<hbm>> -> memref<1000x64xf32, #tpu.memory_space<hbm>>
        tpu.enqueue_dma source(%dma_start3A_289 : memref<1000x64xf32, #tpu.memory_space<hbm>>) target(%arg6 : memref<1000x64xf32, #tpu.memory_space<vmem>>) target_semaphore(%run_scoped3A : memref<!tpu.dma_semaphore, #tpu.memory_space<semaphore_mem>>)
        %dma_wait3A = arith.constant 0 : i32
        %dma_wait3A_290 = tpu.memref_slice %arg2[%multiple_of3A, %dma_wait3A] : memref<1000000x64xf32, #tpu.memory_space<hbm>> -> memref<1000x64xf32, #tpu.memory_space<hbm>>
        %dma_wait3A_291 = arith.constant 0 : i32
        %dma_wait3A_292 = tpu.memref_slice %arg2[%multiple_of3A, %dma_wait3A_291] : memref<1000000x64xf32, #tpu.memory_space<hbm>> -> memref<1000x64xf32, #tpu.memory_space<hbm>>
        tpu.wait_dma2 semaphore(%run_scoped3A : memref<!tpu.dma_semaphore, #tpu.memory_space<semaphore_mem>>) src(%dma_wait3A_292 : memref<1000x64xf32, #tpu.memory_space<hbm>>) dst(%arg6 : memref<1000x64xf32, #tpu.memory_space<vmem>>)
        tpu.yield
      }) : () -> ()
      %mul3A_284 = arith.constant 1000 : i32
      %mul3A_285 = arith.muli %add3A_62, %mul3A_284 : i32
      %multiple_of3A_286 = tpu.assume_multiple %mul3A_285, 8 : i32
      "tpu.region"() ({
        %run_scoped3A = tpu.sem_alloc : memref<!tpu.dma_semaphore, #tpu.memory_space<semaphore_mem>>
        %dma_start3A = arith.constant 0 : i32
        %dma_start3A_287 = tpu.memref_slice %arg5[%multiple_of3A_286, %dma_start3A] : memref<1000000x64xf32, #tpu.memory_space<hbm>> -> memref<1000x64xf32, #tpu.memory_space<hbm>>
        %dma_start3A_288 = arith.constant 0 : i32
        %dma_start3A_289 = tpu.memref_slice %arg5[%multiple_of3A_286, %dma_start3A_288] : memref<1000000x64xf32, #tpu.memory_space<hbm>> -> memref<1000x64xf32, #tpu.memory_space<hbm>>
        tpu.enqueue_dma source(%arg6 : memref<1000x64xf32, #tpu.memory_space<vmem>>) target(%dma_start3A_289 : memref<1000x64xf32, #tpu.memory_space<hbm>>) target_semaphore(%run_scoped3A : memref<!tpu.dma_semaphore, #tpu.memory_space<semaphore_mem>>)
        %dma_wait3A = arith.constant 0 : i32
        %dma_wait3A_290 = tpu.memref_slice %arg5[%multiple_of3A_286, %dma_wait3A] : memref<1000000x64xf32, #tpu.memory_space<hbm>> -> memref<1000x64xf32, #tpu.memory_space<hbm>>
        %dma_wait3A_291 = arith.constant 0 : i32
        %dma_wait3A_292 = tpu.memref_slice %arg5[%multiple_of3A_286, %dma_wait3A_291] : memref<1000000x64xf32, #tpu.memory_space<hbm>> -> memref<1000x64xf32, #tpu.memory_space<hbm>>
        tpu.wait_dma2 semaphore(%run_scoped3A : memref<!tpu.dma_semaphore, #tpu.memory_space<semaphore_mem>>) src(%arg6 : memref<1000x64xf32, #tpu.memory_space<vmem>>) dst(%dma_wait3A_292 : memref<1000x64xf32, #tpu.memory_space<hbm>>)
        tpu.yield
      }) : () -> ()
    } else {
    }
    %add3A_68 = arith.constant 320 : i32
    %add3A_69 = arith.addi %add3A, %add3A_68 : i32
    %lt3A_70 = arith.constant 1000 : i32
    %lt3A_71 = arith.cmpi slt, %add3A_69, %lt3A_70 : i32
    %convert_element_type3A_72 = arith.extui %lt3A_71 : i1 to i32
    %cond3A_73 = arith.constant 0 : i32
    %cond3A_74 = arith.cmpi ne, %convert_element_type3A_72, %cond3A_73 : i32
    scf.if %cond3A_74 {
      %mul3A_282 = arith.constant 1000 : i32
      %mul3A_283 = arith.muli %add3A_69, %mul3A_282 : i32
      %multiple_of3A = tpu.assume_multiple %mul3A_283, 8 : i32
      "tpu.region"() ({
        %run_scoped3A = tpu.sem_alloc : memref<!tpu.dma_semaphore, #tpu.memory_space<semaphore_mem>>
        %dma_start3A = arith.constant 0 : i32
        %dma_start3A_287 = tpu.memref_slice %arg2[%multiple_of3A, %dma_start3A] : memref<1000000x64xf32, #tpu.memory_space<hbm>> -> memref<1000x64xf32, #tpu.memory_space<hbm>>
        %dma_start3A_288 = arith.constant 0 : i32
        %dma_start3A_289 = tpu.memref_slice %arg2[%multiple_of3A, %dma_start3A_288] : memref<1000000x64xf32, #tpu.memory_space<hbm>> -> memref<1000x64xf32, #tpu.memory_space<hbm>>
        tpu.enqueue_dma source(%dma_start3A_289 : memref<1000x64xf32, #tpu.memory_space<hbm>>) target(%arg6 : memref<1000x64xf32, #tpu.memory_space<vmem>>) target_semaphore(%run_scoped3A : memref<!tpu.dma_semaphore, #tpu.memory_space<semaphore_mem>>)
        %dma_wait3A = arith.constant 0 : i32
        %dma_wait3A_290 = tpu.memref_slice %arg2[%multiple_of3A, %dma_wait3A] : memref<1000000x64xf32, #tpu.memory_space<hbm>> -> memref<1000x64xf32, #tpu.memory_space<hbm>>
        %dma_wait3A_291 = arith.constant 0 : i32
        %dma_wait3A_292 = tpu.memref_slice %arg2[%multiple_of3A, %dma_wait3A_291] : memref<1000000x64xf32, #tpu.memory_space<hbm>> -> memref<1000x64xf32, #tpu.memory_space<hbm>>
        tpu.wait_dma2 semaphore(%run_scoped3A : memref<!tpu.dma_semaphore, #tpu.memory_space<semaphore_mem>>) src(%dma_wait3A_292 : memref<1000x64xf32, #tpu.memory_space<hbm>>) dst(%arg6 : memref<1000x64xf32, #tpu.memory_space<vmem>>)
        tpu.yield
      }) : () -> ()
      %mul3A_284 = arith.constant 1000 : i32
      %mul3A_285 = arith.muli %add3A_69, %mul3A_284 : i32
      %multiple_of3A_286 = tpu.assume_multiple %mul3A_285, 8 : i32
      "tpu.region"() ({
        %run_scoped3A = tpu.sem_alloc : memref<!tpu.dma_semaphore, #tpu.memory_space<semaphore_mem>>
        %dma_start3A = arith.constant 0 : i32
        %dma_start3A_287 = tpu.memref_slice %arg5[%multiple_of3A_286, %dma_start3A] : memref<1000000x64xf32, #tpu.memory_space<hbm>> -> memref<1000x64xf32, #tpu.memory_space<hbm>>
        %dma_start3A_288 = arith.constant 0 : i32
        %dma_start3A_289 = tpu.memref_slice %arg5[%multiple_of3A_286, %dma_start3A_288] : memref<1000000x64xf32, #tpu.memory_space<hbm>> -> memref<1000x64xf32, #tpu.memory_space<hbm>>
        tpu.enqueue_dma source(%arg6 : memref<1000x64xf32, #tpu.memory_space<vmem>>) target(%dma_start3A_289 : memref<1000x64xf32, #tpu.memory_space<hbm>>) target_semaphore(%run_scoped3A : memref<!tpu.dma_semaphore, #tpu.memory_space<semaphore_mem>>)
        %dma_wait3A = arith.constant 0 : i32
        %dma_wait3A_290 = tpu.memref_slice %arg5[%multiple_of3A_286, %dma_wait3A] : memref<1000000x64xf32, #tpu.memory_space<hbm>> -> memref<1000x64xf32, #tpu.memory_space<hbm>>
        %dma_wait3A_291 = arith.constant 0 : i32
        %dma_wait3A_292 = tpu.memref_slice %arg5[%multiple_of3A_286, %dma_wait3A_291] : memref<1000000x64xf32, #tpu.memory_space<hbm>> -> memref<1000x64xf32, #tpu.memory_space<hbm>>
        tpu.wait_dma2 semaphore(%run_scoped3A : memref<!tpu.dma_semaphore, #tpu.memory_space<semaphore_mem>>) src(%arg6 : memref<1000x64xf32, #tpu.memory_space<vmem>>) dst(%dma_wait3A_292 : memref<1000x64xf32, #tpu.memory_space<hbm>>)
        tpu.yield
      }) : () -> ()
    } else {
    }
    %add3A_75 = arith.constant 352 : i32
    %add3A_76 = arith.addi %add3A, %add3A_75 : i32
    %lt3A_77 = arith.constant 1000 : i32
    %lt3A_78 = arith.cmpi slt, %add3A_76, %lt3A_77 : i32
    %convert_element_type3A_79 = arith.extui %lt3A_78 : i1 to i32
    %cond3A_80 = arith.constant 0 : i32
    %cond3A_81 = arith.cmpi ne, %convert_element_type3A_79, %cond3A_80 : i32
    scf.if %cond3A_81 {
      %mul3A_282 = arith.constant 1000 : i32
      %mul3A_283 = arith.muli %add3A_76, %mul3A_282 : i32
      %multiple_of3A = tpu.assume_multiple %mul3A_283, 8 : i32
      "tpu.region"() ({
        %run_scoped3A = tpu.sem_alloc : memref<!tpu.dma_semaphore, #tpu.memory_space<semaphore_mem>>
        %dma_start3A = arith.constant 0 : i32
        %dma_start3A_287 = tpu.memref_slice %arg2[%multiple_of3A, %dma_start3A] : memref<1000000x64xf32, #tpu.memory_space<hbm>> -> memref<1000x64xf32, #tpu.memory_space<hbm>>
        %dma_start3A_288 = arith.constant 0 : i32
        %dma_start3A_289 = tpu.memref_slice %arg2[%multiple_of3A, %dma_start3A_288] : memref<1000000x64xf32, #tpu.memory_space<hbm>> -> memref<1000x64xf32, #tpu.memory_space<hbm>>
        tpu.enqueue_dma source(%dma_start3A_289 : memref<1000x64xf32, #tpu.memory_space<hbm>>) target(%arg6 : memref<1000x64xf32, #tpu.memory_space<vmem>>) target_semaphore(%run_scoped3A : memref<!tpu.dma_semaphore, #tpu.memory_space<semaphore_mem>>)
        %dma_wait3A = arith.constant 0 : i32
        %dma_wait3A_290 = tpu.memref_slice %arg2[%multiple_of3A, %dma_wait3A] : memref<1000000x64xf32, #tpu.memory_space<hbm>> -> memref<1000x64xf32, #tpu.memory_space<hbm>>
        %dma_wait3A_291 = arith.constant 0 : i32
        %dma_wait3A_292 = tpu.memref_slice %arg2[%multiple_of3A, %dma_wait3A_291] : memref<1000000x64xf32, #tpu.memory_space<hbm>> -> memref<1000x64xf32, #tpu.memory_space<hbm>>
        tpu.wait_dma2 semaphore(%run_scoped3A : memref<!tpu.dma_semaphore, #tpu.memory_space<semaphore_mem>>) src(%dma_wait3A_292 : memref<1000x64xf32, #tpu.memory_space<hbm>>) dst(%arg6 : memref<1000x64xf32, #tpu.memory_space<vmem>>)
        tpu.yield
      }) : () -> ()
      %mul3A_284 = arith.constant 1000 : i32
      %mul3A_285 = arith.muli %add3A_76, %mul3A_284 : i32
      %multiple_of3A_286 = tpu.assume_multiple %mul3A_285, 8 : i32
      "tpu.region"() ({
        %run_scoped3A = tpu.sem_alloc : memref<!tpu.dma_semaphore, #tpu.memory_space<semaphore_mem>>
        %dma_start3A = arith.constant 0 : i32
        %dma_start3A_287 = tpu.memref_slice %arg5[%multiple_of3A_286, %dma_start3A] : memref<1000000x64xf32, #tpu.memory_space<hbm>> -> memref<1000x64xf32, #tpu.memory_space<hbm>>
        %dma_start3A_288 = arith.constant 0 : i32
        %dma_start3A_289 = tpu.memref_slice %arg5[%multiple_of3A_286, %dma_start3A_288] : memref<1000000x64xf32, #tpu.memory_space<hbm>> -> memref<1000x64xf32, #tpu.memory_space<hbm>>
        tpu.enqueue_dma source(%arg6 : memref<1000x64xf32, #tpu.memory_space<vmem>>) target(%dma_start3A_289 : memref<1000x64xf32, #tpu.memory_space<hbm>>) target_semaphore(%run_scoped3A : memref<!tpu.dma_semaphore, #tpu.memory_space<semaphore_mem>>)
        %dma_wait3A = arith.constant 0 : i32
        %dma_wait3A_290 = tpu.memref_slice %arg5[%multiple_of3A_286, %dma_wait3A] : memref<1000000x64xf32, #tpu.memory_space<hbm>> -> memref<1000x64xf32, #tpu.memory_space<hbm>>
        %dma_wait3A_291 = arith.constant 0 : i32
        %dma_wait3A_292 = tpu.memref_slice %arg5[%multiple_of3A_286, %dma_wait3A_291] : memref<1000000x64xf32, #tpu.memory_space<hbm>> -> memref<1000x64xf32, #tpu.memory_space<hbm>>
        tpu.wait_dma2 semaphore(%run_scoped3A : memref<!tpu.dma_semaphore, #tpu.memory_space<semaphore_mem>>) src(%arg6 : memref<1000x64xf32, #tpu.memory_space<vmem>>) dst(%dma_wait3A_292 : memref<1000x64xf32, #tpu.memory_space<hbm>>)
        tpu.yield
      }) : () -> ()
    } else {
    }
    %add3A_82 = arith.constant 384 : i32
    %add3A_83 = arith.addi %add3A, %add3A_82 : i32
    %lt3A_84 = arith.constant 1000 : i32
    %lt3A_85 = arith.cmpi slt, %add3A_83, %lt3A_84 : i32
    %convert_element_type3A_86 = arith.extui %lt3A_85 : i1 to i32
    %cond3A_87 = arith.constant 0 : i32
    %cond3A_88 = arith.cmpi ne, %convert_element_type3A_86, %cond3A_87 : i32
    scf.if %cond3A_88 {
      %mul3A_282 = arith.constant 1000 : i32
      %mul3A_283 = arith.muli %add3A_83, %mul3A_282 : i32
      %multiple_of3A = tpu.assume_multiple %mul3A_283, 8 : i32
      "tpu.region"() ({
        %run_scoped3A = tpu.sem_alloc : memref<!tpu.dma_semaphore, #tpu.memory_space<semaphore_mem>>
        %dma_start3A = arith.constant 0 : i32
        %dma_start3A_287 = tpu.memref_slice %arg2[%multiple_of3A, %dma_start3A] : memref<1000000x64xf32, #tpu.memory_space<hbm>> -> memref<1000x64xf32, #tpu.memory_space<hbm>>
        %dma_start3A_288 = arith.constant 0 : i32
        %dma_start3A_289 = tpu.memref_slice %arg2[%multiple_of3A, %dma_start3A_288] : memref<1000000x64xf32, #tpu.memory_space<hbm>> -> memref<1000x64xf32, #tpu.memory_space<hbm>>
        tpu.enqueue_dma source(%dma_start3A_289 : memref<1000x64xf32, #tpu.memory_space<hbm>>) target(%arg6 : memref<1000x64xf32, #tpu.memory_space<vmem>>) target_semaphore(%run_scoped3A : memref<!tpu.dma_semaphore, #tpu.memory_space<semaphore_mem>>)
        %dma_wait3A = arith.constant 0 : i32
        %dma_wait3A_290 = tpu.memref_slice %arg2[%multiple_of3A, %dma_wait3A] : memref<1000000x64xf32, #tpu.memory_space<hbm>> -> memref<1000x64xf32, #tpu.memory_space<hbm>>
        %dma_wait3A_291 = arith.constant 0 : i32
        %dma_wait3A_292 = tpu.memref_slice %arg2[%multiple_of3A, %dma_wait3A_291] : memref<1000000x64xf32, #tpu.memory_space<hbm>> -> memref<1000x64xf32, #tpu.memory_space<hbm>>
        tpu.wait_dma2 semaphore(%run_scoped3A : memref<!tpu.dma_semaphore, #tpu.memory_space<semaphore_mem>>) src(%dma_wait3A_292 : memref<1000x64xf32, #tpu.memory_space<hbm>>) dst(%arg6 : memref<1000x64xf32, #tpu.memory_space<vmem>>)
        tpu.yield
      }) : () -> ()
      %mul3A_284 = arith.constant 1000 : i32
      %mul3A_285 = arith.muli %add3A_83, %mul3A_284 : i32
      %multiple_of3A_286 = tpu.assume_multiple %mul3A_285, 8 : i32
      "tpu.region"() ({
        %run_scoped3A = tpu.sem_alloc : memref<!tpu.dma_semaphore, #tpu.memory_space<semaphore_mem>>
        %dma_start3A = arith.constant 0 : i32
        %dma_start3A_287 = tpu.memref_slice %arg5[%multiple_of3A_286, %dma_start3A] : memref<1000000x64xf32, #tpu.memory_space<hbm>> -> memref<1000x64xf32, #tpu.memory_space<hbm>>
        %dma_start3A_288 = arith.constant 0 : i32
        %dma_start3A_289 = tpu.memref_slice %arg5[%multiple_of3A_286, %dma_start3A_288] : memref<1000000x64xf32, #tpu.memory_space<hbm>> -> memref<1000x64xf32, #tpu.memory_space<hbm>>
        tpu.enqueue_dma source(%arg6 : memref<1000x64xf32, #tpu.memory_space<vmem>>) target(%dma_start3A_289 : memref<1000x64xf32, #tpu.memory_space<hbm>>) target_semaphore(%run_scoped3A : memref<!tpu.dma_semaphore, #tpu.memory_space<semaphore_mem>>)
        %dma_wait3A = arith.constant 0 : i32
        %dma_wait3A_290 = tpu.memref_slice %arg5[%multiple_of3A_286, %dma_wait3A] : memref<1000000x64xf32, #tpu.memory_space<hbm>> -> memref<1000x64xf32, #tpu.memory_space<hbm>>
        %dma_wait3A_291 = arith.constant 0 : i32
        %dma_wait3A_292 = tpu.memref_slice %arg5[%multiple_of3A_286, %dma_wait3A_291] : memref<1000000x64xf32, #tpu.memory_space<hbm>> -> memref<1000x64xf32, #tpu.memory_space<hbm>>
        tpu.wait_dma2 semaphore(%run_scoped3A : memref<!tpu.dma_semaphore, #tpu.memory_space<semaphore_mem>>) src(%arg6 : memref<1000x64xf32, #tpu.memory_space<vmem>>) dst(%dma_wait3A_292 : memref<1000x64xf32, #tpu.memory_space<hbm>>)
        tpu.yield
      }) : () -> ()
    } else {
    }
    %add3A_89 = arith.constant 416 : i32
    %add3A_90 = arith.addi %add3A, %add3A_89 : i32
    %lt3A_91 = arith.constant 1000 : i32
    %lt3A_92 = arith.cmpi slt, %add3A_90, %lt3A_91 : i32
    %convert_element_type3A_93 = arith.extui %lt3A_92 : i1 to i32
    %cond3A_94 = arith.constant 0 : i32
    %cond3A_95 = arith.cmpi ne, %convert_element_type3A_93, %cond3A_94 : i32
    scf.if %cond3A_95 {
      %mul3A_282 = arith.constant 1000 : i32
      %mul3A_283 = arith.muli %add3A_90, %mul3A_282 : i32
      %multiple_of3A = tpu.assume_multiple %mul3A_283, 8 : i32
      "tpu.region"() ({
        %run_scoped3A = tpu.sem_alloc : memref<!tpu.dma_semaphore, #tpu.memory_space<semaphore_mem>>
        %dma_start3A = arith.constant 0 : i32
        %dma_start3A_287 = tpu.memref_slice %arg2[%multiple_of3A, %dma_start3A] : memref<1000000x64xf32, #tpu.memory_space<hbm>> -> memref<1000x64xf32, #tpu.memory_space<hbm>>
        %dma_start3A_288 = arith.constant 0 : i32
        %dma_start3A_289 = tpu.memref_slice %arg2[%multiple_of3A, %dma_start3A_288] : memref<1000000x64xf32, #tpu.memory_space<hbm>> -> memref<1000x64xf32, #tpu.memory_space<hbm>>
        tpu.enqueue_dma source(%dma_start3A_289 : memref<1000x64xf32, #tpu.memory_space<hbm>>) target(%arg6 : memref<1000x64xf32, #tpu.memory_space<vmem>>) target_semaphore(%run_scoped3A : memref<!tpu.dma_semaphore, #tpu.memory_space<semaphore_mem>>)
        %dma_wait3A = arith.constant 0 : i32
        %dma_wait3A_290 = tpu.memref_slice %arg2[%multiple_of3A, %dma_wait3A] : memref<1000000x64xf32, #tpu.memory_space<hbm>> -> memref<1000x64xf32, #tpu.memory_space<hbm>>
        %dma_wait3A_291 = arith.constant 0 : i32
        %dma_wait3A_292 = tpu.memref_slice %arg2[%multiple_of3A, %dma_wait3A_291] : memref<1000000x64xf32, #tpu.memory_space<hbm>> -> memref<1000x64xf32, #tpu.memory_space<hbm>>
        tpu.wait_dma2 semaphore(%run_scoped3A : memref<!tpu.dma_semaphore, #tpu.memory_space<semaphore_mem>>) src(%dma_wait3A_292 : memref<1000x64xf32, #tpu.memory_space<hbm>>) dst(%arg6 : memref<1000x64xf32, #tpu.memory_space<vmem>>)
        tpu.yield
      }) : () -> ()
      %mul3A_284 = arith.constant 1000 : i32
      %mul3A_285 = arith.muli %add3A_90, %mul3A_284 : i32
      %multiple_of3A_286 = tpu.assume_multiple %mul3A_285, 8 : i32
      "tpu.region"() ({
        %run_scoped3A = tpu.sem_alloc : memref<!tpu.dma_semaphore, #tpu.memory_space<semaphore_mem>>
        %dma_start3A = arith.constant 0 : i32
        %dma_start3A_287 = tpu.memref_slice %arg5[%multiple_of3A_286, %dma_start3A] : memref<1000000x64xf32, #tpu.memory_space<hbm>> -> memref<1000x64xf32, #tpu.memory_space<hbm>>
        %dma_start3A_288 = arith.constant 0 : i32
        %dma_start3A_289 = tpu.memref_slice %arg5[%multiple_of3A_286, %dma_start3A_288] : memref<1000000x64xf32, #tpu.memory_space<hbm>> -> memref<1000x64xf32, #tpu.memory_space<hbm>>
        tpu.enqueue_dma source(%arg6 : memref<1000x64xf32, #tpu.memory_space<vmem>>) target(%dma_start3A_289 : memref<1000x64xf32, #tpu.memory_space<hbm>>) target_semaphore(%run_scoped3A : memref<!tpu.dma_semaphore, #tpu.memory_space<semaphore_mem>>)
        %dma_wait3A = arith.constant 0 : i32
        %dma_wait3A_290 = tpu.memref_slice %arg5[%multiple_of3A_286, %dma_wait3A] : memref<1000000x64xf32, #tpu.memory_space<hbm>> -> memref<1000x64xf32, #tpu.memory_space<hbm>>
        %dma_wait3A_291 = arith.constant 0 : i32
        %dma_wait3A_292 = tpu.memref_slice %arg5[%multiple_of3A_286, %dma_wait3A_291] : memref<1000000x64xf32, #tpu.memory_space<hbm>> -> memref<1000x64xf32, #tpu.memory_space<hbm>>
        tpu.wait_dma2 semaphore(%run_scoped3A : memref<!tpu.dma_semaphore, #tpu.memory_space<semaphore_mem>>) src(%arg6 : memref<1000x64xf32, #tpu.memory_space<vmem>>) dst(%dma_wait3A_292 : memref<1000x64xf32, #tpu.memory_space<hbm>>)
        tpu.yield
      }) : () -> ()
    } else {
    }
    %add3A_96 = arith.constant 448 : i32
    %add3A_97 = arith.addi %add3A, %add3A_96 : i32
    %lt3A_98 = arith.constant 1000 : i32
    %lt3A_99 = arith.cmpi slt, %add3A_97, %lt3A_98 : i32
    %convert_element_type3A_100 = arith.extui %lt3A_99 : i1 to i32
    %cond3A_101 = arith.constant 0 : i32
    %cond3A_102 = arith.cmpi ne, %convert_element_type3A_100, %cond3A_101 : i32
    scf.if %cond3A_102 {
      %mul3A_282 = arith.constant 1000 : i32
      %mul3A_283 = arith.muli %add3A_97, %mul3A_282 : i32
      %multiple_of3A = tpu.assume_multiple %mul3A_283, 8 : i32
      "tpu.region"() ({
        %run_scoped3A = tpu.sem_alloc : memref<!tpu.dma_semaphore, #tpu.memory_space<semaphore_mem>>
        %dma_start3A = arith.constant 0 : i32
        %dma_start3A_287 = tpu.memref_slice %arg2[%multiple_of3A, %dma_start3A] : memref<1000000x64xf32, #tpu.memory_space<hbm>> -> memref<1000x64xf32, #tpu.memory_space<hbm>>
        %dma_start3A_288 = arith.constant 0 : i32
        %dma_start3A_289 = tpu.memref_slice %arg2[%multiple_of3A, %dma_start3A_288] : memref<1000000x64xf32, #tpu.memory_space<hbm>> -> memref<1000x64xf32, #tpu.memory_space<hbm>>
        tpu.enqueue_dma source(%dma_start3A_289 : memref<1000x64xf32, #tpu.memory_space<hbm>>) target(%arg6 : memref<1000x64xf32, #tpu.memory_space<vmem>>) target_semaphore(%run_scoped3A : memref<!tpu.dma_semaphore, #tpu.memory_space<semaphore_mem>>)
        %dma_wait3A = arith.constant 0 : i32
        %dma_wait3A_290 = tpu.memref_slice %arg2[%multiple_of3A, %dma_wait3A] : memref<1000000x64xf32, #tpu.memory_space<hbm>> -> memref<1000x64xf32, #tpu.memory_space<hbm>>
        %dma_wait3A_291 = arith.constant 0 : i32
        %dma_wait3A_292 = tpu.memref_slice %arg2[%multiple_of3A, %dma_wait3A_291] : memref<1000000x64xf32, #tpu.memory_space<hbm>> -> memref<1000x64xf32, #tpu.memory_space<hbm>>
        tpu.wait_dma2 semaphore(%run_scoped3A : memref<!tpu.dma_semaphore, #tpu.memory_space<semaphore_mem>>) src(%dma_wait3A_292 : memref<1000x64xf32, #tpu.memory_space<hbm>>) dst(%arg6 : memref<1000x64xf32, #tpu.memory_space<vmem>>)
        tpu.yield
      }) : () -> ()
      %mul3A_284 = arith.constant 1000 : i32
      %mul3A_285 = arith.muli %add3A_97, %mul3A_284 : i32
      %multiple_of3A_286 = tpu.assume_multiple %mul3A_285, 8 : i32
      "tpu.region"() ({
        %run_scoped3A = tpu.sem_alloc : memref<!tpu.dma_semaphore, #tpu.memory_space<semaphore_mem>>
        %dma_start3A = arith.constant 0 : i32
        %dma_start3A_287 = tpu.memref_slice %arg5[%multiple_of3A_286, %dma_start3A] : memref<1000000x64xf32, #tpu.memory_space<hbm>> -> memref<1000x64xf32, #tpu.memory_space<hbm>>
        %dma_start3A_288 = arith.constant 0 : i32
        %dma_start3A_289 = tpu.memref_slice %arg5[%multiple_of3A_286, %dma_start3A_288] : memref<1000000x64xf32, #tpu.memory_space<hbm>> -> memref<1000x64xf32, #tpu.memory_space<hbm>>
        tpu.enqueue_dma source(%arg6 : memref<1000x64xf32, #tpu.memory_space<vmem>>) target(%dma_start3A_289 : memref<1000x64xf32, #tpu.memory_space<hbm>>) target_semaphore(%run_scoped3A : memref<!tpu.dma_semaphore, #tpu.memory_space<semaphore_mem>>)
        %dma_wait3A = arith.constant 0 : i32
        %dma_wait3A_290 = tpu.memref_slice %arg5[%multiple_of3A_286, %dma_wait3A] : memref<1000000x64xf32, #tpu.memory_space<hbm>> -> memref<1000x64xf32, #tpu.memory_space<hbm>>
        %dma_wait3A_291 = arith.constant 0 : i32
        %dma_wait3A_292 = tpu.memref_slice %arg5[%multiple_of3A_286, %dma_wait3A_291] : memref<1000000x64xf32, #tpu.memory_space<hbm>> -> memref<1000x64xf32, #tpu.memory_space<hbm>>
        tpu.wait_dma2 semaphore(%run_scoped3A : memref<!tpu.dma_semaphore, #tpu.memory_space<semaphore_mem>>) src(%arg6 : memref<1000x64xf32, #tpu.memory_space<vmem>>) dst(%dma_wait3A_292 : memref<1000x64xf32, #tpu.memory_space<hbm>>)
        tpu.yield
      }) : () -> ()
    } else {
    }
    %add3A_103 = arith.constant 480 : i32
    %add3A_104 = arith.addi %add3A, %add3A_103 : i32
    %lt3A_105 = arith.constant 1000 : i32
    %lt3A_106 = arith.cmpi slt, %add3A_104, %lt3A_105 : i32
    %convert_element_type3A_107 = arith.extui %lt3A_106 : i1 to i32
    %cond3A_108 = arith.constant 0 : i32
    %cond3A_109 = arith.cmpi ne, %convert_element_type3A_107, %cond3A_108 : i32
    scf.if %cond3A_109 {
      %mul3A_282 = arith.constant 1000 : i32
      %mul3A_283 = arith.muli %add3A_104, %mul3A_282 : i32
      %multiple_of3A = tpu.assume_multiple %mul3A_283, 8 : i32
      "tpu.region"() ({
        %run_scoped3A = tpu.sem_alloc : memref<!tpu.dma_semaphore, #tpu.memory_space<semaphore_mem>>
        %dma_start3A = arith.constant 0 : i32
        %dma_start3A_287 = tpu.memref_slice %arg2[%multiple_of3A, %dma_start3A] : memref<1000000x64xf32, #tpu.memory_space<hbm>> -> memref<1000x64xf32, #tpu.memory_space<hbm>>
        %dma_start3A_288 = arith.constant 0 : i32
        %dma_start3A_289 = tpu.memref_slice %arg2[%multiple_of3A, %dma_start3A_288] : memref<1000000x64xf32, #tpu.memory_space<hbm>> -> memref<1000x64xf32, #tpu.memory_space<hbm>>
        tpu.enqueue_dma source(%dma_start3A_289 : memref<1000x64xf32, #tpu.memory_space<hbm>>) target(%arg6 : memref<1000x64xf32, #tpu.memory_space<vmem>>) target_semaphore(%run_scoped3A : memref<!tpu.dma_semaphore, #tpu.memory_space<semaphore_mem>>)
        %dma_wait3A = arith.constant 0 : i32
        %dma_wait3A_290 = tpu.memref_slice %arg2[%multiple_of3A, %dma_wait3A] : memref<1000000x64xf32, #tpu.memory_space<hbm>> -> memref<1000x64xf32, #tpu.memory_space<hbm>>
        %dma_wait3A_291 = arith.constant 0 : i32
        %dma_wait3A_292 = tpu.memref_slice %arg2[%multiple_of3A, %dma_wait3A_291] : memref<1000000x64xf32, #tpu.memory_space<hbm>> -> memref<1000x64xf32, #tpu.memory_space<hbm>>
        tpu.wait_dma2 semaphore(%run_scoped3A : memref<!tpu.dma_semaphore, #tpu.memory_space<semaphore_mem>>) src(%dma_wait3A_292 : memref<1000x64xf32, #tpu.memory_space<hbm>>) dst(%arg6 : memref<1000x64xf32, #tpu.memory_space<vmem>>)
        tpu.yield
      }) : () -> ()
      %mul3A_284 = arith.constant 1000 : i32
      %mul3A_285 = arith.muli %add3A_104, %mul3A_284 : i32
      %multiple_of3A_286 = tpu.assume_multiple %mul3A_285, 8 : i32
      "tpu.region"() ({
        %run_scoped3A = tpu.sem_alloc : memref<!tpu.dma_semaphore, #tpu.memory_space<semaphore_mem>>
        %dma_start3A = arith.constant 0 : i32
        %dma_start3A_287 = tpu.memref_slice %arg5[%multiple_of3A_286, %dma_start3A] : memref<1000000x64xf32, #tpu.memory_space<hbm>> -> memref<1000x64xf32, #tpu.memory_space<hbm>>
        %dma_start3A_288 = arith.constant 0 : i32
        %dma_start3A_289 = tpu.memref_slice %arg5[%multiple_of3A_286, %dma_start3A_288] : memref<1000000x64xf32, #tpu.memory_space<hbm>> -> memref<1000x64xf32, #tpu.memory_space<hbm>>
        tpu.enqueue_dma source(%arg6 : memref<1000x64xf32, #tpu.memory_space<vmem>>) target(%dma_start3A_289 : memref<1000x64xf32, #tpu.memory_space<hbm>>) target_semaphore(%run_scoped3A : memref<!tpu.dma_semaphore, #tpu.memory_space<semaphore_mem>>)
        %dma_wait3A = arith.constant 0 : i32
        %dma_wait3A_290 = tpu.memref_slice %arg5[%multiple_of3A_286, %dma_wait3A] : memref<1000000x64xf32, #tpu.memory_space<hbm>> -> memref<1000x64xf32, #tpu.memory_space<hbm>>
        %dma_wait3A_291 = arith.constant 0 : i32
        %dma_wait3A_292 = tpu.memref_slice %arg5[%multiple_of3A_286, %dma_wait3A_291] : memref<1000000x64xf32, #tpu.memory_space<hbm>> -> memref<1000x64xf32, #tpu.memory_space<hbm>>
        tpu.wait_dma2 semaphore(%run_scoped3A : memref<!tpu.dma_semaphore, #tpu.memory_space<semaphore_mem>>) src(%arg6 : memref<1000x64xf32, #tpu.memory_space<vmem>>) dst(%dma_wait3A_292 : memref<1000x64xf32, #tpu.memory_space<hbm>>)
        tpu.yield
      }) : () -> ()
    } else {
    }
    %add3A_110 = arith.constant 512 : i32
    %add3A_111 = arith.addi %add3A, %add3A_110 : i32
    %lt3A_112 = arith.constant 1000 : i32
    %lt3A_113 = arith.cmpi slt, %add3A_111, %lt3A_112 : i32
    %convert_element_type3A_114 = arith.extui %lt3A_113 : i1 to i32
    %cond3A_115 = arith.constant 0 : i32
    %cond3A_116 = arith.cmpi ne, %convert_element_type3A_114, %cond3A_115 : i32
    scf.if %cond3A_116 {
      %mul3A_282 = arith.constant 1000 : i32
      %mul3A_283 = arith.muli %add3A_111, %mul3A_282 : i32
      %multiple_of3A = tpu.assume_multiple %mul3A_283, 8 : i32
      "tpu.region"() ({
        %run_scoped3A = tpu.sem_alloc : memref<!tpu.dma_semaphore, #tpu.memory_space<semaphore_mem>>
        %dma_start3A = arith.constant 0 : i32
        %dma_start3A_287 = tpu.memref_slice %arg2[%multiple_of3A, %dma_start3A] : memref<1000000x64xf32, #tpu.memory_space<hbm>> -> memref<1000x64xf32, #tpu.memory_space<hbm>>
        %dma_start3A_288 = arith.constant 0 : i32
        %dma_start3A_289 = tpu.memref_slice %arg2[%multiple_of3A, %dma_start3A_288] : memref<1000000x64xf32, #tpu.memory_space<hbm>> -> memref<1000x64xf32, #tpu.memory_space<hbm>>
        tpu.enqueue_dma source(%dma_start3A_289 : memref<1000x64xf32, #tpu.memory_space<hbm>>) target(%arg6 : memref<1000x64xf32, #tpu.memory_space<vmem>>) target_semaphore(%run_scoped3A : memref<!tpu.dma_semaphore, #tpu.memory_space<semaphore_mem>>)
        %dma_wait3A = arith.constant 0 : i32
        %dma_wait3A_290 = tpu.memref_slice %arg2[%multiple_of3A, %dma_wait3A] : memref<1000000x64xf32, #tpu.memory_space<hbm>> -> memref<1000x64xf32, #tpu.memory_space<hbm>>
        %dma_wait3A_291 = arith.constant 0 : i32
        %dma_wait3A_292 = tpu.memref_slice %arg2[%multiple_of3A, %dma_wait3A_291] : memref<1000000x64xf32, #tpu.memory_space<hbm>> -> memref<1000x64xf32, #tpu.memory_space<hbm>>
        tpu.wait_dma2 semaphore(%run_scoped3A : memref<!tpu.dma_semaphore, #tpu.memory_space<semaphore_mem>>) src(%dma_wait3A_292 : memref<1000x64xf32, #tpu.memory_space<hbm>>) dst(%arg6 : memref<1000x64xf32, #tpu.memory_space<vmem>>)
        tpu.yield
      }) : () -> ()
      %mul3A_284 = arith.constant 1000 : i32
      %mul3A_285 = arith.muli %add3A_111, %mul3A_284 : i32
      %multiple_of3A_286 = tpu.assume_multiple %mul3A_285, 8 : i32
      "tpu.region"() ({
        %run_scoped3A = tpu.sem_alloc : memref<!tpu.dma_semaphore, #tpu.memory_space<semaphore_mem>>
        %dma_start3A = arith.constant 0 : i32
        %dma_start3A_287 = tpu.memref_slice %arg5[%multiple_of3A_286, %dma_start3A] : memref<1000000x64xf32, #tpu.memory_space<hbm>> -> memref<1000x64xf32, #tpu.memory_space<hbm>>
        %dma_start3A_288 = arith.constant 0 : i32
        %dma_start3A_289 = tpu.memref_slice %arg5[%multiple_of3A_286, %dma_start3A_288] : memref<1000000x64xf32, #tpu.memory_space<hbm>> -> memref<1000x64xf32, #tpu.memory_space<hbm>>
        tpu.enqueue_dma source(%arg6 : memref<1000x64xf32, #tpu.memory_space<vmem>>) target(%dma_start3A_289 : memref<1000x64xf32, #tpu.memory_space<hbm>>) target_semaphore(%run_scoped3A : memref<!tpu.dma_semaphore, #tpu.memory_space<semaphore_mem>>)
        %dma_wait3A = arith.constant 0 : i32
        %dma_wait3A_290 = tpu.memref_slice %arg5[%multiple_of3A_286, %dma_wait3A] : memref<1000000x64xf32, #tpu.memory_space<hbm>> -> memref<1000x64xf32, #tpu.memory_space<hbm>>
        %dma_wait3A_291 = arith.constant 0 : i32
        %dma_wait3A_292 = tpu.memref_slice %arg5[%multiple_of3A_286, %dma_wait3A_291] : memref<1000000x64xf32, #tpu.memory_space<hbm>> -> memref<1000x64xf32, #tpu.memory_space<hbm>>
        tpu.wait_dma2 semaphore(%run_scoped3A : memref<!tpu.dma_semaphore, #tpu.memory_space<semaphore_mem>>) src(%arg6 : memref<1000x64xf32, #tpu.memory_space<vmem>>) dst(%dma_wait3A_292 : memref<1000x64xf32, #tpu.memory_space<hbm>>)
        tpu.yield
      }) : () -> ()
    } else {
    }
    %add3A_117 = arith.constant 544 : i32
    %add3A_118 = arith.addi %add3A, %add3A_117 : i32
    %lt3A_119 = arith.constant 1000 : i32
    %lt3A_120 = arith.cmpi slt, %add3A_118, %lt3A_119 : i32
    %convert_element_type3A_121 = arith.extui %lt3A_120 : i1 to i32
    %cond3A_122 = arith.constant 0 : i32
    %cond3A_123 = arith.cmpi ne, %convert_element_type3A_121, %cond3A_122 : i32
    scf.if %cond3A_123 {
      %mul3A_282 = arith.constant 1000 : i32
      %mul3A_283 = arith.muli %add3A_118, %mul3A_282 : i32
      %multiple_of3A = tpu.assume_multiple %mul3A_283, 8 : i32
      "tpu.region"() ({
        %run_scoped3A = tpu.sem_alloc : memref<!tpu.dma_semaphore, #tpu.memory_space<semaphore_mem>>
        %dma_start3A = arith.constant 0 : i32
        %dma_start3A_287 = tpu.memref_slice %arg2[%multiple_of3A, %dma_start3A] : memref<1000000x64xf32, #tpu.memory_space<hbm>> -> memref<1000x64xf32, #tpu.memory_space<hbm>>
        %dma_start3A_288 = arith.constant 0 : i32
        %dma_start3A_289 = tpu.memref_slice %arg2[%multiple_of3A, %dma_start3A_288] : memref<1000000x64xf32, #tpu.memory_space<hbm>> -> memref<1000x64xf32, #tpu.memory_space<hbm>>
        tpu.enqueue_dma source(%dma_start3A_289 : memref<1000x64xf32, #tpu.memory_space<hbm>>) target(%arg6 : memref<1000x64xf32, #tpu.memory_space<vmem>>) target_semaphore(%run_scoped3A : memref<!tpu.dma_semaphore, #tpu.memory_space<semaphore_mem>>)
        %dma_wait3A = arith.constant 0 : i32
        %dma_wait3A_290 = tpu.memref_slice %arg2[%multiple_of3A, %dma_wait3A] : memref<1000000x64xf32, #tpu.memory_space<hbm>> -> memref<1000x64xf32, #tpu.memory_space<hbm>>
        %dma_wait3A_291 = arith.constant 0 : i32
        %dma_wait3A_292 = tpu.memref_slice %arg2[%multiple_of3A, %dma_wait3A_291] : memref<1000000x64xf32, #tpu.memory_space<hbm>> -> memref<1000x64xf32, #tpu.memory_space<hbm>>
        tpu.wait_dma2 semaphore(%run_scoped3A : memref<!tpu.dma_semaphore, #tpu.memory_space<semaphore_mem>>) src(%dma_wait3A_292 : memref<1000x64xf32, #tpu.memory_space<hbm>>) dst(%arg6 : memref<1000x64xf32, #tpu.memory_space<vmem>>)
        tpu.yield
      }) : () -> ()
      %mul3A_284 = arith.constant 1000 : i32
      %mul3A_285 = arith.muli %add3A_118, %mul3A_284 : i32
      %multiple_of3A_286 = tpu.assume_multiple %mul3A_285, 8 : i32
      "tpu.region"() ({
        %run_scoped3A = tpu.sem_alloc : memref<!tpu.dma_semaphore, #tpu.memory_space<semaphore_mem>>
        %dma_start3A = arith.constant 0 : i32
        %dma_start3A_287 = tpu.memref_slice %arg5[%multiple_of3A_286, %dma_start3A] : memref<1000000x64xf32, #tpu.memory_space<hbm>> -> memref<1000x64xf32, #tpu.memory_space<hbm>>
        %dma_start3A_288 = arith.constant 0 : i32
        %dma_start3A_289 = tpu.memref_slice %arg5[%multiple_of3A_286, %dma_start3A_288] : memref<1000000x64xf32, #tpu.memory_space<hbm>> -> memref<1000x64xf32, #tpu.memory_space<hbm>>
        tpu.enqueue_dma source(%arg6 : memref<1000x64xf32, #tpu.memory_space<vmem>>) target(%dma_start3A_289 : memref<1000x64xf32, #tpu.memory_space<hbm>>) target_semaphore(%run_scoped3A : memref<!tpu.dma_semaphore, #tpu.memory_space<semaphore_mem>>)
        %dma_wait3A = arith.constant 0 : i32
        %dma_wait3A_290 = tpu.memref_slice %arg5[%multiple_of3A_286, %dma_wait3A] : memref<1000000x64xf32, #tpu.memory_space<hbm>> -> memref<1000x64xf32, #tpu.memory_space<hbm>>
        %dma_wait3A_291 = arith.constant 0 : i32
        %dma_wait3A_292 = tpu.memref_slice %arg5[%multiple_of3A_286, %dma_wait3A_291] : memref<1000000x64xf32, #tpu.memory_space<hbm>> -> memref<1000x64xf32, #tpu.memory_space<hbm>>
        tpu.wait_dma2 semaphore(%run_scoped3A : memref<!tpu.dma_semaphore, #tpu.memory_space<semaphore_mem>>) src(%arg6 : memref<1000x64xf32, #tpu.memory_space<vmem>>) dst(%dma_wait3A_292 : memref<1000x64xf32, #tpu.memory_space<hbm>>)
        tpu.yield
      }) : () -> ()
    } else {
    }
    %add3A_124 = arith.constant 576 : i32
    %add3A_125 = arith.addi %add3A, %add3A_124 : i32
    %lt3A_126 = arith.constant 1000 : i32
    %lt3A_127 = arith.cmpi slt, %add3A_125, %lt3A_126 : i32
    %convert_element_type3A_128 = arith.extui %lt3A_127 : i1 to i32
    %cond3A_129 = arith.constant 0 : i32
    %cond3A_130 = arith.cmpi ne, %convert_element_type3A_128, %cond3A_129 : i32
    scf.if %cond3A_130 {
      %mul3A_282 = arith.constant 1000 : i32
      %mul3A_283 = arith.muli %add3A_125, %mul3A_282 : i32
      %multiple_of3A = tpu.assume_multiple %mul3A_283, 8 : i32
      "tpu.region"() ({
        %run_scoped3A = tpu.sem_alloc : memref<!tpu.dma_semaphore, #tpu.memory_space<semaphore_mem>>
        %dma_start3A = arith.constant 0 : i32
        %dma_start3A_287 = tpu.memref_slice %arg2[%multiple_of3A, %dma_start3A] : memref<1000000x64xf32, #tpu.memory_space<hbm>> -> memref<1000x64xf32, #tpu.memory_space<hbm>>
        %dma_start3A_288 = arith.constant 0 : i32
        %dma_start3A_289 = tpu.memref_slice %arg2[%multiple_of3A, %dma_start3A_288] : memref<1000000x64xf32, #tpu.memory_space<hbm>> -> memref<1000x64xf32, #tpu.memory_space<hbm>>
        tpu.enqueue_dma source(%dma_start3A_289 : memref<1000x64xf32, #tpu.memory_space<hbm>>) target(%arg6 : memref<1000x64xf32, #tpu.memory_space<vmem>>) target_semaphore(%run_scoped3A : memref<!tpu.dma_semaphore, #tpu.memory_space<semaphore_mem>>)
        %dma_wait3A = arith.constant 0 : i32
        %dma_wait3A_290 = tpu.memref_slice %arg2[%multiple_of3A, %dma_wait3A] : memref<1000000x64xf32, #tpu.memory_space<hbm>> -> memref<1000x64xf32, #tpu.memory_space<hbm>>
        %dma_wait3A_291 = arith.constant 0 : i32
        %dma_wait3A_292 = tpu.memref_slice %arg2[%multiple_of3A, %dma_wait3A_291] : memref<1000000x64xf32, #tpu.memory_space<hbm>> -> memref<1000x64xf32, #tpu.memory_space<hbm>>
        tpu.wait_dma2 semaphore(%run_scoped3A : memref<!tpu.dma_semaphore, #tpu.memory_space<semaphore_mem>>) src(%dma_wait3A_292 : memref<1000x64xf32, #tpu.memory_space<hbm>>) dst(%arg6 : memref<1000x64xf32, #tpu.memory_space<vmem>>)
        tpu.yield
      }) : () -> ()
      %mul3A_284 = arith.constant 1000 : i32
      %mul3A_285 = arith.muli %add3A_125, %mul3A_284 : i32
      %multiple_of3A_286 = tpu.assume_multiple %mul3A_285, 8 : i32
      "tpu.region"() ({
        %run_scoped3A = tpu.sem_alloc : memref<!tpu.dma_semaphore, #tpu.memory_space<semaphore_mem>>
        %dma_start3A = arith.constant 0 : i32
        %dma_start3A_287 = tpu.memref_slice %arg5[%multiple_of3A_286, %dma_start3A] : memref<1000000x64xf32, #tpu.memory_space<hbm>> -> memref<1000x64xf32, #tpu.memory_space<hbm>>
        %dma_start3A_288 = arith.constant 0 : i32
        %dma_start3A_289 = tpu.memref_slice %arg5[%multiple_of3A_286, %dma_start3A_288] : memref<1000000x64xf32, #tpu.memory_space<hbm>> -> memref<1000x64xf32, #tpu.memory_space<hbm>>
        tpu.enqueue_dma source(%arg6 : memref<1000x64xf32, #tpu.memory_space<vmem>>) target(%dma_start3A_289 : memref<1000x64xf32, #tpu.memory_space<hbm>>) target_semaphore(%run_scoped3A : memref<!tpu.dma_semaphore, #tpu.memory_space<semaphore_mem>>)
        %dma_wait3A = arith.constant 0 : i32
        %dma_wait3A_290 = tpu.memref_slice %arg5[%multiple_of3A_286, %dma_wait3A] : memref<1000000x64xf32, #tpu.memory_space<hbm>> -> memref<1000x64xf32, #tpu.memory_space<hbm>>
        %dma_wait3A_291 = arith.constant 0 : i32
        %dma_wait3A_292 = tpu.memref_slice %arg5[%multiple_of3A_286, %dma_wait3A_291] : memref<1000000x64xf32, #tpu.memory_space<hbm>> -> memref<1000x64xf32, #tpu.memory_space<hbm>>
        tpu.wait_dma2 semaphore(%run_scoped3A : memref<!tpu.dma_semaphore, #tpu.memory_space<semaphore_mem>>) src(%arg6 : memref<1000x64xf32, #tpu.memory_space<vmem>>) dst(%dma_wait3A_292 : memref<1000x64xf32, #tpu.memory_space<hbm>>)
        tpu.yield
      }) : () -> ()
    } else {
    }
    %add3A_131 = arith.constant 608 : i32
    %add3A_132 = arith.addi %add3A, %add3A_131 : i32
    %lt3A_133 = arith.constant 1000 : i32
    %lt3A_134 = arith.cmpi slt, %add3A_132, %lt3A_133 : i32
    %convert_element_type3A_135 = arith.extui %lt3A_134 : i1 to i32
    %cond3A_136 = arith.constant 0 : i32
    %cond3A_137 = arith.cmpi ne, %convert_element_type3A_135, %cond3A_136 : i32
    scf.if %cond3A_137 {
      %mul3A_282 = arith.constant 1000 : i32
      %mul3A_283 = arith.muli %add3A_132, %mul3A_282 : i32
      %multiple_of3A = tpu.assume_multiple %mul3A_283, 8 : i32
      "tpu.region"() ({
        %run_scoped3A = tpu.sem_alloc : memref<!tpu.dma_semaphore, #tpu.memory_space<semaphore_mem>>
        %dma_start3A = arith.constant 0 : i32
        %dma_start3A_287 = tpu.memref_slice %arg2[%multiple_of3A, %dma_start3A] : memref<1000000x64xf32, #tpu.memory_space<hbm>> -> memref<1000x64xf32, #tpu.memory_space<hbm>>
        %dma_start3A_288 = arith.constant 0 : i32
        %dma_start3A_289 = tpu.memref_slice %arg2[%multiple_of3A, %dma_start3A_288] : memref<1000000x64xf32, #tpu.memory_space<hbm>> -> memref<1000x64xf32, #tpu.memory_space<hbm>>
        tpu.enqueue_dma source(%dma_start3A_289 : memref<1000x64xf32, #tpu.memory_space<hbm>>) target(%arg6 : memref<1000x64xf32, #tpu.memory_space<vmem>>) target_semaphore(%run_scoped3A : memref<!tpu.dma_semaphore, #tpu.memory_space<semaphore_mem>>)
        %dma_wait3A = arith.constant 0 : i32
        %dma_wait3A_290 = tpu.memref_slice %arg2[%multiple_of3A, %dma_wait3A] : memref<1000000x64xf32, #tpu.memory_space<hbm>> -> memref<1000x64xf32, #tpu.memory_space<hbm>>
        %dma_wait3A_291 = arith.constant 0 : i32
        %dma_wait3A_292 = tpu.memref_slice %arg2[%multiple_of3A, %dma_wait3A_291] : memref<1000000x64xf32, #tpu.memory_space<hbm>> -> memref<1000x64xf32, #tpu.memory_space<hbm>>
        tpu.wait_dma2 semaphore(%run_scoped3A : memref<!tpu.dma_semaphore, #tpu.memory_space<semaphore_mem>>) src(%dma_wait3A_292 : memref<1000x64xf32, #tpu.memory_space<hbm>>) dst(%arg6 : memref<1000x64xf32, #tpu.memory_space<vmem>>)
        tpu.yield
      }) : () -> ()
      %mul3A_284 = arith.constant 1000 : i32
      %mul3A_285 = arith.muli %add3A_132, %mul3A_284 : i32
      %multiple_of3A_286 = tpu.assume_multiple %mul3A_285, 8 : i32
      "tpu.region"() ({
        %run_scoped3A = tpu.sem_alloc : memref<!tpu.dma_semaphore, #tpu.memory_space<semaphore_mem>>
        %dma_start3A = arith.constant 0 : i32
        %dma_start3A_287 = tpu.memref_slice %arg5[%multiple_of3A_286, %dma_start3A] : memref<1000000x64xf32, #tpu.memory_space<hbm>> -> memref<1000x64xf32, #tpu.memory_space<hbm>>
        %dma_start3A_288 = arith.constant 0 : i32
        %dma_start3A_289 = tpu.memref_slice %arg5[%multiple_of3A_286, %dma_start3A_288] : memref<1000000x64xf32, #tpu.memory_space<hbm>> -> memref<1000x64xf32, #tpu.memory_space<hbm>>
        tpu.enqueue_dma source(%arg6 : memref<1000x64xf32, #tpu.memory_space<vmem>>) target(%dma_start3A_289 : memref<1000x64xf32, #tpu.memory_space<hbm>>) target_semaphore(%run_scoped3A : memref<!tpu.dma_semaphore, #tpu.memory_space<semaphore_mem>>)
        %dma_wait3A = arith.constant 0 : i32
        %dma_wait3A_290 = tpu.memref_slice %arg5[%multiple_of3A_286, %dma_wait3A] : memref<1000000x64xf32, #tpu.memory_space<hbm>> -> memref<1000x64xf32, #tpu.memory_space<hbm>>
        %dma_wait3A_291 = arith.constant 0 : i32
        %dma_wait3A_292 = tpu.memref_slice %arg5[%multiple_of3A_286, %dma_wait3A_291] : memref<1000000x64xf32, #tpu.memory_space<hbm>> -> memref<1000x64xf32, #tpu.memory_space<hbm>>
        tpu.wait_dma2 semaphore(%run_scoped3A : memref<!tpu.dma_semaphore, #tpu.memory_space<semaphore_mem>>) src(%arg6 : memref<1000x64xf32, #tpu.memory_space<vmem>>) dst(%dma_wait3A_292 : memref<1000x64xf32, #tpu.memory_space<hbm>>)
        tpu.yield
      }) : () -> ()
    } else {
    }
    %add3A_138 = arith.constant 640 : i32
    %add3A_139 = arith.addi %add3A, %add3A_138 : i32
    %lt3A_140 = arith.constant 1000 : i32
    %lt3A_141 = arith.cmpi slt, %add3A_139, %lt3A_140 : i32
    %convert_element_type3A_142 = arith.extui %lt3A_141 : i1 to i32
    %cond3A_143 = arith.constant 0 : i32
    %cond3A_144 = arith.cmpi ne, %convert_element_type3A_142, %cond3A_143 : i32
    scf.if %cond3A_144 {
      %mul3A_282 = arith.constant 1000 : i32
      %mul3A_283 = arith.muli %add3A_139, %mul3A_282 : i32
      %multiple_of3A = tpu.assume_multiple %mul3A_283, 8 : i32
      "tpu.region"() ({
        %run_scoped3A = tpu.sem_alloc : memref<!tpu.dma_semaphore, #tpu.memory_space<semaphore_mem>>
        %dma_start3A = arith.constant 0 : i32
        %dma_start3A_287 = tpu.memref_slice %arg2[%multiple_of3A, %dma_start3A] : memref<1000000x64xf32, #tpu.memory_space<hbm>> -> memref<1000x64xf32, #tpu.memory_space<hbm>>
        %dma_start3A_288 = arith.constant 0 : i32
        %dma_start3A_289 = tpu.memref_slice %arg2[%multiple_of3A, %dma_start3A_288] : memref<1000000x64xf32, #tpu.memory_space<hbm>> -> memref<1000x64xf32, #tpu.memory_space<hbm>>
        tpu.enqueue_dma source(%dma_start3A_289 : memref<1000x64xf32, #tpu.memory_space<hbm>>) target(%arg6 : memref<1000x64xf32, #tpu.memory_space<vmem>>) target_semaphore(%run_scoped3A : memref<!tpu.dma_semaphore, #tpu.memory_space<semaphore_mem>>)
        %dma_wait3A = arith.constant 0 : i32
        %dma_wait3A_290 = tpu.memref_slice %arg2[%multiple_of3A, %dma_wait3A] : memref<1000000x64xf32, #tpu.memory_space<hbm>> -> memref<1000x64xf32, #tpu.memory_space<hbm>>
        %dma_wait3A_291 = arith.constant 0 : i32
        %dma_wait3A_292 = tpu.memref_slice %arg2[%multiple_of3A, %dma_wait3A_291] : memref<1000000x64xf32, #tpu.memory_space<hbm>> -> memref<1000x64xf32, #tpu.memory_space<hbm>>
        tpu.wait_dma2 semaphore(%run_scoped3A : memref<!tpu.dma_semaphore, #tpu.memory_space<semaphore_mem>>) src(%dma_wait3A_292 : memref<1000x64xf32, #tpu.memory_space<hbm>>) dst(%arg6 : memref<1000x64xf32, #tpu.memory_space<vmem>>)
        tpu.yield
      }) : () -> ()
      %mul3A_284 = arith.constant 1000 : i32
      %mul3A_285 = arith.muli %add3A_139, %mul3A_284 : i32
      %multiple_of3A_286 = tpu.assume_multiple %mul3A_285, 8 : i32
      "tpu.region"() ({
        %run_scoped3A = tpu.sem_alloc : memref<!tpu.dma_semaphore, #tpu.memory_space<semaphore_mem>>
        %dma_start3A = arith.constant 0 : i32
        %dma_start3A_287 = tpu.memref_slice %arg5[%multiple_of3A_286, %dma_start3A] : memref<1000000x64xf32, #tpu.memory_space<hbm>> -> memref<1000x64xf32, #tpu.memory_space<hbm>>
        %dma_start3A_288 = arith.constant 0 : i32
        %dma_start3A_289 = tpu.memref_slice %arg5[%multiple_of3A_286, %dma_start3A_288] : memref<1000000x64xf32, #tpu.memory_space<hbm>> -> memref<1000x64xf32, #tpu.memory_space<hbm>>
        tpu.enqueue_dma source(%arg6 : memref<1000x64xf32, #tpu.memory_space<vmem>>) target(%dma_start3A_289 : memref<1000x64xf32, #tpu.memory_space<hbm>>) target_semaphore(%run_scoped3A : memref<!tpu.dma_semaphore, #tpu.memory_space<semaphore_mem>>)
        %dma_wait3A = arith.constant 0 : i32
        %dma_wait3A_290 = tpu.memref_slice %arg5[%multiple_of3A_286, %dma_wait3A] : memref<1000000x64xf32, #tpu.memory_space<hbm>> -> memref<1000x64xf32, #tpu.memory_space<hbm>>
        %dma_wait3A_291 = arith.constant 0 : i32
        %dma_wait3A_292 = tpu.memref_slice %arg5[%multiple_of3A_286, %dma_wait3A_291] : memref<1000000x64xf32, #tpu.memory_space<hbm>> -> memref<1000x64xf32, #tpu.memory_space<hbm>>
        tpu.wait_dma2 semaphore(%run_scoped3A : memref<!tpu.dma_semaphore, #tpu.memory_space<semaphore_mem>>) src(%arg6 : memref<1000x64xf32, #tpu.memory_space<vmem>>) dst(%dma_wait3A_292 : memref<1000x64xf32, #tpu.memory_space<hbm>>)
        tpu.yield
      }) : () -> ()
    } else {
    }
    %add3A_145 = arith.constant 672 : i32
    %add3A_146 = arith.addi %add3A, %add3A_145 : i32
    %lt3A_147 = arith.constant 1000 : i32
    %lt3A_148 = arith.cmpi slt, %add3A_146, %lt3A_147 : i32
    %convert_element_type3A_149 = arith.extui %lt3A_148 : i1 to i32
    %cond3A_150 = arith.constant 0 : i32
    %cond3A_151 = arith.cmpi ne, %convert_element_type3A_149, %cond3A_150 : i32
    scf.if %cond3A_151 {
      %mul3A_282 = arith.constant 1000 : i32
      %mul3A_283 = arith.muli %add3A_146, %mul3A_282 : i32
      %multiple_of3A = tpu.assume_multiple %mul3A_283, 8 : i32
      "tpu.region"() ({
        %run_scoped3A = tpu.sem_alloc : memref<!tpu.dma_semaphore, #tpu.memory_space<semaphore_mem>>
        %dma_start3A = arith.constant 0 : i32
        %dma_start3A_287 = tpu.memref_slice %arg2[%multiple_of3A, %dma_start3A] : memref<1000000x64xf32, #tpu.memory_space<hbm>> -> memref<1000x64xf32, #tpu.memory_space<hbm>>
        %dma_start3A_288 = arith.constant 0 : i32
        %dma_start3A_289 = tpu.memref_slice %arg2[%multiple_of3A, %dma_start3A_288] : memref<1000000x64xf32, #tpu.memory_space<hbm>> -> memref<1000x64xf32, #tpu.memory_space<hbm>>
        tpu.enqueue_dma source(%dma_start3A_289 : memref<1000x64xf32, #tpu.memory_space<hbm>>) target(%arg6 : memref<1000x64xf32, #tpu.memory_space<vmem>>) target_semaphore(%run_scoped3A : memref<!tpu.dma_semaphore, #tpu.memory_space<semaphore_mem>>)
        %dma_wait3A = arith.constant 0 : i32
        %dma_wait3A_290 = tpu.memref_slice %arg2[%multiple_of3A, %dma_wait3A] : memref<1000000x64xf32, #tpu.memory_space<hbm>> -> memref<1000x64xf32, #tpu.memory_space<hbm>>
        %dma_wait3A_291 = arith.constant 0 : i32
        %dma_wait3A_292 = tpu.memref_slice %arg2[%multiple_of3A, %dma_wait3A_291] : memref<1000000x64xf32, #tpu.memory_space<hbm>> -> memref<1000x64xf32, #tpu.memory_space<hbm>>
        tpu.wait_dma2 semaphore(%run_scoped3A : memref<!tpu.dma_semaphore, #tpu.memory_space<semaphore_mem>>) src(%dma_wait3A_292 : memref<1000x64xf32, #tpu.memory_space<hbm>>) dst(%arg6 : memref<1000x64xf32, #tpu.memory_space<vmem>>)
        tpu.yield
      }) : () -> ()
      %mul3A_284 = arith.constant 1000 : i32
      %mul3A_285 = arith.muli %add3A_146, %mul3A_284 : i32
      %multiple_of3A_286 = tpu.assume_multiple %mul3A_285, 8 : i32
      "tpu.region"() ({
        %run_scoped3A = tpu.sem_alloc : memref<!tpu.dma_semaphore, #tpu.memory_space<semaphore_mem>>
        %dma_start3A = arith.constant 0 : i32
        %dma_start3A_287 = tpu.memref_slice %arg5[%multiple_of3A_286, %dma_start3A] : memref<1000000x64xf32, #tpu.memory_space<hbm>> -> memref<1000x64xf32, #tpu.memory_space<hbm>>
        %dma_start3A_288 = arith.constant 0 : i32
        %dma_start3A_289 = tpu.memref_slice %arg5[%multiple_of3A_286, %dma_start3A_288] : memref<1000000x64xf32, #tpu.memory_space<hbm>> -> memref<1000x64xf32, #tpu.memory_space<hbm>>
        tpu.enqueue_dma source(%arg6 : memref<1000x64xf32, #tpu.memory_space<vmem>>) target(%dma_start3A_289 : memref<1000x64xf32, #tpu.memory_space<hbm>>) target_semaphore(%run_scoped3A : memref<!tpu.dma_semaphore, #tpu.memory_space<semaphore_mem>>)
        %dma_wait3A = arith.constant 0 : i32
        %dma_wait3A_290 = tpu.memref_slice %arg5[%multiple_of3A_286, %dma_wait3A] : memref<1000000x64xf32, #tpu.memory_space<hbm>> -> memref<1000x64xf32, #tpu.memory_space<hbm>>
        %dma_wait3A_291 = arith.constant 0 : i32
        %dma_wait3A_292 = tpu.memref_slice %arg5[%multiple_of3A_286, %dma_wait3A_291] : memref<1000000x64xf32, #tpu.memory_space<hbm>> -> memref<1000x64xf32, #tpu.memory_space<hbm>>
        tpu.wait_dma2 semaphore(%run_scoped3A : memref<!tpu.dma_semaphore, #tpu.memory_space<semaphore_mem>>) src(%arg6 : memref<1000x64xf32, #tpu.memory_space<vmem>>) dst(%dma_wait3A_292 : memref<1000x64xf32, #tpu.memory_space<hbm>>)
        tpu.yield
      }) : () -> ()
    } else {
    }
    %add3A_152 = arith.constant 704 : i32
    %add3A_153 = arith.addi %add3A, %add3A_152 : i32
    %lt3A_154 = arith.constant 1000 : i32
    %lt3A_155 = arith.cmpi slt, %add3A_153, %lt3A_154 : i32
    %convert_element_type3A_156 = arith.extui %lt3A_155 : i1 to i32
    %cond3A_157 = arith.constant 0 : i32
    %cond3A_158 = arith.cmpi ne, %convert_element_type3A_156, %cond3A_157 : i32
    scf.if %cond3A_158 {
      %mul3A_282 = arith.constant 1000 : i32
      %mul3A_283 = arith.muli %add3A_153, %mul3A_282 : i32
      %multiple_of3A = tpu.assume_multiple %mul3A_283, 8 : i32
      "tpu.region"() ({
        %run_scoped3A = tpu.sem_alloc : memref<!tpu.dma_semaphore, #tpu.memory_space<semaphore_mem>>
        %dma_start3A = arith.constant 0 : i32
        %dma_start3A_287 = tpu.memref_slice %arg2[%multiple_of3A, %dma_start3A] : memref<1000000x64xf32, #tpu.memory_space<hbm>> -> memref<1000x64xf32, #tpu.memory_space<hbm>>
        %dma_start3A_288 = arith.constant 0 : i32
        %dma_start3A_289 = tpu.memref_slice %arg2[%multiple_of3A, %dma_start3A_288] : memref<1000000x64xf32, #tpu.memory_space<hbm>> -> memref<1000x64xf32, #tpu.memory_space<hbm>>
        tpu.enqueue_dma source(%dma_start3A_289 : memref<1000x64xf32, #tpu.memory_space<hbm>>) target(%arg6 : memref<1000x64xf32, #tpu.memory_space<vmem>>) target_semaphore(%run_scoped3A : memref<!tpu.dma_semaphore, #tpu.memory_space<semaphore_mem>>)
        %dma_wait3A = arith.constant 0 : i32
        %dma_wait3A_290 = tpu.memref_slice %arg2[%multiple_of3A, %dma_wait3A] : memref<1000000x64xf32, #tpu.memory_space<hbm>> -> memref<1000x64xf32, #tpu.memory_space<hbm>>
        %dma_wait3A_291 = arith.constant 0 : i32
        %dma_wait3A_292 = tpu.memref_slice %arg2[%multiple_of3A, %dma_wait3A_291] : memref<1000000x64xf32, #tpu.memory_space<hbm>> -> memref<1000x64xf32, #tpu.memory_space<hbm>>
        tpu.wait_dma2 semaphore(%run_scoped3A : memref<!tpu.dma_semaphore, #tpu.memory_space<semaphore_mem>>) src(%dma_wait3A_292 : memref<1000x64xf32, #tpu.memory_space<hbm>>) dst(%arg6 : memref<1000x64xf32, #tpu.memory_space<vmem>>)
        tpu.yield
      }) : () -> ()
      %mul3A_284 = arith.constant 1000 : i32
      %mul3A_285 = arith.muli %add3A_153, %mul3A_284 : i32
      %multiple_of3A_286 = tpu.assume_multiple %mul3A_285, 8 : i32
      "tpu.region"() ({
        %run_scoped3A = tpu.sem_alloc : memref<!tpu.dma_semaphore, #tpu.memory_space<semaphore_mem>>
        %dma_start3A = arith.constant 0 : i32
        %dma_start3A_287 = tpu.memref_slice %arg5[%multiple_of3A_286, %dma_start3A] : memref<1000000x64xf32, #tpu.memory_space<hbm>> -> memref<1000x64xf32, #tpu.memory_space<hbm>>
        %dma_start3A_288 = arith.constant 0 : i32
        %dma_start3A_289 = tpu.memref_slice %arg5[%multiple_of3A_286, %dma_start3A_288] : memref<1000000x64xf32, #tpu.memory_space<hbm>> -> memref<1000x64xf32, #tpu.memory_space<hbm>>
        tpu.enqueue_dma source(%arg6 : memref<1000x64xf32, #tpu.memory_space<vmem>>) target(%dma_start3A_289 : memref<1000x64xf32, #tpu.memory_space<hbm>>) target_semaphore(%run_scoped3A : memref<!tpu.dma_semaphore, #tpu.memory_space<semaphore_mem>>)
        %dma_wait3A = arith.constant 0 : i32
        %dma_wait3A_290 = tpu.memref_slice %arg5[%multiple_of3A_286, %dma_wait3A] : memref<1000000x64xf32, #tpu.memory_space<hbm>> -> memref<1000x64xf32, #tpu.memory_space<hbm>>
        %dma_wait3A_291 = arith.constant 0 : i32
        %dma_wait3A_292 = tpu.memref_slice %arg5[%multiple_of3A_286, %dma_wait3A_291] : memref<1000000x64xf32, #tpu.memory_space<hbm>> -> memref<1000x64xf32, #tpu.memory_space<hbm>>
        tpu.wait_dma2 semaphore(%run_scoped3A : memref<!tpu.dma_semaphore, #tpu.memory_space<semaphore_mem>>) src(%arg6 : memref<1000x64xf32, #tpu.memory_space<vmem>>) dst(%dma_wait3A_292 : memref<1000x64xf32, #tpu.memory_space<hbm>>)
        tpu.yield
      }) : () -> ()
    } else {
    }
    %add3A_159 = arith.constant 736 : i32
    %add3A_160 = arith.addi %add3A, %add3A_159 : i32
    %lt3A_161 = arith.constant 1000 : i32
    %lt3A_162 = arith.cmpi slt, %add3A_160, %lt3A_161 : i32
    %convert_element_type3A_163 = arith.extui %lt3A_162 : i1 to i32
    %cond3A_164 = arith.constant 0 : i32
    %cond3A_165 = arith.cmpi ne, %convert_element_type3A_163, %cond3A_164 : i32
    scf.if %cond3A_165 {
      %mul3A_282 = arith.constant 1000 : i32
      %mul3A_283 = arith.muli %add3A_160, %mul3A_282 : i32
      %multiple_of3A = tpu.assume_multiple %mul3A_283, 8 : i32
      "tpu.region"() ({
        %run_scoped3A = tpu.sem_alloc : memref<!tpu.dma_semaphore, #tpu.memory_space<semaphore_mem>>
        %dma_start3A = arith.constant 0 : i32
        %dma_start3A_287 = tpu.memref_slice %arg2[%multiple_of3A, %dma_start3A] : memref<1000000x64xf32, #tpu.memory_space<hbm>> -> memref<1000x64xf32, #tpu.memory_space<hbm>>
        %dma_start3A_288 = arith.constant 0 : i32
        %dma_start3A_289 = tpu.memref_slice %arg2[%multiple_of3A, %dma_start3A_288] : memref<1000000x64xf32, #tpu.memory_space<hbm>> -> memref<1000x64xf32, #tpu.memory_space<hbm>>
        tpu.enqueue_dma source(%dma_start3A_289 : memref<1000x64xf32, #tpu.memory_space<hbm>>) target(%arg6 : memref<1000x64xf32, #tpu.memory_space<vmem>>) target_semaphore(%run_scoped3A : memref<!tpu.dma_semaphore, #tpu.memory_space<semaphore_mem>>)
        %dma_wait3A = arith.constant 0 : i32
        %dma_wait3A_290 = tpu.memref_slice %arg2[%multiple_of3A, %dma_wait3A] : memref<1000000x64xf32, #tpu.memory_space<hbm>> -> memref<1000x64xf32, #tpu.memory_space<hbm>>
        %dma_wait3A_291 = arith.constant 0 : i32
        %dma_wait3A_292 = tpu.memref_slice %arg2[%multiple_of3A, %dma_wait3A_291] : memref<1000000x64xf32, #tpu.memory_space<hbm>> -> memref<1000x64xf32, #tpu.memory_space<hbm>>
        tpu.wait_dma2 semaphore(%run_scoped3A : memref<!tpu.dma_semaphore, #tpu.memory_space<semaphore_mem>>) src(%dma_wait3A_292 : memref<1000x64xf32, #tpu.memory_space<hbm>>) dst(%arg6 : memref<1000x64xf32, #tpu.memory_space<vmem>>)
        tpu.yield
      }) : () -> ()
      %mul3A_284 = arith.constant 1000 : i32
      %mul3A_285 = arith.muli %add3A_160, %mul3A_284 : i32
      %multiple_of3A_286 = tpu.assume_multiple %mul3A_285, 8 : i32
      "tpu.region"() ({
        %run_scoped3A = tpu.sem_alloc : memref<!tpu.dma_semaphore, #tpu.memory_space<semaphore_mem>>
        %dma_start3A = arith.constant 0 : i32
        %dma_start3A_287 = tpu.memref_slice %arg5[%multiple_of3A_286, %dma_start3A] : memref<1000000x64xf32, #tpu.memory_space<hbm>> -> memref<1000x64xf32, #tpu.memory_space<hbm>>
        %dma_start3A_288 = arith.constant 0 : i32
        %dma_start3A_289 = tpu.memref_slice %arg5[%multiple_of3A_286, %dma_start3A_288] : memref<1000000x64xf32, #tpu.memory_space<hbm>> -> memref<1000x64xf32, #tpu.memory_space<hbm>>
        tpu.enqueue_dma source(%arg6 : memref<1000x64xf32, #tpu.memory_space<vmem>>) target(%dma_start3A_289 : memref<1000x64xf32, #tpu.memory_space<hbm>>) target_semaphore(%run_scoped3A : memref<!tpu.dma_semaphore, #tpu.memory_space<semaphore_mem>>)
        %dma_wait3A = arith.constant 0 : i32
        %dma_wait3A_290 = tpu.memref_slice %arg5[%multiple_of3A_286, %dma_wait3A] : memref<1000000x64xf32, #tpu.memory_space<hbm>> -> memref<1000x64xf32, #tpu.memory_space<hbm>>
        %dma_wait3A_291 = arith.constant 0 : i32
        %dma_wait3A_292 = tpu.memref_slice %arg5[%multiple_of3A_286, %dma_wait3A_291] : memref<1000000x64xf32, #tpu.memory_space<hbm>> -> memref<1000x64xf32, #tpu.memory_space<hbm>>
        tpu.wait_dma2 semaphore(%run_scoped3A : memref<!tpu.dma_semaphore, #tpu.memory_space<semaphore_mem>>) src(%arg6 : memref<1000x64xf32, #tpu.memory_space<vmem>>) dst(%dma_wait3A_292 : memref<1000x64xf32, #tpu.memory_space<hbm>>)
        tpu.yield
      }) : () -> ()
    } else {
    }
    %add3A_166 = arith.constant 768 : i32
    %add3A_167 = arith.addi %add3A, %add3A_166 : i32
    %lt3A_168 = arith.constant 1000 : i32
    %lt3A_169 = arith.cmpi slt, %add3A_167, %lt3A_168 : i32
    %convert_element_type3A_170 = arith.extui %lt3A_169 : i1 to i32
    %cond3A_171 = arith.constant 0 : i32
    %cond3A_172 = arith.cmpi ne, %convert_element_type3A_170, %cond3A_171 : i32
    scf.if %cond3A_172 {
      %mul3A_282 = arith.constant 1000 : i32
      %mul3A_283 = arith.muli %add3A_167, %mul3A_282 : i32
      %multiple_of3A = tpu.assume_multiple %mul3A_283, 8 : i32
      "tpu.region"() ({
        %run_scoped3A = tpu.sem_alloc : memref<!tpu.dma_semaphore, #tpu.memory_space<semaphore_mem>>
        %dma_start3A = arith.constant 0 : i32
        %dma_start3A_287 = tpu.memref_slice %arg2[%multiple_of3A, %dma_start3A] : memref<1000000x64xf32, #tpu.memory_space<hbm>> -> memref<1000x64xf32, #tpu.memory_space<hbm>>
        %dma_start3A_288 = arith.constant 0 : i32
        %dma_start3A_289 = tpu.memref_slice %arg2[%multiple_of3A, %dma_start3A_288] : memref<1000000x64xf32, #tpu.memory_space<hbm>> -> memref<1000x64xf32, #tpu.memory_space<hbm>>
        tpu.enqueue_dma source(%dma_start3A_289 : memref<1000x64xf32, #tpu.memory_space<hbm>>) target(%arg6 : memref<1000x64xf32, #tpu.memory_space<vmem>>) target_semaphore(%run_scoped3A : memref<!tpu.dma_semaphore, #tpu.memory_space<semaphore_mem>>)
        %dma_wait3A = arith.constant 0 : i32
        %dma_wait3A_290 = tpu.memref_slice %arg2[%multiple_of3A, %dma_wait3A] : memref<1000000x64xf32, #tpu.memory_space<hbm>> -> memref<1000x64xf32, #tpu.memory_space<hbm>>
        %dma_wait3A_291 = arith.constant 0 : i32
        %dma_wait3A_292 = tpu.memref_slice %arg2[%multiple_of3A, %dma_wait3A_291] : memref<1000000x64xf32, #tpu.memory_space<hbm>> -> memref<1000x64xf32, #tpu.memory_space<hbm>>
        tpu.wait_dma2 semaphore(%run_scoped3A : memref<!tpu.dma_semaphore, #tpu.memory_space<semaphore_mem>>) src(%dma_wait3A_292 : memref<1000x64xf32, #tpu.memory_space<hbm>>) dst(%arg6 : memref<1000x64xf32, #tpu.memory_space<vmem>>)
        tpu.yield
      }) : () -> ()
      %mul3A_284 = arith.constant 1000 : i32
      %mul3A_285 = arith.muli %add3A_167, %mul3A_284 : i32
      %multiple_of3A_286 = tpu.assume_multiple %mul3A_285, 8 : i32
      "tpu.region"() ({
        %run_scoped3A = tpu.sem_alloc : memref<!tpu.dma_semaphore, #tpu.memory_space<semaphore_mem>>
        %dma_start3A = arith.constant 0 : i32
        %dma_start3A_287 = tpu.memref_slice %arg5[%multiple_of3A_286, %dma_start3A] : memref<1000000x64xf32, #tpu.memory_space<hbm>> -> memref<1000x64xf32, #tpu.memory_space<hbm>>
        %dma_start3A_288 = arith.constant 0 : i32
        %dma_start3A_289 = tpu.memref_slice %arg5[%multiple_of3A_286, %dma_start3A_288] : memref<1000000x64xf32, #tpu.memory_space<hbm>> -> memref<1000x64xf32, #tpu.memory_space<hbm>>
        tpu.enqueue_dma source(%arg6 : memref<1000x64xf32, #tpu.memory_space<vmem>>) target(%dma_start3A_289 : memref<1000x64xf32, #tpu.memory_space<hbm>>) target_semaphore(%run_scoped3A : memref<!tpu.dma_semaphore, #tpu.memory_space<semaphore_mem>>)
        %dma_wait3A = arith.constant 0 : i32
        %dma_wait3A_290 = tpu.memref_slice %arg5[%multiple_of3A_286, %dma_wait3A] : memref<1000000x64xf32, #tpu.memory_space<hbm>> -> memref<1000x64xf32, #tpu.memory_space<hbm>>
        %dma_wait3A_291 = arith.constant 0 : i32
        %dma_wait3A_292 = tpu.memref_slice %arg5[%multiple_of3A_286, %dma_wait3A_291] : memref<1000000x64xf32, #tpu.memory_space<hbm>> -> memref<1000x64xf32, #tpu.memory_space<hbm>>
        tpu.wait_dma2 semaphore(%run_scoped3A : memref<!tpu.dma_semaphore, #tpu.memory_space<semaphore_mem>>) src(%arg6 : memref<1000x64xf32, #tpu.memory_space<vmem>>) dst(%dma_wait3A_292 : memref<1000x64xf32, #tpu.memory_space<hbm>>)
        tpu.yield
      }) : () -> ()
    } else {
    }
    %add3A_173 = arith.constant 800 : i32
    %add3A_174 = arith.addi %add3A, %add3A_173 : i32
    %lt3A_175 = arith.constant 1000 : i32
    %lt3A_176 = arith.cmpi slt, %add3A_174, %lt3A_175 : i32
    %convert_element_type3A_177 = arith.extui %lt3A_176 : i1 to i32
    %cond3A_178 = arith.constant 0 : i32
    %cond3A_179 = arith.cmpi ne, %convert_element_type3A_177, %cond3A_178 : i32
    scf.if %cond3A_179 {
      %mul3A_282 = arith.constant 1000 : i32
      %mul3A_283 = arith.muli %add3A_174, %mul3A_282 : i32
      %multiple_of3A = tpu.assume_multiple %mul3A_283, 8 : i32
      "tpu.region"() ({
        %run_scoped3A = tpu.sem_alloc : memref<!tpu.dma_semaphore, #tpu.memory_space<semaphore_mem>>
        %dma_start3A = arith.constant 0 : i32
        %dma_start3A_287 = tpu.memref_slice %arg2[%multiple_of3A, %dma_start3A] : memref<1000000x64xf32, #tpu.memory_space<hbm>> -> memref<1000x64xf32, #tpu.memory_space<hbm>>
        %dma_start3A_288 = arith.constant 0 : i32
        %dma_start3A_289 = tpu.memref_slice %arg2[%multiple_of3A, %dma_start3A_288] : memref<1000000x64xf32, #tpu.memory_space<hbm>> -> memref<1000x64xf32, #tpu.memory_space<hbm>>
        tpu.enqueue_dma source(%dma_start3A_289 : memref<1000x64xf32, #tpu.memory_space<hbm>>) target(%arg6 : memref<1000x64xf32, #tpu.memory_space<vmem>>) target_semaphore(%run_scoped3A : memref<!tpu.dma_semaphore, #tpu.memory_space<semaphore_mem>>)
        %dma_wait3A = arith.constant 0 : i32
        %dma_wait3A_290 = tpu.memref_slice %arg2[%multiple_of3A, %dma_wait3A] : memref<1000000x64xf32, #tpu.memory_space<hbm>> -> memref<1000x64xf32, #tpu.memory_space<hbm>>
        %dma_wait3A_291 = arith.constant 0 : i32
        %dma_wait3A_292 = tpu.memref_slice %arg2[%multiple_of3A, %dma_wait3A_291] : memref<1000000x64xf32, #tpu.memory_space<hbm>> -> memref<1000x64xf32, #tpu.memory_space<hbm>>
        tpu.wait_dma2 semaphore(%run_scoped3A : memref<!tpu.dma_semaphore, #tpu.memory_space<semaphore_mem>>) src(%dma_wait3A_292 : memref<1000x64xf32, #tpu.memory_space<hbm>>) dst(%arg6 : memref<1000x64xf32, #tpu.memory_space<vmem>>)
        tpu.yield
      }) : () -> ()
      %mul3A_284 = arith.constant 1000 : i32
      %mul3A_285 = arith.muli %add3A_174, %mul3A_284 : i32
      %multiple_of3A_286 = tpu.assume_multiple %mul3A_285, 8 : i32
      "tpu.region"() ({
        %run_scoped3A = tpu.sem_alloc : memref<!tpu.dma_semaphore, #tpu.memory_space<semaphore_mem>>
        %dma_start3A = arith.constant 0 : i32
        %dma_start3A_287 = tpu.memref_slice %arg5[%multiple_of3A_286, %dma_start3A] : memref<1000000x64xf32, #tpu.memory_space<hbm>> -> memref<1000x64xf32, #tpu.memory_space<hbm>>
        %dma_start3A_288 = arith.constant 0 : i32
        %dma_start3A_289 = tpu.memref_slice %arg5[%multiple_of3A_286, %dma_start3A_288] : memref<1000000x64xf32, #tpu.memory_space<hbm>> -> memref<1000x64xf32, #tpu.memory_space<hbm>>
        tpu.enqueue_dma source(%arg6 : memref<1000x64xf32, #tpu.memory_space<vmem>>) target(%dma_start3A_289 : memref<1000x64xf32, #tpu.memory_space<hbm>>) target_semaphore(%run_scoped3A : memref<!tpu.dma_semaphore, #tpu.memory_space<semaphore_mem>>)
        %dma_wait3A = arith.constant 0 : i32
        %dma_wait3A_290 = tpu.memref_slice %arg5[%multiple_of3A_286, %dma_wait3A] : memref<1000000x64xf32, #tpu.memory_space<hbm>> -> memref<1000x64xf32, #tpu.memory_space<hbm>>
        %dma_wait3A_291 = arith.constant 0 : i32
        %dma_wait3A_292 = tpu.memref_slice %arg5[%multiple_of3A_286, %dma_wait3A_291] : memref<1000000x64xf32, #tpu.memory_space<hbm>> -> memref<1000x64xf32, #tpu.memory_space<hbm>>
        tpu.wait_dma2 semaphore(%run_scoped3A : memref<!tpu.dma_semaphore, #tpu.memory_space<semaphore_mem>>) src(%arg6 : memref<1000x64xf32, #tpu.memory_space<vmem>>) dst(%dma_wait3A_292 : memref<1000x64xf32, #tpu.memory_space<hbm>>)
        tpu.yield
      }) : () -> ()
    } else {
    }
    %add3A_180 = arith.constant 832 : i32
    %add3A_181 = arith.addi %add3A, %add3A_180 : i32
    %lt3A_182 = arith.constant 1000 : i32
    %lt3A_183 = arith.cmpi slt, %add3A_181, %lt3A_182 : i32
    %convert_element_type3A_184 = arith.extui %lt3A_183 : i1 to i32
    %cond3A_185 = arith.constant 0 : i32
    %cond3A_186 = arith.cmpi ne, %convert_element_type3A_184, %cond3A_185 : i32
    scf.if %cond3A_186 {
      %mul3A_282 = arith.constant 1000 : i32
      %mul3A_283 = arith.muli %add3A_181, %mul3A_282 : i32
      %multiple_of3A = tpu.assume_multiple %mul3A_283, 8 : i32
      "tpu.region"() ({
        %run_scoped3A = tpu.sem_alloc : memref<!tpu.dma_semaphore, #tpu.memory_space<semaphore_mem>>
        %dma_start3A = arith.constant 0 : i32
        %dma_start3A_287 = tpu.memref_slice %arg2[%multiple_of3A, %dma_start3A] : memref<1000000x64xf32, #tpu.memory_space<hbm>> -> memref<1000x64xf32, #tpu.memory_space<hbm>>
        %dma_start3A_288 = arith.constant 0 : i32
        %dma_start3A_289 = tpu.memref_slice %arg2[%multiple_of3A, %dma_start3A_288] : memref<1000000x64xf32, #tpu.memory_space<hbm>> -> memref<1000x64xf32, #tpu.memory_space<hbm>>
        tpu.enqueue_dma source(%dma_start3A_289 : memref<1000x64xf32, #tpu.memory_space<hbm>>) target(%arg6 : memref<1000x64xf32, #tpu.memory_space<vmem>>) target_semaphore(%run_scoped3A : memref<!tpu.dma_semaphore, #tpu.memory_space<semaphore_mem>>)
        %dma_wait3A = arith.constant 0 : i32
        %dma_wait3A_290 = tpu.memref_slice %arg2[%multiple_of3A, %dma_wait3A] : memref<1000000x64xf32, #tpu.memory_space<hbm>> -> memref<1000x64xf32, #tpu.memory_space<hbm>>
        %dma_wait3A_291 = arith.constant 0 : i32
        %dma_wait3A_292 = tpu.memref_slice %arg2[%multiple_of3A, %dma_wait3A_291] : memref<1000000x64xf32, #tpu.memory_space<hbm>> -> memref<1000x64xf32, #tpu.memory_space<hbm>>
        tpu.wait_dma2 semaphore(%run_scoped3A : memref<!tpu.dma_semaphore, #tpu.memory_space<semaphore_mem>>) src(%dma_wait3A_292 : memref<1000x64xf32, #tpu.memory_space<hbm>>) dst(%arg6 : memref<1000x64xf32, #tpu.memory_space<vmem>>)
        tpu.yield
      }) : () -> ()
      %mul3A_284 = arith.constant 1000 : i32
      %mul3A_285 = arith.muli %add3A_181, %mul3A_284 : i32
      %multiple_of3A_286 = tpu.assume_multiple %mul3A_285, 8 : i32
      "tpu.region"() ({
        %run_scoped3A = tpu.sem_alloc : memref<!tpu.dma_semaphore, #tpu.memory_space<semaphore_mem>>
        %dma_start3A = arith.constant 0 : i32
        %dma_start3A_287 = tpu.memref_slice %arg5[%multiple_of3A_286, %dma_start3A] : memref<1000000x64xf32, #tpu.memory_space<hbm>> -> memref<1000x64xf32, #tpu.memory_space<hbm>>
        %dma_start3A_288 = arith.constant 0 : i32
        %dma_start3A_289 = tpu.memref_slice %arg5[%multiple_of3A_286, %dma_start3A_288] : memref<1000000x64xf32, #tpu.memory_space<hbm>> -> memref<1000x64xf32, #tpu.memory_space<hbm>>
        tpu.enqueue_dma source(%arg6 : memref<1000x64xf32, #tpu.memory_space<vmem>>) target(%dma_start3A_289 : memref<1000x64xf32, #tpu.memory_space<hbm>>) target_semaphore(%run_scoped3A : memref<!tpu.dma_semaphore, #tpu.memory_space<semaphore_mem>>)
        %dma_wait3A = arith.constant 0 : i32
        %dma_wait3A_290 = tpu.memref_slice %arg5[%multiple_of3A_286, %dma_wait3A] : memref<1000000x64xf32, #tpu.memory_space<hbm>> -> memref<1000x64xf32, #tpu.memory_space<hbm>>
        %dma_wait3A_291 = arith.constant 0 : i32
        %dma_wait3A_292 = tpu.memref_slice %arg5[%multiple_of3A_286, %dma_wait3A_291] : memref<1000000x64xf32, #tpu.memory_space<hbm>> -> memref<1000x64xf32, #tpu.memory_space<hbm>>
        tpu.wait_dma2 semaphore(%run_scoped3A : memref<!tpu.dma_semaphore, #tpu.memory_space<semaphore_mem>>) src(%arg6 : memref<1000x64xf32, #tpu.memory_space<vmem>>) dst(%dma_wait3A_292 : memref<1000x64xf32, #tpu.memory_space<hbm>>)
        tpu.yield
      }) : () -> ()
    } else {
    }
    %add3A_187 = arith.constant 864 : i32
    %add3A_188 = arith.addi %add3A, %add3A_187 : i32
    %lt3A_189 = arith.constant 1000 : i32
    %lt3A_190 = arith.cmpi slt, %add3A_188, %lt3A_189 : i32
    %convert_element_type3A_191 = arith.extui %lt3A_190 : i1 to i32
    %cond3A_192 = arith.constant 0 : i32
    %cond3A_193 = arith.cmpi ne, %convert_element_type3A_191, %cond3A_192 : i32
    scf.if %cond3A_193 {
      %mul3A_282 = arith.constant 1000 : i32
      %mul3A_283 = arith.muli %add3A_188, %mul3A_282 : i32
      %multiple_of3A = tpu.assume_multiple %mul3A_283, 8 : i32
      "tpu.region"() ({
        %run_scoped3A = tpu.sem_alloc : memref<!tpu.dma_semaphore, #tpu.memory_space<semaphore_mem>>
        %dma_start3A = arith.constant 0 : i32
        %dma_start3A_287 = tpu.memref_slice %arg2[%multiple_of3A, %dma_start3A] : memref<1000000x64xf32, #tpu.memory_space<hbm>> -> memref<1000x64xf32, #tpu.memory_space<hbm>>
        %dma_start3A_288 = arith.constant 0 : i32
        %dma_start3A_289 = tpu.memref_slice %arg2[%multiple_of3A, %dma_start3A_288] : memref<1000000x64xf32, #tpu.memory_space<hbm>> -> memref<1000x64xf32, #tpu.memory_space<hbm>>
        tpu.enqueue_dma source(%dma_start3A_289 : memref<1000x64xf32, #tpu.memory_space<hbm>>) target(%arg6 : memref<1000x64xf32, #tpu.memory_space<vmem>>) target_semaphore(%run_scoped3A : memref<!tpu.dma_semaphore, #tpu.memory_space<semaphore_mem>>)
        %dma_wait3A = arith.constant 0 : i32
        %dma_wait3A_290 = tpu.memref_slice %arg2[%multiple_of3A, %dma_wait3A] : memref<1000000x64xf32, #tpu.memory_space<hbm>> -> memref<1000x64xf32, #tpu.memory_space<hbm>>
        %dma_wait3A_291 = arith.constant 0 : i32
        %dma_wait3A_292 = tpu.memref_slice %arg2[%multiple_of3A, %dma_wait3A_291] : memref<1000000x64xf32, #tpu.memory_space<hbm>> -> memref<1000x64xf32, #tpu.memory_space<hbm>>
        tpu.wait_dma2 semaphore(%run_scoped3A : memref<!tpu.dma_semaphore, #tpu.memory_space<semaphore_mem>>) src(%dma_wait3A_292 : memref<1000x64xf32, #tpu.memory_space<hbm>>) dst(%arg6 : memref<1000x64xf32, #tpu.memory_space<vmem>>)
        tpu.yield
      }) : () -> ()
      %mul3A_284 = arith.constant 1000 : i32
      %mul3A_285 = arith.muli %add3A_188, %mul3A_284 : i32
      %multiple_of3A_286 = tpu.assume_multiple %mul3A_285, 8 : i32
      "tpu.region"() ({
        %run_scoped3A = tpu.sem_alloc : memref<!tpu.dma_semaphore, #tpu.memory_space<semaphore_mem>>
        %dma_start3A = arith.constant 0 : i32
        %dma_start3A_287 = tpu.memref_slice %arg5[%multiple_of3A_286, %dma_start3A] : memref<1000000x64xf32, #tpu.memory_space<hbm>> -> memref<1000x64xf32, #tpu.memory_space<hbm>>
        %dma_start3A_288 = arith.constant 0 : i32
        %dma_start3A_289 = tpu.memref_slice %arg5[%multiple_of3A_286, %dma_start3A_288] : memref<1000000x64xf32, #tpu.memory_space<hbm>> -> memref<1000x64xf32, #tpu.memory_space<hbm>>
        tpu.enqueue_dma source(%arg6 : memref<1000x64xf32, #tpu.memory_space<vmem>>) target(%dma_start3A_289 : memref<1000x64xf32, #tpu.memory_space<hbm>>) target_semaphore(%run_scoped3A : memref<!tpu.dma_semaphore, #tpu.memory_space<semaphore_mem>>)
        %dma_wait3A = arith.constant 0 : i32
        %dma_wait3A_290 = tpu.memref_slice %arg5[%multiple_of3A_286, %dma_wait3A] : memref<1000000x64xf32, #tpu.memory_space<hbm>> -> memref<1000x64xf32, #tpu.memory_space<hbm>>
        %dma_wait3A_291 = arith.constant 0 : i32
        %dma_wait3A_292 = tpu.memref_slice %arg5[%multiple_of3A_286, %dma_wait3A_291] : memref<1000000x64xf32, #tpu.memory_space<hbm>> -> memref<1000x64xf32, #tpu.memory_space<hbm>>
        tpu.wait_dma2 semaphore(%run_scoped3A : memref<!tpu.dma_semaphore, #tpu.memory_space<semaphore_mem>>) src(%arg6 : memref<1000x64xf32, #tpu.memory_space<vmem>>) dst(%dma_wait3A_292 : memref<1000x64xf32, #tpu.memory_space<hbm>>)
        tpu.yield
      }) : () -> ()
    } else {
    }
    %add3A_194 = arith.constant 896 : i32
    %add3A_195 = arith.addi %add3A, %add3A_194 : i32
    %lt3A_196 = arith.constant 1000 : i32
    %lt3A_197 = arith.cmpi slt, %add3A_195, %lt3A_196 : i32
    %convert_element_type3A_198 = arith.extui %lt3A_197 : i1 to i32
    %cond3A_199 = arith.constant 0 : i32
    %cond3A_200 = arith.cmpi ne, %convert_element_type3A_198, %cond3A_199 : i32
    scf.if %cond3A_200 {
      %mul3A_282 = arith.constant 1000 : i32
      %mul3A_283 = arith.muli %add3A_195, %mul3A_282 : i32
      %multiple_of3A = tpu.assume_multiple %mul3A_283, 8 : i32
      "tpu.region"() ({
        %run_scoped3A = tpu.sem_alloc : memref<!tpu.dma_semaphore, #tpu.memory_space<semaphore_mem>>
        %dma_start3A = arith.constant 0 : i32
        %dma_start3A_287 = tpu.memref_slice %arg2[%multiple_of3A, %dma_start3A] : memref<1000000x64xf32, #tpu.memory_space<hbm>> -> memref<1000x64xf32, #tpu.memory_space<hbm>>
        %dma_start3A_288 = arith.constant 0 : i32
        %dma_start3A_289 = tpu.memref_slice %arg2[%multiple_of3A, %dma_start3A_288] : memref<1000000x64xf32, #tpu.memory_space<hbm>> -> memref<1000x64xf32, #tpu.memory_space<hbm>>
        tpu.enqueue_dma source(%dma_start3A_289 : memref<1000x64xf32, #tpu.memory_space<hbm>>) target(%arg6 : memref<1000x64xf32, #tpu.memory_space<vmem>>) target_semaphore(%run_scoped3A : memref<!tpu.dma_semaphore, #tpu.memory_space<semaphore_mem>>)
        %dma_wait3A = arith.constant 0 : i32
        %dma_wait3A_290 = tpu.memref_slice %arg2[%multiple_of3A, %dma_wait3A] : memref<1000000x64xf32, #tpu.memory_space<hbm>> -> memref<1000x64xf32, #tpu.memory_space<hbm>>
        %dma_wait3A_291 = arith.constant 0 : i32
        %dma_wait3A_292 = tpu.memref_slice %arg2[%multiple_of3A, %dma_wait3A_291] : memref<1000000x64xf32, #tpu.memory_space<hbm>> -> memref<1000x64xf32, #tpu.memory_space<hbm>>
        tpu.wait_dma2 semaphore(%run_scoped3A : memref<!tpu.dma_semaphore, #tpu.memory_space<semaphore_mem>>) src(%dma_wait3A_292 : memref<1000x64xf32, #tpu.memory_space<hbm>>) dst(%arg6 : memref<1000x64xf32, #tpu.memory_space<vmem>>)
        tpu.yield
      }) : () -> ()
      %mul3A_284 = arith.constant 1000 : i32
      %mul3A_285 = arith.muli %add3A_195, %mul3A_284 : i32
      %multiple_of3A_286 = tpu.assume_multiple %mul3A_285, 8 : i32
      "tpu.region"() ({
        %run_scoped3A = tpu.sem_alloc : memref<!tpu.dma_semaphore, #tpu.memory_space<semaphore_mem>>
        %dma_start3A = arith.constant 0 : i32
        %dma_start3A_287 = tpu.memref_slice %arg5[%multiple_of3A_286, %dma_start3A] : memref<1000000x64xf32, #tpu.memory_space<hbm>> -> memref<1000x64xf32, #tpu.memory_space<hbm>>
        %dma_start3A_288 = arith.constant 0 : i32
        %dma_start3A_289 = tpu.memref_slice %arg5[%multiple_of3A_286, %dma_start3A_288] : memref<1000000x64xf32, #tpu.memory_space<hbm>> -> memref<1000x64xf32, #tpu.memory_space<hbm>>
        tpu.enqueue_dma source(%arg6 : memref<1000x64xf32, #tpu.memory_space<vmem>>) target(%dma_start3A_289 : memref<1000x64xf32, #tpu.memory_space<hbm>>) target_semaphore(%run_scoped3A : memref<!tpu.dma_semaphore, #tpu.memory_space<semaphore_mem>>)
        %dma_wait3A = arith.constant 0 : i32
        %dma_wait3A_290 = tpu.memref_slice %arg5[%multiple_of3A_286, %dma_wait3A] : memref<1000000x64xf32, #tpu.memory_space<hbm>> -> memref<1000x64xf32, #tpu.memory_space<hbm>>
        %dma_wait3A_291 = arith.constant 0 : i32
        %dma_wait3A_292 = tpu.memref_slice %arg5[%multiple_of3A_286, %dma_wait3A_291] : memref<1000000x64xf32, #tpu.memory_space<hbm>> -> memref<1000x64xf32, #tpu.memory_space<hbm>>
        tpu.wait_dma2 semaphore(%run_scoped3A : memref<!tpu.dma_semaphore, #tpu.memory_space<semaphore_mem>>) src(%arg6 : memref<1000x64xf32, #tpu.memory_space<vmem>>) dst(%dma_wait3A_292 : memref<1000x64xf32, #tpu.memory_space<hbm>>)
        tpu.yield
      }) : () -> ()
    } else {
    }
    %add3A_201 = arith.constant 928 : i32
    %add3A_202 = arith.addi %add3A, %add3A_201 : i32
    %lt3A_203 = arith.constant 1000 : i32
    %lt3A_204 = arith.cmpi slt, %add3A_202, %lt3A_203 : i32
    %convert_element_type3A_205 = arith.extui %lt3A_204 : i1 to i32
    %cond3A_206 = arith.constant 0 : i32
    %cond3A_207 = arith.cmpi ne, %convert_element_type3A_205, %cond3A_206 : i32
    scf.if %cond3A_207 {
      %mul3A_282 = arith.constant 1000 : i32
      %mul3A_283 = arith.muli %add3A_202, %mul3A_282 : i32
      %multiple_of3A = tpu.assume_multiple %mul3A_283, 8 : i32
      "tpu.region"() ({
        %run_scoped3A = tpu.sem_alloc : memref<!tpu.dma_semaphore, #tpu.memory_space<semaphore_mem>>
        %dma_start3A = arith.constant 0 : i32
        %dma_start3A_287 = tpu.memref_slice %arg2[%multiple_of3A, %dma_start3A] : memref<1000000x64xf32, #tpu.memory_space<hbm>> -> memref<1000x64xf32, #tpu.memory_space<hbm>>
        %dma_start3A_288 = arith.constant 0 : i32
        %dma_start3A_289 = tpu.memref_slice %arg2[%multiple_of3A, %dma_start3A_288] : memref<1000000x64xf32, #tpu.memory_space<hbm>> -> memref<1000x64xf32, #tpu.memory_space<hbm>>
        tpu.enqueue_dma source(%dma_start3A_289 : memref<1000x64xf32, #tpu.memory_space<hbm>>) target(%arg6 : memref<1000x64xf32, #tpu.memory_space<vmem>>) target_semaphore(%run_scoped3A : memref<!tpu.dma_semaphore, #tpu.memory_space<semaphore_mem>>)
        %dma_wait3A = arith.constant 0 : i32
        %dma_wait3A_290 = tpu.memref_slice %arg2[%multiple_of3A, %dma_wait3A] : memref<1000000x64xf32, #tpu.memory_space<hbm>> -> memref<1000x64xf32, #tpu.memory_space<hbm>>
        %dma_wait3A_291 = arith.constant 0 : i32
        %dma_wait3A_292 = tpu.memref_slice %arg2[%multiple_of3A, %dma_wait3A_291] : memref<1000000x64xf32, #tpu.memory_space<hbm>> -> memref<1000x64xf32, #tpu.memory_space<hbm>>
        tpu.wait_dma2 semaphore(%run_scoped3A : memref<!tpu.dma_semaphore, #tpu.memory_space<semaphore_mem>>) src(%dma_wait3A_292 : memref<1000x64xf32, #tpu.memory_space<hbm>>) dst(%arg6 : memref<1000x64xf32, #tpu.memory_space<vmem>>)
        tpu.yield
      }) : () -> ()
      %mul3A_284 = arith.constant 1000 : i32
      %mul3A_285 = arith.muli %add3A_202, %mul3A_284 : i32
      %multiple_of3A_286 = tpu.assume_multiple %mul3A_285, 8 : i32
      "tpu.region"() ({
        %run_scoped3A = tpu.sem_alloc : memref<!tpu.dma_semaphore, #tpu.memory_space<semaphore_mem>>
        %dma_start3A = arith.constant 0 : i32
        %dma_start3A_287 = tpu.memref_slice %arg5[%multiple_of3A_286, %dma_start3A] : memref<1000000x64xf32, #tpu.memory_space<hbm>> -> memref<1000x64xf32, #tpu.memory_space<hbm>>
        %dma_start3A_288 = arith.constant 0 : i32
        %dma_start3A_289 = tpu.memref_slice %arg5[%multiple_of3A_286, %dma_start3A_288] : memref<1000000x64xf32, #tpu.memory_space<hbm>> -> memref<1000x64xf32, #tpu.memory_space<hbm>>
        tpu.enqueue_dma source(%arg6 : memref<1000x64xf32, #tpu.memory_space<vmem>>) target(%dma_start3A_289 : memref<1000x64xf32, #tpu.memory_space<hbm>>) target_semaphore(%run_scoped3A : memref<!tpu.dma_semaphore, #tpu.memory_space<semaphore_mem>>)
        %dma_wait3A = arith.constant 0 : i32
        %dma_wait3A_290 = tpu.memref_slice %arg5[%multiple_of3A_286, %dma_wait3A] : memref<1000000x64xf32, #tpu.memory_space<hbm>> -> memref<1000x64xf32, #tpu.memory_space<hbm>>
        %dma_wait3A_291 = arith.constant 0 : i32
        %dma_wait3A_292 = tpu.memref_slice %arg5[%multiple_of3A_286, %dma_wait3A_291] : memref<1000000x64xf32, #tpu.memory_space<hbm>> -> memref<1000x64xf32, #tpu.memory_space<hbm>>
        tpu.wait_dma2 semaphore(%run_scoped3A : memref<!tpu.dma_semaphore, #tpu.memory_space<semaphore_mem>>) src(%arg6 : memref<1000x64xf32, #tpu.memory_space<vmem>>) dst(%dma_wait3A_292 : memref<1000x64xf32, #tpu.memory_space<hbm>>)
        tpu.yield
      }) : () -> ()
    } else {
    }
    %add3A_208 = arith.constant 960 : i32
    %add3A_209 = arith.addi %add3A, %add3A_208 : i32
    %lt3A_210 = arith.constant 1000 : i32
    %lt3A_211 = arith.cmpi slt, %add3A_209, %lt3A_210 : i32
    %convert_element_type3A_212 = arith.extui %lt3A_211 : i1 to i32
    %cond3A_213 = arith.constant 0 : i32
    %cond3A_214 = arith.cmpi ne, %convert_element_type3A_212, %cond3A_213 : i32
    scf.if %cond3A_214 {
      %mul3A_282 = arith.constant 1000 : i32
      %mul3A_283 = arith.muli %add3A_209, %mul3A_282 : i32
      %multiple_of3A = tpu.assume_multiple %mul3A_283, 8 : i32
      "tpu.region"() ({
        %run_scoped3A = tpu.sem_alloc : memref<!tpu.dma_semaphore, #tpu.memory_space<semaphore_mem>>
        %dma_start3A = arith.constant 0 : i32
        %dma_start3A_287 = tpu.memref_slice %arg2[%multiple_of3A, %dma_start3A] : memref<1000000x64xf32, #tpu.memory_space<hbm>> -> memref<1000x64xf32, #tpu.memory_space<hbm>>
        %dma_start3A_288 = arith.constant 0 : i32
        %dma_start3A_289 = tpu.memref_slice %arg2[%multiple_of3A, %dma_start3A_288] : memref<1000000x64xf32, #tpu.memory_space<hbm>> -> memref<1000x64xf32, #tpu.memory_space<hbm>>
        tpu.enqueue_dma source(%dma_start3A_289 : memref<1000x64xf32, #tpu.memory_space<hbm>>) target(%arg6 : memref<1000x64xf32, #tpu.memory_space<vmem>>) target_semaphore(%run_scoped3A : memref<!tpu.dma_semaphore, #tpu.memory_space<semaphore_mem>>)
        %dma_wait3A = arith.constant 0 : i32
        %dma_wait3A_290 = tpu.memref_slice %arg2[%multiple_of3A, %dma_wait3A] : memref<1000000x64xf32, #tpu.memory_space<hbm>> -> memref<1000x64xf32, #tpu.memory_space<hbm>>
        %dma_wait3A_291 = arith.constant 0 : i32
        %dma_wait3A_292 = tpu.memref_slice %arg2[%multiple_of3A, %dma_wait3A_291] : memref<1000000x64xf32, #tpu.memory_space<hbm>> -> memref<1000x64xf32, #tpu.memory_space<hbm>>
        tpu.wait_dma2 semaphore(%run_scoped3A : memref<!tpu.dma_semaphore, #tpu.memory_space<semaphore_mem>>) src(%dma_wait3A_292 : memref<1000x64xf32, #tpu.memory_space<hbm>>) dst(%arg6 : memref<1000x64xf32, #tpu.memory_space<vmem>>)
        tpu.yield
      }) : () -> ()
      %mul3A_284 = arith.constant 1000 : i32
      %mul3A_285 = arith.muli %add3A_209, %mul3A_284 : i32
      %multiple_of3A_286 = tpu.assume_multiple %mul3A_285, 8 : i32
      "tpu.region"() ({
        %run_scoped3A = tpu.sem_alloc : memref<!tpu.dma_semaphore, #tpu.memory_space<semaphore_mem>>
        %dma_start3A = arith.constant 0 : i32
        %dma_start3A_287 = tpu.memref_slice %arg5[%multiple_of3A_286, %dma_start3A] : memref<1000000x64xf32, #tpu.memory_space<hbm>> -> memref<1000x64xf32, #tpu.memory_space<hbm>>
        %dma_start3A_288 = arith.constant 0 : i32
        %dma_start3A_289 = tpu.memref_slice %arg5[%multiple_of3A_286, %dma_start3A_288] : memref<1000000x64xf32, #tpu.memory_space<hbm>> -> memref<1000x64xf32, #tpu.memory_space<hbm>>
        tpu.enqueue_dma source(%arg6 : memref<1000x64xf32, #tpu.memory_space<vmem>>) target(%dma_start3A_289 : memref<1000x64xf32, #tpu.memory_space<hbm>>) target_semaphore(%run_scoped3A : memref<!tpu.dma_semaphore, #tpu.memory_space<semaphore_mem>>)
        %dma_wait3A = arith.constant 0 : i32
        %dma_wait3A_290 = tpu.memref_slice %arg5[%multiple_of3A_286, %dma_wait3A] : memref<1000000x64xf32, #tpu.memory_space<hbm>> -> memref<1000x64xf32, #tpu.memory_space<hbm>>
        %dma_wait3A_291 = arith.constant 0 : i32
        %dma_wait3A_292 = tpu.memref_slice %arg5[%multiple_of3A_286, %dma_wait3A_291] : memref<1000000x64xf32, #tpu.memory_space<hbm>> -> memref<1000x64xf32, #tpu.memory_space<hbm>>
        tpu.wait_dma2 semaphore(%run_scoped3A : memref<!tpu.dma_semaphore, #tpu.memory_space<semaphore_mem>>) src(%arg6 : memref<1000x64xf32, #tpu.memory_space<vmem>>) dst(%dma_wait3A_292 : memref<1000x64xf32, #tpu.memory_space<hbm>>)
        tpu.yield
      }) : () -> ()
    } else {
    }
    %add3A_215 = arith.constant 992 : i32
    %add3A_216 = arith.addi %add3A, %add3A_215 : i32
    %lt3A_217 = arith.constant 1000 : i32
    %lt3A_218 = arith.cmpi slt, %add3A_216, %lt3A_217 : i32
    %convert_element_type3A_219 = arith.extui %lt3A_218 : i1 to i32
    %cond3A_220 = arith.constant 0 : i32
    %cond3A_221 = arith.cmpi ne, %convert_element_type3A_219, %cond3A_220 : i32
    scf.if %cond3A_221 {
      %mul3A_282 = arith.constant 1000 : i32
      %mul3A_283 = arith.muli %add3A_216, %mul3A_282 : i32
      %multiple_of3A = tpu.assume_multiple %mul3A_283, 8 : i32
      "tpu.region"() ({
        %run_scoped3A = tpu.sem_alloc : memref<!tpu.dma_semaphore, #tpu.memory_space<semaphore_mem>>
        %dma_start3A = arith.constant 0 : i32
        %dma_start3A_287 = tpu.memref_slice %arg2[%multiple_of3A, %dma_start3A] : memref<1000000x64xf32, #tpu.memory_space<hbm>> -> memref<1000x64xf32, #tpu.memory_space<hbm>>
        %dma_start3A_288 = arith.constant 0 : i32
        %dma_start3A_289 = tpu.memref_slice %arg2[%multiple_of3A, %dma_start3A_288] : memref<1000000x64xf32, #tpu.memory_space<hbm>> -> memref<1000x64xf32, #tpu.memory_space<hbm>>
        tpu.enqueue_dma source(%dma_start3A_289 : memref<1000x64xf32, #tpu.memory_space<hbm>>) target(%arg6 : memref<1000x64xf32, #tpu.memory_space<vmem>>) target_semaphore(%run_scoped3A : memref<!tpu.dma_semaphore, #tpu.memory_space<semaphore_mem>>)
        %dma_wait3A = arith.constant 0 : i32
        %dma_wait3A_290 = tpu.memref_slice %arg2[%multiple_of3A, %dma_wait3A] : memref<1000000x64xf32, #tpu.memory_space<hbm>> -> memref<1000x64xf32, #tpu.memory_space<hbm>>
        %dma_wait3A_291 = arith.constant 0 : i32
        %dma_wait3A_292 = tpu.memref_slice %arg2[%multiple_of3A, %dma_wait3A_291] : memref<1000000x64xf32, #tpu.memory_space<hbm>> -> memref<1000x64xf32, #tpu.memory_space<hbm>>
        tpu.wait_dma2 semaphore(%run_scoped3A : memref<!tpu.dma_semaphore, #tpu.memory_space<semaphore_mem>>) src(%dma_wait3A_292 : memref<1000x64xf32, #tpu.memory_space<hbm>>) dst(%arg6 : memref<1000x64xf32, #tpu.memory_space<vmem>>)
        tpu.yield
      }) : () -> ()
      %mul3A_284 = arith.constant 1000 : i32
      %mul3A_285 = arith.muli %add3A_216, %mul3A_284 : i32
      %multiple_of3A_286 = tpu.assume_multiple %mul3A_285, 8 : i32
      "tpu.region"() ({
        %run_scoped3A = tpu.sem_alloc : memref<!tpu.dma_semaphore, #tpu.memory_space<semaphore_mem>>
        %dma_start3A = arith.constant 0 : i32
        %dma_start3A_287 = tpu.memref_slice %arg5[%multiple_of3A_286, %dma_start3A] : memref<1000000x64xf32, #tpu.memory_space<hbm>> -> memref<1000x64xf32, #tpu.memory_space<hbm>>
        %dma_start3A_288 = arith.constant 0 : i32
        %dma_start3A_289 = tpu.memref_slice %arg5[%multiple_of3A_286, %dma_start3A_288] : memref<1000000x64xf32, #tpu.memory_space<hbm>> -> memref<1000x64xf32, #tpu.memory_space<hbm>>
        tpu.enqueue_dma source(%arg6 : memref<1000x64xf32, #tpu.memory_space<vmem>>) target(%dma_start3A_289 : memref<1000x64xf32, #tpu.memory_space<hbm>>) target_semaphore(%run_scoped3A : memref<!tpu.dma_semaphore, #tpu.memory_space<semaphore_mem>>)
        %dma_wait3A = arith.constant 0 : i32
        %dma_wait3A_290 = tpu.memref_slice %arg5[%multiple_of3A_286, %dma_wait3A] : memref<1000000x64xf32, #tpu.memory_space<hbm>> -> memref<1000x64xf32, #tpu.memory_space<hbm>>
        %dma_wait3A_291 = arith.constant 0 : i32
        %dma_wait3A_292 = tpu.memref_slice %arg5[%multiple_of3A_286, %dma_wait3A_291] : memref<1000000x64xf32, #tpu.memory_space<hbm>> -> memref<1000x64xf32, #tpu.memory_space<hbm>>
        tpu.wait_dma2 semaphore(%run_scoped3A : memref<!tpu.dma_semaphore, #tpu.memory_space<semaphore_mem>>) src(%arg6 : memref<1000x64xf32, #tpu.memory_space<vmem>>) dst(%dma_wait3A_292 : memref<1000x64xf32, #tpu.memory_space<hbm>>)
        tpu.yield
      }) : () -> ()
    } else {
    }
    "tpu.region"() ({
      %run_scoped3A = tpu.sem_alloc : memref<!tpu.dma_semaphore, #tpu.memory_space<semaphore_mem>>
      tpu.enqueue_dma source(%arg4 : memref<16xi32, #tpu.memory_space<hbm>>) target(%arg8 : memref<16xi32, #tpu.memory_space<vmem>>) target_semaphore(%run_scoped3A : memref<!tpu.dma_semaphore, #tpu.memory_space<semaphore_mem>>)
      tpu.wait_dma2 semaphore(%run_scoped3A : memref<!tpu.dma_semaphore, #tpu.memory_space<semaphore_mem>>) src(%arg4 : memref<16xi32, #tpu.memory_space<hbm>>) dst(%arg8 : memref<16xi32, #tpu.memory_space<vmem>>)
      tpu.yield
    }) : () -> ()
    %get3A = arith.constant 0 : index
    %get3A_222 = tpu.vector_load %arg8[%get3A] {strides = array<i32>} : memref<16xi32, #tpu.memory_space<vmem>>, vector<16xi32>,
    %reduce_max3A = arith.constant true
    %reduce_max3A_223 = vector.broadcast %reduce_max3A : i1 to vector<16xi1>
    %reduce_max3A_224 = arith.constant -2147483648 : i32
    %reduce_max3A_225 = vector.broadcast %reduce_max3A_224 : i32 to vector<16xi32>
    %reduce_max3A_226 = arith.xori %get3A_222, %reduce_max3A_225 : vector<16xi32>
    %reduce_max3A_227 = tpu.scan <max>, %reduce_max3A_226 masked %reduce_max3A_223 : vector<16xi32>, vector<16xi1> -> vector<16xi32>
    %reduce_max3A_228 = arith.xori %reduce_max3A_227, %reduce_max3A_225 : vector<16xi32>
    %reduce_max3A_229 = vector.extract %reduce_max3A_228[15] : i32 from vector<16xi32>
    %rem3A = arith.constant 8 : i32
    %rem3A_230 = arith.remsi %reduce_max3A_229, %rem3A : i32
    %sub3A = arith.constant 1000000 : i32
    %sub3A_231 = arith.subi %sub3A, %reduce_max3A_229 : i32
    %min3A = arith.constant 16384 : i32
    %min3A_232 = arith.minsi %min3A, %sub3A_231 : i32
    %div3A = arith.constant 1000 : i32
    %div3A_233 = arith.divsi %reduce_max3A_229, %div3A : i32
    %max3A = arith.constant 1 : i32
    %max3A_234 = arith.maxsi %min3A_232, %max3A : i32
    %add3A_235 = arith.addi %reduce_max3A_229, %max3A_234 : i32
    %sub3A_236 = arith.constant 1 : i32
    %sub3A_237 = arith.subi %add3A_235, %sub3A_236 : i32
    %div3A_238 = arith.constant 1000 : i32
    %div3A_239 = arith.divsi %sub3A_237, %div3A_238 : i32
    %sub3A_240 = arith.subi %add3A, %div3A_233 : i32
    %rem3A_241 = arith.constant 32 : i32
    %rem3A_242 = arith.remsi %sub3A_240, %rem3A_241 : i32
    %add3A_243 = arith.constant 32 : i32
    %add3A_244 = arith.addi %rem3A_242, %add3A_243 : i32
    %rem3A_245 = arith.constant 32 : i32
    %rem3A_246 = arith.remsi %add3A_244, %rem3A_245 : i32
    %add3A_247 = arith.addi %div3A_233, %rem3A_246 : i32
    %gt3A = arith.constant 0 : i32
    %gt3A_248 = arith.cmpi sgt, %min3A_232, %gt3A : i32
    %le3A = arith.cmpi sle, %add3A_247, %div3A_239 : i32
    %and3A = arith.andi %gt3A_248, %le3A : i1
    %convert_element_type3A_249 = arith.extui %and3A : i1 to i32
    %cond3A_250 = arith.constant 0 : i32
    %cond3A_251 = arith.constant 0 : i32
    %cond3A_252 = arith.cmpi ne, %convert_element_type3A_249, %cond3A_251 : i32
    scf.if %cond3A_252 {
      %mul3A_282 = arith.constant 1000 : i32
      %mul3A_283 = arith.muli %add3A_247, %mul3A_282 : i32
      %multiple_of3A = tpu.assume_multiple %mul3A_283, 8 : i32
      "tpu.region"() ({
        %run_scoped3A = tpu.sem_alloc : memref<!tpu.dma_semaphore, #tpu.memory_space<semaphore_mem>>
        %dma_start3A = arith.constant 0 : i32
        %dma_start3A_407 = tpu.memref_slice %arg5[%multiple_of3A, %dma_start3A] : memref<1000000x64xf32, #tpu.memory_space<hbm>> -> memref<1000x64xf32, #tpu.memory_space<hbm>>
        %dma_start3A_408 = arith.constant 0 : i32
        %dma_start3A_409 = tpu.memref_slice %arg5[%multiple_of3A, %dma_start3A_408] : memref<1000000x64xf32, #tpu.memory_space<hbm>> -> memref<1000x64xf32, #tpu.memory_space<hbm>>
        tpu.enqueue_dma source(%dma_start3A_409 : memref<1000x64xf32, #tpu.memory_space<hbm>>) target(%arg6 : memref<1000x64xf32, #tpu.memory_space<vmem>>) target_semaphore(%run_scoped3A : memref<!tpu.dma_semaphore, #tpu.memory_space<semaphore_mem>>)
        %dma_wait3A = arith.constant 0 : i32
        %dma_wait3A_410 = tpu.memref_slice %arg5[%multiple_of3A, %dma_wait3A] : memref<1000000x64xf32, #tpu.memory_space<hbm>> -> memref<1000x64xf32, #tpu.memory_space<hbm>>
        %dma_wait3A_411 = arith.constant 0 : i32
        %dma_wait3A_412 = tpu.memref_slice %arg5[%multiple_of3A, %dma_wait3A_411] : memref<1000000x64xf32, #tpu.memory_space<hbm>> -> memref<1000x64xf32, #tpu.memory_space<hbm>>
        tpu.wait_dma2 semaphore(%run_scoped3A : memref<!tpu.dma_semaphore, #tpu.memory_space<semaphore_mem>>) src(%dma_wait3A_412 : memref<1000x64xf32, #tpu.memory_space<hbm>>) dst(%arg6 : memref<1000x64xf32, #tpu.memory_space<vmem>>)
        tpu.yield
      }) : () -> ()
      %max3A_284 = arith.maxsi %reduce_max3A_229, %mul3A_283 : i32
      %add3A_285 = arith.addi %reduce_max3A_229, %min3A_232 : i32
      %add3A_286 = arith.constant 1000 : i32
      %add3A_287 = arith.addi %mul3A_283, %add3A_286 : i32
      %min3A_288 = arith.minsi %add3A_285, %add3A_287 : i32
      %add3A_289 = arith.addi %cond3A_250, %rem3A_230 : i32
      %sub3A_290 = arith.subi %add3A_289, %reduce_max3A_229 : i32
      %add3A_291 = arith.constant 7 : i32
      %add3A_292 = arith.addi %max3A_284, %add3A_291 : i32
      %div3A_293 = arith.constant 8 : i32
      %div3A_294 = arith.divsi %add3A_292, %div3A_293 : i32
      %mul3A_295 = arith.constant 8 : i32
      %mul3A_296 = arith.muli %div3A_294, %mul3A_295 : i32
      %div3A_297 = arith.constant 8 : i32
      %div3A_298 = arith.divsi %min3A_288, %div3A_297 : i32
      %mul3A_299 = arith.constant 8 : i32
      %mul3A_300 = arith.muli %div3A_298, %mul3A_299 : i32
      %sub3A_301 = arith.subi %mul3A_300, %mul3A_296 : i32
      %max3A_302 = arith.constant 0 : i32
      %max3A_303 = arith.maxsi %sub3A_301, %max3A_302 : i32
      %div3A_304 = arith.constant 8 : i32
      %div3A_305 = arith.divsi %max3A_303, %div3A_304 : i32
      %div3A_306 = arith.constant 64 : i32
      %div3A_307 = arith.divsi %div3A_305, %div3A_306 : i32
      %rem3A_308 = arith.constant 2 : i32
      %rem3A_309 = arith.remsi %div3A_307, %rem3A_308 : i32
      %eq3A = arith.constant 1 : i32
      %eq3A_310 = arith.cmpi eq, %rem3A_309, %eq3A : i32
      %convert_element_type3A_311 = arith.extui %eq3A_310 : i1 to i32
      %cond3A_312 = arith.constant 0 : i32
      %cond3A_313 = arith.constant 0 : i32
      %cond3A_314 = arith.cmpi ne, %convert_element_type3A_311, %cond3A_313 : i32
      scf.if %cond3A_314 {
        %add3A_407 = arith.addi %sub3A_290, %mul3A_296 : i32
        %add3A_408 = arith.addi %add3A_407, %cond3A_312 : i32
        %multiple_of3A_409 = tpu.assume_multiple %add3A_408, 8 : i32
        %sub3A_410 = arith.subi %mul3A_296, %mul3A_283 : i32
        %add3A_411 = arith.addi %sub3A_410, %cond3A_312 : i32
        %multiple_of3A_412 = tpu.assume_multiple %add3A_411, 8 : i32
        "tpu.region"() ({
          %run_scoped3A = tpu.sem_alloc : memref<!tpu.dma_semaphore, #tpu.memory_space<semaphore_mem>>
          %dma_start3A = arith.constant 0 : i32
          %dma_start3A_413 = tpu.memref_slice %arg6[%multiple_of3A_412, %dma_start3A] : memref<1000x64xf32, #tpu.memory_space<vmem>> -> memref<512x64xf32, #tpu.memory_space<vmem>>
          %dma_start3A_414 = arith.constant 0 : i32
          %dma_start3A_415 = tpu.memref_slice %arg3[%multiple_of3A_409, %dma_start3A_414] : memref<16392x64xf32, #tpu.memory_space<hbm>> -> memref<512x64xf32, #tpu.memory_space<hbm>>
          %dma_start3A_416 = arith.constant 0 : i32
          %dma_start3A_417 = tpu.memref_slice %arg6[%multiple_of3A_412, %dma_start3A_416] : memref<1000x64xf32, #tpu.memory_space<vmem>> -> memref<512x64xf32, #tpu.memory_space<vmem>>
          %dma_start3A_418 = arith.constant 0 : i32
          %dma_start3A_419 = tpu.memref_slice %arg3[%multiple_of3A_409, %dma_start3A_418] : memref<16392x64xf32, #tpu.memory_space<hbm>> -> memref<512x64xf32, #tpu.memory_space<hbm>>
          tpu.enqueue_dma source(%dma_start3A_419 : memref<512x64xf32, #tpu.memory_space<hbm>>) target(%dma_start3A_417 : memref<512x64xf32, #tpu.memory_space<vmem>>) target_semaphore(%run_scoped3A : memref<!tpu.dma_semaphore, #tpu.memory_space<semaphore_mem>>)
          %dma_wait3A = arith.constant 0 : i32
          %dma_wait3A_420 = tpu.memref_slice %arg6[%multiple_of3A_412, %dma_wait3A] : memref<1000x64xf32, #tpu.memory_space<vmem>> -> memref<512x64xf32, #tpu.memory_space<vmem>>
          %dma_wait3A_421 = arith.constant 0 : i32
          %dma_wait3A_422 = tpu.memref_slice %arg3[%multiple_of3A_409, %dma_wait3A_421] : memref<16392x64xf32, #tpu.memory_space<hbm>> -> memref<512x64xf32, #tpu.memory_space<hbm>>
          %dma_wait3A_423 = arith.constant 0 : i32
          %dma_wait3A_424 = tpu.memref_slice %arg6[%multiple_of3A_412, %dma_wait3A_423] : memref<1000x64xf32, #tpu.memory_space<vmem>> -> memref<512x64xf32, #tpu.memory_space<vmem>>
          %dma_wait3A_425 = arith.constant 0 : i32
          %dma_wait3A_426 = tpu.memref_slice %arg3[%multiple_of3A_409, %dma_wait3A_425] : memref<16392x64xf32, #tpu.memory_space<hbm>> -> memref<512x64xf32, #tpu.memory_space<hbm>>
          tpu.wait_dma2 semaphore(%run_scoped3A : memref<!tpu.dma_semaphore, #tpu.memory_space<semaphore_mem>>) src(%dma_wait3A_426 : memref<512x64xf32, #tpu.memory_space<hbm>>) dst(%dma_wait3A_424 : memref<512x64xf32, #tpu.memory_space<vmem>>)
          tpu.yield
        }) : () -> ()
      } else {
      }
      %jit3A = arith.constant 512 : i32
      %jit3A_315 = arith.constant 0 : i32
      %select_n3A = arith.select %eq3A_310, %jit3A, %jit3A_315 : i32
      %add3A_316 = arith.constant 0 : i32
      %add3A_317 = arith.addi %add3A_316, %select_n3A : i32
      %div3A_318 = arith.constant 32 : i32
      %div3A_319 = arith.divsi %div3A_305, %div3A_318 : i32
      %rem3A_320 = arith.constant 2 : i32
      %rem3A_321 = arith.remsi %div3A_319, %rem3A_320 : i32
      %eq3A_322 = arith.constant 1 : i32
      %eq3A_323 = arith.cmpi eq, %rem3A_321, %eq3A_322 : i32
      %convert_element_type3A_324 = arith.extui %eq3A_323 : i1 to i32
      %cond3A_325 = arith.constant 0 : i32
      %cond3A_326 = arith.cmpi ne, %convert_element_type3A_324, %cond3A_325 : i32
      scf.if %cond3A_326 {
        %add3A_407 = arith.addi %sub3A_290, %mul3A_296 : i32
        %add3A_408 = arith.addi %add3A_407, %add3A_317 : i32
        %multiple_of3A_409 = tpu.assume_multiple %add3A_408, 8 : i32
        %sub3A_410 = arith.subi %mul3A_296, %mul3A_283 : i32
        %add3A_411 = arith.addi %sub3A_410, %add3A_317 : i32
        %multiple_of3A_412 = tpu.assume_multiple %add3A_411, 8 : i32
        "tpu.region"() ({
          %run_scoped3A = tpu.sem_alloc : memref<!tpu.dma_semaphore, #tpu.memory_space<semaphore_mem>>
          %dma_start3A = arith.constant 0 : i32
          %dma_start3A_413 = tpu.memref_slice %arg6[%multiple_of3A_412, %dma_start3A] : memref<1000x64xf32, #tpu.memory_space<vmem>> -> memref<256x64xf32, #tpu.memory_space<vmem>>
          %dma_start3A_414 = arith.constant 0 : i32
          %dma_start3A_415 = tpu.memref_slice %arg3[%multiple_of3A_409, %dma_start3A_414] : memref<16392x64xf32, #tpu.memory_space<hbm>> -> memref<256x64xf32, #tpu.memory_space<hbm>>
          %dma_start3A_416 = arith.constant 0 : i32
          %dma_start3A_417 = tpu.memref_slice %arg6[%multiple_of3A_412, %dma_start3A_416] : memref<1000x64xf32, #tpu.memory_space<vmem>> -> memref<256x64xf32, #tpu.memory_space<vmem>>
          %dma_start3A_418 = arith.constant 0 : i32
          %dma_start3A_419 = tpu.memref_slice %arg3[%multiple_of3A_409, %dma_start3A_418] : memref<16392x64xf32, #tpu.memory_space<hbm>> -> memref<256x64xf32, #tpu.memory_space<hbm>>
          tpu.enqueue_dma source(%dma_start3A_419 : memref<256x64xf32, #tpu.memory_space<hbm>>) target(%dma_start3A_417 : memref<256x64xf32, #tpu.memory_space<vmem>>) target_semaphore(%run_scoped3A : memref<!tpu.dma_semaphore, #tpu.memory_space<semaphore_mem>>)
          %dma_wait3A = arith.constant 0 : i32
          %dma_wait3A_420 = tpu.memref_slice %arg6[%multiple_of3A_412, %dma_wait3A] : memref<1000x64xf32, #tpu.memory_space<vmem>> -> memref<256x64xf32, #tpu.memory_space<vmem>>
          %dma_wait3A_421 = arith.constant 0 : i32
          %dma_wait3A_422 = tpu.memref_slice %arg3[%multiple_of3A_409, %dma_wait3A_421] : memref<16392x64xf32, #tpu.memory_space<hbm>> -> memref<256x64xf32, #tpu.memory_space<hbm>>
          %dma_wait3A_423 = arith.constant 0 : i32
          %dma_wait3A_424 = tpu.memref_slice %arg6[%multiple_of3A_412, %dma_wait3A_423] : memref<1000x64xf32, #tpu.memory_space<vmem>> -> memref<256x64xf32, #tpu.memory_space<vmem>>
          %dma_wait3A_425 = arith.constant 0 : i32
          %dma_wait3A_426 = tpu.memref_slice %arg3[%multiple_of3A_409, %dma_wait3A_425] : memref<16392x64xf32, #tpu.memory_space<hbm>> -> memref<256x64xf32, #tpu.memory_space<hbm>>
          tpu.wait_dma2 semaphore(%run_scoped3A : memref<!tpu.dma_semaphore, #tpu.memory_space<semaphore_mem>>) src(%dma_wait3A_426 : memref<256x64xf32, #tpu.memory_space<hbm>>) dst(%dma_wait3A_424 : memref<256x64xf32, #tpu.memory_space<vmem>>)
          tpu.yield
        }) : () -> ()
      } else {
      }
      %jit3A_327 = arith.constant 256 : i32
      %jit3A_328 = arith.constant 0 : i32
      %select_n3A_329 = arith.select %eq3A_323, %jit3A_327, %jit3A_328 : i32
      %add3A_330 = arith.addi %add3A_317, %select_n3A_329 : i32
      %div3A_331 = arith.constant 16 : i32
      %div3A_332 = arith.divsi %div3A_305, %div3A_331 : i32
      %rem3A_333 = arith.constant 2 : i32
      %rem3A_334 = arith.remsi %div3A_332, %rem3A_333 : i32
      %eq3A_335 = arith.constant 1 : i32
      %eq3A_336 = arith.cmpi eq, %rem3A_334, %eq3A_335 : i32
      %convert_element_type3A_337 = arith.extui %eq3A_336 : i1 to i32
      %cond3A_338 = arith.constant 0 : i32
      %cond3A_339 = arith.cmpi ne, %convert_element_type3A_337, %cond3A_338 : i32
      scf.if %cond3A_339 {
        %add3A_407 = arith.addi %sub3A_290, %mul3A_296 : i32
        %add3A_408 = arith.addi %add3A_407, %add3A_330 : i32
        %multiple_of3A_409 = tpu.assume_multiple %add3A_408, 8 : i32
        %sub3A_410 = arith.subi %mul3A_296, %mul3A_283 : i32
        %add3A_411 = arith.addi %sub3A_410, %add3A_330 : i32
        %multiple_of3A_412 = tpu.assume_multiple %add3A_411, 8 : i32
        "tpu.region"() ({
          %run_scoped3A = tpu.sem_alloc : memref<!tpu.dma_semaphore, #tpu.memory_space<semaphore_mem>>
          %dma_start3A = arith.constant 0 : i32
          %dma_start3A_413 = tpu.memref_slice %arg6[%multiple_of3A_412, %dma_start3A] : memref<1000x64xf32, #tpu.memory_space<vmem>> -> memref<128x64xf32, #tpu.memory_space<vmem>>
          %dma_start3A_414 = arith.constant 0 : i32
          %dma_start3A_415 = tpu.memref_slice %arg3[%multiple_of3A_409, %dma_start3A_414] : memref<16392x64xf32, #tpu.memory_space<hbm>> -> memref<128x64xf32, #tpu.memory_space<hbm>>
          %dma_start3A_416 = arith.constant 0 : i32
          %dma_start3A_417 = tpu.memref_slice %arg6[%multiple_of3A_412, %dma_start3A_416] : memref<1000x64xf32, #tpu.memory_space<vmem>> -> memref<128x64xf32, #tpu.memory_space<vmem>>
          %dma_start3A_418 = arith.constant 0 : i32
          %dma_start3A_419 = tpu.memref_slice %arg3[%multiple_of3A_409, %dma_start3A_418] : memref<16392x64xf32, #tpu.memory_space<hbm>> -> memref<128x64xf32, #tpu.memory_space<hbm>>
          tpu.enqueue_dma source(%dma_start3A_419 : memref<128x64xf32, #tpu.memory_space<hbm>>) target(%dma_start3A_417 : memref<128x64xf32, #tpu.memory_space<vmem>>) target_semaphore(%run_scoped3A : memref<!tpu.dma_semaphore, #tpu.memory_space<semaphore_mem>>)
          %dma_wait3A = arith.constant 0 : i32
          %dma_wait3A_420 = tpu.memref_slice %arg6[%multiple_of3A_412, %dma_wait3A] : memref<1000x64xf32, #tpu.memory_space<vmem>> -> memref<128x64xf32, #tpu.memory_space<vmem>>
          %dma_wait3A_421 = arith.constant 0 : i32
          %dma_wait3A_422 = tpu.memref_slice %arg3[%multiple_of3A_409, %dma_wait3A_421] : memref<16392x64xf32, #tpu.memory_space<hbm>> -> memref<128x64xf32, #tpu.memory_space<hbm>>
          %dma_wait3A_423 = arith.constant 0 : i32
          %dma_wait3A_424 = tpu.memref_slice %arg6[%multiple_of3A_412, %dma_wait3A_423] : memref<1000x64xf32, #tpu.memory_space<vmem>> -> memref<128x64xf32, #tpu.memory_space<vmem>>
          %dma_wait3A_425 = arith.constant 0 : i32
          %dma_wait3A_426 = tpu.memref_slice %arg3[%multiple_of3A_409, %dma_wait3A_425] : memref<16392x64xf32, #tpu.memory_space<hbm>> -> memref<128x64xf32, #tpu.memory_space<hbm>>
          tpu.wait_dma2 semaphore(%run_scoped3A : memref<!tpu.dma_semaphore, #tpu.memory_space<semaphore_mem>>) src(%dma_wait3A_426 : memref<128x64xf32, #tpu.memory_space<hbm>>) dst(%dma_wait3A_424 : memref<128x64xf32, #tpu.memory_space<vmem>>)
          tpu.yield
        }) : () -> ()
      } else {
      }
      %jit3A_340 = arith.constant 128 : i32
      %jit3A_341 = arith.constant 0 : i32
      %select_n3A_342 = arith.select %eq3A_336, %jit3A_340, %jit3A_341 : i32
      %add3A_343 = arith.addi %add3A_330, %select_n3A_342 : i32
      %div3A_344 = arith.constant 8 : i32
      %div3A_345 = arith.divsi %div3A_305, %div3A_344 : i32
      %rem3A_346 = arith.constant 2 : i32
      %rem3A_347 = arith.remsi %div3A_345, %rem3A_346 : i32
      %eq3A_348 = arith.constant 1 : i32
      %eq3A_349 = arith.cmpi eq, %rem3A_347, %eq3A_348 : i32
      %convert_element_type3A_350 = arith.extui %eq3A_349 : i1 to i32
      %cond3A_351 = arith.constant 0 : i32
      %cond3A_352 = arith.cmpi ne, %convert_element_type3A_350, %cond3A_351 : i32
      scf.if %cond3A_352 {
        %add3A_407 = arith.addi %sub3A_290, %mul3A_296 : i32
        %add3A_408 = arith.addi %add3A_407, %add3A_343 : i32
        %multiple_of3A_409 = tpu.assume_multiple %add3A_408, 8 : i32
        %sub3A_410 = arith.subi %mul3A_296, %mul3A_283 : i32
        %add3A_411 = arith.addi %sub3A_410, %add3A_343 : i32
        %multiple_of3A_412 = tpu.assume_multiple %add3A_411, 8 : i32
        "tpu.region"() ({
          %run_scoped3A = tpu.sem_alloc : memref<!tpu.dma_semaphore, #tpu.memory_space<semaphore_mem>>
          %dma_start3A = arith.constant 0 : i32
          %dma_start3A_413 = tpu.memref_slice %arg6[%multiple_of3A_412, %dma_start3A] : memref<1000x64xf32, #tpu.memory_space<vmem>> -> memref<64x64xf32, #tpu.memory_space<vmem>>
          %dma_start3A_414 = arith.constant 0 : i32
          %dma_start3A_415 = tpu.memref_slice %arg3[%multiple_of3A_409, %dma_start3A_414] : memref<16392x64xf32, #tpu.memory_space<hbm>> -> memref<64x64xf32, #tpu.memory_space<hbm>>
          %dma_start3A_416 = arith.constant 0 : i32
          %dma_start3A_417 = tpu.memref_slice %arg6[%multiple_of3A_412, %dma_start3A_416] : memref<1000x64xf32, #tpu.memory_space<vmem>> -> memref<64x64xf32, #tpu.memory_space<vmem>>
          %dma_start3A_418 = arith.constant 0 : i32
          %dma_start3A_419 = tpu.memref_slice %arg3[%multiple_of3A_409, %dma_start3A_418] : memref<16392x64xf32, #tpu.memory_space<hbm>> -> memref<64x64xf32, #tpu.memory_space<hbm>>
          tpu.enqueue_dma source(%dma_start3A_419 : memref<64x64xf32, #tpu.memory_space<hbm>>) target(%dma_start3A_417 : memref<64x64xf32, #tpu.memory_space<vmem>>) target_semaphore(%run_scoped3A : memref<!tpu.dma_semaphore, #tpu.memory_space<semaphore_mem>>)
          %dma_wait3A = arith.constant 0 : i32
          %dma_wait3A_420 = tpu.memref_slice %arg6[%multiple_of3A_412, %dma_wait3A] : memref<1000x64xf32, #tpu.memory_space<vmem>> -> memref<64x64xf32, #tpu.memory_space<vmem>>
          %dma_wait3A_421 = arith.constant 0 : i32
          %dma_wait3A_422 = tpu.memref_slice %arg3[%multiple_of3A_409, %dma_wait3A_421] : memref<16392x64xf32, #tpu.memory_space<hbm>> -> memref<64x64xf32, #tpu.memory_space<hbm>>
          %dma_wait3A_423 = arith.constant 0 : i32
          %dma_wait3A_424 = tpu.memref_slice %arg6[%multiple_of3A_412, %dma_wait3A_423] : memref<1000x64xf32, #tpu.memory_space<vmem>> -> memref<64x64xf32, #tpu.memory_space<vmem>>
          %dma_wait3A_425 = arith.constant 0 : i32
          %dma_wait3A_426 = tpu.memref_slice %arg3[%multiple_of3A_409, %dma_wait3A_425] : memref<16392x64xf32, #tpu.memory_space<hbm>> -> memref<64x64xf32, #tpu.memory_space<hbm>>
          tpu.wait_dma2 semaphore(%run_scoped3A : memref<!tpu.dma_semaphore, #tpu.memory_space<semaphore_mem>>) src(%dma_wait3A_426 : memref<64x64xf32, #tpu.memory_space<hbm>>) dst(%dma_wait3A_424 : memref<64x64xf32, #tpu.memory_space<vmem>>)
          tpu.yield
        }) : () -> ()
      } else {
      }
      %jit3A_353 = arith.constant 64 : i32
      %jit3A_354 = arith.constant 0 : i32
      %select_n3A_355 = arith.select %eq3A_349, %jit3A_353, %jit3A_354 : i32
      %add3A_356 = arith.addi %add3A_343, %select_n3A_355 : i32
      %div3A_357 = arith.constant 4 : i32
      %div3A_358 = arith.divsi %div3A_305, %div3A_357 : i32
      %rem3A_359 = arith.constant 2 : i32
      %rem3A_360 = arith.remsi %div3A_358, %rem3A_359 : i32
      %eq3A_361 = arith.constant 1 : i32
      %eq3A_362 = arith.cmpi eq, %rem3A_360, %eq3A_361 : i32
      %convert_element_type3A_363 = arith.extui %eq3A_362 : i1 to i32
      %cond3A_364 = arith.constant 0 : i32
      %cond3A_365 = arith.cmpi ne, %convert_element_type3A_363, %cond3A_364 : i32
      scf.if %cond3A_365 {
        %add3A_407 = arith.addi %sub3A_290, %mul3A_296 : i32
        %add3A_408 = arith.addi %add3A_407, %add3A_356 : i32
        %multiple_of3A_409 = tpu.assume_multiple %add3A_408, 8 : i32
        %sub3A_410 = arith.subi %mul3A_296, %mul3A_283 : i32
        %add3A_411 = arith.addi %sub3A_410, %add3A_356 : i32
        %multiple_of3A_412 = tpu.assume_multiple %add3A_411, 8 : i32
        "tpu.region"() ({
          %run_scoped3A = tpu.sem_alloc : memref<!tpu.dma_semaphore, #tpu.memory_space<semaphore_mem>>
          %dma_start3A = arith.constant 0 : i32
          %dma_start3A_413 = tpu.memref_slice %arg6[%multiple_of3A_412, %dma_start3A] : memref<1000x64xf32, #tpu.memory_space<vmem>> -> memref<32x64xf32, #tpu.memory_space<vmem>>
          %dma_start3A_414 = arith.constant 0 : i32
          %dma_start3A_415 = tpu.memref_slice %arg3[%multiple_of3A_409, %dma_start3A_414] : memref<16392x64xf32, #tpu.memory_space<hbm>> -> memref<32x64xf32, #tpu.memory_space<hbm>>
          %dma_start3A_416 = arith.constant 0 : i32
          %dma_start3A_417 = tpu.memref_slice %arg6[%multiple_of3A_412, %dma_start3A_416] : memref<1000x64xf32, #tpu.memory_space<vmem>> -> memref<32x64xf32, #tpu.memory_space<vmem>>
          %dma_start3A_418 = arith.constant 0 : i32
          %dma_start3A_419 = tpu.memref_slice %arg3[%multiple_of3A_409, %dma_start3A_418] : memref<16392x64xf32, #tpu.memory_space<hbm>> -> memref<32x64xf32, #tpu.memory_space<hbm>>
          tpu.enqueue_dma source(%dma_start3A_419 : memref<32x64xf32, #tpu.memory_space<hbm>>) target(%dma_start3A_417 : memref<32x64xf32, #tpu.memory_space<vmem>>) target_semaphore(%run_scoped3A : memref<!tpu.dma_semaphore, #tpu.memory_space<semaphore_mem>>)
          %dma_wait3A = arith.constant 0 : i32
          %dma_wait3A_420 = tpu.memref_slice %arg6[%multiple_of3A_412, %dma_wait3A] : memref<1000x64xf32, #tpu.memory_space<vmem>> -> memref<32x64xf32, #tpu.memory_space<vmem>>
          %dma_wait3A_421 = arith.constant 0 : i32
          %dma_wait3A_422 = tpu.memref_slice %arg3[%multiple_of3A_409, %dma_wait3A_421] : memref<16392x64xf32, #tpu.memory_space<hbm>> -> memref<32x64xf32, #tpu.memory_space<hbm>>
          %dma_wait3A_423 = arith.constant 0 : i32
          %dma_wait3A_424 = tpu.memref_slice %arg6[%multiple_of3A_412, %dma_wait3A_423] : memref<1000x64xf32, #tpu.memory_space<vmem>> -> memref<32x64xf32, #tpu.memory_space<vmem>>
          %dma_wait3A_425 = arith.constant 0 : i32
          %dma_wait3A_426 = tpu.memref_slice %arg3[%multiple_of3A_409, %dma_wait3A_425] : memref<16392x64xf32, #tpu.memory_space<hbm>> -> memref<32x64xf32, #tpu.memory_space<hbm>>
          tpu.wait_dma2 semaphore(%run_scoped3A : memref<!tpu.dma_semaphore, #tpu.memory_space<semaphore_mem>>) src(%dma_wait3A_426 : memref<32x64xf32, #tpu.memory_space<hbm>>) dst(%dma_wait3A_424 : memref<32x64xf32, #tpu.memory_space<vmem>>)
          tpu.yield
        }) : () -> ()
      } else {
      }
      %jit3A_366 = arith.constant 32 : i32
      %jit3A_367 = arith.constant 0 : i32
      %select_n3A_368 = arith.select %eq3A_362, %jit3A_366, %jit3A_367 : i32
      %add3A_369 = arith.addi %add3A_356, %select_n3A_368 : i32
      %div3A_370 = arith.constant 2 : i32
      %div3A_371 = arith.divsi %div3A_305, %div3A_370 : i32
      %rem3A_372 = arith.constant 2 : i32
      %rem3A_373 = arith.remsi %div3A_371, %rem3A_372 : i32
      %eq3A_374 = arith.constant 1 : i32
      %eq3A_375 = arith.cmpi eq, %rem3A_373, %eq3A_374 : i32
      %convert_element_type3A_376 = arith.extui %eq3A_375 : i1 to i32
      %cond3A_377 = arith.constant 0 : i32
      %cond3A_378 = arith.cmpi ne, %convert_element_type3A_376, %cond3A_377 : i32
      scf.if %cond3A_378 {
        %add3A_407 = arith.addi %sub3A_290, %mul3A_296 : i32
        %add3A_408 = arith.addi %add3A_407, %add3A_369 : i32
        %multiple_of3A_409 = tpu.assume_multiple %add3A_408, 8 : i32
        %sub3A_410 = arith.subi %mul3A_296, %mul3A_283 : i32
        %add3A_411 = arith.addi %sub3A_410, %add3A_369 : i32
        %multiple_of3A_412 = tpu.assume_multiple %add3A_411, 8 : i32
        "tpu.region"() ({
          %run_scoped3A = tpu.sem_alloc : memref<!tpu.dma_semaphore, #tpu.memory_space<semaphore_mem>>
          %dma_start3A = arith.constant 0 : i32
          %dma_start3A_413 = tpu.memref_slice %arg6[%multiple_of3A_412, %dma_start3A] : memref<1000x64xf32, #tpu.memory_space<vmem>> -> memref<16x64xf32, #tpu.memory_space<vmem>>
          %dma_start3A_414 = arith.constant 0 : i32
          %dma_start3A_415 = tpu.memref_slice %arg3[%multiple_of3A_409, %dma_start3A_414] : memref<16392x64xf32, #tpu.memory_space<hbm>> -> memref<16x64xf32, #tpu.memory_space<hbm>>
          %dma_start3A_416 = arith.constant 0 : i32
          %dma_start3A_417 = tpu.memref_slice %arg6[%multiple_of3A_412, %dma_start3A_416] : memref<1000x64xf32, #tpu.memory_space<vmem>> -> memref<16x64xf32, #tpu.memory_space<vmem>>
          %dma_start3A_418 = arith.constant 0 : i32
          %dma_start3A_419 = tpu.memref_slice %arg3[%multiple_of3A_409, %dma_start3A_418] : memref<16392x64xf32, #tpu.memory_space<hbm>> -> memref<16x64xf32, #tpu.memory_space<hbm>>
          tpu.enqueue_dma source(%dma_start3A_419 : memref<16x64xf32, #tpu.memory_space<hbm>>) target(%dma_start3A_417 : memref<16x64xf32, #tpu.memory_space<vmem>>) target_semaphore(%run_scoped3A : memref<!tpu.dma_semaphore, #tpu.memory_space<semaphore_mem>>)
          %dma_wait3A = arith.constant 0 : i32
          %dma_wait3A_420 = tpu.memref_slice %arg6[%multiple_of3A_412, %dma_wait3A] : memref<1000x64xf32, #tpu.memory_space<vmem>> -> memref<16x64xf32, #tpu.memory_space<vmem>>
          %dma_wait3A_421 = arith.constant 0 : i32
          %dma_wait3A_422 = tpu.memref_slice %arg3[%multiple_of3A_409, %dma_wait3A_421] : memref<16392x64xf32, #tpu.memory_space<hbm>> -> memref<16x64xf32, #tpu.memory_space<hbm>>
          %dma_wait3A_423 = arith.constant 0 : i32
          %dma_wait3A_424 = tpu.memref_slice %arg6[%multiple_of3A_412, %dma_wait3A_423] : memref<1000x64xf32, #tpu.memory_space<vmem>> -> memref<16x64xf32, #tpu.memory_space<vmem>>
          %dma_wait3A_425 = arith.constant 0 : i32
          %dma_wait3A_426 = tpu.memref_slice %arg3[%multiple_of3A_409, %dma_wait3A_425] : memref<16392x64xf32, #tpu.memory_space<hbm>> -> memref<16x64xf32, #tpu.memory_space<hbm>>
          tpu.wait_dma2 semaphore(%run_scoped3A : memref<!tpu.dma_semaphore, #tpu.memory_space<semaphore_mem>>) src(%dma_wait3A_426 : memref<16x64xf32, #tpu.memory_space<hbm>>) dst(%dma_wait3A_424 : memref<16x64xf32, #tpu.memory_space<vmem>>)
          tpu.yield
        }) : () -> ()
      } else {
      }
      %jit3A_379 = arith.constant 16 : i32
      %jit3A_380 = arith.constant 0 : i32
      %select_n3A_381 = arith.select %eq3A_375, %jit3A_379, %jit3A_380 : i32
      %add3A_382 = arith.addi %add3A_369, %select_n3A_381 : i32
      %div3A_383 = arith.constant 1 : i32
      %div3A_384 = arith.divsi %div3A_305, %div3A_383 : i32
      %rem3A_385 = arith.constant 2 : i32
      %rem3A_386 = arith.remsi %div3A_384, %rem3A_385 : i32
      %eq3A_387 = arith.constant 1 : i32
      %eq3A_388 = arith.cmpi eq, %rem3A_386, %eq3A_387 : i32
      %convert_element_type3A_389 = arith.extui %eq3A_388 : i1 to i32
      %cond3A_390 = arith.constant 0 : i32
      %cond3A_391 = arith.cmpi ne, %convert_element_type3A_389, %cond3A_390 : i32
      scf.if %cond3A_391 {
        %add3A_407 = arith.addi %sub3A_290, %mul3A_296 : i32
        %add3A_408 = arith.addi %add3A_407, %add3A_382 : i32
        %multiple_of3A_409 = tpu.assume_multiple %add3A_408, 8 : i32
        %sub3A_410 = arith.subi %mul3A_296, %mul3A_283 : i32
        %add3A_411 = arith.addi %sub3A_410, %add3A_382 : i32
        %multiple_of3A_412 = tpu.assume_multiple %add3A_411, 8 : i32
        "tpu.region"() ({
          %run_scoped3A = tpu.sem_alloc : memref<!tpu.dma_semaphore, #tpu.memory_space<semaphore_mem>>
          %dma_start3A = arith.constant 0 : i32
          %dma_start3A_413 = tpu.memref_slice %arg6[%multiple_of3A_412, %dma_start3A] : memref<1000x64xf32, #tpu.memory_space<vmem>> -> memref<8x64xf32, #tpu.memory_space<vmem>>
          %dma_start3A_414 = arith.constant 0 : i32
          %dma_start3A_415 = tpu.memref_slice %arg3[%multiple_of3A_409, %dma_start3A_414] : memref<16392x64xf32, #tpu.memory_space<hbm>> -> memref<8x64xf32, #tpu.memory_space<hbm>>
          %dma_start3A_416 = arith.constant 0 : i32
          %dma_start3A_417 = tpu.memref_slice %arg6[%multiple_of3A_412, %dma_start3A_416] : memref<1000x64xf32, #tpu.memory_space<vmem>> -> memref<8x64xf32, #tpu.memory_space<vmem>>
          %dma_start3A_418 = arith.constant 0 : i32
          %dma_start3A_419 = tpu.memref_slice %arg3[%multiple_of3A_409, %dma_start3A_418] : memref<16392x64xf32, #tpu.memory_space<hbm>> -> memref<8x64xf32, #tpu.memory_space<hbm>>
          tpu.enqueue_dma source(%dma_start3A_419 : memref<8x64xf32, #tpu.memory_space<hbm>>) target(%dma_start3A_417 : memref<8x64xf32, #tpu.memory_space<vmem>>) target_semaphore(%run_scoped3A : memref<!tpu.dma_semaphore, #tpu.memory_space<semaphore_mem>>)
          %dma_wait3A = arith.constant 0 : i32
          %dma_wait3A_420 = tpu.memref_slice %arg6[%multiple_of3A_412, %dma_wait3A] : memref<1000x64xf32, #tpu.memory_space<vmem>> -> memref<8x64xf32, #tpu.memory_space<vmem>>
          %dma_wait3A_421 = arith.constant 0 : i32
          %dma_wait3A_422 = tpu.memref_slice %arg3[%multiple_of3A_409, %dma_wait3A_421] : memref<16392x64xf32, #tpu.memory_space<hbm>> -> memref<8x64xf32, #tpu.memory_space<hbm>>
          %dma_wait3A_423 = arith.constant 0 : i32
          %dma_wait3A_424 = tpu.memref_slice %arg6[%multiple_of3A_412, %dma_wait3A_423] : memref<1000x64xf32, #tpu.memory_space<vmem>> -> memref<8x64xf32, #tpu.memory_space<vmem>>
          %dma_wait3A_425 = arith.constant 0 : i32
          %dma_wait3A_426 = tpu.memref_slice %arg3[%multiple_of3A_409, %dma_wait3A_425] : memref<16392x64xf32, #tpu.memory_space<hbm>> -> memref<8x64xf32, #tpu.memory_space<hbm>>
          tpu.wait_dma2 semaphore(%run_scoped3A : memref<!tpu.dma_semaphore, #tpu.memory_space<semaphore_mem>>) src(%dma_wait3A_426 : memref<8x64xf32, #tpu.memory_space<hbm>>) dst(%dma_wait3A_424 : memref<8x64xf32, #tpu.memory_space<vmem>>)
          tpu.yield
        }) : () -> ()
      } else {
      }
      %jit3A_392 = arith.constant 8 : i32
      %jit3A_393 = arith.constant 0 : i32
      %select_n3A_394 = arith.select %eq3A_388, %jit3A_392, %jit3A_393 : i32
      %add3A_395 = arith.addi %add3A_382, %select_n3A_394 : i32
      %min3A_396 = arith.minsi %mul3A_296, %min3A_288 : i32
      %gt3A_397 = arith.cmpi sgt, %min3A_396, %max3A_284 : i32
      %convert_element_type3A_398 = arith.extui %gt3A_397 : i1 to i32
      %cond3A_399 = arith.constant 0 : i32
      %cond3A_400 = arith.cmpi ne, %convert_element_type3A_398, %cond3A_399 : i32
      scf.if %cond3A_400 {
        %div3A_407 = arith.constant 8 : i32
        %div3A_408 = arith.divsi %max3A_284, %div3A_407 : i32
        %mul3A_409 = arith.constant 8 : i32
        %mul3A_410 = arith.muli %div3A_408, %mul3A_409 : i32
        %add3A_411 = arith.addi %sub3A_290, %mul3A_410 : i32
        %multiple_of3A_412 = tpu.assume_multiple %add3A_411, 8 : i32
        "tpu.region"() ({
          %run_scoped3A = tpu.sem_alloc : memref<!tpu.dma_semaphore, #tpu.memory_space<semaphore_mem>>
          %dma_start3A = arith.constant 0 : i32
          %dma_start3A_455 = tpu.memref_slice %arg3[%multiple_of3A_412, %dma_start3A] : memref<16392x64xf32, #tpu.memory_space<hbm>> -> memref<8x64xf32, #tpu.memory_space<hbm>>
          %dma_start3A_456 = arith.constant 0 : i32
          %dma_start3A_457 = tpu.memref_slice %arg3[%multiple_of3A_412, %dma_start3A_456] : memref<16392x64xf32, #tpu.memory_space<hbm>> -> memref<8x64xf32, #tpu.memory_space<hbm>>
          tpu.enqueue_dma source(%dma_start3A_457 : memref<8x64xf32, #tpu.memory_space<hbm>>) target(%arg7 : memref<8x64xf32, #tpu.memory_space<vmem>>) target_semaphore(%run_scoped3A : memref<!tpu.dma_semaphore, #tpu.memory_space<semaphore_mem>>)
          %dma_wait3A = arith.constant 0 : i32
          %dma_wait3A_458 = tpu.memref_slice %arg3[%multiple_of3A_412, %dma_wait3A] : memref<16392x64xf32, #tpu.memory_space<hbm>> -> memref<8x64xf32, #tpu.memory_space<hbm>>
          %dma_wait3A_459 = arith.constant 0 : i32
          %dma_wait3A_460 = tpu.memref_slice %arg3[%multiple_of3A_412, %dma_wait3A_459] : memref<16392x64xf32, #tpu.memory_space<hbm>> -> memref<8x64xf32, #tpu.memory_space<hbm>>
          tpu.wait_dma2 semaphore(%run_scoped3A : memref<!tpu.dma_semaphore, #tpu.memory_space<semaphore_mem>>) src(%dma_wait3A_460 : memref<8x64xf32, #tpu.memory_space<hbm>>) dst(%arg7 : memref<8x64xf32, #tpu.memory_space<vmem>>)
          tpu.yield
        }) : () -> ()
        %iota3A = tpu.iota {dimensions = array<i32: 0>} : vector<16xi32>
        %add3A_413 = arith.constant 0 : i32
        %add3A_414 = arith.addi %max3A_284, %add3A_413 : i32
        %lt3A_415 = arith.cmpi slt, %add3A_414, %min3A_396 : i32
        %convert_element_type3A_416 = arith.extui %lt3A_415 : i1 to i32
        %cond3A_417 = arith.constant 0 : i32
        %cond3A_418 = arith.cmpi ne, %convert_element_type3A_416, %cond3A_417 : i32
        scf.if %cond3A_418 {
          %sub3A_455 = arith.subi %add3A_414, %mul3A_410 : i32
          %broadcast_in_dim3A = vector.broadcast %sub3A_455 : i32 to vector<16xi32>
          %sub3A_456 = arith.subi %add3A_414, %mul3A_283 : i32
          %broadcast_in_dim3A_457 = vector.broadcast %sub3A_456 : i32 to vector<16xi32>
          %add3A_458 = arith.constant 0 : i32
          %add3A_459 = vector.broadcast %add3A_458 : i32 to vector<16xi32>
          %add3A_460 = arith.addi %add3A_459, %iota3A : vector<16xi32>
          %gather3A = tpu.vector_load_idx %arg7[%broadcast_in_dim3A, %add3A_460] : memref<8x64xf32, #tpu.memory_space<vmem>>[vector<16xi32>, vector<16xi32>], vector<16xf32>,
          %add3A_461 = arith.constant 0 : i32
          %add3A_462 = vector.broadcast %add3A_461 : i32 to vector<16xi32>
          %add3A_463 = arith.addi %add3A_462, %iota3A : vector<16xi32>
          tpu.vector_store_idx %arg6[%broadcast_in_dim3A_457, %add3A_463], %gather3A : memref<1000x64xf32, #tpu.memory_space<vmem>>[vector<16xi32>, vector<16xi32>], vector<16xf32>,
          %add3A_464 = arith.constant 16 : i32
          %add3A_465 = vector.broadcast %add3A_464 : i32 to vector<16xi32>
          %add3A_466 = arith.addi %add3A_465, %iota3A : vector<16xi32>
          %gather3A_467 = tpu.vector_load_idx %arg7[%broadcast_in_dim3A, %add3A_466] : memref<8x64xf32, #tpu.memory_space<vmem>>[vector<16xi32>, vector<16xi32>], vector<16xf32>,
          %add3A_468 = arith.constant 16 : i32
          %add3A_469 = vector.broadcast %add3A_468 : i32 to vector<16xi32>
          %add3A_470 = arith.addi %add3A_469, %iota3A : vector<16xi32>
          tpu.vector_store_idx %arg6[%broadcast_in_dim3A_457, %add3A_470], %gather3A_467 : memref<1000x64xf32, #tpu.memory_space<vmem>>[vector<16xi32>, vector<16xi32>], vector<16xf32>,
          %add3A_471 = arith.constant 32 : i32
          %add3A_472 = vector.broadcast %add3A_471 : i32 to vector<16xi32>
          %add3A_473 = arith.addi %add3A_472, %iota3A : vector<16xi32>
          %gather3A_474 = tpu.vector_load_idx %arg7[%broadcast_in_dim3A, %add3A_473] : memref<8x64xf32, #tpu.memory_space<vmem>>[vector<16xi32>, vector<16xi32>], vector<16xf32>,
          %add3A_475 = arith.constant 32 : i32
          %add3A_476 = vector.broadcast %add3A_475 : i32 to vector<16xi32>
          %add3A_477 = arith.addi %add3A_476, %iota3A : vector<16xi32>
          tpu.vector_store_idx %arg6[%broadcast_in_dim3A_457, %add3A_477], %gather3A_474 : memref<1000x64xf32, #tpu.memory_space<vmem>>[vector<16xi32>, vector<16xi32>], vector<16xf32>,
          %add3A_478 = arith.constant 48 : i32
          %add3A_479 = vector.broadcast %add3A_478 : i32 to vector<16xi32>
          %add3A_480 = arith.addi %add3A_479, %iota3A : vector<16xi32>
          %gather3A_481 = tpu.vector_load_idx %arg7[%broadcast_in_dim3A, %add3A_480] : memref<8x64xf32, #tpu.memory_space<vmem>>[vector<16xi32>, vector<16xi32>], vector<16xf32>,
          %add3A_482 = arith.constant 48 : i32
          %add3A_483 = vector.broadcast %add3A_482 : i32 to vector<16xi32>
          %add3A_484 = arith.addi %add3A_483, %iota3A : vector<16xi32>
          tpu.vector_store_idx %arg6[%broadcast_in_dim3A_457, %add3A_484], %gather3A_481 : memref<1000x64xf32, #tpu.memory_space<vmem>>[vector<16xi32>, vector<16xi32>], vector<16xf32>,
        } else {
        }
        %add3A_419 = arith.constant 1 : i32
        %add3A_420 = arith.addi %max3A_284, %add3A_419 : i32
        %lt3A_421 = arith.cmpi slt, %add3A_420, %min3A_396 : i32
        %convert_element_type3A_422 = arith.extui %lt3A_421 : i1 to i32
        %cond3A_423 = arith.constant 0 : i32
        %cond3A_424 = arith.cmpi ne, %convert_element_type3A_422, %cond3A_423 : i32
        scf.if %cond3A_424 {
          %sub3A_455 = arith.subi %add3A_420, %mul3A_410 : i32
          %broadcast_in_dim3A = vector.broadcast %sub3A_455 : i32 to vector<16xi32>
          %sub3A_456 = arith.subi %add3A_420, %mul3A_283 : i32
          %broadcast_in_dim3A_457 = vector.broadcast %sub3A_456 : i32 to vector<16xi32>
          %add3A_458 = arith.constant 0 : i32
          %add3A_459 = vector.broadcast %add3A_458 : i32 to vector<16xi32>
          %add3A_460 = arith.addi %add3A_459, %iota3A : vector<16xi32>
          %gather3A = tpu.vector_load_idx %arg7[%broadcast_in_dim3A, %add3A_460] : memref<8x64xf32, #tpu.memory_space<vmem>>[vector<16xi32>, vector<16xi32>], vector<16xf32>,
          %add3A_461 = arith.constant 0 : i32
          %add3A_462 = vector.broadcast %add3A_461 : i32 to vector<16xi32>
          %add3A_463 = arith.addi %add3A_462, %iota3A : vector<16xi32>
          tpu.vector_store_idx %arg6[%broadcast_in_dim3A_457, %add3A_463], %gather3A : memref<1000x64xf32, #tpu.memory_space<vmem>>[vector<16xi32>, vector<16xi32>], vector<16xf32>,
          %add3A_464 = arith.constant 16 : i32
          %add3A_465 = vector.broadcast %add3A_464 : i32 to vector<16xi32>
          %add3A_466 = arith.addi %add3A_465, %iota3A : vector<16xi32>
          %gather3A_467 = tpu.vector_load_idx %arg7[%broadcast_in_dim3A, %add3A_466] : memref<8x64xf32, #tpu.memory_space<vmem>>[vector<16xi32>, vector<16xi32>], vector<16xf32>,
          %add3A_468 = arith.constant 16 : i32
          %add3A_469 = vector.broadcast %add3A_468 : i32 to vector<16xi32>
          %add3A_470 = arith.addi %add3A_469, %iota3A : vector<16xi32>
          tpu.vector_store_idx %arg6[%broadcast_in_dim3A_457, %add3A_470], %gather3A_467 : memref<1000x64xf32, #tpu.memory_space<vmem>>[vector<16xi32>, vector<16xi32>], vector<16xf32>,
          %add3A_471 = arith.constant 32 : i32
          %add3A_472 = vector.broadcast %add3A_471 : i32 to vector<16xi32>
          %add3A_473 = arith.addi %add3A_472, %iota3A : vector<16xi32>
          %gather3A_474 = tpu.vector_load_idx %arg7[%broadcast_in_dim3A, %add3A_473] : memref<8x64xf32, #tpu.memory_space<vmem>>[vector<16xi32>, vector<16xi32>], vector<16xf32>,
          %add3A_475 = arith.constant 32 : i32
          %add3A_476 = vector.broadcast %add3A_475 : i32 to vector<16xi32>
          %add3A_477 = arith.addi %add3A_476, %iota3A : vector<16xi32>
          tpu.vector_store_idx %arg6[%broadcast_in_dim3A_457, %add3A_477], %gather3A_474 : memref<1000x64xf32, #tpu.memory_space<vmem>>[vector<16xi32>, vector<16xi32>], vector<16xf32>,
          %add3A_478 = arith.constant 48 : i32
          %add3A_479 = vector.broadcast %add3A_478 : i32 to vector<16xi32>
          %add3A_480 = arith.addi %add3A_479, %iota3A : vector<16xi32>
          %gather3A_481 = tpu.vector_load_idx %arg7[%broadcast_in_dim3A, %add3A_480] : memref<8x64xf32, #tpu.memory_space<vmem>>[vector<16xi32>, vector<16xi32>], vector<16xf32>,
          %add3A_482 = arith.constant 48 : i32
          %add3A_483 = vector.broadcast %add3A_482 : i32 to vector<16xi32>
          %add3A_484 = arith.addi %add3A_483, %iota3A : vector<16xi32>
          tpu.vector_store_idx %arg6[%broadcast_in_dim3A_457, %add3A_484], %gather3A_481 : memref<1000x64xf32, #tpu.memory_space<vmem>>[vector<16xi32>, vector<16xi32>], vector<16xf32>,
        } else {
        }
        %add3A_425 = arith.constant 2 : i32
        %add3A_426 = arith.addi %max3A_284, %add3A_425 : i32
        %lt3A_427 = arith.cmpi slt, %add3A_426, %min3A_396 : i32
        %convert_element_type3A_428 = arith.extui %lt3A_427 : i1 to i32
        %cond3A_429 = arith.constant 0 : i32
        %cond3A_430 = arith.cmpi ne, %convert_element_type3A_428, %cond3A_429 : i32
        scf.if %cond3A_430 {
          %sub3A_455 = arith.subi %add3A_426, %mul3A_410 : i32
          %broadcast_in_dim3A = vector.broadcast %sub3A_455 : i32 to vector<16xi32>
          %sub3A_456 = arith.subi %add3A_426, %mul3A_283 : i32
          %broadcast_in_dim3A_457 = vector.broadcast %sub3A_456 : i32 to vector<16xi32>
          %add3A_458 = arith.constant 0 : i32
          %add3A_459 = vector.broadcast %add3A_458 : i32 to vector<16xi32>
          %add3A_460 = arith.addi %add3A_459, %iota3A : vector<16xi32>
          %gather3A = tpu.vector_load_idx %arg7[%broadcast_in_dim3A, %add3A_460] : memref<8x64xf32, #tpu.memory_space<vmem>>[vector<16xi32>, vector<16xi32>], vector<16xf32>,
          %add3A_461 = arith.constant 0 : i32
          %add3A_462 = vector.broadcast %add3A_461 : i32 to vector<16xi32>
          %add3A_463 = arith.addi %add3A_462, %iota3A : vector<16xi32>
          tpu.vector_store_idx %arg6[%broadcast_in_dim3A_457, %add3A_463], %gather3A : memref<1000x64xf32, #tpu.memory_space<vmem>>[vector<16xi32>, vector<16xi32>], vector<16xf32>,
          %add3A_464 = arith.constant 16 : i32
          %add3A_465 = vector.broadcast %add3A_464 : i32 to vector<16xi32>
          %add3A_466 = arith.addi %add3A_465, %iota3A : vector<16xi32>
          %gather3A_467 = tpu.vector_load_idx %arg7[%broadcast_in_dim3A, %add3A_466] : memref<8x64xf32, #tpu.memory_space<vmem>>[vector<16xi32>, vector<16xi32>], vector<16xf32>,
          %add3A_468 = arith.constant 16 : i32
          %add3A_469 = vector.broadcast %add3A_468 : i32 to vector<16xi32>
          %add3A_470 = arith.addi %add3A_469, %iota3A : vector<16xi32>
          tpu.vector_store_idx %arg6[%broadcast_in_dim3A_457, %add3A_470], %gather3A_467 : memref<1000x64xf32, #tpu.memory_space<vmem>>[vector<16xi32>, vector<16xi32>], vector<16xf32>,
          %add3A_471 = arith.constant 32 : i32
          %add3A_472 = vector.broadcast %add3A_471 : i32 to vector<16xi32>
          %add3A_473 = arith.addi %add3A_472, %iota3A : vector<16xi32>
          %gather3A_474 = tpu.vector_load_idx %arg7[%broadcast_in_dim3A, %add3A_473] : memref<8x64xf32, #tpu.memory_space<vmem>>[vector<16xi32>, vector<16xi32>], vector<16xf32>,
          %add3A_475 = arith.constant 32 : i32
          %add3A_476 = vector.broadcast %add3A_475 : i32 to vector<16xi32>
          %add3A_477 = arith.addi %add3A_476, %iota3A : vector<16xi32>
          tpu.vector_store_idx %arg6[%broadcast_in_dim3A_457, %add3A_477], %gather3A_474 : memref<1000x64xf32, #tpu.memory_space<vmem>>[vector<16xi32>, vector<16xi32>], vector<16xf32>,
          %add3A_478 = arith.constant 48 : i32
          %add3A_479 = vector.broadcast %add3A_478 : i32 to vector<16xi32>
          %add3A_480 = arith.addi %add3A_479, %iota3A : vector<16xi32>
          %gather3A_481 = tpu.vector_load_idx %arg7[%broadcast_in_dim3A, %add3A_480] : memref<8x64xf32, #tpu.memory_space<vmem>>[vector<16xi32>, vector<16xi32>], vector<16xf32>,
          %add3A_482 = arith.constant 48 : i32
          %add3A_483 = vector.broadcast %add3A_482 : i32 to vector<16xi32>
          %add3A_484 = arith.addi %add3A_483, %iota3A : vector<16xi32>
          tpu.vector_store_idx %arg6[%broadcast_in_dim3A_457, %add3A_484], %gather3A_481 : memref<1000x64xf32, #tpu.memory_space<vmem>>[vector<16xi32>, vector<16xi32>], vector<16xf32>,
        } else {
        }
        %add3A_431 = arith.constant 3 : i32
        %add3A_432 = arith.addi %max3A_284, %add3A_431 : i32
        %lt3A_433 = arith.cmpi slt, %add3A_432, %min3A_396 : i32
        %convert_element_type3A_434 = arith.extui %lt3A_433 : i1 to i32
        %cond3A_435 = arith.constant 0 : i32
        %cond3A_436 = arith.cmpi ne, %convert_element_type3A_434, %cond3A_435 : i32
        scf.if %cond3A_436 {
          %sub3A_455 = arith.subi %add3A_432, %mul3A_410 : i32
          %broadcast_in_dim3A = vector.broadcast %sub3A_455 : i32 to vector<16xi32>
          %sub3A_456 = arith.subi %add3A_432, %mul3A_283 : i32
          %broadcast_in_dim3A_457 = vector.broadcast %sub3A_456 : i32 to vector<16xi32>
          %add3A_458 = arith.constant 0 : i32
          %add3A_459 = vector.broadcast %add3A_458 : i32 to vector<16xi32>
          %add3A_460 = arith.addi %add3A_459, %iota3A : vector<16xi32>
          %gather3A = tpu.vector_load_idx %arg7[%broadcast_in_dim3A, %add3A_460] : memref<8x64xf32, #tpu.memory_space<vmem>>[vector<16xi32>, vector<16xi32>], vector<16xf32>,
          %add3A_461 = arith.constant 0 : i32
          %add3A_462 = vector.broadcast %add3A_461 : i32 to vector<16xi32>
          %add3A_463 = arith.addi %add3A_462, %iota3A : vector<16xi32>
          tpu.vector_store_idx %arg6[%broadcast_in_dim3A_457, %add3A_463], %gather3A : memref<1000x64xf32, #tpu.memory_space<vmem>>[vector<16xi32>, vector<16xi32>], vector<16xf32>,
          %add3A_464 = arith.constant 16 : i32
          %add3A_465 = vector.broadcast %add3A_464 : i32 to vector<16xi32>
          %add3A_466 = arith.addi %add3A_465, %iota3A : vector<16xi32>
          %gather3A_467 = tpu.vector_load_idx %arg7[%broadcast_in_dim3A, %add3A_466] : memref<8x64xf32, #tpu.memory_space<vmem>>[vector<16xi32>, vector<16xi32>], vector<16xf32>,
          %add3A_468 = arith.constant 16 : i32
          %add3A_469 = vector.broadcast %add3A_468 : i32 to vector<16xi32>
          %add3A_470 = arith.addi %add3A_469, %iota3A : vector<16xi32>
          tpu.vector_store_idx %arg6[%broadcast_in_dim3A_457, %add3A_470], %gather3A_467 : memref<1000x64xf32, #tpu.memory_space<vmem>>[vector<16xi32>, vector<16xi32>], vector<16xf32>,
          %add3A_471 = arith.constant 32 : i32
          %add3A_472 = vector.broadcast %add3A_471 : i32 to vector<16xi32>
          %add3A_473 = arith.addi %add3A_472, %iota3A : vector<16xi32>
          %gather3A_474 = tpu.vector_load_idx %arg7[%broadcast_in_dim3A, %add3A_473] : memref<8x64xf32, #tpu.memory_space<vmem>>[vector<16xi32>, vector<16xi32>], vector<16xf32>,
          %add3A_475 = arith.constant 32 : i32
          %add3A_476 = vector.broadcast %add3A_475 : i32 to vector<16xi32>
          %add3A_477 = arith.addi %add3A_476, %iota3A : vector<16xi32>
          tpu.vector_store_idx %arg6[%broadcast_in_dim3A_457, %add3A_477], %gather3A_474 : memref<1000x64xf32, #tpu.memory_space<vmem>>[vector<16xi32>, vector<16xi32>], vector<16xf32>,
          %add3A_478 = arith.constant 48 : i32
          %add3A_479 = vector.broadcast %add3A_478 : i32 to vector<16xi32>
          %add3A_480 = arith.addi %add3A_479, %iota3A : vector<16xi32>
          %gather3A_481 = tpu.vector_load_idx %arg7[%broadcast_in_dim3A, %add3A_480] : memref<8x64xf32, #tpu.memory_space<vmem>>[vector<16xi32>, vector<16xi32>], vector<16xf32>,
          %add3A_482 = arith.constant 48 : i32
          %add3A_483 = vector.broadcast %add3A_482 : i32 to vector<16xi32>
          %add3A_484 = arith.addi %add3A_483, %iota3A : vector<16xi32>
          tpu.vector_store_idx %arg6[%broadcast_in_dim3A_457, %add3A_484], %gather3A_481 : memref<1000x64xf32, #tpu.memory_space<vmem>>[vector<16xi32>, vector<16xi32>], vector<16xf32>,
        } else {
        }
        %add3A_437 = arith.constant 4 : i32
        %add3A_438 = arith.addi %max3A_284, %add3A_437 : i32
        %lt3A_439 = arith.cmpi slt, %add3A_438, %min3A_396 : i32
        %convert_element_type3A_440 = arith.extui %lt3A_439 : i1 to i32
        %cond3A_441 = arith.constant 0 : i32
        %cond3A_442 = arith.cmpi ne, %convert_element_type3A_440, %cond3A_441 : i32
        scf.if %cond3A_442 {
          %sub3A_455 = arith.subi %add3A_438, %mul3A_410 : i32
          %broadcast_in_dim3A = vector.broadcast %sub3A_455 : i32 to vector<16xi32>
          %sub3A_456 = arith.subi %add3A_438, %mul3A_283 : i32
          %broadcast_in_dim3A_457 = vector.broadcast %sub3A_456 : i32 to vector<16xi32>
          %add3A_458 = arith.constant 0 : i32
          %add3A_459 = vector.broadcast %add3A_458 : i32 to vector<16xi32>
          %add3A_460 = arith.addi %add3A_459, %iota3A : vector<16xi32>
          %gather3A = tpu.vector_load_idx %arg7[%broadcast_in_dim3A, %add3A_460] : memref<8x64xf32, #tpu.memory_space<vmem>>[vector<16xi32>, vector<16xi32>], vector<16xf32>,
          %add3A_461 = arith.constant 0 : i32
          %add3A_462 = vector.broadcast %add3A_461 : i32 to vector<16xi32>
          %add3A_463 = arith.addi %add3A_462, %iota3A : vector<16xi32>
          tpu.vector_store_idx %arg6[%broadcast_in_dim3A_457, %add3A_463], %gather3A : memref<1000x64xf32, #tpu.memory_space<vmem>>[vector<16xi32>, vector<16xi32>], vector<16xf32>,
          %add3A_464 = arith.constant 16 : i32
          %add3A_465 = vector.broadcast %add3A_464 : i32 to vector<16xi32>
          %add3A_466 = arith.addi %add3A_465, %iota3A : vector<16xi32>
          %gather3A_467 = tpu.vector_load_idx %arg7[%broadcast_in_dim3A, %add3A_466] : memref<8x64xf32, #tpu.memory_space<vmem>>[vector<16xi32>, vector<16xi32>], vector<16xf32>,
          %add3A_468 = arith.constant 16 : i32
          %add3A_469 = vector.broadcast %add3A_468 : i32 to vector<16xi32>
          %add3A_470 = arith.addi %add3A_469, %iota3A : vector<16xi32>
          tpu.vector_store_idx %arg6[%broadcast_in_dim3A_457, %add3A_470], %gather3A_467 : memref<1000x64xf32, #tpu.memory_space<vmem>>[vector<16xi32>, vector<16xi32>], vector<16xf32>,
          %add3A_471 = arith.constant 32 : i32
          %add3A_472 = vector.broadcast %add3A_471 : i32 to vector<16xi32>
          %add3A_473 = arith.addi %add3A_472, %iota3A : vector<16xi32>
          %gather3A_474 = tpu.vector_load_idx %arg7[%broadcast_in_dim3A, %add3A_473] : memref<8x64xf32, #tpu.memory_space<vmem>>[vector<16xi32>, vector<16xi32>], vector<16xf32>,
          %add3A_475 = arith.constant 32 : i32
          %add3A_476 = vector.broadcast %add3A_475 : i32 to vector<16xi32>
          %add3A_477 = arith.addi %add3A_476, %iota3A : vector<16xi32>
          tpu.vector_store_idx %arg6[%broadcast_in_dim3A_457, %add3A_477], %gather3A_474 : memref<1000x64xf32, #tpu.memory_space<vmem>>[vector<16xi32>, vector<16xi32>], vector<16xf32>,
          %add3A_478 = arith.constant 48 : i32
          %add3A_479 = vector.broadcast %add3A_478 : i32 to vector<16xi32>
          %add3A_480 = arith.addi %add3A_479, %iota3A : vector<16xi32>
          %gather3A_481 = tpu.vector_load_idx %arg7[%broadcast_in_dim3A, %add3A_480] : memref<8x64xf32, #tpu.memory_space<vmem>>[vector<16xi32>, vector<16xi32>], vector<16xf32>,
          %add3A_482 = arith.constant 48 : i32
          %add3A_483 = vector.broadcast %add3A_482 : i32 to vector<16xi32>
          %add3A_484 = arith.addi %add3A_483, %iota3A : vector<16xi32>
          tpu.vector_store_idx %arg6[%broadcast_in_dim3A_457, %add3A_484], %gather3A_481 : memref<1000x64xf32, #tpu.memory_space<vmem>>[vector<16xi32>, vector<16xi32>], vector<16xf32>,
        } else {
        }
        %add3A_443 = arith.constant 5 : i32
        %add3A_444 = arith.addi %max3A_284, %add3A_443 : i32
        %lt3A_445 = arith.cmpi slt, %add3A_444, %min3A_396 : i32
        %convert_element_type3A_446 = arith.extui %lt3A_445 : i1 to i32
        %cond3A_447 = arith.constant 0 : i32
        %cond3A_448 = arith.cmpi ne, %convert_element_type3A_446, %cond3A_447 : i32
        scf.if %cond3A_448 {
          %sub3A_455 = arith.subi %add3A_444, %mul3A_410 : i32
          %broadcast_in_dim3A = vector.broadcast %sub3A_455 : i32 to vector<16xi32>
          %sub3A_456 = arith.subi %add3A_444, %mul3A_283 : i32
          %broadcast_in_dim3A_457 = vector.broadcast %sub3A_456 : i32 to vector<16xi32>
          %add3A_458 = arith.constant 0 : i32
          %add3A_459 = vector.broadcast %add3A_458 : i32 to vector<16xi32>
          %add3A_460 = arith.addi %add3A_459, %iota3A : vector<16xi32>
          %gather3A = tpu.vector_load_idx %arg7[%broadcast_in_dim3A, %add3A_460] : memref<8x64xf32, #tpu.memory_space<vmem>>[vector<16xi32>, vector<16xi32>], vector<16xf32>,
          %add3A_461 = arith.constant 0 : i32
          %add3A_462 = vector.broadcast %add3A_461 : i32 to vector<16xi32>
          %add3A_463 = arith.addi %add3A_462, %iota3A : vector<16xi32>
          tpu.vector_store_idx %arg6[%broadcast_in_dim3A_457, %add3A_463], %gather3A : memref<1000x64xf32, #tpu.memory_space<vmem>>[vector<16xi32>, vector<16xi32>], vector<16xf32>,
          %add3A_464 = arith.constant 16 : i32
          %add3A_465 = vector.broadcast %add3A_464 : i32 to vector<16xi32>
          %add3A_466 = arith.addi %add3A_465, %iota3A : vector<16xi32>
          %gather3A_467 = tpu.vector_load_idx %arg7[%broadcast_in_dim3A, %add3A_466] : memref<8x64xf32, #tpu.memory_space<vmem>>[vector<16xi32>, vector<16xi32>], vector<16xf32>,
          %add3A_468 = arith.constant 16 : i32
          %add3A_469 = vector.broadcast %add3A_468 : i32 to vector<16xi32>
          %add3A_470 = arith.addi %add3A_469, %iota3A : vector<16xi32>
          tpu.vector_store_idx %arg6[%broadcast_in_dim3A_457, %add3A_470], %gather3A_467 : memref<1000x64xf32, #tpu.memory_space<vmem>>[vector<16xi32>, vector<16xi32>], vector<16xf32>,
          %add3A_471 = arith.constant 32 : i32
          %add3A_472 = vector.broadcast %add3A_471 : i32 to vector<16xi32>
          %add3A_473 = arith.addi %add3A_472, %iota3A : vector<16xi32>
          %gather3A_474 = tpu.vector_load_idx %arg7[%broadcast_in_dim3A, %add3A_473] : memref<8x64xf32, #tpu.memory_space<vmem>>[vector<16xi32>, vector<16xi32>], vector<16xf32>,
          %add3A_475 = arith.constant 32 : i32
          %add3A_476 = vector.broadcast %add3A_475 : i32 to vector<16xi32>
          %add3A_477 = arith.addi %add3A_476, %iota3A : vector<16xi32>
          tpu.vector_store_idx %arg6[%broadcast_in_dim3A_457, %add3A_477], %gather3A_474 : memref<1000x64xf32, #tpu.memory_space<vmem>>[vector<16xi32>, vector<16xi32>], vector<16xf32>,
          %add3A_478 = arith.constant 48 : i32
          %add3A_479 = vector.broadcast %add3A_478 : i32 to vector<16xi32>
          %add3A_480 = arith.addi %add3A_479, %iota3A : vector<16xi32>
          %gather3A_481 = tpu.vector_load_idx %arg7[%broadcast_in_dim3A, %add3A_480] : memref<8x64xf32, #tpu.memory_space<vmem>>[vector<16xi32>, vector<16xi32>], vector<16xf32>,
          %add3A_482 = arith.constant 48 : i32
          %add3A_483 = vector.broadcast %add3A_482 : i32 to vector<16xi32>
          %add3A_484 = arith.addi %add3A_483, %iota3A : vector<16xi32>
          tpu.vector_store_idx %arg6[%broadcast_in_dim3A_457, %add3A_484], %gather3A_481 : memref<1000x64xf32, #tpu.memory_space<vmem>>[vector<16xi32>, vector<16xi32>], vector<16xf32>,
        } else {
        }
        %add3A_449 = arith.constant 6 : i32
        %add3A_450 = arith.addi %max3A_284, %add3A_449 : i32
        %lt3A_451 = arith.cmpi slt, %add3A_450, %min3A_396 : i32
        %convert_element_type3A_452 = arith.extui %lt3A_451 : i1 to i32
        %cond3A_453 = arith.constant 0 : i32
        %cond3A_454 = arith.cmpi ne, %convert_element_type3A_452, %cond3A_453 : i32
        scf.if %cond3A_454 {
          %sub3A_455 = arith.subi %add3A_450, %mul3A_410 : i32
          %broadcast_in_dim3A = vector.broadcast %sub3A_455 : i32 to vector<16xi32>
          %sub3A_456 = arith.subi %add3A_450, %mul3A_283 : i32
          %broadcast_in_dim3A_457 = vector.broadcast %sub3A_456 : i32 to vector<16xi32>
          %add3A_458 = arith.constant 0 : i32
          %add3A_459 = vector.broadcast %add3A_458 : i32 to vector<16xi32>
          %add3A_460 = arith.addi %add3A_459, %iota3A : vector<16xi32>
          %gather3A = tpu.vector_load_idx %arg7[%broadcast_in_dim3A, %add3A_460] : memref<8x64xf32, #tpu.memory_space<vmem>>[vector<16xi32>, vector<16xi32>], vector<16xf32>,
          %add3A_461 = arith.constant 0 : i32
          %add3A_462 = vector.broadcast %add3A_461 : i32 to vector<16xi32>
          %add3A_463 = arith.addi %add3A_462, %iota3A : vector<16xi32>
          tpu.vector_store_idx %arg6[%broadcast_in_dim3A_457, %add3A_463], %gather3A : memref<1000x64xf32, #tpu.memory_space<vmem>>[vector<16xi32>, vector<16xi32>], vector<16xf32>,
          %add3A_464 = arith.constant 16 : i32
          %add3A_465 = vector.broadcast %add3A_464 : i32 to vector<16xi32>
          %add3A_466 = arith.addi %add3A_465, %iota3A : vector<16xi32>
          %gather3A_467 = tpu.vector_load_idx %arg7[%broadcast_in_dim3A, %add3A_466] : memref<8x64xf32, #tpu.memory_space<vmem>>[vector<16xi32>, vector<16xi32>], vector<16xf32>,
          %add3A_468 = arith.constant 16 : i32
          %add3A_469 = vector.broadcast %add3A_468 : i32 to vector<16xi32>
          %add3A_470 = arith.addi %add3A_469, %iota3A : vector<16xi32>
          tpu.vector_store_idx %arg6[%broadcast_in_dim3A_457, %add3A_470], %gather3A_467 : memref<1000x64xf32, #tpu.memory_space<vmem>>[vector<16xi32>, vector<16xi32>], vector<16xf32>,
          %add3A_471 = arith.constant 32 : i32
          %add3A_472 = vector.broadcast %add3A_471 : i32 to vector<16xi32>
          %add3A_473 = arith.addi %add3A_472, %iota3A : vector<16xi32>
          %gather3A_474 = tpu.vector_load_idx %arg7[%broadcast_in_dim3A, %add3A_473] : memref<8x64xf32, #tpu.memory_space<vmem>>[vector<16xi32>, vector<16xi32>], vector<16xf32>,
          %add3A_475 = arith.constant 32 : i32
          %add3A_476 = vector.broadcast %add3A_475 : i32 to vector<16xi32>
          %add3A_477 = arith.addi %add3A_476, %iota3A : vector<16xi32>
          tpu.vector_store_idx %arg6[%broadcast_in_dim3A_457, %add3A_477], %gather3A_474 : memref<1000x64xf32, #tpu.memory_space<vmem>>[vector<16xi32>, vector<16xi32>], vector<16xf32>,
          %add3A_478 = arith.constant 48 : i32
          %add3A_479 = vector.broadcast %add3A_478 : i32 to vector<16xi32>
          %add3A_480 = arith.addi %add3A_479, %iota3A : vector<16xi32>
          %gather3A_481 = tpu.vector_load_idx %arg7[%broadcast_in_dim3A, %add3A_480] : memref<8x64xf32, #tpu.memory_space<vmem>>[vector<16xi32>, vector<16xi32>], vector<16xf32>,
          %add3A_482 = arith.constant 48 : i32
          %add3A_483 = vector.broadcast %add3A_482 : i32 to vector<16xi32>
          %add3A_484 = arith.addi %add3A_483, %iota3A : vector<16xi32>
          tpu.vector_store_idx %arg6[%broadcast_in_dim3A_457, %add3A_484], %gather3A_481 : memref<1000x64xf32, #tpu.memory_space<vmem>>[vector<16xi32>, vector<16xi32>], vector<16xf32>,
        } else {
        }
      } else {
      }
      %max3A_401 = arith.maxsi %mul3A_300, %max3A_284 : i32
      %gt3A_402 = arith.cmpi sgt, %min3A_288, %max3A_401 : i32
      %convert_element_type3A_403 = arith.extui %gt3A_402 : i1 to i32
      %cond3A_404 = arith.constant 0 : i32
      %cond3A_405 = arith.cmpi ne, %convert_element_type3A_403, %cond3A_404 : i32
      scf.if %cond3A_405 {
        %div3A_407 = arith.constant 8 : i32
        %div3A_408 = arith.divsi %max3A_401, %div3A_407 : i32
        %mul3A_409 = arith.constant 8 : i32
        %mul3A_410 = arith.muli %div3A_408, %mul3A_409 : i32
        %add3A_411 = arith.addi %sub3A_290, %mul3A_410 : i32
        %multiple_of3A_412 = tpu.assume_multiple %add3A_411, 8 : i32
        "tpu.region"() ({
          %run_scoped3A = tpu.sem_alloc : memref<!tpu.dma_semaphore, #tpu.memory_space<semaphore_mem>>
          %dma_start3A = arith.constant 0 : i32
          %dma_start3A_455 = tpu.memref_slice %arg3[%multiple_of3A_412, %dma_start3A] : memref<16392x64xf32, #tpu.memory_space<hbm>> -> memref<8x64xf32, #tpu.memory_space<hbm>>
          %dma_start3A_456 = arith.constant 0 : i32
          %dma_start3A_457 = tpu.memref_slice %arg3[%multiple_of3A_412, %dma_start3A_456] : memref<16392x64xf32, #tpu.memory_space<hbm>> -> memref<8x64xf32, #tpu.memory_space<hbm>>
          tpu.enqueue_dma source(%dma_start3A_457 : memref<8x64xf32, #tpu.memory_space<hbm>>) target(%arg7 : memref<8x64xf32, #tpu.memory_space<vmem>>) target_semaphore(%run_scoped3A : memref<!tpu.dma_semaphore, #tpu.memory_space<semaphore_mem>>)
          %dma_wait3A = arith.constant 0 : i32
          %dma_wait3A_458 = tpu.memref_slice %arg3[%multiple_of3A_412, %dma_wait3A] : memref<16392x64xf32, #tpu.memory_space<hbm>> -> memref<8x64xf32, #tpu.memory_space<hbm>>
          %dma_wait3A_459 = arith.constant 0 : i32
          %dma_wait3A_460 = tpu.memref_slice %arg3[%multiple_of3A_412, %dma_wait3A_459] : memref<16392x64xf32, #tpu.memory_space<hbm>> -> memref<8x64xf32, #tpu.memory_space<hbm>>
          tpu.wait_dma2 semaphore(%run_scoped3A : memref<!tpu.dma_semaphore, #tpu.memory_space<semaphore_mem>>) src(%dma_wait3A_460 : memref<8x64xf32, #tpu.memory_space<hbm>>) dst(%arg7 : memref<8x64xf32, #tpu.memory_space<vmem>>)
          tpu.yield
        }) : () -> ()
        %iota3A = tpu.iota {dimensions = array<i32: 0>} : vector<16xi32>
        %add3A_413 = arith.constant 0 : i32
        %add3A_414 = arith.addi %max3A_401, %add3A_413 : i32
        %lt3A_415 = arith.cmpi slt, %add3A_414, %min3A_288 : i32
        %convert_element_type3A_416 = arith.extui %lt3A_415 : i1 to i32
        %cond3A_417 = arith.constant 0 : i32
        %cond3A_418 = arith.cmpi ne, %convert_element_type3A_416, %cond3A_417 : i32
        scf.if %cond3A_418 {
          %sub3A_455 = arith.subi %add3A_414, %mul3A_410 : i32
          %broadcast_in_dim3A = vector.broadcast %sub3A_455 : i32 to vector<16xi32>
          %sub3A_456 = arith.subi %add3A_414, %mul3A_283 : i32
          %broadcast_in_dim3A_457 = vector.broadcast %sub3A_456 : i32 to vector<16xi32>
          %add3A_458 = arith.constant 0 : i32
          %add3A_459 = vector.broadcast %add3A_458 : i32 to vector<16xi32>
          %add3A_460 = arith.addi %add3A_459, %iota3A : vector<16xi32>
          %gather3A = tpu.vector_load_idx %arg7[%broadcast_in_dim3A, %add3A_460] : memref<8x64xf32, #tpu.memory_space<vmem>>[vector<16xi32>, vector<16xi32>], vector<16xf32>,
          %add3A_461 = arith.constant 0 : i32
          %add3A_462 = vector.broadcast %add3A_461 : i32 to vector<16xi32>
          %add3A_463 = arith.addi %add3A_462, %iota3A : vector<16xi32>
          tpu.vector_store_idx %arg6[%broadcast_in_dim3A_457, %add3A_463], %gather3A : memref<1000x64xf32, #tpu.memory_space<vmem>>[vector<16xi32>, vector<16xi32>], vector<16xf32>,
          %add3A_464 = arith.constant 16 : i32
          %add3A_465 = vector.broadcast %add3A_464 : i32 to vector<16xi32>
          %add3A_466 = arith.addi %add3A_465, %iota3A : vector<16xi32>
          %gather3A_467 = tpu.vector_load_idx %arg7[%broadcast_in_dim3A, %add3A_466] : memref<8x64xf32, #tpu.memory_space<vmem>>[vector<16xi32>, vector<16xi32>], vector<16xf32>,
          %add3A_468 = arith.constant 16 : i32
          %add3A_469 = vector.broadcast %add3A_468 : i32 to vector<16xi32>
          %add3A_470 = arith.addi %add3A_469, %iota3A : vector<16xi32>
          tpu.vector_store_idx %arg6[%broadcast_in_dim3A_457, %add3A_470], %gather3A_467 : memref<1000x64xf32, #tpu.memory_space<vmem>>[vector<16xi32>, vector<16xi32>], vector<16xf32>,
          %add3A_471 = arith.constant 32 : i32
          %add3A_472 = vector.broadcast %add3A_471 : i32 to vector<16xi32>
          %add3A_473 = arith.addi %add3A_472, %iota3A : vector<16xi32>
          %gather3A_474 = tpu.vector_load_idx %arg7[%broadcast_in_dim3A, %add3A_473] : memref<8x64xf32, #tpu.memory_space<vmem>>[vector<16xi32>, vector<16xi32>], vector<16xf32>,
          %add3A_475 = arith.constant 32 : i32
          %add3A_476 = vector.broadcast %add3A_475 : i32 to vector<16xi32>
          %add3A_477 = arith.addi %add3A_476, %iota3A : vector<16xi32>
          tpu.vector_store_idx %arg6[%broadcast_in_dim3A_457, %add3A_477], %gather3A_474 : memref<1000x64xf32, #tpu.memory_space<vmem>>[vector<16xi32>, vector<16xi32>], vector<16xf32>,
          %add3A_478 = arith.constant 48 : i32
          %add3A_479 = vector.broadcast %add3A_478 : i32 to vector<16xi32>
          %add3A_480 = arith.addi %add3A_479, %iota3A : vector<16xi32>
          %gather3A_481 = tpu.vector_load_idx %arg7[%broadcast_in_dim3A, %add3A_480] : memref<8x64xf32, #tpu.memory_space<vmem>>[vector<16xi32>, vector<16xi32>], vector<16xf32>,
          %add3A_482 = arith.constant 48 : i32
          %add3A_483 = vector.broadcast %add3A_482 : i32 to vector<16xi32>
          %add3A_484 = arith.addi %add3A_483, %iota3A : vector<16xi32>
          tpu.vector_store_idx %arg6[%broadcast_in_dim3A_457, %add3A_484], %gather3A_481 : memref<1000x64xf32, #tpu.memory_space<vmem>>[vector<16xi32>, vector<16xi32>], vector<16xf32>,
        } else {
        }
        %add3A_419 = arith.constant 1 : i32
        %add3A_420 = arith.addi %max3A_401, %add3A_419 : i32
        %lt3A_421 = arith.cmpi slt, %add3A_420, %min3A_288 : i32
        %convert_element_type3A_422 = arith.extui %lt3A_421 : i1 to i32
        %cond3A_423 = arith.constant 0 : i32
        %cond3A_424 = arith.cmpi ne, %convert_element_type3A_422, %cond3A_423 : i32
        scf.if %cond3A_424 {
          %sub3A_455 = arith.subi %add3A_420, %mul3A_410 : i32
          %broadcast_in_dim3A = vector.broadcast %sub3A_455 : i32 to vector<16xi32>
          %sub3A_456 = arith.subi %add3A_420, %mul3A_283 : i32
          %broadcast_in_dim3A_457 = vector.broadcast %sub3A_456 : i32 to vector<16xi32>
          %add3A_458 = arith.constant 0 : i32
          %add3A_459 = vector.broadcast %add3A_458 : i32 to vector<16xi32>
          %add3A_460 = arith.addi %add3A_459, %iota3A : vector<16xi32>
          %gather3A = tpu.vector_load_idx %arg7[%broadcast_in_dim3A, %add3A_460] : memref<8x64xf32, #tpu.memory_space<vmem>>[vector<16xi32>, vector<16xi32>], vector<16xf32>,
          %add3A_461 = arith.constant 0 : i32
          %add3A_462 = vector.broadcast %add3A_461 : i32 to vector<16xi32>
          %add3A_463 = arith.addi %add3A_462, %iota3A : vector<16xi32>
          tpu.vector_store_idx %arg6[%broadcast_in_dim3A_457, %add3A_463], %gather3A : memref<1000x64xf32, #tpu.memory_space<vmem>>[vector<16xi32>, vector<16xi32>], vector<16xf32>,
          %add3A_464 = arith.constant 16 : i32
          %add3A_465 = vector.broadcast %add3A_464 : i32 to vector<16xi32>
          %add3A_466 = arith.addi %add3A_465, %iota3A : vector<16xi32>
          %gather3A_467 = tpu.vector_load_idx %arg7[%broadcast_in_dim3A, %add3A_466] : memref<8x64xf32, #tpu.memory_space<vmem>>[vector<16xi32>, vector<16xi32>], vector<16xf32>,
          %add3A_468 = arith.constant 16 : i32
          %add3A_469 = vector.broadcast %add3A_468 : i32 to vector<16xi32>
          %add3A_470 = arith.addi %add3A_469, %iota3A : vector<16xi32>
          tpu.vector_store_idx %arg6[%broadcast_in_dim3A_457, %add3A_470], %gather3A_467 : memref<1000x64xf32, #tpu.memory_space<vmem>>[vector<16xi32>, vector<16xi32>], vector<16xf32>,
          %add3A_471 = arith.constant 32 : i32
          %add3A_472 = vector.broadcast %add3A_471 : i32 to vector<16xi32>
          %add3A_473 = arith.addi %add3A_472, %iota3A : vector<16xi32>
          %gather3A_474 = tpu.vector_load_idx %arg7[%broadcast_in_dim3A, %add3A_473] : memref<8x64xf32, #tpu.memory_space<vmem>>[vector<16xi32>, vector<16xi32>], vector<16xf32>,
          %add3A_475 = arith.constant 32 : i32
          %add3A_476 = vector.broadcast %add3A_475 : i32 to vector<16xi32>
          %add3A_477 = arith.addi %add3A_476, %iota3A : vector<16xi32>
          tpu.vector_store_idx %arg6[%broadcast_in_dim3A_457, %add3A_477], %gather3A_474 : memref<1000x64xf32, #tpu.memory_space<vmem>>[vector<16xi32>, vector<16xi32>], vector<16xf32>,
          %add3A_478 = arith.constant 48 : i32
          %add3A_479 = vector.broadcast %add3A_478 : i32 to vector<16xi32>
          %add3A_480 = arith.addi %add3A_479, %iota3A : vector<16xi32>
          %gather3A_481 = tpu.vector_load_idx %arg7[%broadcast_in_dim3A, %add3A_480] : memref<8x64xf32, #tpu.memory_space<vmem>>[vector<16xi32>, vector<16xi32>], vector<16xf32>,
          %add3A_482 = arith.constant 48 : i32
          %add3A_483 = vector.broadcast %add3A_482 : i32 to vector<16xi32>
          %add3A_484 = arith.addi %add3A_483, %iota3A : vector<16xi32>
          tpu.vector_store_idx %arg6[%broadcast_in_dim3A_457, %add3A_484], %gather3A_481 : memref<1000x64xf32, #tpu.memory_space<vmem>>[vector<16xi32>, vector<16xi32>], vector<16xf32>,
        } else {
        }
        %add3A_425 = arith.constant 2 : i32
        %add3A_426 = arith.addi %max3A_401, %add3A_425 : i32
        %lt3A_427 = arith.cmpi slt, %add3A_426, %min3A_288 : i32
        %convert_element_type3A_428 = arith.extui %lt3A_427 : i1 to i32
        %cond3A_429 = arith.constant 0 : i32
        %cond3A_430 = arith.cmpi ne, %convert_element_type3A_428, %cond3A_429 : i32
        scf.if %cond3A_430 {
          %sub3A_455 = arith.subi %add3A_426, %mul3A_410 : i32
          %broadcast_in_dim3A = vector.broadcast %sub3A_455 : i32 to vector<16xi32>
          %sub3A_456 = arith.subi %add3A_426, %mul3A_283 : i32
          %broadcast_in_dim3A_457 = vector.broadcast %sub3A_456 : i32 to vector<16xi32>
          %add3A_458 = arith.constant 0 : i32
          %add3A_459 = vector.broadcast %add3A_458 : i32 to vector<16xi32>
          %add3A_460 = arith.addi %add3A_459, %iota3A : vector<16xi32>
          %gather3A = tpu.vector_load_idx %arg7[%broadcast_in_dim3A, %add3A_460] : memref<8x64xf32, #tpu.memory_space<vmem>>[vector<16xi32>, vector<16xi32>], vector<16xf32>,
          %add3A_461 = arith.constant 0 : i32
          %add3A_462 = vector.broadcast %add3A_461 : i32 to vector<16xi32>
          %add3A_463 = arith.addi %add3A_462, %iota3A : vector<16xi32>
          tpu.vector_store_idx %arg6[%broadcast_in_dim3A_457, %add3A_463], %gather3A : memref<1000x64xf32, #tpu.memory_space<vmem>>[vector<16xi32>, vector<16xi32>], vector<16xf32>,
          %add3A_464 = arith.constant 16 : i32
          %add3A_465 = vector.broadcast %add3A_464 : i32 to vector<16xi32>
          %add3A_466 = arith.addi %add3A_465, %iota3A : vector<16xi32>
          %gather3A_467 = tpu.vector_load_idx %arg7[%broadcast_in_dim3A, %add3A_466] : memref<8x64xf32, #tpu.memory_space<vmem>>[vector<16xi32>, vector<16xi32>], vector<16xf32>,
          %add3A_468 = arith.constant 16 : i32
          %add3A_469 = vector.broadcast %add3A_468 : i32 to vector<16xi32>
          %add3A_470 = arith.addi %add3A_469, %iota3A : vector<16xi32>
          tpu.vector_store_idx %arg6[%broadcast_in_dim3A_457, %add3A_470], %gather3A_467 : memref<1000x64xf32, #tpu.memory_space<vmem>>[vector<16xi32>, vector<16xi32>], vector<16xf32>,
          %add3A_471 = arith.constant 32 : i32
          %add3A_472 = vector.broadcast %add3A_471 : i32 to vector<16xi32>
          %add3A_473 = arith.addi %add3A_472, %iota3A : vector<16xi32>
          %gather3A_474 = tpu.vector_load_idx %arg7[%broadcast_in_dim3A, %add3A_473] : memref<8x64xf32, #tpu.memory_space<vmem>>[vector<16xi32>, vector<16xi32>], vector<16xf32>,
          %add3A_475 = arith.constant 32 : i32
          %add3A_476 = vector.broadcast %add3A_475 : i32 to vector<16xi32>
          %add3A_477 = arith.addi %add3A_476, %iota3A : vector<16xi32>
          tpu.vector_store_idx %arg6[%broadcast_in_dim3A_457, %add3A_477], %gather3A_474 : memref<1000x64xf32, #tpu.memory_space<vmem>>[vector<16xi32>, vector<16xi32>], vector<16xf32>,
          %add3A_478 = arith.constant 48 : i32
          %add3A_479 = vector.broadcast %add3A_478 : i32 to vector<16xi32>
          %add3A_480 = arith.addi %add3A_479, %iota3A : vector<16xi32>
          %gather3A_481 = tpu.vector_load_idx %arg7[%broadcast_in_dim3A, %add3A_480] : memref<8x64xf32, #tpu.memory_space<vmem>>[vector<16xi32>, vector<16xi32>], vector<16xf32>,
          %add3A_482 = arith.constant 48 : i32
          %add3A_483 = vector.broadcast %add3A_482 : i32 to vector<16xi32>
          %add3A_484 = arith.addi %add3A_483, %iota3A : vector<16xi32>
          tpu.vector_store_idx %arg6[%broadcast_in_dim3A_457, %add3A_484], %gather3A_481 : memref<1000x64xf32, #tpu.memory_space<vmem>>[vector<16xi32>, vector<16xi32>], vector<16xf32>,
        } else {
        }
        %add3A_431 = arith.constant 3 : i32
        %add3A_432 = arith.addi %max3A_401, %add3A_431 : i32
        %lt3A_433 = arith.cmpi slt, %add3A_432, %min3A_288 : i32
        %convert_element_type3A_434 = arith.extui %lt3A_433 : i1 to i32
        %cond3A_435 = arith.constant 0 : i32
        %cond3A_436 = arith.cmpi ne, %convert_element_type3A_434, %cond3A_435 : i32
        scf.if %cond3A_436 {
          %sub3A_455 = arith.subi %add3A_432, %mul3A_410 : i32
          %broadcast_in_dim3A = vector.broadcast %sub3A_455 : i32 to vector<16xi32>
          %sub3A_456 = arith.subi %add3A_432, %mul3A_283 : i32
          %broadcast_in_dim3A_457 = vector.broadcast %sub3A_456 : i32 to vector<16xi32>
          %add3A_458 = arith.constant 0 : i32
          %add3A_459 = vector.broadcast %add3A_458 : i32 to vector<16xi32>
          %add3A_460 = arith.addi %add3A_459, %iota3A : vector<16xi32>
          %gather3A = tpu.vector_load_idx %arg7[%broadcast_in_dim3A, %add3A_460] : memref<8x64xf32, #tpu.memory_space<vmem>>[vector<16xi32>, vector<16xi32>], vector<16xf32>,
          %add3A_461 = arith.constant 0 : i32
          %add3A_462 = vector.broadcast %add3A_461 : i32 to vector<16xi32>
          %add3A_463 = arith.addi %add3A_462, %iota3A : vector<16xi32>
          tpu.vector_store_idx %arg6[%broadcast_in_dim3A_457, %add3A_463], %gather3A : memref<1000x64xf32, #tpu.memory_space<vmem>>[vector<16xi32>, vector<16xi32>], vector<16xf32>,
          %add3A_464 = arith.constant 16 : i32
          %add3A_465 = vector.broadcast %add3A_464 : i32 to vector<16xi32>
          %add3A_466 = arith.addi %add3A_465, %iota3A : vector<16xi32>
          %gather3A_467 = tpu.vector_load_idx %arg7[%broadcast_in_dim3A, %add3A_466] : memref<8x64xf32, #tpu.memory_space<vmem>>[vector<16xi32>, vector<16xi32>], vector<16xf32>,
          %add3A_468 = arith.constant 16 : i32
          %add3A_469 = vector.broadcast %add3A_468 : i32 to vector<16xi32>
          %add3A_470 = arith.addi %add3A_469, %iota3A : vector<16xi32>
          tpu.vector_store_idx %arg6[%broadcast_in_dim3A_457, %add3A_470], %gather3A_467 : memref<1000x64xf32, #tpu.memory_space<vmem>>[vector<16xi32>, vector<16xi32>], vector<16xf32>,
          %add3A_471 = arith.constant 32 : i32
          %add3A_472 = vector.broadcast %add3A_471 : i32 to vector<16xi32>
          %add3A_473 = arith.addi %add3A_472, %iota3A : vector<16xi32>
          %gather3A_474 = tpu.vector_load_idx %arg7[%broadcast_in_dim3A, %add3A_473] : memref<8x64xf32, #tpu.memory_space<vmem>>[vector<16xi32>, vector<16xi32>], vector<16xf32>,
          %add3A_475 = arith.constant 32 : i32
          %add3A_476 = vector.broadcast %add3A_475 : i32 to vector<16xi32>
          %add3A_477 = arith.addi %add3A_476, %iota3A : vector<16xi32>
          tpu.vector_store_idx %arg6[%broadcast_in_dim3A_457, %add3A_477], %gather3A_474 : memref<1000x64xf32, #tpu.memory_space<vmem>>[vector<16xi32>, vector<16xi32>], vector<16xf32>,
          %add3A_478 = arith.constant 48 : i32
          %add3A_479 = vector.broadcast %add3A_478 : i32 to vector<16xi32>
          %add3A_480 = arith.addi %add3A_479, %iota3A : vector<16xi32>
          %gather3A_481 = tpu.vector_load_idx %arg7[%broadcast_in_dim3A, %add3A_480] : memref<8x64xf32, #tpu.memory_space<vmem>>[vector<16xi32>, vector<16xi32>], vector<16xf32>,
          %add3A_482 = arith.constant 48 : i32
          %add3A_483 = vector.broadcast %add3A_482 : i32 to vector<16xi32>
          %add3A_484 = arith.addi %add3A_483, %iota3A : vector<16xi32>
          tpu.vector_store_idx %arg6[%broadcast_in_dim3A_457, %add3A_484], %gather3A_481 : memref<1000x64xf32, #tpu.memory_space<vmem>>[vector<16xi32>, vector<16xi32>], vector<16xf32>,
        } else {
        }
        %add3A_437 = arith.constant 4 : i32
        %add3A_438 = arith.addi %max3A_401, %add3A_437 : i32
        %lt3A_439 = arith.cmpi slt, %add3A_438, %min3A_288 : i32
        %convert_element_type3A_440 = arith.extui %lt3A_439 : i1 to i32
        %cond3A_441 = arith.constant 0 : i32
        %cond3A_442 = arith.cmpi ne, %convert_element_type3A_440, %cond3A_441 : i32
        scf.if %cond3A_442 {
          %sub3A_455 = arith.subi %add3A_438, %mul3A_410 : i32
          %broadcast_in_dim3A = vector.broadcast %sub3A_455 : i32 to vector<16xi32>
          %sub3A_456 = arith.subi %add3A_438, %mul3A_283 : i32
          %broadcast_in_dim3A_457 = vector.broadcast %sub3A_456 : i32 to vector<16xi32>
          %add3A_458 = arith.constant 0 : i32
          %add3A_459 = vector.broadcast %add3A_458 : i32 to vector<16xi32>
          %add3A_460 = arith.addi %add3A_459, %iota3A : vector<16xi32>
          %gather3A = tpu.vector_load_idx %arg7[%broadcast_in_dim3A, %add3A_460] : memref<8x64xf32, #tpu.memory_space<vmem>>[vector<16xi32>, vector<16xi32>], vector<16xf32>,
          %add3A_461 = arith.constant 0 : i32
          %add3A_462 = vector.broadcast %add3A_461 : i32 to vector<16xi32>
          %add3A_463 = arith.addi %add3A_462, %iota3A : vector<16xi32>
          tpu.vector_store_idx %arg6[%broadcast_in_dim3A_457, %add3A_463], %gather3A : memref<1000x64xf32, #tpu.memory_space<vmem>>[vector<16xi32>, vector<16xi32>], vector<16xf32>,
          %add3A_464 = arith.constant 16 : i32
          %add3A_465 = vector.broadcast %add3A_464 : i32 to vector<16xi32>
          %add3A_466 = arith.addi %add3A_465, %iota3A : vector<16xi32>
          %gather3A_467 = tpu.vector_load_idx %arg7[%broadcast_in_dim3A, %add3A_466] : memref<8x64xf32, #tpu.memory_space<vmem>>[vector<16xi32>, vector<16xi32>], vector<16xf32>,
          %add3A_468 = arith.constant 16 : i32
          %add3A_469 = vector.broadcast %add3A_468 : i32 to vector<16xi32>
          %add3A_470 = arith.addi %add3A_469, %iota3A : vector<16xi32>
          tpu.vector_store_idx %arg6[%broadcast_in_dim3A_457, %add3A_470], %gather3A_467 : memref<1000x64xf32, #tpu.memory_space<vmem>>[vector<16xi32>, vector<16xi32>], vector<16xf32>,
          %add3A_471 = arith.constant 32 : i32
          %add3A_472 = vector.broadcast %add3A_471 : i32 to vector<16xi32>
          %add3A_473 = arith.addi %add3A_472, %iota3A : vector<16xi32>
          %gather3A_474 = tpu.vector_load_idx %arg7[%broadcast_in_dim3A, %add3A_473] : memref<8x64xf32, #tpu.memory_space<vmem>>[vector<16xi32>, vector<16xi32>], vector<16xf32>,
          %add3A_475 = arith.constant 32 : i32
          %add3A_476 = vector.broadcast %add3A_475 : i32 to vector<16xi32>
          %add3A_477 = arith.addi %add3A_476, %iota3A : vector<16xi32>
          tpu.vector_store_idx %arg6[%broadcast_in_dim3A_457, %add3A_477], %gather3A_474 : memref<1000x64xf32, #tpu.memory_space<vmem>>[vector<16xi32>, vector<16xi32>], vector<16xf32>,
          %add3A_478 = arith.constant 48 : i32
          %add3A_479 = vector.broadcast %add3A_478 : i32 to vector<16xi32>
          %add3A_480 = arith.addi %add3A_479, %iota3A : vector<16xi32>
          %gather3A_481 = tpu.vector_load_idx %arg7[%broadcast_in_dim3A, %add3A_480] : memref<8x64xf32, #tpu.memory_space<vmem>>[vector<16xi32>, vector<16xi32>], vector<16xf32>,
          %add3A_482 = arith.constant 48 : i32
          %add3A_483 = vector.broadcast %add3A_482 : i32 to vector<16xi32>
          %add3A_484 = arith.addi %add3A_483, %iota3A : vector<16xi32>
          tpu.vector_store_idx %arg6[%broadcast_in_dim3A_457, %add3A_484], %gather3A_481 : memref<1000x64xf32, #tpu.memory_space<vmem>>[vector<16xi32>, vector<16xi32>], vector<16xf32>,
        } else {
        }
        %add3A_443 = arith.constant 5 : i32
        %add3A_444 = arith.addi %max3A_401, %add3A_443 : i32
        %lt3A_445 = arith.cmpi slt, %add3A_444, %min3A_288 : i32
        %convert_element_type3A_446 = arith.extui %lt3A_445 : i1 to i32
        %cond3A_447 = arith.constant 0 : i32
        %cond3A_448 = arith.cmpi ne, %convert_element_type3A_446, %cond3A_447 : i32
        scf.if %cond3A_448 {
          %sub3A_455 = arith.subi %add3A_444, %mul3A_410 : i32
          %broadcast_in_dim3A = vector.broadcast %sub3A_455 : i32 to vector<16xi32>
          %sub3A_456 = arith.subi %add3A_444, %mul3A_283 : i32
          %broadcast_in_dim3A_457 = vector.broadcast %sub3A_456 : i32 to vector<16xi32>
          %add3A_458 = arith.constant 0 : i32
          %add3A_459 = vector.broadcast %add3A_458 : i32 to vector<16xi32>
          %add3A_460 = arith.addi %add3A_459, %iota3A : vector<16xi32>
          %gather3A = tpu.vector_load_idx %arg7[%broadcast_in_dim3A, %add3A_460] : memref<8x64xf32, #tpu.memory_space<vmem>>[vector<16xi32>, vector<16xi32>], vector<16xf32>,
          %add3A_461 = arith.constant 0 : i32
          %add3A_462 = vector.broadcast %add3A_461 : i32 to vector<16xi32>
          %add3A_463 = arith.addi %add3A_462, %iota3A : vector<16xi32>
          tpu.vector_store_idx %arg6[%broadcast_in_dim3A_457, %add3A_463], %gather3A : memref<1000x64xf32, #tpu.memory_space<vmem>>[vector<16xi32>, vector<16xi32>], vector<16xf32>,
          %add3A_464 = arith.constant 16 : i32
          %add3A_465 = vector.broadcast %add3A_464 : i32 to vector<16xi32>
          %add3A_466 = arith.addi %add3A_465, %iota3A : vector<16xi32>
          %gather3A_467 = tpu.vector_load_idx %arg7[%broadcast_in_dim3A, %add3A_466] : memref<8x64xf32, #tpu.memory_space<vmem>>[vector<16xi32>, vector<16xi32>], vector<16xf32>,
          %add3A_468 = arith.constant 16 : i32
          %add3A_469 = vector.broadcast %add3A_468 : i32 to vector<16xi32>
          %add3A_470 = arith.addi %add3A_469, %iota3A : vector<16xi32>
          tpu.vector_store_idx %arg6[%broadcast_in_dim3A_457, %add3A_470], %gather3A_467 : memref<1000x64xf32, #tpu.memory_space<vmem>>[vector<16xi32>, vector<16xi32>], vector<16xf32>,
          %add3A_471 = arith.constant 32 : i32
          %add3A_472 = vector.broadcast %add3A_471 : i32 to vector<16xi32>
          %add3A_473 = arith.addi %add3A_472, %iota3A : vector<16xi32>
          %gather3A_474 = tpu.vector_load_idx %arg7[%broadcast_in_dim3A, %add3A_473] : memref<8x64xf32, #tpu.memory_space<vmem>>[vector<16xi32>, vector<16xi32>], vector<16xf32>,
          %add3A_475 = arith.constant 32 : i32
          %add3A_476 = vector.broadcast %add3A_475 : i32 to vector<16xi32>
          %add3A_477 = arith.addi %add3A_476, %iota3A : vector<16xi32>
          tpu.vector_store_idx %arg6[%broadcast_in_dim3A_457, %add3A_477], %gather3A_474 : memref<1000x64xf32, #tpu.memory_space<vmem>>[vector<16xi32>, vector<16xi32>], vector<16xf32>,
          %add3A_478 = arith.constant 48 : i32
          %add3A_479 = vector.broadcast %add3A_478 : i32 to vector<16xi32>
          %add3A_480 = arith.addi %add3A_479, %iota3A : vector<16xi32>
          %gather3A_481 = tpu.vector_load_idx %arg7[%broadcast_in_dim3A, %add3A_480] : memref<8x64xf32, #tpu.memory_space<vmem>>[vector<16xi32>, vector<16xi32>], vector<16xf32>,
          %add3A_482 = arith.constant 48 : i32
          %add3A_483 = vector.broadcast %add3A_482 : i32 to vector<16xi32>
          %add3A_484 = arith.addi %add3A_483, %iota3A : vector<16xi32>
          tpu.vector_store_idx %arg6[%broadcast_in_dim3A_457, %add3A_484], %gather3A_481 : memref<1000x64xf32, #tpu.memory_space<vmem>>[vector<16xi32>, vector<16xi32>], vector<16xf32>,
        } else {
        }
        %add3A_449 = arith.constant 6 : i32
        %add3A_450 = arith.addi %max3A_401, %add3A_449 : i32
        %lt3A_451 = arith.cmpi slt, %add3A_450, %min3A_288 : i32
        %convert_element_type3A_452 = arith.extui %lt3A_451 : i1 to i32
        %cond3A_453 = arith.constant 0 : i32
        %cond3A_454 = arith.cmpi ne, %convert_element_type3A_452, %cond3A_453 : i32
        scf.if %cond3A_454 {
          %sub3A_455 = arith.subi %add3A_450, %mul3A_410 : i32
          %broadcast_in_dim3A = vector.broadcast %sub3A_455 : i32 to vector<16xi32>
          %sub3A_456 = arith.subi %add3A_450, %mul3A_283 : i32
          %broadcast_in_dim3A_457 = vector.broadcast %sub3A_456 : i32 to vector<16xi32>
          %add3A_458 = arith.constant 0 : i32
          %add3A_459 = vector.broadcast %add3A_458 : i32 to vector<16xi32>
          %add3A_460 = arith.addi %add3A_459, %iota3A : vector<16xi32>
          %gather3A = tpu.vector_load_idx %arg7[%broadcast_in_dim3A, %add3A_460] : memref<8x64xf32, #tpu.memory_space<vmem>>[vector<16xi32>, vector<16xi32>], vector<16xf32>,
          %add3A_461 = arith.constant 0 : i32
          %add3A_462 = vector.broadcast %add3A_461 : i32 to vector<16xi32>
          %add3A_463 = arith.addi %add3A_462, %iota3A : vector<16xi32>
          tpu.vector_store_idx %arg6[%broadcast_in_dim3A_457, %add3A_463], %gather3A : memref<1000x64xf32, #tpu.memory_space<vmem>>[vector<16xi32>, vector<16xi32>], vector<16xf32>,
          %add3A_464 = arith.constant 16 : i32
          %add3A_465 = vector.broadcast %add3A_464 : i32 to vector<16xi32>
          %add3A_466 = arith.addi %add3A_465, %iota3A : vector<16xi32>
          %gather3A_467 = tpu.vector_load_idx %arg7[%broadcast_in_dim3A, %add3A_466] : memref<8x64xf32, #tpu.memory_space<vmem>>[vector<16xi32>, vector<16xi32>], vector<16xf32>,
          %add3A_468 = arith.constant 16 : i32
          %add3A_469 = vector.broadcast %add3A_468 : i32 to vector<16xi32>
          %add3A_470 = arith.addi %add3A_469, %iota3A : vector<16xi32>
          tpu.vector_store_idx %arg6[%broadcast_in_dim3A_457, %add3A_470], %gather3A_467 : memref<1000x64xf32, #tpu.memory_space<vmem>>[vector<16xi32>, vector<16xi32>], vector<16xf32>,
          %add3A_471 = arith.constant 32 : i32
          %add3A_472 = vector.broadcast %add3A_471 : i32 to vector<16xi32>
          %add3A_473 = arith.addi %add3A_472, %iota3A : vector<16xi32>
          %gather3A_474 = tpu.vector_load_idx %arg7[%broadcast_in_dim3A, %add3A_473] : memref<8x64xf32, #tpu.memory_space<vmem>>[vector<16xi32>, vector<16xi32>], vector<16xf32>,
          %add3A_475 = arith.constant 32 : i32
          %add3A_476 = vector.broadcast %add3A_475 : i32 to vector<16xi32>
          %add3A_477 = arith.addi %add3A_476, %iota3A : vector<16xi32>
          tpu.vector_store_idx %arg6[%broadcast_in_dim3A_457, %add3A_477], %gather3A_474 : memref<1000x64xf32, #tpu.memory_space<vmem>>[vector<16xi32>, vector<16xi32>], vector<16xf32>,
          %add3A_478 = arith.constant 48 : i32
          %add3A_479 = vector.broadcast %add3A_478 : i32 to vector<16xi32>
          %add3A_480 = arith.addi %add3A_479, %iota3A : vector<16xi32>
          %gather3A_481 = tpu.vector_load_idx %arg7[%broadcast_in_dim3A, %add3A_480] : memref<8x64xf32, #tpu.memory_space<vmem>>[vector<16xi32>, vector<16xi32>], vector<16xf32>,
          %add3A_482 = arith.constant 48 : i32
          %add3A_483 = vector.broadcast %add3A_482 : i32 to vector<16xi32>
          %add3A_484 = arith.addi %add3A_483, %iota3A : vector<16xi32>
          tpu.vector_store_idx %arg6[%broadcast_in_dim3A_457, %add3A_484], %gather3A_481 : memref<1000x64xf32, #tpu.memory_space<vmem>>[vector<16xi32>, vector<16xi32>], vector<16xf32>,
        } else {
        }
      } else {
      }
      %multiple_of3A_406 = tpu.assume_multiple %mul3A_283, 8 : i32
      "tpu.region"() ({
        %run_scoped3A = tpu.sem_alloc : memref<!tpu.dma_semaphore, #tpu.memory_space<semaphore_mem>>
        %dma_start3A = arith.constant 0 : i32
        %dma_start3A_407 = tpu.memref_slice %arg5[%multiple_of3A_406, %dma_start3A] : memref<1000000x64xf32, #tpu.memory_space<hbm>> -> memref<1000x64xf32, #tpu.memory_space<hbm>>
        %dma_start3A_408 = arith.constant 0 : i32
        %dma_start3A_409 = tpu.memref_slice %arg5[%multiple_of3A_406, %dma_start3A_408] : memref<1000000x64xf32, #tpu.memory_space<hbm>> -> memref<1000x64xf32, #tpu.memory_space<hbm>>
        tpu.enqueue_dma source(%arg6 : memref<1000x64xf32, #tpu.memory_space<vmem>>) target(%dma_start3A_409 : memref<1000x64xf32, #tpu.memory_space<hbm>>) target_semaphore(%run_scoped3A : memref<!tpu.dma_semaphore, #tpu.memory_space<semaphore_mem>>)
        %dma_wait3A = arith.constant 0 : i32
        %dma_wait3A_410 = tpu.memref_slice %arg5[%multiple_of3A_406, %dma_wait3A] : memref<1000000x64xf32, #tpu.memory_space<hbm>> -> memref<1000x64xf32, #tpu.memory_space<hbm>>
        %dma_wait3A_411 = arith.constant 0 : i32
        %dma_wait3A_412 = tpu.memref_slice %arg5[%multiple_of3A_406, %dma_wait3A_411] : memref<1000000x64xf32, #tpu.memory_space<hbm>> -> memref<1000x64xf32, #tpu.memory_space<hbm>>
        tpu.wait_dma2 semaphore(%run_scoped3A : memref<!tpu.dma_semaphore, #tpu.memory_space<semaphore_mem>>) src(%arg6 : memref<1000x64xf32, #tpu.memory_space<vmem>>) dst(%dma_wait3A_412 : memref<1000x64xf32, #tpu.memory_space<hbm>>)
        tpu.yield
      }) : () -> ()
    } else {
    }
    %sub3A_253 = arith.constant 16384 : i32
    %sub3A_254 = arith.subi %sub3A_253, %min3A_232 : i32
    %div3A_255 = arith.constant 0 : i32
    %div3A_256 = arith.constant 1000 : i32
    %div3A_257 = arith.divsi %div3A_255, %div3A_256 : i32
    %max3A_258 = arith.constant 1 : i32
    %max3A_259 = arith.maxsi %sub3A_254, %max3A_258 : i32
    %add3A_260 = arith.constant 0 : i32
    %add3A_261 = arith.addi %add3A_260, %max3A_259 : i32
    %sub3A_262 = arith.constant 1 : i32
    %sub3A_263 = arith.subi %add3A_261, %sub3A_262 : i32
    %div3A_264 = arith.constant 1000 : i32
    %div3A_265 = arith.divsi %sub3A_263, %div3A_264 : i32
    %sub3A_266 = arith.subi %add3A, %div3A_257 : i32
    %rem3A_267 = arith.constant 32 : i32
    %rem3A_268 = arith.remsi %sub3A_266, %rem3A_267 : i32
    %add3A_269 = arith.constant 32 : i32
    %add3A_270 = arith.addi %rem3A_268, %add3A_269 : i32
    %rem3A_271 = arith.constant 32 : i32
    %rem3A_272 = arith.remsi %add3A_270, %rem3A_271 : i32
    %add3A_273 = arith.addi %div3A_257, %rem3A_272 : i32
    %gt3A_274 = arith.constant 0 : i32
    %gt3A_275 = arith.cmpi sgt, %sub3A_254, %gt3A_274 : i32
    %le3A_276 = arith.cmpi sle, %add3A_273, %div3A_265 : i32
    %and3A_277 = arith.andi %gt3A_275, %le3A_276 : i1
    %convert_element_type3A_278 = arith.extui %and3A_277 : i1 to i32
    %cond3A_279 = arith.constant 0 : i32
    %cond3A_280 = arith.constant 0 : i32
    %cond3A_281 = arith.cmpi ne, %convert_element_type3A_278, %cond3A_280 : i32
    scf.if %cond3A_281 {
      %mul3A_282 = arith.constant 1000 : i32
      %mul3A_283 = arith.muli %add3A_273, %mul3A_282 : i32
      %multiple_of3A = tpu.assume_multiple %mul3A_283, 8 : i32
      "tpu.region"() ({
        %run_scoped3A = tpu.sem_alloc : memref<!tpu.dma_semaphore, #tpu.memory_space<semaphore_mem>>
        %dma_start3A = arith.constant 0 : i32
        %dma_start3A_407 = tpu.memref_slice %arg5[%multiple_of3A, %dma_start3A] : memref<1000000x64xf32, #tpu.memory_space<hbm>> -> memref<1000x64xf32, #tpu.memory_space<hbm>>
        %dma_start3A_408 = arith.constant 0 : i32
        %dma_start3A_409 = tpu.memref_slice %arg5[%multiple_of3A, %dma_start3A_408] : memref<1000000x64xf32, #tpu.memory_space<hbm>> -> memref<1000x64xf32, #tpu.memory_space<hbm>>
        tpu.enqueue_dma source(%dma_start3A_409 : memref<1000x64xf32, #tpu.memory_space<hbm>>) target(%arg6 : memref<1000x64xf32, #tpu.memory_space<vmem>>) target_semaphore(%run_scoped3A : memref<!tpu.dma_semaphore, #tpu.memory_space<semaphore_mem>>)
        %dma_wait3A = arith.constant 0 : i32
        %dma_wait3A_410 = tpu.memref_slice %arg5[%multiple_of3A, %dma_wait3A] : memref<1000000x64xf32, #tpu.memory_space<hbm>> -> memref<1000x64xf32, #tpu.memory_space<hbm>>
        %dma_wait3A_411 = arith.constant 0 : i32
        %dma_wait3A_412 = tpu.memref_slice %arg5[%multiple_of3A, %dma_wait3A_411] : memref<1000000x64xf32, #tpu.memory_space<hbm>> -> memref<1000x64xf32, #tpu.memory_space<hbm>>
        tpu.wait_dma2 semaphore(%run_scoped3A : memref<!tpu.dma_semaphore, #tpu.memory_space<semaphore_mem>>) src(%dma_wait3A_412 : memref<1000x64xf32, #tpu.memory_space<hbm>>) dst(%arg6 : memref<1000x64xf32, #tpu.memory_space<vmem>>)
        tpu.yield
      }) : () -> ()
      %max3A_284 = arith.maxsi %cond3A_279, %mul3A_283 : i32
      %add3A_285 = arith.addi %cond3A_279, %sub3A_254 : i32
      %add3A_286 = arith.constant 1000 : i32
      %add3A_287 = arith.addi %mul3A_283, %add3A_286 : i32
      %min3A_288 = arith.minsi %add3A_285, %add3A_287 : i32
      %add3A_289 = arith.addi %min3A_232, %rem3A_230 : i32
      %sub3A_290 = arith.subi %add3A_289, %cond3A_279 : i32
      %add3A_291 = arith.constant 7 : i32
      %add3A_292 = arith.addi %max3A_284, %add3A_291 : i32
      %div3A_293 = arith.constant 8 : i32
      %div3A_294 = arith.divsi %add3A_292, %div3A_293 : i32
      %mul3A_295 = arith.constant 8 : i32
      %mul3A_296 = arith.muli %div3A_294, %mul3A_295 : i32
      %div3A_297 = arith.constant 8 : i32
      %div3A_298 = arith.divsi %min3A_288, %div3A_297 : i32
      %mul3A_299 = arith.constant 8 : i32
      %mul3A_300 = arith.muli %div3A_298, %mul3A_299 : i32
      %sub3A_301 = arith.subi %mul3A_300, %mul3A_296 : i32
      %max3A_302 = arith.constant 0 : i32
      %max3A_303 = arith.maxsi %sub3A_301, %max3A_302 : i32
      %div3A_304 = arith.constant 8 : i32
      %div3A_305 = arith.divsi %max3A_303, %div3A_304 : i32
      %div3A_306 = arith.constant 64 : i32
      %div3A_307 = arith.divsi %div3A_305, %div3A_306 : i32
      %rem3A_308 = arith.constant 2 : i32
      %rem3A_309 = arith.remsi %div3A_307, %rem3A_308 : i32
      %eq3A = arith.constant 1 : i32
      %eq3A_310 = arith.cmpi eq, %rem3A_309, %eq3A : i32
      %convert_element_type3A_311 = arith.extui %eq3A_310 : i1 to i32
      %cond3A_312 = arith.constant 0 : i32
      %cond3A_313 = arith.constant 0 : i32
      %cond3A_314 = arith.cmpi ne, %convert_element_type3A_311, %cond3A_313 : i32
      scf.if %cond3A_314 {
        %add3A_407 = arith.addi %sub3A_290, %mul3A_296 : i32
        %add3A_408 = arith.addi %add3A_407, %cond3A_312 : i32
        %multiple_of3A_409 = tpu.assume_multiple %add3A_408, 8 : i32
        %sub3A_410 = arith.subi %mul3A_296, %mul3A_283 : i32
        %add3A_411 = arith.addi %sub3A_410, %cond3A_312 : i32
        %multiple_of3A_412 = tpu.assume_multiple %add3A_411, 8 : i32
        "tpu.region"() ({
          %run_scoped3A = tpu.sem_alloc : memref<!tpu.dma_semaphore, #tpu.memory_space<semaphore_mem>>
          %dma_start3A = arith.constant 0 : i32
          %dma_start3A_413 = tpu.memref_slice %arg6[%multiple_of3A_412, %dma_start3A] : memref<1000x64xf32, #tpu.memory_space<vmem>> -> memref<512x64xf32, #tpu.memory_space<vmem>>
          %dma_start3A_414 = arith.constant 0 : i32
          %dma_start3A_415 = tpu.memref_slice %arg3[%multiple_of3A_409, %dma_start3A_414] : memref<16392x64xf32, #tpu.memory_space<hbm>> -> memref<512x64xf32, #tpu.memory_space<hbm>>
          %dma_start3A_416 = arith.constant 0 : i32
          %dma_start3A_417 = tpu.memref_slice %arg6[%multiple_of3A_412, %dma_start3A_416] : memref<1000x64xf32, #tpu.memory_space<vmem>> -> memref<512x64xf32, #tpu.memory_space<vmem>>
          %dma_start3A_418 = arith.constant 0 : i32
          %dma_start3A_419 = tpu.memref_slice %arg3[%multiple_of3A_409, %dma_start3A_418] : memref<16392x64xf32, #tpu.memory_space<hbm>> -> memref<512x64xf32, #tpu.memory_space<hbm>>
          tpu.enqueue_dma source(%dma_start3A_419 : memref<512x64xf32, #tpu.memory_space<hbm>>) target(%dma_start3A_417 : memref<512x64xf32, #tpu.memory_space<vmem>>) target_semaphore(%run_scoped3A : memref<!tpu.dma_semaphore, #tpu.memory_space<semaphore_mem>>)
          %dma_wait3A = arith.constant 0 : i32
          %dma_wait3A_420 = tpu.memref_slice %arg6[%multiple_of3A_412, %dma_wait3A] : memref<1000x64xf32, #tpu.memory_space<vmem>> -> memref<512x64xf32, #tpu.memory_space<vmem>>
          %dma_wait3A_421 = arith.constant 0 : i32
          %dma_wait3A_422 = tpu.memref_slice %arg3[%multiple_of3A_409, %dma_wait3A_421] : memref<16392x64xf32, #tpu.memory_space<hbm>> -> memref<512x64xf32, #tpu.memory_space<hbm>>
          %dma_wait3A_423 = arith.constant 0 : i32
          %dma_wait3A_424 = tpu.memref_slice %arg6[%multiple_of3A_412, %dma_wait3A_423] : memref<1000x64xf32, #tpu.memory_space<vmem>> -> memref<512x64xf32, #tpu.memory_space<vmem>>
          %dma_wait3A_425 = arith.constant 0 : i32
          %dma_wait3A_426 = tpu.memref_slice %arg3[%multiple_of3A_409, %dma_wait3A_425] : memref<16392x64xf32, #tpu.memory_space<hbm>> -> memref<512x64xf32, #tpu.memory_space<hbm>>
          tpu.wait_dma2 semaphore(%run_scoped3A : memref<!tpu.dma_semaphore, #tpu.memory_space<semaphore_mem>>) src(%dma_wait3A_426 : memref<512x64xf32, #tpu.memory_space<hbm>>) dst(%dma_wait3A_424 : memref<512x64xf32, #tpu.memory_space<vmem>>)
          tpu.yield
        }) : () -> ()
      } else {
      }
      %jit3A = arith.constant 512 : i32
      %jit3A_315 = arith.constant 0 : i32
      %select_n3A = arith.select %eq3A_310, %jit3A, %jit3A_315 : i32
      %add3A_316 = arith.constant 0 : i32
      %add3A_317 = arith.addi %add3A_316, %select_n3A : i32
      %div3A_318 = arith.constant 32 : i32
      %div3A_319 = arith.divsi %div3A_305, %div3A_318 : i32
      %rem3A_320 = arith.constant 2 : i32
      %rem3A_321 = arith.remsi %div3A_319, %rem3A_320 : i32
      %eq3A_322 = arith.constant 1 : i32
      %eq3A_323 = arith.cmpi eq, %rem3A_321, %eq3A_322 : i32
      %convert_element_type3A_324 = arith.extui %eq3A_323 : i1 to i32
      %cond3A_325 = arith.constant 0 : i32
      %cond3A_326 = arith.cmpi ne, %convert_element_type3A_324, %cond3A_325 : i32
      scf.if %cond3A_326 {
        %add3A_407 = arith.addi %sub3A_290, %mul3A_296 : i32
        %add3A_408 = arith.addi %add3A_407, %add3A_317 : i32
        %multiple_of3A_409 = tpu.assume_multiple %add3A_408, 8 : i32
        %sub3A_410 = arith.subi %mul3A_296, %mul3A_283 : i32
        %add3A_411 = arith.addi %sub3A_410, %add3A_317 : i32
        %multiple_of3A_412 = tpu.assume_multiple %add3A_411, 8 : i32
        "tpu.region"() ({
          %run_scoped3A = tpu.sem_alloc : memref<!tpu.dma_semaphore, #tpu.memory_space<semaphore_mem>>
          %dma_start3A = arith.constant 0 : i32
          %dma_start3A_413 = tpu.memref_slice %arg6[%multiple_of3A_412, %dma_start3A] : memref<1000x64xf32, #tpu.memory_space<vmem>> -> memref<256x64xf32, #tpu.memory_space<vmem>>
          %dma_start3A_414 = arith.constant 0 : i32
          %dma_start3A_415 = tpu.memref_slice %arg3[%multiple_of3A_409, %dma_start3A_414] : memref<16392x64xf32, #tpu.memory_space<hbm>> -> memref<256x64xf32, #tpu.memory_space<hbm>>
          %dma_start3A_416 = arith.constant 0 : i32
          %dma_start3A_417 = tpu.memref_slice %arg6[%multiple_of3A_412, %dma_start3A_416] : memref<1000x64xf32, #tpu.memory_space<vmem>> -> memref<256x64xf32, #tpu.memory_space<vmem>>
          %dma_start3A_418 = arith.constant 0 : i32
          %dma_start3A_419 = tpu.memref_slice %arg3[%multiple_of3A_409, %dma_start3A_418] : memref<16392x64xf32, #tpu.memory_space<hbm>> -> memref<256x64xf32, #tpu.memory_space<hbm>>
          tpu.enqueue_dma source(%dma_start3A_419 : memref<256x64xf32, #tpu.memory_space<hbm>>) target(%dma_start3A_417 : memref<256x64xf32, #tpu.memory_space<vmem>>) target_semaphore(%run_scoped3A : memref<!tpu.dma_semaphore, #tpu.memory_space<semaphore_mem>>)
          %dma_wait3A = arith.constant 0 : i32
          %dma_wait3A_420 = tpu.memref_slice %arg6[%multiple_of3A_412, %dma_wait3A] : memref<1000x64xf32, #tpu.memory_space<vmem>> -> memref<256x64xf32, #tpu.memory_space<vmem>>
          %dma_wait3A_421 = arith.constant 0 : i32
          %dma_wait3A_422 = tpu.memref_slice %arg3[%multiple_of3A_409, %dma_wait3A_421] : memref<16392x64xf32, #tpu.memory_space<hbm>> -> memref<256x64xf32, #tpu.memory_space<hbm>>
          %dma_wait3A_423 = arith.constant 0 : i32
          %dma_wait3A_424 = tpu.memref_slice %arg6[%multiple_of3A_412, %dma_wait3A_423] : memref<1000x64xf32, #tpu.memory_space<vmem>> -> memref<256x64xf32, #tpu.memory_space<vmem>>
          %dma_wait3A_425 = arith.constant 0 : i32
          %dma_wait3A_426 = tpu.memref_slice %arg3[%multiple_of3A_409, %dma_wait3A_425] : memref<16392x64xf32, #tpu.memory_space<hbm>> -> memref<256x64xf32, #tpu.memory_space<hbm>>
          tpu.wait_dma2 semaphore(%run_scoped3A : memref<!tpu.dma_semaphore, #tpu.memory_space<semaphore_mem>>) src(%dma_wait3A_426 : memref<256x64xf32, #tpu.memory_space<hbm>>) dst(%dma_wait3A_424 : memref<256x64xf32, #tpu.memory_space<vmem>>)
          tpu.yield
        }) : () -> ()
      } else {
      }
      %jit3A_327 = arith.constant 256 : i32
      %jit3A_328 = arith.constant 0 : i32
      %select_n3A_329 = arith.select %eq3A_323, %jit3A_327, %jit3A_328 : i32
      %add3A_330 = arith.addi %add3A_317, %select_n3A_329 : i32
      %div3A_331 = arith.constant 16 : i32
      %div3A_332 = arith.divsi %div3A_305, %div3A_331 : i32
      %rem3A_333 = arith.constant 2 : i32
      %rem3A_334 = arith.remsi %div3A_332, %rem3A_333 : i32
      %eq3A_335 = arith.constant 1 : i32
      %eq3A_336 = arith.cmpi eq, %rem3A_334, %eq3A_335 : i32
      %convert_element_type3A_337 = arith.extui %eq3A_336 : i1 to i32
      %cond3A_338 = arith.constant 0 : i32
      %cond3A_339 = arith.cmpi ne, %convert_element_type3A_337, %cond3A_338 : i32
      scf.if %cond3A_339 {
        %add3A_407 = arith.addi %sub3A_290, %mul3A_296 : i32
        %add3A_408 = arith.addi %add3A_407, %add3A_330 : i32
        %multiple_of3A_409 = tpu.assume_multiple %add3A_408, 8 : i32
        %sub3A_410 = arith.subi %mul3A_296, %mul3A_283 : i32
        %add3A_411 = arith.addi %sub3A_410, %add3A_330 : i32
        %multiple_of3A_412 = tpu.assume_multiple %add3A_411, 8 : i32
        "tpu.region"() ({
          %run_scoped3A = tpu.sem_alloc : memref<!tpu.dma_semaphore, #tpu.memory_space<semaphore_mem>>
          %dma_start3A = arith.constant 0 : i32
          %dma_start3A_413 = tpu.memref_slice %arg6[%multiple_of3A_412, %dma_start3A] : memref<1000x64xf32, #tpu.memory_space<vmem>> -> memref<128x64xf32, #tpu.memory_space<vmem>>
          %dma_start3A_414 = arith.constant 0 : i32
          %dma_start3A_415 = tpu.memref_slice %arg3[%multiple_of3A_409, %dma_start3A_414] : memref<16392x64xf32, #tpu.memory_space<hbm>> -> memref<128x64xf32, #tpu.memory_space<hbm>>
          %dma_start3A_416 = arith.constant 0 : i32
          %dma_start3A_417 = tpu.memref_slice %arg6[%multiple_of3A_412, %dma_start3A_416] : memref<1000x64xf32, #tpu.memory_space<vmem>> -> memref<128x64xf32, #tpu.memory_space<vmem>>
          %dma_start3A_418 = arith.constant 0 : i32
          %dma_start3A_419 = tpu.memref_slice %arg3[%multiple_of3A_409, %dma_start3A_418] : memref<16392x64xf32, #tpu.memory_space<hbm>> -> memref<128x64xf32, #tpu.memory_space<hbm>>
          tpu.enqueue_dma source(%dma_start3A_419 : memref<128x64xf32, #tpu.memory_space<hbm>>) target(%dma_start3A_417 : memref<128x64xf32, #tpu.memory_space<vmem>>) target_semaphore(%run_scoped3A : memref<!tpu.dma_semaphore, #tpu.memory_space<semaphore_mem>>)
          %dma_wait3A = arith.constant 0 : i32
          %dma_wait3A_420 = tpu.memref_slice %arg6[%multiple_of3A_412, %dma_wait3A] : memref<1000x64xf32, #tpu.memory_space<vmem>> -> memref<128x64xf32, #tpu.memory_space<vmem>>
          %dma_wait3A_421 = arith.constant 0 : i32
          %dma_wait3A_422 = tpu.memref_slice %arg3[%multiple_of3A_409, %dma_wait3A_421] : memref<16392x64xf32, #tpu.memory_space<hbm>> -> memref<128x64xf32, #tpu.memory_space<hbm>>
          %dma_wait3A_423 = arith.constant 0 : i32
          %dma_wait3A_424 = tpu.memref_slice %arg6[%multiple_of3A_412, %dma_wait3A_423] : memref<1000x64xf32, #tpu.memory_space<vmem>> -> memref<128x64xf32, #tpu.memory_space<vmem>>
          %dma_wait3A_425 = arith.constant 0 : i32
          %dma_wait3A_426 = tpu.memref_slice %arg3[%multiple_of3A_409, %dma_wait3A_425] : memref<16392x64xf32, #tpu.memory_space<hbm>> -> memref<128x64xf32, #tpu.memory_space<hbm>>
          tpu.wait_dma2 semaphore(%run_scoped3A : memref<!tpu.dma_semaphore, #tpu.memory_space<semaphore_mem>>) src(%dma_wait3A_426 : memref<128x64xf32, #tpu.memory_space<hbm>>) dst(%dma_wait3A_424 : memref<128x64xf32, #tpu.memory_space<vmem>>)
          tpu.yield
        }) : () -> ()
      } else {
      }
      %jit3A_340 = arith.constant 128 : i32
      %jit3A_341 = arith.constant 0 : i32
      %select_n3A_342 = arith.select %eq3A_336, %jit3A_340, %jit3A_341 : i32
      %add3A_343 = arith.addi %add3A_330, %select_n3A_342 : i32
      %div3A_344 = arith.constant 8 : i32
      %div3A_345 = arith.divsi %div3A_305, %div3A_344 : i32
      %rem3A_346 = arith.constant 2 : i32
      %rem3A_347 = arith.remsi %div3A_345, %rem3A_346 : i32
      %eq3A_348 = arith.constant 1 : i32
      %eq3A_349 = arith.cmpi eq, %rem3A_347, %eq3A_348 : i32
      %convert_element_type3A_350 = arith.extui %eq3A_349 : i1 to i32
      %cond3A_351 = arith.constant 0 : i32
      %cond3A_352 = arith.cmpi ne, %convert_element_type3A_350, %cond3A_351 : i32
      scf.if %cond3A_352 {
        %add3A_407 = arith.addi %sub3A_290, %mul3A_296 : i32
        %add3A_408 = arith.addi %add3A_407, %add3A_343 : i32
        %multiple_of3A_409 = tpu.assume_multiple %add3A_408, 8 : i32
        %sub3A_410 = arith.subi %mul3A_296, %mul3A_283 : i32
        %add3A_411 = arith.addi %sub3A_410, %add3A_343 : i32
        %multiple_of3A_412 = tpu.assume_multiple %add3A_411, 8 : i32
        "tpu.region"() ({
          %run_scoped3A = tpu.sem_alloc : memref<!tpu.dma_semaphore, #tpu.memory_space<semaphore_mem>>
          %dma_start3A = arith.constant 0 : i32
          %dma_start3A_413 = tpu.memref_slice %arg6[%multiple_of3A_412, %dma_start3A] : memref<1000x64xf32, #tpu.memory_space<vmem>> -> memref<64x64xf32, #tpu.memory_space<vmem>>
          %dma_start3A_414 = arith.constant 0 : i32
          %dma_start3A_415 = tpu.memref_slice %arg3[%multiple_of3A_409, %dma_start3A_414] : memref<16392x64xf32, #tpu.memory_space<hbm>> -> memref<64x64xf32, #tpu.memory_space<hbm>>
          %dma_start3A_416 = arith.constant 0 : i32
          %dma_start3A_417 = tpu.memref_slice %arg6[%multiple_of3A_412, %dma_start3A_416] : memref<1000x64xf32, #tpu.memory_space<vmem>> -> memref<64x64xf32, #tpu.memory_space<vmem>>
          %dma_start3A_418 = arith.constant 0 : i32
          %dma_start3A_419 = tpu.memref_slice %arg3[%multiple_of3A_409, %dma_start3A_418] : memref<16392x64xf32, #tpu.memory_space<hbm>> -> memref<64x64xf32, #tpu.memory_space<hbm>>
          tpu.enqueue_dma source(%dma_start3A_419 : memref<64x64xf32, #tpu.memory_space<hbm>>) target(%dma_start3A_417 : memref<64x64xf32, #tpu.memory_space<vmem>>) target_semaphore(%run_scoped3A : memref<!tpu.dma_semaphore, #tpu.memory_space<semaphore_mem>>)
          %dma_wait3A = arith.constant 0 : i32
          %dma_wait3A_420 = tpu.memref_slice %arg6[%multiple_of3A_412, %dma_wait3A] : memref<1000x64xf32, #tpu.memory_space<vmem>> -> memref<64x64xf32, #tpu.memory_space<vmem>>
          %dma_wait3A_421 = arith.constant 0 : i32
          %dma_wait3A_422 = tpu.memref_slice %arg3[%multiple_of3A_409, %dma_wait3A_421] : memref<16392x64xf32, #tpu.memory_space<hbm>> -> memref<64x64xf32, #tpu.memory_space<hbm>>
          %dma_wait3A_423 = arith.constant 0 : i32
          %dma_wait3A_424 = tpu.memref_slice %arg6[%multiple_of3A_412, %dma_wait3A_423] : memref<1000x64xf32, #tpu.memory_space<vmem>> -> memref<64x64xf32, #tpu.memory_space<vmem>>
          %dma_wait3A_425 = arith.constant 0 : i32
          %dma_wait3A_426 = tpu.memref_slice %arg3[%multiple_of3A_409, %dma_wait3A_425] : memref<16392x64xf32, #tpu.memory_space<hbm>> -> memref<64x64xf32, #tpu.memory_space<hbm>>
          tpu.wait_dma2 semaphore(%run_scoped3A : memref<!tpu.dma_semaphore, #tpu.memory_space<semaphore_mem>>) src(%dma_wait3A_426 : memref<64x64xf32, #tpu.memory_space<hbm>>) dst(%dma_wait3A_424 : memref<64x64xf32, #tpu.memory_space<vmem>>)
          tpu.yield
        }) : () -> ()
      } else {
      }
      %jit3A_353 = arith.constant 64 : i32
      %jit3A_354 = arith.constant 0 : i32
      %select_n3A_355 = arith.select %eq3A_349, %jit3A_353, %jit3A_354 : i32
      %add3A_356 = arith.addi %add3A_343, %select_n3A_355 : i32
      %div3A_357 = arith.constant 4 : i32
      %div3A_358 = arith.divsi %div3A_305, %div3A_357 : i32
      %rem3A_359 = arith.constant 2 : i32
      %rem3A_360 = arith.remsi %div3A_358, %rem3A_359 : i32
      %eq3A_361 = arith.constant 1 : i32
      %eq3A_362 = arith.cmpi eq, %rem3A_360, %eq3A_361 : i32
      %convert_element_type3A_363 = arith.extui %eq3A_362 : i1 to i32
      %cond3A_364 = arith.constant 0 : i32
      %cond3A_365 = arith.cmpi ne, %convert_element_type3A_363, %cond3A_364 : i32
      scf.if %cond3A_365 {
        %add3A_407 = arith.addi %sub3A_290, %mul3A_296 : i32
        %add3A_408 = arith.addi %add3A_407, %add3A_356 : i32
        %multiple_of3A_409 = tpu.assume_multiple %add3A_408, 8 : i32
        %sub3A_410 = arith.subi %mul3A_296, %mul3A_283 : i32
        %add3A_411 = arith.addi %sub3A_410, %add3A_356 : i32
        %multiple_of3A_412 = tpu.assume_multiple %add3A_411, 8 : i32
        "tpu.region"() ({
          %run_scoped3A = tpu.sem_alloc : memref<!tpu.dma_semaphore, #tpu.memory_space<semaphore_mem>>
          %dma_start3A = arith.constant 0 : i32
          %dma_start3A_413 = tpu.memref_slice %arg6[%multiple_of3A_412, %dma_start3A] : memref<1000x64xf32, #tpu.memory_space<vmem>> -> memref<32x64xf32, #tpu.memory_space<vmem>>
          %dma_start3A_414 = arith.constant 0 : i32
          %dma_start3A_415 = tpu.memref_slice %arg3[%multiple_of3A_409, %dma_start3A_414] : memref<16392x64xf32, #tpu.memory_space<hbm>> -> memref<32x64xf32, #tpu.memory_space<hbm>>
          %dma_start3A_416 = arith.constant 0 : i32
          %dma_start3A_417 = tpu.memref_slice %arg6[%multiple_of3A_412, %dma_start3A_416] : memref<1000x64xf32, #tpu.memory_space<vmem>> -> memref<32x64xf32, #tpu.memory_space<vmem>>
          %dma_start3A_418 = arith.constant 0 : i32
          %dma_start3A_419 = tpu.memref_slice %arg3[%multiple_of3A_409, %dma_start3A_418] : memref<16392x64xf32, #tpu.memory_space<hbm>> -> memref<32x64xf32, #tpu.memory_space<hbm>>
          tpu.enqueue_dma source(%dma_start3A_419 : memref<32x64xf32, #tpu.memory_space<hbm>>) target(%dma_start3A_417 : memref<32x64xf32, #tpu.memory_space<vmem>>) target_semaphore(%run_scoped3A : memref<!tpu.dma_semaphore, #tpu.memory_space<semaphore_mem>>)
          %dma_wait3A = arith.constant 0 : i32
          %dma_wait3A_420 = tpu.memref_slice %arg6[%multiple_of3A_412, %dma_wait3A] : memref<1000x64xf32, #tpu.memory_space<vmem>> -> memref<32x64xf32, #tpu.memory_space<vmem>>
          %dma_wait3A_421 = arith.constant 0 : i32
          %dma_wait3A_422 = tpu.memref_slice %arg3[%multiple_of3A_409, %dma_wait3A_421] : memref<16392x64xf32, #tpu.memory_space<hbm>> -> memref<32x64xf32, #tpu.memory_space<hbm>>
          %dma_wait3A_423 = arith.constant 0 : i32
          %dma_wait3A_424 = tpu.memref_slice %arg6[%multiple_of3A_412, %dma_wait3A_423] : memref<1000x64xf32, #tpu.memory_space<vmem>> -> memref<32x64xf32, #tpu.memory_space<vmem>>
          %dma_wait3A_425 = arith.constant 0 : i32
          %dma_wait3A_426 = tpu.memref_slice %arg3[%multiple_of3A_409, %dma_wait3A_425] : memref<16392x64xf32, #tpu.memory_space<hbm>> -> memref<32x64xf32, #tpu.memory_space<hbm>>
          tpu.wait_dma2 semaphore(%run_scoped3A : memref<!tpu.dma_semaphore, #tpu.memory_space<semaphore_mem>>) src(%dma_wait3A_426 : memref<32x64xf32, #tpu.memory_space<hbm>>) dst(%dma_wait3A_424 : memref<32x64xf32, #tpu.memory_space<vmem>>)
          tpu.yield
        }) : () -> ()
      } else {
      }
      %jit3A_366 = arith.constant 32 : i32
      %jit3A_367 = arith.constant 0 : i32
      %select_n3A_368 = arith.select %eq3A_362, %jit3A_366, %jit3A_367 : i32
      %add3A_369 = arith.addi %add3A_356, %select_n3A_368 : i32
      %div3A_370 = arith.constant 2 : i32
      %div3A_371 = arith.divsi %div3A_305, %div3A_370 : i32
      %rem3A_372 = arith.constant 2 : i32
      %rem3A_373 = arith.remsi %div3A_371, %rem3A_372 : i32
      %eq3A_374 = arith.constant 1 : i32
      %eq3A_375 = arith.cmpi eq, %rem3A_373, %eq3A_374 : i32
      %convert_element_type3A_376 = arith.extui %eq3A_375 : i1 to i32
      %cond3A_377 = arith.constant 0 : i32
      %cond3A_378 = arith.cmpi ne, %convert_element_type3A_376, %cond3A_377 : i32
      scf.if %cond3A_378 {
        %add3A_407 = arith.addi %sub3A_290, %mul3A_296 : i32
        %add3A_408 = arith.addi %add3A_407, %add3A_369 : i32
        %multiple_of3A_409 = tpu.assume_multiple %add3A_408, 8 : i32
        %sub3A_410 = arith.subi %mul3A_296, %mul3A_283 : i32
        %add3A_411 = arith.addi %sub3A_410, %add3A_369 : i32
        %multiple_of3A_412 = tpu.assume_multiple %add3A_411, 8 : i32
        "tpu.region"() ({
          %run_scoped3A = tpu.sem_alloc : memref<!tpu.dma_semaphore, #tpu.memory_space<semaphore_mem>>
          %dma_start3A = arith.constant 0 : i32
          %dma_start3A_413 = tpu.memref_slice %arg6[%multiple_of3A_412, %dma_start3A] : memref<1000x64xf32, #tpu.memory_space<vmem>> -> memref<16x64xf32, #tpu.memory_space<vmem>>
          %dma_start3A_414 = arith.constant 0 : i32
          %dma_start3A_415 = tpu.memref_slice %arg3[%multiple_of3A_409, %dma_start3A_414] : memref<16392x64xf32, #tpu.memory_space<hbm>> -> memref<16x64xf32, #tpu.memory_space<hbm>>
          %dma_start3A_416 = arith.constant 0 : i32
          %dma_start3A_417 = tpu.memref_slice %arg6[%multiple_of3A_412, %dma_start3A_416] : memref<1000x64xf32, #tpu.memory_space<vmem>> -> memref<16x64xf32, #tpu.memory_space<vmem>>
          %dma_start3A_418 = arith.constant 0 : i32
          %dma_start3A_419 = tpu.memref_slice %arg3[%multiple_of3A_409, %dma_start3A_418] : memref<16392x64xf32, #tpu.memory_space<hbm>> -> memref<16x64xf32, #tpu.memory_space<hbm>>
          tpu.enqueue_dma source(%dma_start3A_419 : memref<16x64xf32, #tpu.memory_space<hbm>>) target(%dma_start3A_417 : memref<16x64xf32, #tpu.memory_space<vmem>>) target_semaphore(%run_scoped3A : memref<!tpu.dma_semaphore, #tpu.memory_space<semaphore_mem>>)
          %dma_wait3A = arith.constant 0 : i32
          %dma_wait3A_420 = tpu.memref_slice %arg6[%multiple_of3A_412, %dma_wait3A] : memref<1000x64xf32, #tpu.memory_space<vmem>> -> memref<16x64xf32, #tpu.memory_space<vmem>>
          %dma_wait3A_421 = arith.constant 0 : i32
          %dma_wait3A_422 = tpu.memref_slice %arg3[%multiple_of3A_409, %dma_wait3A_421] : memref<16392x64xf32, #tpu.memory_space<hbm>> -> memref<16x64xf32, #tpu.memory_space<hbm>>
          %dma_wait3A_423 = arith.constant 0 : i32
          %dma_wait3A_424 = tpu.memref_slice %arg6[%multiple_of3A_412, %dma_wait3A_423] : memref<1000x64xf32, #tpu.memory_space<vmem>> -> memref<16x64xf32, #tpu.memory_space<vmem>>
          %dma_wait3A_425 = arith.constant 0 : i32
          %dma_wait3A_426 = tpu.memref_slice %arg3[%multiple_of3A_409, %dma_wait3A_425] : memref<16392x64xf32, #tpu.memory_space<hbm>> -> memref<16x64xf32, #tpu.memory_space<hbm>>
          tpu.wait_dma2 semaphore(%run_scoped3A : memref<!tpu.dma_semaphore, #tpu.memory_space<semaphore_mem>>) src(%dma_wait3A_426 : memref<16x64xf32, #tpu.memory_space<hbm>>) dst(%dma_wait3A_424 : memref<16x64xf32, #tpu.memory_space<vmem>>)
          tpu.yield
        }) : () -> ()
      } else {
      }
      %jit3A_379 = arith.constant 16 : i32
      %jit3A_380 = arith.constant 0 : i32
      %select_n3A_381 = arith.select %eq3A_375, %jit3A_379, %jit3A_380 : i32
      %add3A_382 = arith.addi %add3A_369, %select_n3A_381 : i32
      %div3A_383 = arith.constant 1 : i32
      %div3A_384 = arith.divsi %div3A_305, %div3A_383 : i32
      %rem3A_385 = arith.constant 2 : i32
      %rem3A_386 = arith.remsi %div3A_384, %rem3A_385 : i32
      %eq3A_387 = arith.constant 1 : i32
      %eq3A_388 = arith.cmpi eq, %rem3A_386, %eq3A_387 : i32
      %convert_element_type3A_389 = arith.extui %eq3A_388 : i1 to i32
      %cond3A_390 = arith.constant 0 : i32
      %cond3A_391 = arith.cmpi ne, %convert_element_type3A_389, %cond3A_390 : i32
      scf.if %cond3A_391 {
        %add3A_407 = arith.addi %sub3A_290, %mul3A_296 : i32
        %add3A_408 = arith.addi %add3A_407, %add3A_382 : i32
        %multiple_of3A_409 = tpu.assume_multiple %add3A_408, 8 : i32
        %sub3A_410 = arith.subi %mul3A_296, %mul3A_283 : i32
        %add3A_411 = arith.addi %sub3A_410, %add3A_382 : i32
        %multiple_of3A_412 = tpu.assume_multiple %add3A_411, 8 : i32
        "tpu.region"() ({
          %run_scoped3A = tpu.sem_alloc : memref<!tpu.dma_semaphore, #tpu.memory_space<semaphore_mem>>
          %dma_start3A = arith.constant 0 : i32
          %dma_start3A_413 = tpu.memref_slice %arg6[%multiple_of3A_412, %dma_start3A] : memref<1000x64xf32, #tpu.memory_space<vmem>> -> memref<8x64xf32, #tpu.memory_space<vmem>>
          %dma_start3A_414 = arith.constant 0 : i32
          %dma_start3A_415 = tpu.memref_slice %arg3[%multiple_of3A_409, %dma_start3A_414] : memref<16392x64xf32, #tpu.memory_space<hbm>> -> memref<8x64xf32, #tpu.memory_space<hbm>>
          %dma_start3A_416 = arith.constant 0 : i32
          %dma_start3A_417 = tpu.memref_slice %arg6[%multiple_of3A_412, %dma_start3A_416] : memref<1000x64xf32, #tpu.memory_space<vmem>> -> memref<8x64xf32, #tpu.memory_space<vmem>>
          %dma_start3A_418 = arith.constant 0 : i32
          %dma_start3A_419 = tpu.memref_slice %arg3[%multiple_of3A_409, %dma_start3A_418] : memref<16392x64xf32, #tpu.memory_space<hbm>> -> memref<8x64xf32, #tpu.memory_space<hbm>>
          tpu.enqueue_dma source(%dma_start3A_419 : memref<8x64xf32, #tpu.memory_space<hbm>>) target(%dma_start3A_417 : memref<8x64xf32, #tpu.memory_space<vmem>>) target_semaphore(%run_scoped3A : memref<!tpu.dma_semaphore, #tpu.memory_space<semaphore_mem>>)
          %dma_wait3A = arith.constant 0 : i32
          %dma_wait3A_420 = tpu.memref_slice %arg6[%multiple_of3A_412, %dma_wait3A] : memref<1000x64xf32, #tpu.memory_space<vmem>> -> memref<8x64xf32, #tpu.memory_space<vmem>>
          %dma_wait3A_421 = arith.constant 0 : i32
          %dma_wait3A_422 = tpu.memref_slice %arg3[%multiple_of3A_409, %dma_wait3A_421] : memref<16392x64xf32, #tpu.memory_space<hbm>> -> memref<8x64xf32, #tpu.memory_space<hbm>>
          %dma_wait3A_423 = arith.constant 0 : i32
          %dma_wait3A_424 = tpu.memref_slice %arg6[%multiple_of3A_412, %dma_wait3A_423] : memref<1000x64xf32, #tpu.memory_space<vmem>> -> memref<8x64xf32, #tpu.memory_space<vmem>>
          %dma_wait3A_425 = arith.constant 0 : i32
          %dma_wait3A_426 = tpu.memref_slice %arg3[%multiple_of3A_409, %dma_wait3A_425] : memref<16392x64xf32, #tpu.memory_space<hbm>> -> memref<8x64xf32, #tpu.memory_space<hbm>>
          tpu.wait_dma2 semaphore(%run_scoped3A : memref<!tpu.dma_semaphore, #tpu.memory_space<semaphore_mem>>) src(%dma_wait3A_426 : memref<8x64xf32, #tpu.memory_space<hbm>>) dst(%dma_wait3A_424 : memref<8x64xf32, #tpu.memory_space<vmem>>)
          tpu.yield
        }) : () -> ()
      } else {
      }
      %jit3A_392 = arith.constant 8 : i32
      %jit3A_393 = arith.constant 0 : i32
      %select_n3A_394 = arith.select %eq3A_388, %jit3A_392, %jit3A_393 : i32
      %add3A_395 = arith.addi %add3A_382, %select_n3A_394 : i32
      %min3A_396 = arith.minsi %mul3A_296, %min3A_288 : i32
      %gt3A_397 = arith.cmpi sgt, %min3A_396, %max3A_284 : i32
      %convert_element_type3A_398 = arith.extui %gt3A_397 : i1 to i32
      %cond3A_399 = arith.constant 0 : i32
      %cond3A_400 = arith.cmpi ne, %convert_element_type3A_398, %cond3A_399 : i32
      scf.if %cond3A_400 {
        %div3A_407 = arith.constant 8 : i32
        %div3A_408 = arith.divsi %max3A_284, %div3A_407 : i32
        %mul3A_409 = arith.constant 8 : i32
        %mul3A_410 = arith.muli %div3A_408, %mul3A_409 : i32
        %add3A_411 = arith.addi %sub3A_290, %mul3A_410 : i32
        %multiple_of3A_412 = tpu.assume_multiple %add3A_411, 8 : i32
        "tpu.region"() ({
          %run_scoped3A = tpu.sem_alloc : memref<!tpu.dma_semaphore, #tpu.memory_space<semaphore_mem>>
          %dma_start3A = arith.constant 0 : i32
          %dma_start3A_455 = tpu.memref_slice %arg3[%multiple_of3A_412, %dma_start3A] : memref<16392x64xf32, #tpu.memory_space<hbm>> -> memref<8x64xf32, #tpu.memory_space<hbm>>
          %dma_start3A_456 = arith.constant 0 : i32
          %dma_start3A_457 = tpu.memref_slice %arg3[%multiple_of3A_412, %dma_start3A_456] : memref<16392x64xf32, #tpu.memory_space<hbm>> -> memref<8x64xf32, #tpu.memory_space<hbm>>
          tpu.enqueue_dma source(%dma_start3A_457 : memref<8x64xf32, #tpu.memory_space<hbm>>) target(%arg7 : memref<8x64xf32, #tpu.memory_space<vmem>>) target_semaphore(%run_scoped3A : memref<!tpu.dma_semaphore, #tpu.memory_space<semaphore_mem>>)
          %dma_wait3A = arith.constant 0 : i32
          %dma_wait3A_458 = tpu.memref_slice %arg3[%multiple_of3A_412, %dma_wait3A] : memref<16392x64xf32, #tpu.memory_space<hbm>> -> memref<8x64xf32, #tpu.memory_space<hbm>>
          %dma_wait3A_459 = arith.constant 0 : i32
          %dma_wait3A_460 = tpu.memref_slice %arg3[%multiple_of3A_412, %dma_wait3A_459] : memref<16392x64xf32, #tpu.memory_space<hbm>> -> memref<8x64xf32, #tpu.memory_space<hbm>>
          tpu.wait_dma2 semaphore(%run_scoped3A : memref<!tpu.dma_semaphore, #tpu.memory_space<semaphore_mem>>) src(%dma_wait3A_460 : memref<8x64xf32, #tpu.memory_space<hbm>>) dst(%arg7 : memref<8x64xf32, #tpu.memory_space<vmem>>)
          tpu.yield
        }) : () -> ()
        %iota3A = tpu.iota {dimensions = array<i32: 0>} : vector<16xi32>
        %add3A_413 = arith.constant 0 : i32
        %add3A_414 = arith.addi %max3A_284, %add3A_413 : i32
        %lt3A_415 = arith.cmpi slt, %add3A_414, %min3A_396 : i32
        %convert_element_type3A_416 = arith.extui %lt3A_415 : i1 to i32
        %cond3A_417 = arith.constant 0 : i32
        %cond3A_418 = arith.cmpi ne, %convert_element_type3A_416, %cond3A_417 : i32
        scf.if %cond3A_418 {
          %sub3A_455 = arith.subi %add3A_414, %mul3A_410 : i32
          %broadcast_in_dim3A = vector.broadcast %sub3A_455 : i32 to vector<16xi32>
          %sub3A_456 = arith.subi %add3A_414, %mul3A_283 : i32
          %broadcast_in_dim3A_457 = vector.broadcast %sub3A_456 : i32 to vector<16xi32>
          %add3A_458 = arith.constant 0 : i32
          %add3A_459 = vector.broadcast %add3A_458 : i32 to vector<16xi32>
          %add3A_460 = arith.addi %add3A_459, %iota3A : vector<16xi32>
          %gather3A = tpu.vector_load_idx %arg7[%broadcast_in_dim3A, %add3A_460] : memref<8x64xf32, #tpu.memory_space<vmem>>[vector<16xi32>, vector<16xi32>], vector<16xf32>,
          %add3A_461 = arith.constant 0 : i32
          %add3A_462 = vector.broadcast %add3A_461 : i32 to vector<16xi32>
          %add3A_463 = arith.addi %add3A_462, %iota3A : vector<16xi32>
          tpu.vector_store_idx %arg6[%broadcast_in_dim3A_457, %add3A_463], %gather3A : memref<1000x64xf32, #tpu.memory_space<vmem>>[vector<16xi32>, vector<16xi32>], vector<16xf32>,
          %add3A_464 = arith.constant 16 : i32
          %add3A_465 = vector.broadcast %add3A_464 : i32 to vector<16xi32>
          %add3A_466 = arith.addi %add3A_465, %iota3A : vector<16xi32>
          %gather3A_467 = tpu.vector_load_idx %arg7[%broadcast_in_dim3A, %add3A_466] : memref<8x64xf32, #tpu.memory_space<vmem>>[vector<16xi32>, vector<16xi32>], vector<16xf32>,
          %add3A_468 = arith.constant 16 : i32
          %add3A_469 = vector.broadcast %add3A_468 : i32 to vector<16xi32>
          %add3A_470 = arith.addi %add3A_469, %iota3A : vector<16xi32>
          tpu.vector_store_idx %arg6[%broadcast_in_dim3A_457, %add3A_470], %gather3A_467 : memref<1000x64xf32, #tpu.memory_space<vmem>>[vector<16xi32>, vector<16xi32>], vector<16xf32>,
          %add3A_471 = arith.constant 32 : i32
          %add3A_472 = vector.broadcast %add3A_471 : i32 to vector<16xi32>
          %add3A_473 = arith.addi %add3A_472, %iota3A : vector<16xi32>
          %gather3A_474 = tpu.vector_load_idx %arg7[%broadcast_in_dim3A, %add3A_473] : memref<8x64xf32, #tpu.memory_space<vmem>>[vector<16xi32>, vector<16xi32>], vector<16xf32>,
          %add3A_475 = arith.constant 32 : i32
          %add3A_476 = vector.broadcast %add3A_475 : i32 to vector<16xi32>
          %add3A_477 = arith.addi %add3A_476, %iota3A : vector<16xi32>
          tpu.vector_store_idx %arg6[%broadcast_in_dim3A_457, %add3A_477], %gather3A_474 : memref<1000x64xf32, #tpu.memory_space<vmem>>[vector<16xi32>, vector<16xi32>], vector<16xf32>,
          %add3A_478 = arith.constant 48 : i32
          %add3A_479 = vector.broadcast %add3A_478 : i32 to vector<16xi32>
          %add3A_480 = arith.addi %add3A_479, %iota3A : vector<16xi32>
          %gather3A_481 = tpu.vector_load_idx %arg7[%broadcast_in_dim3A, %add3A_480] : memref<8x64xf32, #tpu.memory_space<vmem>>[vector<16xi32>, vector<16xi32>], vector<16xf32>,
          %add3A_482 = arith.constant 48 : i32
          %add3A_483 = vector.broadcast %add3A_482 : i32 to vector<16xi32>
          %add3A_484 = arith.addi %add3A_483, %iota3A : vector<16xi32>
          tpu.vector_store_idx %arg6[%broadcast_in_dim3A_457, %add3A_484], %gather3A_481 : memref<1000x64xf32, #tpu.memory_space<vmem>>[vector<16xi32>, vector<16xi32>], vector<16xf32>,
        } else {
        }
        %add3A_419 = arith.constant 1 : i32
        %add3A_420 = arith.addi %max3A_284, %add3A_419 : i32
        %lt3A_421 = arith.cmpi slt, %add3A_420, %min3A_396 : i32
        %convert_element_type3A_422 = arith.extui %lt3A_421 : i1 to i32
        %cond3A_423 = arith.constant 0 : i32
        %cond3A_424 = arith.cmpi ne, %convert_element_type3A_422, %cond3A_423 : i32
        scf.if %cond3A_424 {
          %sub3A_455 = arith.subi %add3A_420, %mul3A_410 : i32
          %broadcast_in_dim3A = vector.broadcast %sub3A_455 : i32 to vector<16xi32>
          %sub3A_456 = arith.subi %add3A_420, %mul3A_283 : i32
          %broadcast_in_dim3A_457 = vector.broadcast %sub3A_456 : i32 to vector<16xi32>
          %add3A_458 = arith.constant 0 : i32
          %add3A_459 = vector.broadcast %add3A_458 : i32 to vector<16xi32>
          %add3A_460 = arith.addi %add3A_459, %iota3A : vector<16xi32>
          %gather3A = tpu.vector_load_idx %arg7[%broadcast_in_dim3A, %add3A_460] : memref<8x64xf32, #tpu.memory_space<vmem>>[vector<16xi32>, vector<16xi32>], vector<16xf32>,
          %add3A_461 = arith.constant 0 : i32
          %add3A_462 = vector.broadcast %add3A_461 : i32 to vector<16xi32>
          %add3A_463 = arith.addi %add3A_462, %iota3A : vector<16xi32>
          tpu.vector_store_idx %arg6[%broadcast_in_dim3A_457, %add3A_463], %gather3A : memref<1000x64xf32, #tpu.memory_space<vmem>>[vector<16xi32>, vector<16xi32>], vector<16xf32>,
          %add3A_464 = arith.constant 16 : i32
          %add3A_465 = vector.broadcast %add3A_464 : i32 to vector<16xi32>
          %add3A_466 = arith.addi %add3A_465, %iota3A : vector<16xi32>
          %gather3A_467 = tpu.vector_load_idx %arg7[%broadcast_in_dim3A, %add3A_466] : memref<8x64xf32, #tpu.memory_space<vmem>>[vector<16xi32>, vector<16xi32>], vector<16xf32>,
          %add3A_468 = arith.constant 16 : i32
          %add3A_469 = vector.broadcast %add3A_468 : i32 to vector<16xi32>
          %add3A_470 = arith.addi %add3A_469, %iota3A : vector<16xi32>
          tpu.vector_store_idx %arg6[%broadcast_in_dim3A_457, %add3A_470], %gather3A_467 : memref<1000x64xf32, #tpu.memory_space<vmem>>[vector<16xi32>, vector<16xi32>], vector<16xf32>,
          %add3A_471 = arith.constant 32 : i32
          %add3A_472 = vector.broadcast %add3A_471 : i32 to vector<16xi32>
          %add3A_473 = arith.addi %add3A_472, %iota3A : vector<16xi32>
          %gather3A_474 = tpu.vector_load_idx %arg7[%broadcast_in_dim3A, %add3A_473] : memref<8x64xf32, #tpu.memory_space<vmem>>[vector<16xi32>, vector<16xi32>], vector<16xf32>,
          %add3A_475 = arith.constant 32 : i32
          %add3A_476 = vector.broadcast %add3A_475 : i32 to vector<16xi32>
          %add3A_477 = arith.addi %add3A_476, %iota3A : vector<16xi32>
          tpu.vector_store_idx %arg6[%broadcast_in_dim3A_457, %add3A_477], %gather3A_474 : memref<1000x64xf32, #tpu.memory_space<vmem>>[vector<16xi32>, vector<16xi32>], vector<16xf32>,
          %add3A_478 = arith.constant 48 : i32
          %add3A_479 = vector.broadcast %add3A_478 : i32 to vector<16xi32>
          %add3A_480 = arith.addi %add3A_479, %iota3A : vector<16xi32>
          %gather3A_481 = tpu.vector_load_idx %arg7[%broadcast_in_dim3A, %add3A_480] : memref<8x64xf32, #tpu.memory_space<vmem>>[vector<16xi32>, vector<16xi32>], vector<16xf32>,
          %add3A_482 = arith.constant 48 : i32
          %add3A_483 = vector.broadcast %add3A_482 : i32 to vector<16xi32>
          %add3A_484 = arith.addi %add3A_483, %iota3A : vector<16xi32>
          tpu.vector_store_idx %arg6[%broadcast_in_dim3A_457, %add3A_484], %gather3A_481 : memref<1000x64xf32, #tpu.memory_space<vmem>>[vector<16xi32>, vector<16xi32>], vector<16xf32>,
        } else {
        }
        %add3A_425 = arith.constant 2 : i32
        %add3A_426 = arith.addi %max3A_284, %add3A_425 : i32
        %lt3A_427 = arith.cmpi slt, %add3A_426, %min3A_396 : i32
        %convert_element_type3A_428 = arith.extui %lt3A_427 : i1 to i32
        %cond3A_429 = arith.constant 0 : i32
        %cond3A_430 = arith.cmpi ne, %convert_element_type3A_428, %cond3A_429 : i32
        scf.if %cond3A_430 {
          %sub3A_455 = arith.subi %add3A_426, %mul3A_410 : i32
          %broadcast_in_dim3A = vector.broadcast %sub3A_455 : i32 to vector<16xi32>
          %sub3A_456 = arith.subi %add3A_426, %mul3A_283 : i32
          %broadcast_in_dim3A_457 = vector.broadcast %sub3A_456 : i32 to vector<16xi32>
          %add3A_458 = arith.constant 0 : i32
          %add3A_459 = vector.broadcast %add3A_458 : i32 to vector<16xi32>
          %add3A_460 = arith.addi %add3A_459, %iota3A : vector<16xi32>
          %gather3A = tpu.vector_load_idx %arg7[%broadcast_in_dim3A, %add3A_460] : memref<8x64xf32, #tpu.memory_space<vmem>>[vector<16xi32>, vector<16xi32>], vector<16xf32>,
          %add3A_461 = arith.constant 0 : i32
          %add3A_462 = vector.broadcast %add3A_461 : i32 to vector<16xi32>
          %add3A_463 = arith.addi %add3A_462, %iota3A : vector<16xi32>
          tpu.vector_store_idx %arg6[%broadcast_in_dim3A_457, %add3A_463], %gather3A : memref<1000x64xf32, #tpu.memory_space<vmem>>[vector<16xi32>, vector<16xi32>], vector<16xf32>,
          %add3A_464 = arith.constant 16 : i32
          %add3A_465 = vector.broadcast %add3A_464 : i32 to vector<16xi32>
          %add3A_466 = arith.addi %add3A_465, %iota3A : vector<16xi32>
          %gather3A_467 = tpu.vector_load_idx %arg7[%broadcast_in_dim3A, %add3A_466] : memref<8x64xf32, #tpu.memory_space<vmem>>[vector<16xi32>, vector<16xi32>], vector<16xf32>,
          %add3A_468 = arith.constant 16 : i32
          %add3A_469 = vector.broadcast %add3A_468 : i32 to vector<16xi32>
          %add3A_470 = arith.addi %add3A_469, %iota3A : vector<16xi32>
          tpu.vector_store_idx %arg6[%broadcast_in_dim3A_457, %add3A_470], %gather3A_467 : memref<1000x64xf32, #tpu.memory_space<vmem>>[vector<16xi32>, vector<16xi32>], vector<16xf32>,
          %add3A_471 = arith.constant 32 : i32
          %add3A_472 = vector.broadcast %add3A_471 : i32 to vector<16xi32>
          %add3A_473 = arith.addi %add3A_472, %iota3A : vector<16xi32>
          %gather3A_474 = tpu.vector_load_idx %arg7[%broadcast_in_dim3A, %add3A_473] : memref<8x64xf32, #tpu.memory_space<vmem>>[vector<16xi32>, vector<16xi32>], vector<16xf32>,
          %add3A_475 = arith.constant 32 : i32
          %add3A_476 = vector.broadcast %add3A_475 : i32 to vector<16xi32>
          %add3A_477 = arith.addi %add3A_476, %iota3A : vector<16xi32>
          tpu.vector_store_idx %arg6[%broadcast_in_dim3A_457, %add3A_477], %gather3A_474 : memref<1000x64xf32, #tpu.memory_space<vmem>>[vector<16xi32>, vector<16xi32>], vector<16xf32>,
          %add3A_478 = arith.constant 48 : i32
          %add3A_479 = vector.broadcast %add3A_478 : i32 to vector<16xi32>
          %add3A_480 = arith.addi %add3A_479, %iota3A : vector<16xi32>
          %gather3A_481 = tpu.vector_load_idx %arg7[%broadcast_in_dim3A, %add3A_480] : memref<8x64xf32, #tpu.memory_space<vmem>>[vector<16xi32>, vector<16xi32>], vector<16xf32>,
          %add3A_482 = arith.constant 48 : i32
          %add3A_483 = vector.broadcast %add3A_482 : i32 to vector<16xi32>
          %add3A_484 = arith.addi %add3A_483, %iota3A : vector<16xi32>
          tpu.vector_store_idx %arg6[%broadcast_in_dim3A_457, %add3A_484], %gather3A_481 : memref<1000x64xf32, #tpu.memory_space<vmem>>[vector<16xi32>, vector<16xi32>], vector<16xf32>,
        } else {
        }
        %add3A_431 = arith.constant 3 : i32
        %add3A_432 = arith.addi %max3A_284, %add3A_431 : i32
        %lt3A_433 = arith.cmpi slt, %add3A_432, %min3A_396 : i32
        %convert_element_type3A_434 = arith.extui %lt3A_433 : i1 to i32
        %cond3A_435 = arith.constant 0 : i32
        %cond3A_436 = arith.cmpi ne, %convert_element_type3A_434, %cond3A_435 : i32
        scf.if %cond3A_436 {
          %sub3A_455 = arith.subi %add3A_432, %mul3A_410 : i32
          %broadcast_in_dim3A = vector.broadcast %sub3A_455 : i32 to vector<16xi32>
          %sub3A_456 = arith.subi %add3A_432, %mul3A_283 : i32
          %broadcast_in_dim3A_457 = vector.broadcast %sub3A_456 : i32 to vector<16xi32>
          %add3A_458 = arith.constant 0 : i32
          %add3A_459 = vector.broadcast %add3A_458 : i32 to vector<16xi32>
          %add3A_460 = arith.addi %add3A_459, %iota3A : vector<16xi32>
          %gather3A = tpu.vector_load_idx %arg7[%broadcast_in_dim3A, %add3A_460] : memref<8x64xf32, #tpu.memory_space<vmem>>[vector<16xi32>, vector<16xi32>], vector<16xf32>,
          %add3A_461 = arith.constant 0 : i32
          %add3A_462 = vector.broadcast %add3A_461 : i32 to vector<16xi32>
          %add3A_463 = arith.addi %add3A_462, %iota3A : vector<16xi32>
          tpu.vector_store_idx %arg6[%broadcast_in_dim3A_457, %add3A_463], %gather3A : memref<1000x64xf32, #tpu.memory_space<vmem>>[vector<16xi32>, vector<16xi32>], vector<16xf32>,
          %add3A_464 = arith.constant 16 : i32
          %add3A_465 = vector.broadcast %add3A_464 : i32 to vector<16xi32>
          %add3A_466 = arith.addi %add3A_465, %iota3A : vector<16xi32>
          %gather3A_467 = tpu.vector_load_idx %arg7[%broadcast_in_dim3A, %add3A_466] : memref<8x64xf32, #tpu.memory_space<vmem>>[vector<16xi32>, vector<16xi32>], vector<16xf32>,
          %add3A_468 = arith.constant 16 : i32
          %add3A_469 = vector.broadcast %add3A_468 : i32 to vector<16xi32>
          %add3A_470 = arith.addi %add3A_469, %iota3A : vector<16xi32>
          tpu.vector_store_idx %arg6[%broadcast_in_dim3A_457, %add3A_470], %gather3A_467 : memref<1000x64xf32, #tpu.memory_space<vmem>>[vector<16xi32>, vector<16xi32>], vector<16xf32>,
          %add3A_471 = arith.constant 32 : i32
          %add3A_472 = vector.broadcast %add3A_471 : i32 to vector<16xi32>
          %add3A_473 = arith.addi %add3A_472, %iota3A : vector<16xi32>
          %gather3A_474 = tpu.vector_load_idx %arg7[%broadcast_in_dim3A, %add3A_473] : memref<8x64xf32, #tpu.memory_space<vmem>>[vector<16xi32>, vector<16xi32>], vector<16xf32>,
          %add3A_475 = arith.constant 32 : i32
          %add3A_476 = vector.broadcast %add3A_475 : i32 to vector<16xi32>
          %add3A_477 = arith.addi %add3A_476, %iota3A : vector<16xi32>
          tpu.vector_store_idx %arg6[%broadcast_in_dim3A_457, %add3A_477], %gather3A_474 : memref<1000x64xf32, #tpu.memory_space<vmem>>[vector<16xi32>, vector<16xi32>], vector<16xf32>,
          %add3A_478 = arith.constant 48 : i32
          %add3A_479 = vector.broadcast %add3A_478 : i32 to vector<16xi32>
          %add3A_480 = arith.addi %add3A_479, %iota3A : vector<16xi32>
          %gather3A_481 = tpu.vector_load_idx %arg7[%broadcast_in_dim3A, %add3A_480] : memref<8x64xf32, #tpu.memory_space<vmem>>[vector<16xi32>, vector<16xi32>], vector<16xf32>,
          %add3A_482 = arith.constant 48 : i32
          %add3A_483 = vector.broadcast %add3A_482 : i32 to vector<16xi32>
          %add3A_484 = arith.addi %add3A_483, %iota3A : vector<16xi32>
          tpu.vector_store_idx %arg6[%broadcast_in_dim3A_457, %add3A_484], %gather3A_481 : memref<1000x64xf32, #tpu.memory_space<vmem>>[vector<16xi32>, vector<16xi32>], vector<16xf32>,
        } else {
        }
        %add3A_437 = arith.constant 4 : i32
        %add3A_438 = arith.addi %max3A_284, %add3A_437 : i32
        %lt3A_439 = arith.cmpi slt, %add3A_438, %min3A_396 : i32
        %convert_element_type3A_440 = arith.extui %lt3A_439 : i1 to i32
        %cond3A_441 = arith.constant 0 : i32
        %cond3A_442 = arith.cmpi ne, %convert_element_type3A_440, %cond3A_441 : i32
        scf.if %cond3A_442 {
          %sub3A_455 = arith.subi %add3A_438, %mul3A_410 : i32
          %broadcast_in_dim3A = vector.broadcast %sub3A_455 : i32 to vector<16xi32>
          %sub3A_456 = arith.subi %add3A_438, %mul3A_283 : i32
          %broadcast_in_dim3A_457 = vector.broadcast %sub3A_456 : i32 to vector<16xi32>
          %add3A_458 = arith.constant 0 : i32
          %add3A_459 = vector.broadcast %add3A_458 : i32 to vector<16xi32>
          %add3A_460 = arith.addi %add3A_459, %iota3A : vector<16xi32>
          %gather3A = tpu.vector_load_idx %arg7[%broadcast_in_dim3A, %add3A_460] : memref<8x64xf32, #tpu.memory_space<vmem>>[vector<16xi32>, vector<16xi32>], vector<16xf32>,
          %add3A_461 = arith.constant 0 : i32
          %add3A_462 = vector.broadcast %add3A_461 : i32 to vector<16xi32>
          %add3A_463 = arith.addi %add3A_462, %iota3A : vector<16xi32>
          tpu.vector_store_idx %arg6[%broadcast_in_dim3A_457, %add3A_463], %gather3A : memref<1000x64xf32, #tpu.memory_space<vmem>>[vector<16xi32>, vector<16xi32>], vector<16xf32>,
          %add3A_464 = arith.constant 16 : i32
          %add3A_465 = vector.broadcast %add3A_464 : i32 to vector<16xi32>
          %add3A_466 = arith.addi %add3A_465, %iota3A : vector<16xi32>
          %gather3A_467 = tpu.vector_load_idx %arg7[%broadcast_in_dim3A, %add3A_466] : memref<8x64xf32, #tpu.memory_space<vmem>>[vector<16xi32>, vector<16xi32>], vector<16xf32>,
          %add3A_468 = arith.constant 16 : i32
          %add3A_469 = vector.broadcast %add3A_468 : i32 to vector<16xi32>
          %add3A_470 = arith.addi %add3A_469, %iota3A : vector<16xi32>
          tpu.vector_store_idx %arg6[%broadcast_in_dim3A_457, %add3A_470], %gather3A_467 : memref<1000x64xf32, #tpu.memory_space<vmem>>[vector<16xi32>, vector<16xi32>], vector<16xf32>,
          %add3A_471 = arith.constant 32 : i32
          %add3A_472 = vector.broadcast %add3A_471 : i32 to vector<16xi32>
          %add3A_473 = arith.addi %add3A_472, %iota3A : vector<16xi32>
          %gather3A_474 = tpu.vector_load_idx %arg7[%broadcast_in_dim3A, %add3A_473] : memref<8x64xf32, #tpu.memory_space<vmem>>[vector<16xi32>, vector<16xi32>], vector<16xf32>,
          %add3A_475 = arith.constant 32 : i32
          %add3A_476 = vector.broadcast %add3A_475 : i32 to vector<16xi32>
          %add3A_477 = arith.addi %add3A_476, %iota3A : vector<16xi32>
          tpu.vector_store_idx %arg6[%broadcast_in_dim3A_457, %add3A_477], %gather3A_474 : memref<1000x64xf32, #tpu.memory_space<vmem>>[vector<16xi32>, vector<16xi32>], vector<16xf32>,
          %add3A_478 = arith.constant 48 : i32
          %add3A_479 = vector.broadcast %add3A_478 : i32 to vector<16xi32>
          %add3A_480 = arith.addi %add3A_479, %iota3A : vector<16xi32>
          %gather3A_481 = tpu.vector_load_idx %arg7[%broadcast_in_dim3A, %add3A_480] : memref<8x64xf32, #tpu.memory_space<vmem>>[vector<16xi32>, vector<16xi32>], vector<16xf32>,
          %add3A_482 = arith.constant 48 : i32
          %add3A_483 = vector.broadcast %add3A_482 : i32 to vector<16xi32>
          %add3A_484 = arith.addi %add3A_483, %iota3A : vector<16xi32>
          tpu.vector_store_idx %arg6[%broadcast_in_dim3A_457, %add3A_484], %gather3A_481 : memref<1000x64xf32, #tpu.memory_space<vmem>>[vector<16xi32>, vector<16xi32>], vector<16xf32>,
        } else {
        }
        %add3A_443 = arith.constant 5 : i32
        %add3A_444 = arith.addi %max3A_284, %add3A_443 : i32
        %lt3A_445 = arith.cmpi slt, %add3A_444, %min3A_396 : i32
        %convert_element_type3A_446 = arith.extui %lt3A_445 : i1 to i32
        %cond3A_447 = arith.constant 0 : i32
        %cond3A_448 = arith.cmpi ne, %convert_element_type3A_446, %cond3A_447 : i32
        scf.if %cond3A_448 {
          %sub3A_455 = arith.subi %add3A_444, %mul3A_410 : i32
          %broadcast_in_dim3A = vector.broadcast %sub3A_455 : i32 to vector<16xi32>
          %sub3A_456 = arith.subi %add3A_444, %mul3A_283 : i32
          %broadcast_in_dim3A_457 = vector.broadcast %sub3A_456 : i32 to vector<16xi32>
          %add3A_458 = arith.constant 0 : i32
          %add3A_459 = vector.broadcast %add3A_458 : i32 to vector<16xi32>
          %add3A_460 = arith.addi %add3A_459, %iota3A : vector<16xi32>
          %gather3A = tpu.vector_load_idx %arg7[%broadcast_in_dim3A, %add3A_460] : memref<8x64xf32, #tpu.memory_space<vmem>>[vector<16xi32>, vector<16xi32>], vector<16xf32>,
          %add3A_461 = arith.constant 0 : i32
          %add3A_462 = vector.broadcast %add3A_461 : i32 to vector<16xi32>
          %add3A_463 = arith.addi %add3A_462, %iota3A : vector<16xi32>
          tpu.vector_store_idx %arg6[%broadcast_in_dim3A_457, %add3A_463], %gather3A : memref<1000x64xf32, #tpu.memory_space<vmem>>[vector<16xi32>, vector<16xi32>], vector<16xf32>,
          %add3A_464 = arith.constant 16 : i32
          %add3A_465 = vector.broadcast %add3A_464 : i32 to vector<16xi32>
          %add3A_466 = arith.addi %add3A_465, %iota3A : vector<16xi32>
          %gather3A_467 = tpu.vector_load_idx %arg7[%broadcast_in_dim3A, %add3A_466] : memref<8x64xf32, #tpu.memory_space<vmem>>[vector<16xi32>, vector<16xi32>], vector<16xf32>,
          %add3A_468 = arith.constant 16 : i32
          %add3A_469 = vector.broadcast %add3A_468 : i32 to vector<16xi32>
          %add3A_470 = arith.addi %add3A_469, %iota3A : vector<16xi32>
          tpu.vector_store_idx %arg6[%broadcast_in_dim3A_457, %add3A_470], %gather3A_467 : memref<1000x64xf32, #tpu.memory_space<vmem>>[vector<16xi32>, vector<16xi32>], vector<16xf32>,
          %add3A_471 = arith.constant 32 : i32
          %add3A_472 = vector.broadcast %add3A_471 : i32 to vector<16xi32>
          %add3A_473 = arith.addi %add3A_472, %iota3A : vector<16xi32>
          %gather3A_474 = tpu.vector_load_idx %arg7[%broadcast_in_dim3A, %add3A_473] : memref<8x64xf32, #tpu.memory_space<vmem>>[vector<16xi32>, vector<16xi32>], vector<16xf32>,
          %add3A_475 = arith.constant 32 : i32
          %add3A_476 = vector.broadcast %add3A_475 : i32 to vector<16xi32>
          %add3A_477 = arith.addi %add3A_476, %iota3A : vector<16xi32>
          tpu.vector_store_idx %arg6[%broadcast_in_dim3A_457, %add3A_477], %gather3A_474 : memref<1000x64xf32, #tpu.memory_space<vmem>>[vector<16xi32>, vector<16xi32>], vector<16xf32>,
          %add3A_478 = arith.constant 48 : i32
          %add3A_479 = vector.broadcast %add3A_478 : i32 to vector<16xi32>
          %add3A_480 = arith.addi %add3A_479, %iota3A : vector<16xi32>
          %gather3A_481 = tpu.vector_load_idx %arg7[%broadcast_in_dim3A, %add3A_480] : memref<8x64xf32, #tpu.memory_space<vmem>>[vector<16xi32>, vector<16xi32>], vector<16xf32>,
          %add3A_482 = arith.constant 48 : i32
          %add3A_483 = vector.broadcast %add3A_482 : i32 to vector<16xi32>
          %add3A_484 = arith.addi %add3A_483, %iota3A : vector<16xi32>
          tpu.vector_store_idx %arg6[%broadcast_in_dim3A_457, %add3A_484], %gather3A_481 : memref<1000x64xf32, #tpu.memory_space<vmem>>[vector<16xi32>, vector<16xi32>], vector<16xf32>,
        } else {
        }
        %add3A_449 = arith.constant 6 : i32
        %add3A_450 = arith.addi %max3A_284, %add3A_449 : i32
        %lt3A_451 = arith.cmpi slt, %add3A_450, %min3A_396 : i32
        %convert_element_type3A_452 = arith.extui %lt3A_451 : i1 to i32
        %cond3A_453 = arith.constant 0 : i32
        %cond3A_454 = arith.cmpi ne, %convert_element_type3A_452, %cond3A_453 : i32
        scf.if %cond3A_454 {
          %sub3A_455 = arith.subi %add3A_450, %mul3A_410 : i32
          %broadcast_in_dim3A = vector.broadcast %sub3A_455 : i32 to vector<16xi32>
          %sub3A_456 = arith.subi %add3A_450, %mul3A_283 : i32
          %broadcast_in_dim3A_457 = vector.broadcast %sub3A_456 : i32 to vector<16xi32>
          %add3A_458 = arith.constant 0 : i32
          %add3A_459 = vector.broadcast %add3A_458 : i32 to vector<16xi32>
          %add3A_460 = arith.addi %add3A_459, %iota3A : vector<16xi32>
          %gather3A = tpu.vector_load_idx %arg7[%broadcast_in_dim3A, %add3A_460] : memref<8x64xf32, #tpu.memory_space<vmem>>[vector<16xi32>, vector<16xi32>], vector<16xf32>,
          %add3A_461 = arith.constant 0 : i32
          %add3A_462 = vector.broadcast %add3A_461 : i32 to vector<16xi32>
          %add3A_463 = arith.addi %add3A_462, %iota3A : vector<16xi32>
          tpu.vector_store_idx %arg6[%broadcast_in_dim3A_457, %add3A_463], %gather3A : memref<1000x64xf32, #tpu.memory_space<vmem>>[vector<16xi32>, vector<16xi32>], vector<16xf32>,
          %add3A_464 = arith.constant 16 : i32
          %add3A_465 = vector.broadcast %add3A_464 : i32 to vector<16xi32>
          %add3A_466 = arith.addi %add3A_465, %iota3A : vector<16xi32>
          %gather3A_467 = tpu.vector_load_idx %arg7[%broadcast_in_dim3A, %add3A_466] : memref<8x64xf32, #tpu.memory_space<vmem>>[vector<16xi32>, vector<16xi32>], vector<16xf32>,
          %add3A_468 = arith.constant 16 : i32
          %add3A_469 = vector.broadcast %add3A_468 : i32 to vector<16xi32>
          %add3A_470 = arith.addi %add3A_469, %iota3A : vector<16xi32>
          tpu.vector_store_idx %arg6[%broadcast_in_dim3A_457, %add3A_470], %gather3A_467 : memref<1000x64xf32, #tpu.memory_space<vmem>>[vector<16xi32>, vector<16xi32>], vector<16xf32>,
          %add3A_471 = arith.constant 32 : i32
          %add3A_472 = vector.broadcast %add3A_471 : i32 to vector<16xi32>
          %add3A_473 = arith.addi %add3A_472, %iota3A : vector<16xi32>
          %gather3A_474 = tpu.vector_load_idx %arg7[%broadcast_in_dim3A, %add3A_473] : memref<8x64xf32, #tpu.memory_space<vmem>>[vector<16xi32>, vector<16xi32>], vector<16xf32>,
          %add3A_475 = arith.constant 32 : i32
          %add3A_476 = vector.broadcast %add3A_475 : i32 to vector<16xi32>
          %add3A_477 = arith.addi %add3A_476, %iota3A : vector<16xi32>
          tpu.vector_store_idx %arg6[%broadcast_in_dim3A_457, %add3A_477], %gather3A_474 : memref<1000x64xf32, #tpu.memory_space<vmem>>[vector<16xi32>, vector<16xi32>], vector<16xf32>,
          %add3A_478 = arith.constant 48 : i32
          %add3A_479 = vector.broadcast %add3A_478 : i32 to vector<16xi32>
          %add3A_480 = arith.addi %add3A_479, %iota3A : vector<16xi32>
          %gather3A_481 = tpu.vector_load_idx %arg7[%broadcast_in_dim3A, %add3A_480] : memref<8x64xf32, #tpu.memory_space<vmem>>[vector<16xi32>, vector<16xi32>], vector<16xf32>,
          %add3A_482 = arith.constant 48 : i32
          %add3A_483 = vector.broadcast %add3A_482 : i32 to vector<16xi32>
          %add3A_484 = arith.addi %add3A_483, %iota3A : vector<16xi32>
          tpu.vector_store_idx %arg6[%broadcast_in_dim3A_457, %add3A_484], %gather3A_481 : memref<1000x64xf32, #tpu.memory_space<vmem>>[vector<16xi32>, vector<16xi32>], vector<16xf32>,
        } else {
        }
      } else {
      }
      %max3A_401 = arith.maxsi %mul3A_300, %max3A_284 : i32
      %gt3A_402 = arith.cmpi sgt, %min3A_288, %max3A_401 : i32
      %convert_element_type3A_403 = arith.extui %gt3A_402 : i1 to i32
      %cond3A_404 = arith.constant 0 : i32
      %cond3A_405 = arith.cmpi ne, %convert_element_type3A_403, %cond3A_404 : i32
      scf.if %cond3A_405 {
        %div3A_407 = arith.constant 8 : i32
        %div3A_408 = arith.divsi %max3A_401, %div3A_407 : i32
        %mul3A_409 = arith.constant 8 : i32
        %mul3A_410 = arith.muli %div3A_408, %mul3A_409 : i32
        %add3A_411 = arith.addi %sub3A_290, %mul3A_410 : i32
        %multiple_of3A_412 = tpu.assume_multiple %add3A_411, 8 : i32
        "tpu.region"() ({
          %run_scoped3A = tpu.sem_alloc : memref<!tpu.dma_semaphore, #tpu.memory_space<semaphore_mem>>
          %dma_start3A = arith.constant 0 : i32
          %dma_start3A_455 = tpu.memref_slice %arg3[%multiple_of3A_412, %dma_start3A] : memref<16392x64xf32, #tpu.memory_space<hbm>> -> memref<8x64xf32, #tpu.memory_space<hbm>>
          %dma_start3A_456 = arith.constant 0 : i32
          %dma_start3A_457 = tpu.memref_slice %arg3[%multiple_of3A_412, %dma_start3A_456] : memref<16392x64xf32, #tpu.memory_space<hbm>> -> memref<8x64xf32, #tpu.memory_space<hbm>>
          tpu.enqueue_dma source(%dma_start3A_457 : memref<8x64xf32, #tpu.memory_space<hbm>>) target(%arg7 : memref<8x64xf32, #tpu.memory_space<vmem>>) target_semaphore(%run_scoped3A : memref<!tpu.dma_semaphore, #tpu.memory_space<semaphore_mem>>)
          %dma_wait3A = arith.constant 0 : i32
          %dma_wait3A_458 = tpu.memref_slice %arg3[%multiple_of3A_412, %dma_wait3A] : memref<16392x64xf32, #tpu.memory_space<hbm>> -> memref<8x64xf32, #tpu.memory_space<hbm>>
          %dma_wait3A_459 = arith.constant 0 : i32
          %dma_wait3A_460 = tpu.memref_slice %arg3[%multiple_of3A_412, %dma_wait3A_459] : memref<16392x64xf32, #tpu.memory_space<hbm>> -> memref<8x64xf32, #tpu.memory_space<hbm>>
          tpu.wait_dma2 semaphore(%run_scoped3A : memref<!tpu.dma_semaphore, #tpu.memory_space<semaphore_mem>>) src(%dma_wait3A_460 : memref<8x64xf32, #tpu.memory_space<hbm>>) dst(%arg7 : memref<8x64xf32, #tpu.memory_space<vmem>>)
          tpu.yield
        }) : () -> ()
        %iota3A = tpu.iota {dimensions = array<i32: 0>} : vector<16xi32>
        %add3A_413 = arith.constant 0 : i32
        %add3A_414 = arith.addi %max3A_401, %add3A_413 : i32
        %lt3A_415 = arith.cmpi slt, %add3A_414, %min3A_288 : i32
        %convert_element_type3A_416 = arith.extui %lt3A_415 : i1 to i32
        %cond3A_417 = arith.constant 0 : i32
        %cond3A_418 = arith.cmpi ne, %convert_element_type3A_416, %cond3A_417 : i32
        scf.if %cond3A_418 {
          %sub3A_455 = arith.subi %add3A_414, %mul3A_410 : i32
          %broadcast_in_dim3A = vector.broadcast %sub3A_455 : i32 to vector<16xi32>
          %sub3A_456 = arith.subi %add3A_414, %mul3A_283 : i32
          %broadcast_in_dim3A_457 = vector.broadcast %sub3A_456 : i32 to vector<16xi32>
          %add3A_458 = arith.constant 0 : i32
          %add3A_459 = vector.broadcast %add3A_458 : i32 to vector<16xi32>
          %add3A_460 = arith.addi %add3A_459, %iota3A : vector<16xi32>
          %gather3A = tpu.vector_load_idx %arg7[%broadcast_in_dim3A, %add3A_460] : memref<8x64xf32, #tpu.memory_space<vmem>>[vector<16xi32>, vector<16xi32>], vector<16xf32>,
          %add3A_461 = arith.constant 0 : i32
          %add3A_462 = vector.broadcast %add3A_461 : i32 to vector<16xi32>
          %add3A_463 = arith.addi %add3A_462, %iota3A : vector<16xi32>
          tpu.vector_store_idx %arg6[%broadcast_in_dim3A_457, %add3A_463], %gather3A : memref<1000x64xf32, #tpu.memory_space<vmem>>[vector<16xi32>, vector<16xi32>], vector<16xf32>,
          %add3A_464 = arith.constant 16 : i32
          %add3A_465 = vector.broadcast %add3A_464 : i32 to vector<16xi32>
          %add3A_466 = arith.addi %add3A_465, %iota3A : vector<16xi32>
          %gather3A_467 = tpu.vector_load_idx %arg7[%broadcast_in_dim3A, %add3A_466] : memref<8x64xf32, #tpu.memory_space<vmem>>[vector<16xi32>, vector<16xi32>], vector<16xf32>,
          %add3A_468 = arith.constant 16 : i32
          %add3A_469 = vector.broadcast %add3A_468 : i32 to vector<16xi32>
          %add3A_470 = arith.addi %add3A_469, %iota3A : vector<16xi32>
          tpu.vector_store_idx %arg6[%broadcast_in_dim3A_457, %add3A_470], %gather3A_467 : memref<1000x64xf32, #tpu.memory_space<vmem>>[vector<16xi32>, vector<16xi32>], vector<16xf32>,
          %add3A_471 = arith.constant 32 : i32
          %add3A_472 = vector.broadcast %add3A_471 : i32 to vector<16xi32>
          %add3A_473 = arith.addi %add3A_472, %iota3A : vector<16xi32>
          %gather3A_474 = tpu.vector_load_idx %arg7[%broadcast_in_dim3A, %add3A_473] : memref<8x64xf32, #tpu.memory_space<vmem>>[vector<16xi32>, vector<16xi32>], vector<16xf32>,
          %add3A_475 = arith.constant 32 : i32
          %add3A_476 = vector.broadcast %add3A_475 : i32 to vector<16xi32>
          %add3A_477 = arith.addi %add3A_476, %iota3A : vector<16xi32>
          tpu.vector_store_idx %arg6[%broadcast_in_dim3A_457, %add3A_477], %gather3A_474 : memref<1000x64xf32, #tpu.memory_space<vmem>>[vector<16xi32>, vector<16xi32>], vector<16xf32>,
          %add3A_478 = arith.constant 48 : i32
          %add3A_479 = vector.broadcast %add3A_478 : i32 to vector<16xi32>
          %add3A_480 = arith.addi %add3A_479, %iota3A : vector<16xi32>
          %gather3A_481 = tpu.vector_load_idx %arg7[%broadcast_in_dim3A, %add3A_480] : memref<8x64xf32, #tpu.memory_space<vmem>>[vector<16xi32>, vector<16xi32>], vector<16xf32>,
          %add3A_482 = arith.constant 48 : i32
          %add3A_483 = vector.broadcast %add3A_482 : i32 to vector<16xi32>
          %add3A_484 = arith.addi %add3A_483, %iota3A : vector<16xi32>
          tpu.vector_store_idx %arg6[%broadcast_in_dim3A_457, %add3A_484], %gather3A_481 : memref<1000x64xf32, #tpu.memory_space<vmem>>[vector<16xi32>, vector<16xi32>], vector<16xf32>,
        } else {
        }
        %add3A_419 = arith.constant 1 : i32
        %add3A_420 = arith.addi %max3A_401, %add3A_419 : i32
        %lt3A_421 = arith.cmpi slt, %add3A_420, %min3A_288 : i32
        %convert_element_type3A_422 = arith.extui %lt3A_421 : i1 to i32
        %cond3A_423 = arith.constant 0 : i32
        %cond3A_424 = arith.cmpi ne, %convert_element_type3A_422, %cond3A_423 : i32
        scf.if %cond3A_424 {
          %sub3A_455 = arith.subi %add3A_420, %mul3A_410 : i32
          %broadcast_in_dim3A = vector.broadcast %sub3A_455 : i32 to vector<16xi32>
          %sub3A_456 = arith.subi %add3A_420, %mul3A_283 : i32
          %broadcast_in_dim3A_457 = vector.broadcast %sub3A_456 : i32 to vector<16xi32>
          %add3A_458 = arith.constant 0 : i32
          %add3A_459 = vector.broadcast %add3A_458 : i32 to vector<16xi32>
          %add3A_460 = arith.addi %add3A_459, %iota3A : vector<16xi32>
          %gather3A = tpu.vector_load_idx %arg7[%broadcast_in_dim3A, %add3A_460] : memref<8x64xf32, #tpu.memory_space<vmem>>[vector<16xi32>, vector<16xi32>], vector<16xf32>,
          %add3A_461 = arith.constant 0 : i32
          %add3A_462 = vector.broadcast %add3A_461 : i32 to vector<16xi32>
          %add3A_463 = arith.addi %add3A_462, %iota3A : vector<16xi32>
          tpu.vector_store_idx %arg6[%broadcast_in_dim3A_457, %add3A_463], %gather3A : memref<1000x64xf32, #tpu.memory_space<vmem>>[vector<16xi32>, vector<16xi32>], vector<16xf32>,
          %add3A_464 = arith.constant 16 : i32
          %add3A_465 = vector.broadcast %add3A_464 : i32 to vector<16xi32>
          %add3A_466 = arith.addi %add3A_465, %iota3A : vector<16xi32>
          %gather3A_467 = tpu.vector_load_idx %arg7[%broadcast_in_dim3A, %add3A_466] : memref<8x64xf32, #tpu.memory_space<vmem>>[vector<16xi32>, vector<16xi32>], vector<16xf32>,
          %add3A_468 = arith.constant 16 : i32
          %add3A_469 = vector.broadcast %add3A_468 : i32 to vector<16xi32>
          %add3A_470 = arith.addi %add3A_469, %iota3A : vector<16xi32>
          tpu.vector_store_idx %arg6[%broadcast_in_dim3A_457, %add3A_470], %gather3A_467 : memref<1000x64xf32, #tpu.memory_space<vmem>>[vector<16xi32>, vector<16xi32>], vector<16xf32>,
          %add3A_471 = arith.constant 32 : i32
          %add3A_472 = vector.broadcast %add3A_471 : i32 to vector<16xi32>
          %add3A_473 = arith.addi %add3A_472, %iota3A : vector<16xi32>
          %gather3A_474 = tpu.vector_load_idx %arg7[%broadcast_in_dim3A, %add3A_473] : memref<8x64xf32, #tpu.memory_space<vmem>>[vector<16xi32>, vector<16xi32>], vector<16xf32>,
          %add3A_475 = arith.constant 32 : i32
          %add3A_476 = vector.broadcast %add3A_475 : i32 to vector<16xi32>
          %add3A_477 = arith.addi %add3A_476, %iota3A : vector<16xi32>
          tpu.vector_store_idx %arg6[%broadcast_in_dim3A_457, %add3A_477], %gather3A_474 : memref<1000x64xf32, #tpu.memory_space<vmem>>[vector<16xi32>, vector<16xi32>], vector<16xf32>,
          %add3A_478 = arith.constant 48 : i32
          %add3A_479 = vector.broadcast %add3A_478 : i32 to vector<16xi32>
          %add3A_480 = arith.addi %add3A_479, %iota3A : vector<16xi32>
          %gather3A_481 = tpu.vector_load_idx %arg7[%broadcast_in_dim3A, %add3A_480] : memref<8x64xf32, #tpu.memory_space<vmem>>[vector<16xi32>, vector<16xi32>], vector<16xf32>,
          %add3A_482 = arith.constant 48 : i32
          %add3A_483 = vector.broadcast %add3A_482 : i32 to vector<16xi32>
          %add3A_484 = arith.addi %add3A_483, %iota3A : vector<16xi32>
          tpu.vector_store_idx %arg6[%broadcast_in_dim3A_457, %add3A_484], %gather3A_481 : memref<1000x64xf32, #tpu.memory_space<vmem>>[vector<16xi32>, vector<16xi32>], vector<16xf32>,
        } else {
        }
        %add3A_425 = arith.constant 2 : i32
        %add3A_426 = arith.addi %max3A_401, %add3A_425 : i32
        %lt3A_427 = arith.cmpi slt, %add3A_426, %min3A_288 : i32
        %convert_element_type3A_428 = arith.extui %lt3A_427 : i1 to i32
        %cond3A_429 = arith.constant 0 : i32
        %cond3A_430 = arith.cmpi ne, %convert_element_type3A_428, %cond3A_429 : i32
        scf.if %cond3A_430 {
          %sub3A_455 = arith.subi %add3A_426, %mul3A_410 : i32
          %broadcast_in_dim3A = vector.broadcast %sub3A_455 : i32 to vector<16xi32>
          %sub3A_456 = arith.subi %add3A_426, %mul3A_283 : i32
          %broadcast_in_dim3A_457 = vector.broadcast %sub3A_456 : i32 to vector<16xi32>
          %add3A_458 = arith.constant 0 : i32
          %add3A_459 = vector.broadcast %add3A_458 : i32 to vector<16xi32>
          %add3A_460 = arith.addi %add3A_459, %iota3A : vector<16xi32>
          %gather3A = tpu.vector_load_idx %arg7[%broadcast_in_dim3A, %add3A_460] : memref<8x64xf32, #tpu.memory_space<vmem>>[vector<16xi32>, vector<16xi32>], vector<16xf32>,
          %add3A_461 = arith.constant 0 : i32
          %add3A_462 = vector.broadcast %add3A_461 : i32 to vector<16xi32>
          %add3A_463 = arith.addi %add3A_462, %iota3A : vector<16xi32>
          tpu.vector_store_idx %arg6[%broadcast_in_dim3A_457, %add3A_463], %gather3A : memref<1000x64xf32, #tpu.memory_space<vmem>>[vector<16xi32>, vector<16xi32>], vector<16xf32>,
          %add3A_464 = arith.constant 16 : i32
          %add3A_465 = vector.broadcast %add3A_464 : i32 to vector<16xi32>
          %add3A_466 = arith.addi %add3A_465, %iota3A : vector<16xi32>
          %gather3A_467 = tpu.vector_load_idx %arg7[%broadcast_in_dim3A, %add3A_466] : memref<8x64xf32, #tpu.memory_space<vmem>>[vector<16xi32>, vector<16xi32>], vector<16xf32>,
          %add3A_468 = arith.constant 16 : i32
          %add3A_469 = vector.broadcast %add3A_468 : i32 to vector<16xi32>
          %add3A_470 = arith.addi %add3A_469, %iota3A : vector<16xi32>
          tpu.vector_store_idx %arg6[%broadcast_in_dim3A_457, %add3A_470], %gather3A_467 : memref<1000x64xf32, #tpu.memory_space<vmem>>[vector<16xi32>, vector<16xi32>], vector<16xf32>,
          %add3A_471 = arith.constant 32 : i32
          %add3A_472 = vector.broadcast %add3A_471 : i32 to vector<16xi32>
          %add3A_473 = arith.addi %add3A_472, %iota3A : vector<16xi32>
          %gather3A_474 = tpu.vector_load_idx %arg7[%broadcast_in_dim3A, %add3A_473] : memref<8x64xf32, #tpu.memory_space<vmem>>[vector<16xi32>, vector<16xi32>], vector<16xf32>,
          %add3A_475 = arith.constant 32 : i32
          %add3A_476 = vector.broadcast %add3A_475 : i32 to vector<16xi32>
          %add3A_477 = arith.addi %add3A_476, %iota3A : vector<16xi32>
          tpu.vector_store_idx %arg6[%broadcast_in_dim3A_457, %add3A_477], %gather3A_474 : memref<1000x64xf32, #tpu.memory_space<vmem>>[vector<16xi32>, vector<16xi32>], vector<16xf32>,
          %add3A_478 = arith.constant 48 : i32
          %add3A_479 = vector.broadcast %add3A_478 : i32 to vector<16xi32>
          %add3A_480 = arith.addi %add3A_479, %iota3A : vector<16xi32>
          %gather3A_481 = tpu.vector_load_idx %arg7[%broadcast_in_dim3A, %add3A_480] : memref<8x64xf32, #tpu.memory_space<vmem>>[vector<16xi32>, vector<16xi32>], vector<16xf32>,
          %add3A_482 = arith.constant 48 : i32
          %add3A_483 = vector.broadcast %add3A_482 : i32 to vector<16xi32>
          %add3A_484 = arith.addi %add3A_483, %iota3A : vector<16xi32>
          tpu.vector_store_idx %arg6[%broadcast_in_dim3A_457, %add3A_484], %gather3A_481 : memref<1000x64xf32, #tpu.memory_space<vmem>>[vector<16xi32>, vector<16xi32>], vector<16xf32>,
        } else {
        }
        %add3A_431 = arith.constant 3 : i32
        %add3A_432 = arith.addi %max3A_401, %add3A_431 : i32
        %lt3A_433 = arith.cmpi slt, %add3A_432, %min3A_288 : i32
        %convert_element_type3A_434 = arith.extui %lt3A_433 : i1 to i32
        %cond3A_435 = arith.constant 0 : i32
        %cond3A_436 = arith.cmpi ne, %convert_element_type3A_434, %cond3A_435 : i32
        scf.if %cond3A_436 {
          %sub3A_455 = arith.subi %add3A_432, %mul3A_410 : i32
          %broadcast_in_dim3A = vector.broadcast %sub3A_455 : i32 to vector<16xi32>
          %sub3A_456 = arith.subi %add3A_432, %mul3A_283 : i32
          %broadcast_in_dim3A_457 = vector.broadcast %sub3A_456 : i32 to vector<16xi32>
          %add3A_458 = arith.constant 0 : i32
          %add3A_459 = vector.broadcast %add3A_458 : i32 to vector<16xi32>
          %add3A_460 = arith.addi %add3A_459, %iota3A : vector<16xi32>
          %gather3A = tpu.vector_load_idx %arg7[%broadcast_in_dim3A, %add3A_460] : memref<8x64xf32, #tpu.memory_space<vmem>>[vector<16xi32>, vector<16xi32>], vector<16xf32>,
          %add3A_461 = arith.constant 0 : i32
          %add3A_462 = vector.broadcast %add3A_461 : i32 to vector<16xi32>
          %add3A_463 = arith.addi %add3A_462, %iota3A : vector<16xi32>
          tpu.vector_store_idx %arg6[%broadcast_in_dim3A_457, %add3A_463], %gather3A : memref<1000x64xf32, #tpu.memory_space<vmem>>[vector<16xi32>, vector<16xi32>], vector<16xf32>,
          %add3A_464 = arith.constant 16 : i32
          %add3A_465 = vector.broadcast %add3A_464 : i32 to vector<16xi32>
          %add3A_466 = arith.addi %add3A_465, %iota3A : vector<16xi32>
          %gather3A_467 = tpu.vector_load_idx %arg7[%broadcast_in_dim3A, %add3A_466] : memref<8x64xf32, #tpu.memory_space<vmem>>[vector<16xi32>, vector<16xi32>], vector<16xf32>,
          %add3A_468 = arith.constant 16 : i32
          %add3A_469 = vector.broadcast %add3A_468 : i32 to vector<16xi32>
          %add3A_470 = arith.addi %add3A_469, %iota3A : vector<16xi32>
          tpu.vector_store_idx %arg6[%broadcast_in_dim3A_457, %add3A_470], %gather3A_467 : memref<1000x64xf32, #tpu.memory_space<vmem>>[vector<16xi32>, vector<16xi32>], vector<16xf32>,
          %add3A_471 = arith.constant 32 : i32
          %add3A_472 = vector.broadcast %add3A_471 : i32 to vector<16xi32>
          %add3A_473 = arith.addi %add3A_472, %iota3A : vector<16xi32>
          %gather3A_474 = tpu.vector_load_idx %arg7[%broadcast_in_dim3A, %add3A_473] : memref<8x64xf32, #tpu.memory_space<vmem>>[vector<16xi32>, vector<16xi32>], vector<16xf32>,
          %add3A_475 = arith.constant 32 : i32
          %add3A_476 = vector.broadcast %add3A_475 : i32 to vector<16xi32>
          %add3A_477 = arith.addi %add3A_476, %iota3A : vector<16xi32>
          tpu.vector_store_idx %arg6[%broadcast_in_dim3A_457, %add3A_477], %gather3A_474 : memref<1000x64xf32, #tpu.memory_space<vmem>>[vector<16xi32>, vector<16xi32>], vector<16xf32>,
          %add3A_478 = arith.constant 48 : i32
          %add3A_479 = vector.broadcast %add3A_478 : i32 to vector<16xi32>
          %add3A_480 = arith.addi %add3A_479, %iota3A : vector<16xi32>
          %gather3A_481 = tpu.vector_load_idx %arg7[%broadcast_in_dim3A, %add3A_480] : memref<8x64xf32, #tpu.memory_space<vmem>>[vector<16xi32>, vector<16xi32>], vector<16xf32>,
          %add3A_482 = arith.constant 48 : i32
          %add3A_483 = vector.broadcast %add3A_482 : i32 to vector<16xi32>
          %add3A_484 = arith.addi %add3A_483, %iota3A : vector<16xi32>
          tpu.vector_store_idx %arg6[%broadcast_in_dim3A_457, %add3A_484], %gather3A_481 : memref<1000x64xf32, #tpu.memory_space<vmem>>[vector<16xi32>, vector<16xi32>], vector<16xf32>,
        } else {
        }
        %add3A_437 = arith.constant 4 : i32
        %add3A_438 = arith.addi %max3A_401, %add3A_437 : i32
        %lt3A_439 = arith.cmpi slt, %add3A_438, %min3A_288 : i32
        %convert_element_type3A_440 = arith.extui %lt3A_439 : i1 to i32
        %cond3A_441 = arith.constant 0 : i32
        %cond3A_442 = arith.cmpi ne, %convert_element_type3A_440, %cond3A_441 : i32
        scf.if %cond3A_442 {
          %sub3A_455 = arith.subi %add3A_438, %mul3A_410 : i32
          %broadcast_in_dim3A = vector.broadcast %sub3A_455 : i32 to vector<16xi32>
          %sub3A_456 = arith.subi %add3A_438, %mul3A_283 : i32
          %broadcast_in_dim3A_457 = vector.broadcast %sub3A_456 : i32 to vector<16xi32>
          %add3A_458 = arith.constant 0 : i32
          %add3A_459 = vector.broadcast %add3A_458 : i32 to vector<16xi32>
          %add3A_460 = arith.addi %add3A_459, %iota3A : vector<16xi32>
          %gather3A = tpu.vector_load_idx %arg7[%broadcast_in_dim3A, %add3A_460] : memref<8x64xf32, #tpu.memory_space<vmem>>[vector<16xi32>, vector<16xi32>], vector<16xf32>,
          %add3A_461 = arith.constant 0 : i32
          %add3A_462 = vector.broadcast %add3A_461 : i32 to vector<16xi32>
          %add3A_463 = arith.addi %add3A_462, %iota3A : vector<16xi32>
          tpu.vector_store_idx %arg6[%broadcast_in_dim3A_457, %add3A_463], %gather3A : memref<1000x64xf32, #tpu.memory_space<vmem>>[vector<16xi32>, vector<16xi32>], vector<16xf32>,
          %add3A_464 = arith.constant 16 : i32
          %add3A_465 = vector.broadcast %add3A_464 : i32 to vector<16xi32>
          %add3A_466 = arith.addi %add3A_465, %iota3A : vector<16xi32>
          %gather3A_467 = tpu.vector_load_idx %arg7[%broadcast_in_dim3A, %add3A_466] : memref<8x64xf32, #tpu.memory_space<vmem>>[vector<16xi32>, vector<16xi32>], vector<16xf32>,
          %add3A_468 = arith.constant 16 : i32
          %add3A_469 = vector.broadcast %add3A_468 : i32 to vector<16xi32>
          %add3A_470 = arith.addi %add3A_469, %iota3A : vector<16xi32>
          tpu.vector_store_idx %arg6[%broadcast_in_dim3A_457, %add3A_470], %gather3A_467 : memref<1000x64xf32, #tpu.memory_space<vmem>>[vector<16xi32>, vector<16xi32>], vector<16xf32>,
          %add3A_471 = arith.constant 32 : i32
          %add3A_472 = vector.broadcast %add3A_471 : i32 to vector<16xi32>
          %add3A_473 = arith.addi %add3A_472, %iota3A : vector<16xi32>
          %gather3A_474 = tpu.vector_load_idx %arg7[%broadcast_in_dim3A, %add3A_473] : memref<8x64xf32, #tpu.memory_space<vmem>>[vector<16xi32>, vector<16xi32>], vector<16xf32>,
          %add3A_475 = arith.constant 32 : i32
          %add3A_476 = vector.broadcast %add3A_475 : i32 to vector<16xi32>
          %add3A_477 = arith.addi %add3A_476, %iota3A : vector<16xi32>
          tpu.vector_store_idx %arg6[%broadcast_in_dim3A_457, %add3A_477], %gather3A_474 : memref<1000x64xf32, #tpu.memory_space<vmem>>[vector<16xi32>, vector<16xi32>], vector<16xf32>,
          %add3A_478 = arith.constant 48 : i32
          %add3A_479 = vector.broadcast %add3A_478 : i32 to vector<16xi32>
          %add3A_480 = arith.addi %add3A_479, %iota3A : vector<16xi32>
          %gather3A_481 = tpu.vector_load_idx %arg7[%broadcast_in_dim3A, %add3A_480] : memref<8x64xf32, #tpu.memory_space<vmem>>[vector<16xi32>, vector<16xi32>], vector<16xf32>,
          %add3A_482 = arith.constant 48 : i32
          %add3A_483 = vector.broadcast %add3A_482 : i32 to vector<16xi32>
          %add3A_484 = arith.addi %add3A_483, %iota3A : vector<16xi32>
          tpu.vector_store_idx %arg6[%broadcast_in_dim3A_457, %add3A_484], %gather3A_481 : memref<1000x64xf32, #tpu.memory_space<vmem>>[vector<16xi32>, vector<16xi32>], vector<16xf32>,
        } else {
        }
        %add3A_443 = arith.constant 5 : i32
        %add3A_444 = arith.addi %max3A_401, %add3A_443 : i32
        %lt3A_445 = arith.cmpi slt, %add3A_444, %min3A_288 : i32
        %convert_element_type3A_446 = arith.extui %lt3A_445 : i1 to i32
        %cond3A_447 = arith.constant 0 : i32
        %cond3A_448 = arith.cmpi ne, %convert_element_type3A_446, %cond3A_447 : i32
        scf.if %cond3A_448 {
          %sub3A_455 = arith.subi %add3A_444, %mul3A_410 : i32
          %broadcast_in_dim3A = vector.broadcast %sub3A_455 : i32 to vector<16xi32>
          %sub3A_456 = arith.subi %add3A_444, %mul3A_283 : i32
          %broadcast_in_dim3A_457 = vector.broadcast %sub3A_456 : i32 to vector<16xi32>
          %add3A_458 = arith.constant 0 : i32
          %add3A_459 = vector.broadcast %add3A_458 : i32 to vector<16xi32>
          %add3A_460 = arith.addi %add3A_459, %iota3A : vector<16xi32>
          %gather3A = tpu.vector_load_idx %arg7[%broadcast_in_dim3A, %add3A_460] : memref<8x64xf32, #tpu.memory_space<vmem>>[vector<16xi32>, vector<16xi32>], vector<16xf32>,
          %add3A_461 = arith.constant 0 : i32
          %add3A_462 = vector.broadcast %add3A_461 : i32 to vector<16xi32>
          %add3A_463 = arith.addi %add3A_462, %iota3A : vector<16xi32>
          tpu.vector_store_idx %arg6[%broadcast_in_dim3A_457, %add3A_463], %gather3A : memref<1000x64xf32, #tpu.memory_space<vmem>>[vector<16xi32>, vector<16xi32>], vector<16xf32>,
          %add3A_464 = arith.constant 16 : i32
          %add3A_465 = vector.broadcast %add3A_464 : i32 to vector<16xi32>
          %add3A_466 = arith.addi %add3A_465, %iota3A : vector<16xi32>
          %gather3A_467 = tpu.vector_load_idx %arg7[%broadcast_in_dim3A, %add3A_466] : memref<8x64xf32, #tpu.memory_space<vmem>>[vector<16xi32>, vector<16xi32>], vector<16xf32>,
          %add3A_468 = arith.constant 16 : i32
          %add3A_469 = vector.broadcast %add3A_468 : i32 to vector<16xi32>
          %add3A_470 = arith.addi %add3A_469, %iota3A : vector<16xi32>
          tpu.vector_store_idx %arg6[%broadcast_in_dim3A_457, %add3A_470], %gather3A_467 : memref<1000x64xf32, #tpu.memory_space<vmem>>[vector<16xi32>, vector<16xi32>], vector<16xf32>,
          %add3A_471 = arith.constant 32 : i32
          %add3A_472 = vector.broadcast %add3A_471 : i32 to vector<16xi32>
          %add3A_473 = arith.addi %add3A_472, %iota3A : vector<16xi32>
          %gather3A_474 = tpu.vector_load_idx %arg7[%broadcast_in_dim3A, %add3A_473] : memref<8x64xf32, #tpu.memory_space<vmem>>[vector<16xi32>, vector<16xi32>], vector<16xf32>,
          %add3A_475 = arith.constant 32 : i32
          %add3A_476 = vector.broadcast %add3A_475 : i32 to vector<16xi32>
          %add3A_477 = arith.addi %add3A_476, %iota3A : vector<16xi32>
          tpu.vector_store_idx %arg6[%broadcast_in_dim3A_457, %add3A_477], %gather3A_474 : memref<1000x64xf32, #tpu.memory_space<vmem>>[vector<16xi32>, vector<16xi32>], vector<16xf32>,
          %add3A_478 = arith.constant 48 : i32
          %add3A_479 = vector.broadcast %add3A_478 : i32 to vector<16xi32>
          %add3A_480 = arith.addi %add3A_479, %iota3A : vector<16xi32>
          %gather3A_481 = tpu.vector_load_idx %arg7[%broadcast_in_dim3A, %add3A_480] : memref<8x64xf32, #tpu.memory_space<vmem>>[vector<16xi32>, vector<16xi32>], vector<16xf32>,
          %add3A_482 = arith.constant 48 : i32
          %add3A_483 = vector.broadcast %add3A_482 : i32 to vector<16xi32>
          %add3A_484 = arith.addi %add3A_483, %iota3A : vector<16xi32>
          tpu.vector_store_idx %arg6[%broadcast_in_dim3A_457, %add3A_484], %gather3A_481 : memref<1000x64xf32, #tpu.memory_space<vmem>>[vector<16xi32>, vector<16xi32>], vector<16xf32>,
        } else {
        }
        %add3A_449 = arith.constant 6 : i32
        %add3A_450 = arith.addi %max3A_401, %add3A_449 : i32
        %lt3A_451 = arith.cmpi slt, %add3A_450, %min3A_288 : i32
        %convert_element_type3A_452 = arith.extui %lt3A_451 : i1 to i32
        %cond3A_453 = arith.constant 0 : i32
        %cond3A_454 = arith.cmpi ne, %convert_element_type3A_452, %cond3A_453 : i32
        scf.if %cond3A_454 {
          %sub3A_455 = arith.subi %add3A_450, %mul3A_410 : i32
          %broadcast_in_dim3A = vector.broadcast %sub3A_455 : i32 to vector<16xi32>
          %sub3A_456 = arith.subi %add3A_450, %mul3A_283 : i32
          %broadcast_in_dim3A_457 = vector.broadcast %sub3A_456 : i32 to vector<16xi32>
          %add3A_458 = arith.constant 0 : i32
          %add3A_459 = vector.broadcast %add3A_458 : i32 to vector<16xi32>
          %add3A_460 = arith.addi %add3A_459, %iota3A : vector<16xi32>
          %gather3A = tpu.vector_load_idx %arg7[%broadcast_in_dim3A, %add3A_460] : memref<8x64xf32, #tpu.memory_space<vmem>>[vector<16xi32>, vector<16xi32>], vector<16xf32>,
          %add3A_461 = arith.constant 0 : i32
          %add3A_462 = vector.broadcast %add3A_461 : i32 to vector<16xi32>
          %add3A_463 = arith.addi %add3A_462, %iota3A : vector<16xi32>
          tpu.vector_store_idx %arg6[%broadcast_in_dim3A_457, %add3A_463], %gather3A : memref<1000x64xf32, #tpu.memory_space<vmem>>[vector<16xi32>, vector<16xi32>], vector<16xf32>,
          %add3A_464 = arith.constant 16 : i32
          %add3A_465 = vector.broadcast %add3A_464 : i32 to vector<16xi32>
          %add3A_466 = arith.addi %add3A_465, %iota3A : vector<16xi32>
          %gather3A_467 = tpu.vector_load_idx %arg7[%broadcast_in_dim3A, %add3A_466] : memref<8x64xf32, #tpu.memory_space<vmem>>[vector<16xi32>, vector<16xi32>], vector<16xf32>,
          %add3A_468 = arith.constant 16 : i32
          %add3A_469 = vector.broadcast %add3A_468 : i32 to vector<16xi32>
          %add3A_470 = arith.addi %add3A_469, %iota3A : vector<16xi32>
          tpu.vector_store_idx %arg6[%broadcast_in_dim3A_457, %add3A_470], %gather3A_467 : memref<1000x64xf32, #tpu.memory_space<vmem>>[vector<16xi32>, vector<16xi32>], vector<16xf32>,
          %add3A_471 = arith.constant 32 : i32
          %add3A_472 = vector.broadcast %add3A_471 : i32 to vector<16xi32>
          %add3A_473 = arith.addi %add3A_472, %iota3A : vector<16xi32>
          %gather3A_474 = tpu.vector_load_idx %arg7[%broadcast_in_dim3A, %add3A_473] : memref<8x64xf32, #tpu.memory_space<vmem>>[vector<16xi32>, vector<16xi32>], vector<16xf32>,
          %add3A_475 = arith.constant 32 : i32
          %add3A_476 = vector.broadcast %add3A_475 : i32 to vector<16xi32>
          %add3A_477 = arith.addi %add3A_476, %iota3A : vector<16xi32>
          tpu.vector_store_idx %arg6[%broadcast_in_dim3A_457, %add3A_477], %gather3A_474 : memref<1000x64xf32, #tpu.memory_space<vmem>>[vector<16xi32>, vector<16xi32>], vector<16xf32>,
          %add3A_478 = arith.constant 48 : i32
          %add3A_479 = vector.broadcast %add3A_478 : i32 to vector<16xi32>
          %add3A_480 = arith.addi %add3A_479, %iota3A : vector<16xi32>
          %gather3A_481 = tpu.vector_load_idx %arg7[%broadcast_in_dim3A, %add3A_480] : memref<8x64xf32, #tpu.memory_space<vmem>>[vector<16xi32>, vector<16xi32>], vector<16xf32>,
          %add3A_482 = arith.constant 48 : i32
          %add3A_483 = vector.broadcast %add3A_482 : i32 to vector<16xi32>
          %add3A_484 = arith.addi %add3A_483, %iota3A : vector<16xi32>
          tpu.vector_store_idx %arg6[%broadcast_in_dim3A_457, %add3A_484], %gather3A_481 : memref<1000x64xf32, #tpu.memory_space<vmem>>[vector<16xi32>, vector<16xi32>], vector<16xf32>,
        } else {
        }
      } else {
      }
      %multiple_of3A_406 = tpu.assume_multiple %mul3A_283, 8 : i32
      "tpu.region"() ({
        %run_scoped3A = tpu.sem_alloc : memref<!tpu.dma_semaphore, #tpu.memory_space<semaphore_mem>>
        %dma_start3A = arith.constant 0 : i32
        %dma_start3A_407 = tpu.memref_slice %arg5[%multiple_of3A_406, %dma_start3A] : memref<1000000x64xf32, #tpu.memory_space<hbm>> -> memref<1000x64xf32, #tpu.memory_space<hbm>>
        %dma_start3A_408 = arith.constant 0 : i32
        %dma_start3A_409 = tpu.memref_slice %arg5[%multiple_of3A_406, %dma_start3A_408] : memref<1000000x64xf32, #tpu.memory_space<hbm>> -> memref<1000x64xf32, #tpu.memory_space<hbm>>
        tpu.enqueue_dma source(%arg6 : memref<1000x64xf32, #tpu.memory_space<vmem>>) target(%dma_start3A_409 : memref<1000x64xf32, #tpu.memory_space<hbm>>) target_semaphore(%run_scoped3A : memref<!tpu.dma_semaphore, #tpu.memory_space<semaphore_mem>>)
        %dma_wait3A = arith.constant 0 : i32
        %dma_wait3A_410 = tpu.memref_slice %arg5[%multiple_of3A_406, %dma_wait3A] : memref<1000000x64xf32, #tpu.memory_space<hbm>> -> memref<1000x64xf32, #tpu.memory_space<hbm>>
        %dma_wait3A_411 = arith.constant 0 : i32
        %dma_wait3A_412 = tpu.memref_slice %arg5[%multiple_of3A_406, %dma_wait3A_411] : memref<1000000x64xf32, #tpu.memory_space<hbm>> -> memref<1000x64xf32, #tpu.memory_space<hbm>>
        tpu.wait_dma2 semaphore(%run_scoped3A : memref<!tpu.dma_semaphore, #tpu.memory_space<semaphore_mem>>) src(%arg6 : memref<1000x64xf32, #tpu.memory_space<vmem>>) dst(%dma_wait3A_412 : memref<1000x64xf32, #tpu.memory_space<hbm>>)
        tpu.yield
      }) : () -> ()
    } else {
    }
    return
  }
}

</mosaic_0001>

<sc_bundles>
// kernel: kernel.3.cloned.1.call-start
scs
__scs_entry_jumppad:
0x0: {  	(pc) =	sbr.rel $0x88, $3  }
0x1: {  	(tag) =	ssettag $0x0;
	lr =	simm.s32 $0x1  }
0x2: {  	[smem:$0x3F9E] =	sst lr;
	_ =	strace $0xD0000000  }
0x3: {  	_ = 	snop  }
0x4: {  	_ = 	snop  }
0x5: {  	_ = 	snop  }
0x6: {  	_ = 	snop  }
0x7: {  	_ = 	snop  }
__scs_overlays_trampoline_lowered:
0x8: {  	[smem:$0x3FAD] =	sst s0  }
0x9: {  	[smem:$0x3FAE] =	sst s1  }
0xa: {  	[smem:$0x3FAF] =	sst s2  }
0xb: {  	[smem:$0x3FB0] =	sst s3  }
0xc: {  	[smem:$0x3FB1] =	sst s4  }
0xd: {  	[smem:$0x3FB2] =	sst s5  }
0xe: {  	[smem:$0x3FB3] =	sst s6  }
0xf: {  	[smem:$0x3FB4] =	sst s7  }
0x10: {  	[smem:$0x3FB5] =	sst s8  }
0x11: {  	[smem:$0x3FB6] =	sst s9;
	s0 =	simm.s32 @!p0 $0x0  }
0x12: {  	s1 =	sld [smem:$0x3F9C];
	s0 =	simm.s32 @p0 $0x1  }
0x13: {  	[smem:$0x3FB7] =	sst s0;
	s0 =	simm.s32 @!p1 $0x0  }
0x14: {  	s2 =	sld [smem:$0x3F9B];
	s0 =	simm.s32 @p1 $0x1  }
0x15: {  	[smem:$0x3FB8] =	sst s0;
	s0 =	simm.s32 @!p2 $0x0  }
0x16: {  	s3 =	sld [smem:$0x3FDB];
	s0 =	simm.s32 @p2 $0x1  }
0x17: {  	s4 =	simm.s32 $0x1BF5;
	[smem:$0x3FBA] =	sst s0  }
0x18: {  	s0 =	sld [smem:$0x3F9D];
	_ =	swait.ge [sflag:s4], $0x0  }
0x19: {  	s7 =	sld [smem:$0x3F9E]  }
0x1a: {  	s8 =	sadd.s32 $0xFFFFE003, lr  }
0x1b: {  	s9 =	sadd.s32 $0xFFFFFEF7, lr;
	s5 =	simm.s32 $0xFFFFFFFF;
	p2 =	slt.u32 s8, $0xFFFFF086  }
0x1c: {  	p1 =	slt.u32 s9, $0xF7A;
	s5 =	simm.s32 @!p2 $0x0  }
0x1d: {  	s5 =	simm.s32 @p1 $0x1;
	p0 =	seq.s32 s7, s2  }
0x1e: {  	s7 =	smul.u32 @!p0 $0xF7A, s2;
	p2 =	seq.s32 @!p0 s5, $0x0  }
0x1f: {  	s9 =	smul.u32 $0xF7A, s1;
	s8 =	simm.s32 @!p0 $0x1BF5;
	p2 =	por !p2, p0  }
0x20: {  	[sflag:s8] =	ssyncset.s32 @!p0 $0xFFFFF086;
	s6 =	sadd.s32 @!p0 s3, s7;
	s7 =	simm.s32 @!p0 $0x108  }
0x21: {  	s3 =	sadd.s32 s3, s9;
	s6 =	sadd.s32 @!p0 $0x88, s6;
	s7 =	simm.s32 @p2 $0x1082  }
0x22: {  	[simem:s7], [sflag:s8] =	dma.local @!p0 [hbm:s6], $0xF7A  }
0x23: {  	s9 =	sor.u32 $0xD0000000, s2;
	s6 =	simm.s32 $0x108;
	_ =	swait.ge @!p0 [sflag:s8], $0x0  }
0x24: {  	s3 =	sadd.s32 $0x88, s3;
	s6 =	simm.s32 @!p1 $0x1082;
	[sflag:s4] =	ssyncset.s32 $0xFFFFF086  }
0x25: {  	[simem:s6], [sflag:s4] =	dma.local [hbm:s3], $0xF7A  }
0x26: {  	[smem:$0x3F9E] =	sst s1;
	(tag) =	ssettag s2;
	_ =	strace s9  }
0x27: {  	s1 =	sld [smem:$0x3FAE]  }
0x28: {  	s2 =	sld [smem:$0x3FAF]  }
0x29: {  	s4 =	sld [smem:$0x3FB1]  }
0x2a: {  	p0 =	seq.s32 s5, $0x0;
	s5 =	sld [smem:$0x3FB2]  }
0x2b: {  	s6 =	sld [smem:$0x3FB3]  }
0x2c: {  	s7 =	sld [smem:$0x3FB4]  }
0x2d: {  	s3 =	simm.s32 $0x108;
	s8 =	sld [smem:$0x3FB5]  }
0x2e: {  	s3 =	simm.s32 @!p0 $0x1082;
	s9 =	sld [smem:$0x3FB6]  }
0x2f: {  	lr =	sadd.s32 s0, s3;
	s0 =	sld [smem:$0x3FAD]  }
0x30: {  	s3 =	sld [smem:$0x3FB0]  }
0x31: {  	[smem:$0x3FB9] =	sst s10  }
0x32: {  	s10 =	sld [smem:$0x3FB7];
	_ =	sdelay $0x3  }
0x33: {  	p0 =	seq.s32 s10, $0x1;
	s10 =	sld [smem:$0x3FB9];
	_ =	sdelay $0x3  }
0x34: {  	[smem:$0x3FB9] =	sst s10  }
0x35: {  	s10 =	sld [smem:$0x3FB8];
	_ =	sdelay $0x3  }
0x36: {  	p1 =	seq.s32 s10, $0x1;
	s10 =	sld [smem:$0x3FB9];
	_ =	sdelay $0x3  }
0x37: {  	[smem:$0x3FB9] =	sst s10  }
0x38: {  	s10 =	sld [smem:$0x3FBA]  }
0x39: {  	_ = 	snop;
	(pc) =	sbr.ind lr, $3  }
0x3a: {  	_ = 	snop  }
0x3b: {  	_ = 	snop  }
0x3c: {  	p2 =	seq.s32 s10, $0x1;
	s10 =	sld [smem:$0x3FB9]  }
0x3d: {  	_ =	shalt  }
0x3e: {  	_ =	shalt  }
0x3f: {  	_ =	shalt  }
0x40: {  	_ =	shalt  }
0x41: {  	_ =	shalt  }
0x42: {  	_ =	shalt  }
0x43: {  	_ =	shalt  }
0x44: {  	_ =	shalt  }
0x45: {  	_ =	shalt  }
0x46: {  	_ =	shalt  }
0x47: {  	_ =	shalt  }
0x48: {  	_ =	shalt  }
0x49: {  	_ =	shalt  }
0x4a: {  	_ =	shalt  }
0x4b: {  	_ =	shalt  }
0x4c: {  	_ =	shalt  }
0x4d: {  	_ =	shalt  }
0x4e: {  	_ =	shalt  }
0x4f: {  	_ =	shalt  }
0x50: {  	_ =	shalt  }
0x51: {  	_ =	shalt  }
0x52: {  	_ =	shalt  }
0x53: {  	_ =	shalt  }
0x54: {  	_ =	shalt  }
0x55: {  	_ =	shalt  }
0x56: {  	_ =	shalt  }
0x57: {  	_ =	shalt  }
0x58: {  	_ =	shalt  }
0x59: {  	_ =	shalt  }
0x5a: {  	_ =	shalt  }
0x5b: {  	_ =	shalt  }
0x5c: {  	_ =	shalt  }
0x5d: {  	_ =	shalt  }
0x5e: {  	_ =	shalt  }
0x5f: {  	_ =	shalt  }
0x60: {  	_ =	shalt  }
0x61: {  	_ =	shalt  }
0x62: {  	_ =	shalt  }
0x63: {  	_ =	shalt  }
0x64: {  	_ =	shalt  }
0x65: {  	_ =	shalt  }
0x66: {  	_ =	shalt  }
0x67: {  	_ =	shalt  }
0x68: {  	_ =	shalt  }
0x69: {  	_ =	shalt  }
0x6a: {  	_ =	shalt  }
0x6b: {  	_ =	shalt  }
0x6c: {  	_ =	shalt  }
0x6d: {  	_ =	shalt  }
0x6e: {  	_ =	shalt  }
0x6f: {  	_ =	shalt  }
0x70: {  	_ =	shalt  }
0x71: {  	_ =	shalt  }
0x72: {  	_ =	shalt  }
0x73: {  	_ =	shalt  }
0x74: {  	_ =	shalt  }
0x75: {  	_ =	shalt  }
0x76: {  	_ =	shalt  }
0x77: {  	_ =	shalt  }
0x78: {  	_ =	shalt  }
0x79: {  	_ =	shalt  }
0x7a: {  	_ =	shalt  }
0x7b: {  	_ =	shalt  }
0x7c: {  	_ =	shalt  }
0x7d: {  	_ =	shalt  }
0x7e: {  	_ =	shalt  }
0x7f: {  	_ =	shalt  }
0x80: {  	_ =	shalt  }
0x81: {  	_ =	shalt  }
0x82: {  	_ =	shalt  }
0x83: {  	_ =	shalt  }
0x84: {  	_ =	shalt  }
0x85: {  	_ =	shalt  }
0x86: {  	_ =	shalt  }
0x87: {  	_ =	shalt  }
.Lfunc_end0:
.L_simem_size_0:
called_computation_lowered:
.L_overlay_start_0:
0x88: {  	s2 =	sld [smem:$0x3FD9]  }
0x89: {  	s3 =	sld [smem:$0x3FFE];
	_ =	sdelay $0x1  }
0x8a: {  	s1 =	srdreg.scid  }
0x8b: {  	s0 =	sand.u32 $0x1, s1  }
0x8c: {  	s17 =	sshll.u32 s0, $0xA;
	s2 =	sadd.s32 s3, s2  }
0x8d: {  	s2 =	sadd.s32 s2, s17  }
0x8e: {  	[smem:$0x3FC5] =	sst s2  }
0x8f: {  	_ = 	snop  }
0x90: {  	s2 =	sld [smem:$0x3FD0];
	(tm) =	ssettm $0x1  }
0x91: {  	s18 =	sld [smem:$0x3FFB];
	_ =	sdelay $0x3  }
0x92: {  	_ =	strace s18  }
0x93: {  	s3 =	sld [smem:$0x3FFC];
	_ =	sdelay $0x3  }
0x94: {  	_ =	strace s3  }
0x95: {  	s3 =	sld [smem:$0x3FFD];
	_ =	sdelay $0x3  }
0x96: {  	_ =	strace s3  }
0x97: {  	_ =	strace $0x8FFFFFFF  }
0x98: {  	s19 =	sld [smem:$0x3FDB];
	_ =	sdelay $0x1  }
0x99: {  	s4 =	simm.s32 $_scs_section_size  }
0x9a: {  	s5 =	simm.s32 $_size__tile_overlayer_lowered;
	s6 =	simm.s32 $_tile_overlayer_lowered  }
0x9b: {  	s22 =	simm.s32 $0x1BFF;
	s21 =	sshll.u32 s6, $0x1;
	s3 =	sadd.s32 s4, s19  }
0x9c: {  	s7 =	simm.s32 $0x0;
	s20 =	sshll.u32 s5, $0x1;
	s5 =	sadd.s32 s21, s3  }
0x9d: {  	[timem:s7], [sflag:s22] =	dma.local [hbm:s5], s20  }
0x9e: {  	_ =	swait.ge [sflag:s22], s20  }
0x9f: {  	s4 =	ssub.s32 $0x0, s20;
	[sflag:s22] =	ssyncset.done $0x0  }
0xa0: {  	[sflag:s22] =	ssyncadd.s32 s4;
	_ =	sdelay $0x1  }
0xa1: {  	s23 =	simm.s32 $0x1B8B  }
0xa2: {  	_ =	swait.ge [sflag:s23], $0x1  }
0xa3: {  	[sflag:s23] =	ssyncset.done $0x0  }
0xa4: {  	s25 =	simm.s32 $0x1B8E;
	s24 =	sld [smem:$0x3FFE];
	[sflag:s23] =	ssyncadd.s32 $0xFFFFFFFF  }
0xa5: {  	s26 =	simm.s32 $execute0_lowered;
	[smem:$0x3FD2] =	sst s25  }
0xa6: {  	s5 =	sshll.u32 s26, $0x1;
	_ =	strace $0x80000046;
	[dreg:$0x1] =	wrdreg $0xFFFFFFFF  }
0xa7: {  	s28 =	simm.s32 $_size_execute0_lowered;
	s3 =	sadd.s32 s3, s5;
	[dreg:$0x0] =	wrdreg $0x0  }
0xa8: {  	s5 =	sshll.u32 s28, $0x1;
	[dreg:$0x2] =	wrdreg s3  }
0xa9: {  	[dreg:$0x3] =	wrdreg s5  }
0xaa: {  	[dreg:$0x4] =	wrdreg $0xC0  }
0xab: {  	_ =	task [dreg:s7], $0x5FFFF  }
0xac: {  	[dreg:$0x1] =	wrdreg $0xFFFFFFFF  }
0xad: {  	[dreg:$0x0] =	wrdreg $0x60  }
0xae: {  	[dreg:$0x2] =	wrdreg s24  }
0xaf: {  	[dreg:$0x3] =	wrdreg s2  }
0xb0: {  	[dreg:$0x4] =	wrdreg $0x9  }
0xb1: {  	_ =	task.clear_ibuf [dreg:s7], $0x5FFFF;
	_ =	strace $0x90000046  }
0xb2: {  	s29 =	simm.s32 $0x9;
	_ =	strace $0x80000048  }
0xb3: {  	_ =	swait.ge [sflag:s29], $0x1  }
0xb4: {  	[sflag:s29] =	ssyncadd.s32 $0xFFFFFFFF  }
0xb5: {  	_ =	strace $0x90000048  }
0xb6: {  	_ =	sfence  }
0xb7: {  	s30 =	sld [smem:$0x0];
	_ =	sdelay $0x2  }
0xb8: {  	s31 =	sshll.u32 s1, $0xD;
	s1 =	sshrl.u32 s1, $0x2  }
0xb9: {  	s3 =	sand.u32 $0x4000, s31;
	s1 =	sadd.s32 s1, s30  }
0xba: {  	s0 =	sor.u32 s3, s0;
	s1 =	sshll.u32 s1, $0x11  }
0xbb: {  	s0 =	sor.u32 s1, s0  }
0xbc: {  	s0 =	sadd.s32 $0x8F2B, s0  }
0xbd: {  	[sflag:s0] =	ssyncadd.remote.s32 $0x1  }
0xbe: {  	_ =	sfence.sel $0xFFFF  }
0xbf: {  	[dreg:$0x0] =	wrdreg $0xFFFFFFFF;
	(pc) =	sbr.abs _section_cstart, $3  }
0xc0: {  	[dreg:$0x1] =	wrdreg $0xFFFFFFFF  }
0xc1: {  	_ =	task.clear_ibuf [dreg:s7], $0x2FFFF;
	_ =	strace $0x9FFFFFFF  }
0xc2: {  	(tm) =	ssettm $0x7FFFFFFF  }
0xc3: {  	_ =	shalt  }
tec
execute0_lowered:
.L_overlay_start_1:
0x0: {  	(tag) =	ssettag $0x1  }
0x1: {  	s1 =	rddreg [dreg:$0x0]  }
0x2: {  	s2 =	rddreg [dreg:$0x1]  }
0x3: {  	s0 =	srdreg.scid;
	s11 =	stileid.u32  }
0x4: {  	s3 =	simm.s32 $0x0;
	s5 =	sand.u32 $0x1, s0;
	s10 =	sshll.u32 s11, $0x1  }
0x5: {  	[smem:$0x7FF] =	sst s3;
	s6 =	sadd.s32 $0xF42C00, s1;
	s4 =	sor.u32 s5, s10  }
0x6: {  	s0 =	sadd.s32 $0x800, s1;
	_ =	strace $0x80000047;
	s7 =	smul.u32 $0x1F400, s4  }
0x7: {  	s5 =	ssub.s32 $0x2, s5;
	[dreg:$0x3] =	wrdreg s6;
	s9 =	smul.u32 $0x3E80, s4  }
0x8: {  	s6 =	sadd.s32 $0xF42E00, s1;
	s8 =	sshrl.u32 s5, $0x1;
	s15 =	sshrl.u32 s7, $0x3  }
0x9: {  	s1 =	ssub.s32 s5, s8;
	s12 =	sadd.s32 s0, s9;
	s13 =	sadd.s32 $0x7D000, s15  }
0xa: {  	s8 =	sadd.s32 s6, s9;
	[dreg:$0x4] =	wrdreg s12;
	s14 =	sadd.s32 s0, s13  }
0xb: {  	s16 =	sadd.s32 $0xFA000, s15;
	s5 =	sadd.s32 s6, s13;
	[dreg:$0x5] =	wrdreg s14  }
0xc: {  	s18 =	sadd.s32 $0x177000, s15;
	s17 =	sadd.s32 s0, s16;
	[dreg:$0x6] =	wrdreg s5  }
0xd: {  	s20 =	sadd.s32 $0x1F4000, s15;
	s19 =	sadd.s32 s0, s18;
	[dreg:$0x7] =	wrdreg s17  }
0xe: {  	s22 =	sadd.s32 $0x271000, s15;
	s21 =	sadd.s32 s0, s20;
	[dreg:$0x9] =	wrdreg s19  }
0xf: {  	s24 =	sadd.s32 $0x2EE000, s15;
	s23 =	sadd.s32 s0, s22;
	[dreg:$0xb] =	wrdreg s21  }
0x10: {  	s26 =	sadd.s32 $0x36B000, s15;
	s25 =	sadd.s32 s0, s24;
	[dreg:$0xd] =	wrdreg s23  }
0x11: {  	s29 =	sadd.s32 $0x3E8000, s15;
	s28 =	sadd.s32 s0, s26;
	[dreg:$0xf] =	wrdreg s25  }
0x12: {  	s31 =	sadd.s32 $0x465000, s15;
	s30 =	sadd.s32 s0, s29;
	[dreg:$0x11] =	wrdreg s28  }
0x13: {  	s10 =	sadd.s32 $0x4E2000, s15;
	s9 =	sadd.s32 s0, s31;
	[dreg:$0x13] =	wrdreg s30  }
0x14: {  	s12 =	sadd.s32 s0, s10;
	[dreg:$0x15] =	wrdreg s9  }
0x15: {  	s13 =	sadd.s32 $0x55F000, s15;
	s5 =	sadd.s32 s6, s16;
	[dreg:$0x17] =	wrdreg s12  }
0x16: {  	s14 =	sadd.s32 s0, s13;
	[dreg:$0x8] =	wrdreg s5  }
0x17: {  	s16 =	sadd.s32 $0x5DC000, s15;
	s5 =	sadd.s32 s6, s18;
	[dreg:$0x19] =	wrdreg s14  }
0x18: {  	s17 =	sadd.s32 s0, s16;
	[dreg:$0xa] =	wrdreg s5  }
0x19: {  	s18 =	sadd.s32 $0x659000, s15;
	s5 =	sadd.s32 s6, s20;
	[dreg:$0x1b] =	wrdreg s17  }
0x1a: {  	s19 =	sadd.s32 s0, s18;
	[dreg:$0xc] =	wrdreg s5  }
0x1b: {  	s20 =	sadd.s32 $0x6D6000, s15;
	s5 =	sadd.s32 s6, s22;
	[dreg:$0x1d] =	wrdreg s19  }
0x1c: {  	s21 =	sadd.s32 s0, s20;
	[dreg:$0xe] =	wrdreg s5  }
0x1d: {  	s22 =	sadd.s32 $0x753000, s15;
	s5 =	sadd.s32 s6, s24;
	[dreg:$0x1f] =	wrdreg s21  }
0x1e: {  	s23 =	sadd.s32 s0, s22;
	[dreg:$0x10] =	wrdreg s5  }
0x1f: {  	s24 =	sadd.s32 $0x7D0000, s15;
	s5 =	sadd.s32 s6, s26;
	[smem:$0x7E2] =	sst s23  }
0x20: {  	s25 =	sadd.s32 s0, s24;
	[dreg:$0x12] =	wrdreg s5  }
0x21: {  	s26 =	sadd.s32 $0x84D000, s15;
	s5 =	sadd.s32 s6, s29;
	[smem:$0x7E4] =	sst s25  }
0x22: {  	s28 =	sadd.s32 s0, s26;
	[dreg:$0x14] =	wrdreg s5  }
0x23: {  	s29 =	sadd.s32 $0x8CA000, s15;
	s5 =	sadd.s32 s6, s31;
	[smem:$0x7E6] =	sst s28  }
0x24: {  	s30 =	sadd.s32 s0, s29;
	[dreg:$0x16] =	wrdreg s5  }
0x25: {  	s31 =	sadd.s32 $0x947000, s15;
	s5 =	sadd.s32 s6, s10;
	[smem:$0x7E8] =	sst s30  }
0x26: {  	s9 =	sadd.s32 s0, s31;
	[dreg:$0x18] =	wrdreg s5  }
0x27: {  	s10 =	sadd.s32 $0x9C4000, s15;
	s5 =	sadd.s32 s6, s13;
	[smem:$0x7EA] =	sst s9  }
0x28: {  	s12 =	sadd.s32 s0, s10;
	[dreg:$0x1a] =	wrdreg s5  }
0x29: {  	s13 =	sadd.s32 $0xA41000, s15;
	s5 =	sadd.s32 s6, s16;
	[smem:$0x7EC] =	sst s12  }
0x2a: {  	s14 =	sadd.s32 s0, s13;
	[dreg:$0x1c] =	wrdreg s5  }
0x2b: {  	s16 =	sadd.s32 $0xABE000, s15;
	s5 =	sadd.s32 s6, s18;
	[smem:$0x7EE] =	sst s14  }
0x2c: {  	s12 =	sadd.s32 $0xDAC000, s15;
	s17 =	sadd.s32 s0, s16;
	[dreg:$0x1e] =	wrdreg s5  }
0x2d: {  	s30 =	sadd.s32 s0, s12;
	[smem:$0x7F0] =	sst s17  }
0x2e: {  	s18 =	sadd.s32 $0xB3B000, s15;
	s5 =	sadd.s32 s6, s20;
	[smem:$0x7FC] =	sst s30  }
0x2f: {  	s19 =	sadd.s32 s0, s18;
	[smem:$0x7E1] =	sst s5  }
0x30: {  	s20 =	sadd.s32 $0xBB8000, s15;
	s5 =	sadd.s32 s6, s22;
	[smem:$0x7F2] =	sst s19  }
0x31: {  	p0 =	sgt.u32 s11, $0x3;
	s21 =	sadd.s32 s0, s20;
	[smem:$0x7E3] =	sst s5  }
0x32: {  	s22 =	sadd.s32 $0xC35000, s15;
	s5 =	sadd.s32 s6, s24;
	[smem:$0x7F4] =	sst s21  }
0x33: {  	s12 =	sadd.s32 s6, s12;
	s23 =	sadd.s32 s0, s22;
	[smem:$0x7E5] =	sst s5  }
0x34: {  	s24 =	sadd.s32 $0xCB2000, s15;
	s5 =	sadd.s32 s6, s26;
	[smem:$0x7F6] =	sst s23  }
0x35: {  	s14 =	sadd.s32 $0xE29000, s15;
	s25 =	sadd.s32 s0, s24;
	[smem:$0x7E7] =	sst s5  }
0x36: {  	s17 =	sadd.s32 $0xEA6000, s15;
	s26 =	sadd.s32 s6, s24;
	[smem:$0x7F8] =	sst s25  }
0x37: {  	s19 =	sadd.s32 $0xF23000, s15;
	s5 =	sadd.s32 s6, s29;
	[smem:$0x7F9] =	sst s26  }
0x38: {  	s21 =	simm.s32 $0x1;
	[smem:$0x7E9] =	sst s5;
	s5 =	sadd.s32 s6, s31  }
0x39: {  	[smem:$0x7EB] =	sst s5;
	s5 =	sadd.s32 s6, s10;
	s10 =	sadd.s32 $0xD2F000, s15  }
0x3a: {  	s15 =	sadd.s32 s0, s17;
	[smem:$0x7ED] =	sst s5;
	s5 =	sadd.s32 s6, s13  }
0x3b: {  	s17 =	sadd.s32 s6, s17;
	s28 =	sadd.s32 s0, s10;
	[smem:$0x7EF] =	sst s5  }
0x3c: {  	s29 =	sadd.s32 s6, s10;
	s13 =	sadd.s32 s0, s14;
	[smem:$0x7FA] =	sst s28  }
0x3d: {  	s5 =	sadd.s32 s6, s16;
	[smem:$0x7FB] =	sst s29;
	s16 =	smul.u32 $0x3E8, s4  }
.Ltmp0:
0x3e: {  	[smem:$0x7F1] =	sst s5;
	s5 =	sadd.s32 s6, s18;
	(pc) =	sbr.rel .LBB2_1-.Ltmp0, $4  }
0x3f: {  	s14 =	sadd.s32 s6, s14;
	[smem:$0x7F3] =	sst s5;
	s5 =	sadd.s32 s6, s20  }
0x40: {  	s18 =	sadd.s32 s0, s19;
	s31 =	sadd.s32 $0x3E8, s16;
	[smem:$0x7F5] =	sst s5  }
0x41: {  	v0 =	vlaneseq.u32;
	s19 =	sadd.s32 s6, s19;
	s5 =	sadd.s32 s6, s22;
	[smem:$0x7FD] =	sst s31  }
0x42: {  	v1 =	vor.u32 $0x10, v0;
	v2 =	vor.u32 $0x20, v0;
	v3 =	vor.u32 $0x30, v0;
	s20 =	smax.u32 s1, $0x1;
	s22 =	simm.s32 $0x1F400;
	[smem:$0x7F7] =	sst s5  }
.LBB2_10:
0x43: {  	[hbm4b:s8+s3] =	stream.linear.scatter [tilespmem:s3], [sflag:$0x1], $0x1F400, $0x38;
	[tilespmem:$0x1F880] =	vst v63  }
0x44: {  	_ =	swait.ge [sflag:s21], $0x1F400  }
0x45: {  	[sflag:s21] =	ssyncset.done $0x0  }
0x46: {  	[sflag:s21] =	ssyncadd.s32 $0xFFFE0C00  }
.LBB2_11:
0x47: {  	s20 =	sadd.s32 $0xFFFFFFFF, s20  }
0x48: {  	p1 =	sne.s32 s20, $0x0  }
.Ltmp1:
0x49: {  	_ = 	snop;
	(pc) =	sbr.rel @!p1 .LBB2_12-.Ltmp1, $1  }
0x4a: {  	_ =	sdelay $0x3  }
.LBB2_1:
0x4b: {  	s0 =	rddreg [dreg:$0x4]  }
0x4c: {  	[tilespmem:s3], [sflag:$0x1] =	stream.linear.gather [hbm4b:s0+s3], $0x1F400, $0x38;
	[tilespmem:$0x1F880] =	vst v63  }
0x4d: {  	_ =	swait.ge [sflag:s21], $0x1F400  }
0x4e: {  	[sflag:s21] =	ssyncset.done $0x0  }
0x4f: {  	[sflag:s21] =	ssyncadd.s32 $0xFFFE0C00  }
0x50: {  	[hbm4b:s8+s3] =	stream.linear.scatter [tilespmem:s3], [sflag:$0x1], $0x1F400, $0x38;
	[tilespmem:$0x1F880] =	vst v63  }
0x51: {  	_ =	swait.ge [sflag:s21], $0x1F400  }
0x52: {  	[sflag:s21] =	ssyncset.done $0x0  }
0x53: {  	s25 =	rddreg [dreg:$0x5];
	[sflag:s21] =	ssyncadd.s32 $0xFFFE0C00  }
0x54: {  	[tilespmem:s3], [sflag:$0x1] =	stream.linear.gather [hbm4b:s25+s3], $0x1F400, $0x38;
	[tilespmem:$0x1F880] =	vst v63  }
0x55: {  	_ =	swait.ge [sflag:s21], $0x1F400  }
0x56: {  	[sflag:s21] =	ssyncset.done $0x0  }
0x57: {  	s26 =	rddreg [dreg:$0x6];
	[sflag:s21] =	ssyncadd.s32 $0xFFFE0C00  }
0x58: {  	[hbm4b:s26+s3] =	stream.linear.scatter [tilespmem:s3], [sflag:$0x1], $0x1F400, $0x38;
	[tilespmem:$0x1F880] =	vst v63  }
0x59: {  	_ =	swait.ge [sflag:s21], $0x1F400  }
0x5a: {  	[sflag:s21] =	ssyncset.done $0x0  }
0x5b: {  	s28 =	rddreg [dreg:$0x7];
	[sflag:s21] =	ssyncadd.s32 $0xFFFE0C00  }
0x5c: {  	[tilespmem:s3], [sflag:$0x1] =	stream.linear.gather [hbm4b:s28+s3], $0x1F400, $0x38;
	[tilespmem:$0x1F880] =	vst v63  }
0x5d: {  	_ =	swait.ge [sflag:s21], $0x1F400  }
0x5e: {  	[sflag:s21] =	ssyncset.done $0x0  }
0x5f: {  	s29 =	rddreg [dreg:$0x8];
	[sflag:s21] =	ssyncadd.s32 $0xFFFE0C00  }
0x60: {  	[hbm4b:s29+s3] =	stream.linear.scatter [tilespmem:s3], [sflag:$0x1], $0x1F400, $0x38;
	[tilespmem:$0x1F880] =	vst v63  }
0x61: {  	_ =	swait.ge [sflag:s21], $0x1F400  }
0x62: {  	[sflag:s21] =	ssyncset.done $0x0  }
0x63: {  	s31 =	rddreg [dreg:$0x9];
	[sflag:s21] =	ssyncadd.s32 $0xFFFE0C00  }
0x64: {  	[tilespmem:s3], [sflag:$0x1] =	stream.linear.gather [hbm4b:s31+s3], $0x1F400, $0x38;
	[tilespmem:$0x1F880] =	vst v63  }
0x65: {  	_ =	swait.ge [sflag:s21], $0x1F400  }
0x66: {  	[sflag:s21] =	ssyncset.done $0x0  }
0x67: {  	s1 =	rddreg [dreg:$0xa];
	[sflag:s21] =	ssyncadd.s32 $0xFFFE0C00  }
0x68: {  	[hbm4b:s1+s3] =	stream.linear.scatter [tilespmem:s3], [sflag:$0x1], $0x1F400, $0x38;
	[tilespmem:$0x1F880] =	vst v63  }
0x69: {  	_ =	swait.ge [sflag:s21], $0x1F400  }
0x6a: {  	[sflag:s21] =	ssyncset.done $0x0  }
0x6b: {  	s5 =	rddreg [dreg:$0xb];
	[sflag:s21] =	ssyncadd.s32 $0xFFFE0C00  }
0x6c: {  	[tilespmem:s3], [sflag:$0x1] =	stream.linear.gather [hbm4b:s5+s3], $0x1F400, $0x38;
	[tilespmem:$0x1F880] =	vst v63  }
0x6d: {  	_ =	swait.ge [sflag:s21], $0x1F400  }
0x6e: {  	[sflag:s21] =	ssyncset.done $0x0  }
0x6f: {  	s7 =	rddreg [dreg:$0xc];
	[sflag:s21] =	ssyncadd.s32 $0xFFFE0C00  }
0x70: {  	[hbm4b:s7+s3] =	stream.linear.scatter [tilespmem:s3], [sflag:$0x1], $0x1F400, $0x38;
	[tilespmem:$0x1F880] =	vst v63  }
0x71: {  	_ =	swait.ge [sflag:s21], $0x1F400  }
0x72: {  	[sflag:s21] =	ssyncset.done $0x0  }
0x73: {  	s9 =	rddreg [dreg:$0xd];
	[sflag:s21] =	ssyncadd.s32 $0xFFFE0C00  }
0x74: {  	[tilespmem:s3], [sflag:$0x1] =	stream.linear.gather [hbm4b:s9+s3], $0x1F400, $0x38;
	[tilespmem:$0x1F880] =	vst v63  }
0x75: {  	_ =	swait.ge [sflag:s21], $0x1F400  }
0x76: {  	[sflag:s21] =	ssyncset.done $0x0  }
0x77: {  	s10 =	rddreg [dreg:$0xe];
	[sflag:s21] =	ssyncadd.s32 $0xFFFE0C00  }
0x78: {  	[hbm4b:s10+s3] =	stream.linear.scatter [tilespmem:s3], [sflag:$0x1], $0x1F400, $0x38;
	[tilespmem:$0x1F880] =	vst v63  }
0x79: {  	_ =	swait.ge [sflag:s21], $0x1F400  }
0x7a: {  	[sflag:s21] =	ssyncset.done $0x0  }
0x7b: {  	s11 =	rddreg [dreg:$0xf];
	[sflag:s21] =	ssyncadd.s32 $0xFFFE0C00  }
0x7c: {  	[tilespmem:s3], [sflag:$0x1] =	stream.linear.gather [hbm4b:s11+s3], $0x1F400, $0x38;
	[tilespmem:$0x1F880] =	vst v63  }
0x7d: {  	_ =	swait.ge [sflag:s21], $0x1F400  }
0x7e: {  	[sflag:s21] =	ssyncset.done $0x0  }
0x7f: {  	s23 =	rddreg [dreg:$0x10];
	[sflag:s21] =	ssyncadd.s32 $0xFFFE0C00  }
0x80: {  	[hbm4b:s23+s3] =	stream.linear.scatter [tilespmem:s3], [sflag:$0x1], $0x1F400, $0x38;
	[tilespmem:$0x1F880] =	vst v63  }
0x81: {  	_ =	swait.ge [sflag:s21], $0x1F400  }
0x82: {  	[sflag:s21] =	ssyncset.done $0x0  }
0x83: {  	s24 =	rddreg [dreg:$0x11];
	[sflag:s21] =	ssyncadd.s32 $0xFFFE0C00  }
0x84: {  	[tilespmem:s3], [sflag:$0x1] =	stream.linear.gather [hbm4b:s24+s3], $0x1F400, $0x38;
	[tilespmem:$0x1F880] =	vst v63  }
0x85: {  	_ =	swait.ge [sflag:s21], $0x1F400  }
0x86: {  	[sflag:s21] =	ssyncset.done $0x0  }
0x87: {  	s25 =	rddreg [dreg:$0x12];
	[sflag:s21] =	ssyncadd.s32 $0xFFFE0C00  }
0x88: {  	[hbm4b:s25+s3] =	stream.linear.scatter [tilespmem:s3], [sflag:$0x1], $0x1F400, $0x38;
	[tilespmem:$0x1F880] =	vst v63  }
0x89: {  	_ =	swait.ge [sflag:s21], $0x1F400  }
0x8a: {  	[sflag:s21] =	ssyncset.done $0x0  }
0x8b: {  	s26 =	rddreg [dreg:$0x13];
	[sflag:s21] =	ssyncadd.s32 $0xFFFE0C00  }
0x8c: {  	[tilespmem:s3], [sflag:$0x1] =	stream.linear.gather [hbm4b:s26+s3], $0x1F400, $0x38;
	[tilespmem:$0x1F880] =	vst v63  }
0x8d: {  	_ =	swait.ge [sflag:s21], $0x1F400  }
0x8e: {  	[sflag:s21] =	ssyncset.done $0x0  }
0x8f: {  	s28 =	rddreg [dreg:$0x14];
	[sflag:s21] =	ssyncadd.s32 $0xFFFE0C00  }
0x90: {  	[hbm4b:s28+s3] =	stream.linear.scatter [tilespmem:s3], [sflag:$0x1], $0x1F400, $0x38;
	[tilespmem:$0x1F880] =	vst v63  }
0x91: {  	_ =	swait.ge [sflag:s21], $0x1F400  }
0x92: {  	[sflag:s21] =	ssyncset.done $0x0  }
0x93: {  	s29 =	rddreg [dreg:$0x15];
	[sflag:s21] =	ssyncadd.s32 $0xFFFE0C00  }
0x94: {  	[tilespmem:s3], [sflag:$0x1] =	stream.linear.gather [hbm4b:s29+s3], $0x1F400, $0x38;
	[tilespmem:$0x1F880] =	vst v63  }
0x95: {  	_ =	swait.ge [sflag:s21], $0x1F400  }
0x96: {  	[sflag:s21] =	ssyncset.done $0x0  }
0x97: {  	s31 =	rddreg [dreg:$0x16];
	[sflag:s21] =	ssyncadd.s32 $0xFFFE0C00  }
0x98: {  	[hbm4b:s31+s3] =	stream.linear.scatter [tilespmem:s3], [sflag:$0x1], $0x1F400, $0x38;
	[tilespmem:$0x1F880] =	vst v63  }
0x99: {  	_ =	swait.ge [sflag:s21], $0x1F400  }
0x9a: {  	[sflag:s21] =	ssyncset.done $0x0  }
0x9b: {  	s1 =	rddreg [dreg:$0x17];
	[sflag:s21] =	ssyncadd.s32 $0xFFFE0C00  }
0x9c: {  	[tilespmem:s3], [sflag:$0x1] =	stream.linear.gather [hbm4b:s1+s3], $0x1F400, $0x38;
	[tilespmem:$0x1F880] =	vst v63  }
0x9d: {  	_ =	swait.ge [sflag:s21], $0x1F400  }
0x9e: {  	[sflag:s21] =	ssyncset.done $0x0  }
0x9f: {  	s5 =	rddreg [dreg:$0x18];
	[sflag:s21] =	ssyncadd.s32 $0xFFFE0C00  }
0xa0: {  	[hbm4b:s5+s3] =	stream.linear.scatter [tilespmem:s3], [sflag:$0x1], $0x1F400, $0x38;
	[tilespmem:$0x1F880] =	vst v63  }
0xa1: {  	_ =	swait.ge [sflag:s21], $0x1F400  }
0xa2: {  	[sflag:s21] =	ssyncset.done $0x0  }
0xa3: {  	s7 =	rddreg [dreg:$0x19];
	[sflag:s21] =	ssyncadd.s32 $0xFFFE0C00  }
0xa4: {  	[tilespmem:s3], [sflag:$0x1] =	stream.linear.gather [hbm4b:s7+s3], $0x1F400, $0x38;
	[tilespmem:$0x1F880] =	vst v63  }
0xa5: {  	_ =	swait.ge [sflag:s21], $0x1F400  }
0xa6: {  	[sflag:s21] =	ssyncset.done $0x0  }
0xa7: {  	s9 =	rddreg [dreg:$0x1a];
	[sflag:s21] =	ssyncadd.s32 $0xFFFE0C00  }
0xa8: {  	[hbm4b:s9+s3] =	stream.linear.scatter [tilespmem:s3], [sflag:$0x1], $0x1F400, $0x38;
	[tilespmem:$0x1F880] =	vst v63  }
0xa9: {  	_ =	swait.ge [sflag:s21], $0x1F400  }
0xaa: {  	[sflag:s21] =	ssyncset.done $0x0  }
0xab: {  	s10 =	rddreg [dreg:$0x1b];
	[sflag:s21] =	ssyncadd.s32 $0xFFFE0C00  }
0xac: {  	[tilespmem:s3], [sflag:$0x1] =	stream.linear.gather [hbm4b:s10+s3], $0x1F400, $0x38;
	[tilespmem:$0x1F880] =	vst v63  }
0xad: {  	_ =	swait.ge [sflag:s21], $0x1F400  }
0xae: {  	[sflag:s21] =	ssyncset.done $0x0  }
0xaf: {  	s11 =	rddreg [dreg:$0x1c];
	[sflag:s21] =	ssyncadd.s32 $0xFFFE0C00  }
0xb0: {  	[hbm4b:s11+s3] =	stream.linear.scatter [tilespmem:s3], [sflag:$0x1], $0x1F400, $0x38;
	[tilespmem:$0x1F880] =	vst v63  }
0xb1: {  	_ =	swait.ge [sflag:s21], $0x1F400  }
0xb2: {  	[sflag:s21] =	ssyncset.done $0x0  }
0xb3: {  	s23 =	rddreg [dreg:$0x1d];
	[sflag:s21] =	ssyncadd.s32 $0xFFFE0C00  }
0xb4: {  	[tilespmem:s3], [sflag:$0x1] =	stream.linear.gather [hbm4b:s23+s3], $0x1F400, $0x38;
	[tilespmem:$0x1F880] =	vst v63  }
0xb5: {  	_ =	swait.ge [sflag:s21], $0x1F400  }
0xb6: {  	[sflag:s21] =	ssyncset.done $0x0  }
0xb7: {  	s24 =	rddreg [dreg:$0x1e];
	[sflag:s21] =	ssyncadd.s32 $0xFFFE0C00  }
0xb8: {  	[hbm4b:s24+s3] =	stream.linear.scatter [tilespmem:s3], [sflag:$0x1], $0x1F400, $0x38;
	[tilespmem:$0x1F880] =	vst v63  }
0xb9: {  	_ =	swait.ge [sflag:s21], $0x1F400  }
0xba: {  	[sflag:s21] =	ssyncset.done $0x0  }
0xbb: {  	s25 =	rddreg [dreg:$0x1f];
	[sflag:s21] =	ssyncadd.s32 $0xFFFE0C00  }
0xbc: {  	[tilespmem:s3], [sflag:$0x1] =	stream.linear.gather [hbm4b:s25+s3], $0x1F400, $0x38;
	[tilespmem:$0x1F880] =	vst v63  }
0xbd: {  	_ =	swait.ge [sflag:s21], $0x1F400  }
0xbe: {  	s26 =	sld [smem:$0x7E1]  }
0xbf: {  	[sflag:s21] =	ssyncset.done $0x0  }
0xc0: {  	[sflag:s21] =	ssyncadd.s32 $0xFFFE0C00  }
0xc1: {  	[hbm4b:s26+s3] =	stream.linear.scatter [tilespmem:s3], [sflag:$0x1], $0x1F400, $0x38;
	[tilespmem:$0x1F880] =	vst v63  }
0xc2: {  	_ =	swait.ge [sflag:s21], $0x1F400  }
0xc3: {  	s28 =	sld [smem:$0x7E2]  }
0xc4: {  	[sflag:s21] =	ssyncset.done $0x0  }
0xc5: {  	[sflag:s21] =	ssyncadd.s32 $0xFFFE0C00  }
0xc6: {  	[tilespmem:s3], [sflag:$0x1] =	stream.linear.gather [hbm4b:s28+s3], $0x1F400, $0x38;
	[tilespmem:$0x1F880] =	vst v63  }
0xc7: {  	_ =	swait.ge [sflag:s21], $0x1F400  }
0xc8: {  	s29 =	sld [smem:$0x7E3]  }
0xc9: {  	[sflag:s21] =	ssyncset.done $0x0  }
0xca: {  	[sflag:s21] =	ssyncadd.s32 $0xFFFE0C00  }
0xcb: {  	[hbm4b:s29+s3] =	stream.linear.scatter [tilespmem:s3], [sflag:$0x1], $0x1F400, $0x38;
	[tilespmem:$0x1F880] =	vst v63  }
0xcc: {  	_ =	swait.ge [sflag:s21], $0x1F400  }
0xcd: {  	s31 =	sld [smem:$0x7E4]  }
0xce: {  	[sflag:s21] =	ssyncset.done $0x0  }
0xcf: {  	[sflag:s21] =	ssyncadd.s32 $0xFFFE0C00  }
0xd0: {  	[tilespmem:s3], [sflag:$0x1] =	stream.linear.gather [hbm4b:s31+s3], $0x1F400, $0x38;
	[tilespmem:$0x1F880] =	vst v63  }
0xd1: {  	_ =	swait.ge [sflag:s21], $0x1F400  }
0xd2: {  	s1 =	sld [smem:$0x7E5]  }
0xd3: {  	[sflag:s21] =	ssyncset.done $0x0  }
0xd4: {  	[sflag:s21] =	ssyncadd.s32 $0xFFFE0C00  }
0xd5: {  	[hbm4b:s1+s3] =	stream.linear.scatter [tilespmem:s3], [sflag:$0x1], $0x1F400, $0x38;
	[tilespmem:$0x1F880] =	vst v63  }
0xd6: {  	_ =	swait.ge [sflag:s21], $0x1F400  }
0xd7: {  	s5 =	sld [smem:$0x7E6]  }
0xd8: {  	[sflag:s21] =	ssyncset.done $0x0  }
0xd9: {  	[sflag:s21] =	ssyncadd.s32 $0xFFFE0C00  }
0xda: {  	[tilespmem:s3], [sflag:$0x1] =	stream.linear.gather [hbm4b:s5+s3], $0x1F400, $0x38;
	[tilespmem:$0x1F880] =	vst v63  }
0xdb: {  	_ =	swait.ge [sflag:s21], $0x1F400  }
0xdc: {  	s7 =	sld [smem:$0x7E7]  }
0xdd: {  	[sflag:s21] =	ssyncset.done $0x0  }
0xde: {  	[sflag:s21] =	ssyncadd.s32 $0xFFFE0C00  }
0xdf: {  	[hbm4b:s7+s3] =	stream.linear.scatter [tilespmem:s3], [sflag:$0x1], $0x1F400, $0x38;
	[tilespmem:$0x1F880] =	vst v63  }
0xe0: {  	_ =	swait.ge [sflag:s21], $0x1F400  }
0xe1: {  	s9 =	sld [smem:$0x7E8]  }
0xe2: {  	[sflag:s21] =	ssyncset.done $0x0  }
0xe3: {  	[sflag:s21] =	ssyncadd.s32 $0xFFFE0C00  }
0xe4: {  	[tilespmem:s3], [sflag:$0x1] =	stream.linear.gather [hbm4b:s9+s3], $0x1F400, $0x38;
	[tilespmem:$0x1F880] =	vst v63  }
0xe5: {  	_ =	swait.ge [sflag:s21], $0x1F400  }
0xe6: {  	s10 =	sld [smem:$0x7E9]  }
0xe7: {  	[sflag:s21] =	ssyncset.done $0x0  }
0xe8: {  	[sflag:s21] =	ssyncadd.s32 $0xFFFE0C00  }
0xe9: {  	[hbm4b:s10+s3] =	stream.linear.scatter [tilespmem:s3], [sflag:$0x1], $0x1F400, $0x38;
	[tilespmem:$0x1F880] =	vst v63  }
0xea: {  	_ =	swait.ge [sflag:s21], $0x1F400  }
0xeb: {  	s11 =	sld [smem:$0x7EA]  }
0xec: {  	[sflag:s21] =	ssyncset.done $0x0  }
0xed: {  	[sflag:s21] =	ssyncadd.s32 $0xFFFE0C00  }
0xee: {  	[tilespmem:s3], [sflag:$0x1] =	stream.linear.gather [hbm4b:s11+s3], $0x1F400, $0x38;
	[tilespmem:$0x1F880] =	vst v63  }
0xef: {  	_ =	swait.ge [sflag:s21], $0x1F400  }
0xf0: {  	s23 =	sld [smem:$0x7EB]  }
0xf1: {  	[sflag:s21] =	ssyncset.done $0x0  }
0xf2: {  	[sflag:s21] =	ssyncadd.s32 $0xFFFE0C00  }
0xf3: {  	[hbm4b:s23+s3] =	stream.linear.scatter [tilespmem:s3], [sflag:$0x1], $0x1F400, $0x38;
	[tilespmem:$0x1F880] =	vst v63  }
0xf4: {  	_ =	swait.ge [sflag:s21], $0x1F400  }
0xf5: {  	s24 =	sld [smem:$0x7EC]  }
0xf6: {  	[sflag:s21] =	ssyncset.done $0x0  }
0xf7: {  	[sflag:s21] =	ssyncadd.s32 $0xFFFE0C00  }
0xf8: {  	[tilespmem:s3], [sflag:$0x1] =	stream.linear.gather [hbm4b:s24+s3], $0x1F400, $0x38;
	[tilespmem:$0x1F880] =	vst v63  }
0xf9: {  	_ =	swait.ge [sflag:s21], $0x1F400  }
0xfa: {  	s25 =	sld [smem:$0x7ED]  }
0xfb: {  	[sflag:s21] =	ssyncset.done $0x0  }
0xfc: {  	[sflag:s21] =	ssyncadd.s32 $0xFFFE0C00  }
0xfd: {  	[hbm4b:s25+s3] =	stream.linear.scatter [tilespmem:s3], [sflag:$0x1], $0x1F400, $0x38;
	[tilespmem:$0x1F880] =	vst v63  }
0xfe: {  	_ =	swait.ge [sflag:s21], $0x1F400  }
0xff: {  	s26 =	sld [smem:$0x7EE]  }
0x100: {  	[sflag:s21] =	ssyncset.done $0x0  }
0x101: {  	[sflag:s21] =	ssyncadd.s32 $0xFFFE0C00  }
0x102: {  	[tilespmem:s3], [sflag:$0x1] =	stream.linear.gather [hbm4b:s26+s3], $0x1F400, $0x38;
	[tilespmem:$0x1F880] =	vst v63  }
0x103: {  	_ =	swait.ge [sflag:s21], $0x1F400  }
0x104: {  	s28 =	sld [smem:$0x7EF]  }
0x105: {  	[sflag:s21] =	ssyncset.done $0x0  }
0x106: {  	[sflag:s21] =	ssyncadd.s32 $0xFFFE0C00  }
0x107: {  	[hbm4b:s28+s3] =	stream.linear.scatter [tilespmem:s3], [sflag:$0x1], $0x1F400, $0x38;
	[tilespmem:$0x1F880] =	vst v63  }
0x108: {  	_ =	swait.ge [sflag:s21], $0x1F400  }
0x109: {  	s29 =	sld [smem:$0x7F0]  }
0x10a: {  	[sflag:s21] =	ssyncset.done $0x0  }
0x10b: {  	[sflag:s21] =	ssyncadd.s32 $0xFFFE0C00  }
0x10c: {  	[tilespmem:s3], [sflag:$0x1] =	stream.linear.gather [hbm4b:s29+s3], $0x1F400, $0x38;
	[tilespmem:$0x1F880] =	vst v63  }
0x10d: {  	_ =	swait.ge [sflag:s21], $0x1F400  }
0x10e: {  	s31 =	sld [smem:$0x7F1]  }
0x10f: {  	[sflag:s21] =	ssyncset.done $0x0  }
0x110: {  	[sflag:s21] =	ssyncadd.s32 $0xFFFE0C00  }
0x111: {  	[hbm4b:s31+s3] =	stream.linear.scatter [tilespmem:s3], [sflag:$0x1], $0x1F400, $0x38;
	[tilespmem:$0x1F880] =	vst v63  }
0x112: {  	_ =	swait.ge [sflag:s21], $0x1F400  }
0x113: {  	s1 =	sld [smem:$0x7F2]  }
0x114: {  	[sflag:s21] =	ssyncset.done $0x0  }
0x115: {  	[sflag:s21] =	ssyncadd.s32 $0xFFFE0C00  }
0x116: {  	[tilespmem:s3], [sflag:$0x1] =	stream.linear.gather [hbm4b:s1+s3], $0x1F400, $0x38;
	[tilespmem:$0x1F880] =	vst v63  }
0x117: {  	_ =	swait.ge [sflag:s21], $0x1F400  }
0x118: {  	s5 =	sld [smem:$0x7F3]  }
0x119: {  	[sflag:s21] =	ssyncset.done $0x0  }
0x11a: {  	[sflag:s21] =	ssyncadd.s32 $0xFFFE0C00  }
0x11b: {  	[hbm4b:s5+s3] =	stream.linear.scatter [tilespmem:s3], [sflag:$0x1], $0x1F400, $0x38;
	[tilespmem:$0x1F880] =	vst v63  }
0x11c: {  	_ =	swait.ge [sflag:s21], $0x1F400  }
0x11d: {  	s7 =	sld [smem:$0x7F4]  }
0x11e: {  	[sflag:s21] =	ssyncset.done $0x0  }
0x11f: {  	[sflag:s21] =	ssyncadd.s32 $0xFFFE0C00  }
0x120: {  	[tilespmem:s3], [sflag:$0x1] =	stream.linear.gather [hbm4b:s7+s3], $0x1F400, $0x38;
	[tilespmem:$0x1F880] =	vst v63  }
0x121: {  	_ =	swait.ge [sflag:s21], $0x1F400  }
0x122: {  	s9 =	sld [smem:$0x7F5]  }
0x123: {  	[sflag:s21] =	ssyncset.done $0x0  }
0x124: {  	[sflag:s21] =	ssyncadd.s32 $0xFFFE0C00  }
0x125: {  	[hbm4b:s9+s3] =	stream.linear.scatter [tilespmem:s3], [sflag:$0x1], $0x1F400, $0x38;
	[tilespmem:$0x1F880] =	vst v63  }
0x126: {  	_ =	swait.ge [sflag:s21], $0x1F400  }
0x127: {  	s10 =	sld [smem:$0x7F6]  }
0x128: {  	[sflag:s21] =	ssyncset.done $0x0  }
0x129: {  	[sflag:s21] =	ssyncadd.s32 $0xFFFE0C00  }
0x12a: {  	[tilespmem:s3], [sflag:$0x1] =	stream.linear.gather [hbm4b:s10+s3], $0x1F400, $0x38;
	[tilespmem:$0x1F880] =	vst v63  }
0x12b: {  	_ =	swait.ge [sflag:s21], $0x1F400  }
0x12c: {  	s11 =	sld [smem:$0x7F7]  }
0x12d: {  	[sflag:s21] =	ssyncset.done $0x0  }
0x12e: {  	[sflag:s21] =	ssyncadd.s32 $0xFFFE0C00  }
0x12f: {  	[hbm4b:s11+s3] =	stream.linear.scatter [tilespmem:s3], [sflag:$0x1], $0x1F400, $0x38;
	[tilespmem:$0x1F880] =	vst v63  }
0x130: {  	_ =	swait.ge [sflag:s21], $0x1F400  }
0x131: {  	s23 =	sld [smem:$0x7F8]  }
0x132: {  	[sflag:s21] =	ssyncset.done $0x0  }
0x133: {  	[sflag:s21] =	ssyncadd.s32 $0xFFFE0C00  }
0x134: {  	[tilespmem:s3], [sflag:$0x1] =	stream.linear.gather [hbm4b:s23+s3], $0x1F400, $0x38;
	[tilespmem:$0x1F880] =	vst v63  }
0x135: {  	_ =	swait.ge [sflag:s21], $0x1F400  }
0x136: {  	s24 =	sld [smem:$0x7F9]  }
0x137: {  	[sflag:s21] =	ssyncset.done $0x0  }
0x138: {  	[sflag:s21] =	ssyncadd.s32 $0xFFFE0C00  }
0x139: {  	[hbm4b:s24+s3] =	stream.linear.scatter [tilespmem:s3], [sflag:$0x1], $0x1F400, $0x38;
	[tilespmem:$0x1F880] =	vst v63  }
0x13a: {  	_ =	swait.ge [sflag:s21], $0x1F400  }
0x13b: {  	s25 =	sld [smem:$0x7FA]  }
0x13c: {  	[sflag:s21] =	ssyncset.done $0x0  }
0x13d: {  	[sflag:s21] =	ssyncadd.s32 $0xFFFE0C00  }
0x13e: {  	[tilespmem:s3], [sflag:$0x1] =	stream.linear.gather [hbm4b:s25+s3], $0x1F400, $0x38;
	[tilespmem:$0x1F880] =	vst v63  }
0x13f: {  	_ =	swait.ge [sflag:s21], $0x1F400  }
0x140: {  	s26 =	sld [smem:$0x7FB]  }
0x141: {  	[sflag:s21] =	ssyncset.done $0x0  }
0x142: {  	[sflag:s21] =	ssyncadd.s32 $0xFFFE0C00  }
0x143: {  	[hbm4b:s26+s3] =	stream.linear.scatter [tilespmem:s3], [sflag:$0x1], $0x1F400, $0x38;
	[tilespmem:$0x1F880] =	vst v63  }
0x144: {  	_ =	swait.ge [sflag:s21], $0x1F400  }
0x145: {  	s28 =	sld [smem:$0x7FC]  }
0x146: {  	[sflag:s21] =	ssyncset.done $0x0  }
0x147: {  	[sflag:s21] =	ssyncadd.s32 $0xFFFE0C00  }
0x148: {  	[tilespmem:s3], [sflag:$0x1] =	stream.linear.gather [hbm4b:s28+s3], $0x1F400, $0x38;
	[tilespmem:$0x1F880] =	vst v63  }
0x149: {  	_ =	swait.ge [sflag:s21], $0x1F400  }
0x14a: {  	[sflag:s21] =	ssyncset.done $0x0  }
0x14b: {  	[sflag:s21] =	ssyncadd.s32 $0xFFFE0C00  }
0x14c: {  	[hbm4b:s12+s3] =	stream.linear.scatter [tilespmem:s3], [sflag:$0x1], $0x1F400, $0x38;
	[tilespmem:$0x1F880] =	vst v63  }
0x14d: {  	_ =	swait.ge [sflag:s21], $0x1F400  }
0x14e: {  	[sflag:s21] =	ssyncset.done $0x0  }
0x14f: {  	[sflag:s21] =	ssyncadd.s32 $0xFFFE0C00  }
0x150: {  	[tilespmem:s3], [sflag:$0x1] =	stream.linear.gather [hbm4b:s13+s3], $0x1F400, $0x38;
	[tilespmem:$0x1F880] =	vst v63  }
0x151: {  	_ =	swait.ge [sflag:s21], $0x1F400  }
0x152: {  	[sflag:s21] =	ssyncset.done $0x0  }
0x153: {  	[sflag:s21] =	ssyncadd.s32 $0xFFFE0C00  }
0x154: {  	[hbm4b:s14+s3] =	stream.linear.scatter [tilespmem:s3], [sflag:$0x1], $0x1F400, $0x38;
	[tilespmem:$0x1F880] =	vst v63  }
0x155: {  	_ =	swait.ge [sflag:s21], $0x1F400  }
0x156: {  	[sflag:s21] =	ssyncset.done $0x0  }
0x157: {  	[sflag:s21] =	ssyncadd.s32 $0xFFFE0C00  }
0x158: {  	[tilespmem:s3], [sflag:$0x1] =	stream.linear.gather [hbm4b:s15+s3], $0x1F400, $0x38;
	[tilespmem:$0x1F880] =	vst v63  }
0x159: {  	_ =	swait.ge [sflag:s21], $0x1F400  }
0x15a: {  	[sflag:s21] =	ssyncset.done $0x0  }
0x15b: {  	[sflag:s21] =	ssyncadd.s32 $0xFFFE0C00  }
0x15c: {  	[hbm4b:s17+s3] =	stream.linear.scatter [tilespmem:s3], [sflag:$0x1], $0x1F400, $0x38;
	[tilespmem:$0x1F880] =	vst v63  }
0x15d: {  	_ =	swait.ge [sflag:s21], $0x1F400  }
0x15e: {  	[sflag:s21] =	ssyncset.done $0x0  }
0x15f: {  	s0 =	simm.s32 @!p0 $0x0;
	s1 =	simm.s32 @!p0 $0x1;
	[sflag:s21] =	ssyncadd.s32 $0xFFFE0C00  }
0x160: {  	[tilespmem:s0], [sflag:$0x1] =	stream.linear.gather @!p0 [hbm4b:s18+s0], $0x1F400, $0x38;
	[tilespmem:$0x1F880] =	vst v63  }
0x161: {  	_ =	swait.ge @!p0 [sflag:s1], $0x1F400  }
0x162: {  	[sflag:s1] =	ssyncset.done @!p0 $0x0  }
0x163: {  	[sflag:s1] =	ssyncadd.s32 @!p0 $0xFFFE0C00  }
0x164: {  	[hbm4b:s19+s0] =	stream.linear.scatter @!p0 [tilespmem:s0], [sflag:$0x1], $0x1F400, $0x38;
	[tilespmem:$0x1F880] =	vst v63  }
0x165: {  	_ =	swait.ge @!p0 [sflag:s1], $0x1F400  }
0x166: {  	[sflag:s1] =	ssyncset.done @!p0 $0x0  }
0x167: {  	s31 =	simm.s32 $0x1F800;
	s29 =	rddreg [dreg:$0x3];
	[sflag:s1] =	ssyncadd.s32 @!p0 $0xFFFE0C00  }
0x168: {  	[tilespmem:s31], [sflag:$0x1] =	stream.linear.gather [hbm4b:s29+s3], $0x80, $0x38;
	[tilespmem:$0x1F880] =	vst v63  }
0x169: {  	_ =	swait.ge [sflag:s21], $0x80  }
0x16a: {  	[sflag:s21] =	ssyncset.done $0x0  }
0x16b: {  	[sflag:s21] =	ssyncadd.s32 $0xFFFFFF80  }
0x16c: {  	v4 =	vld [tilespmem:$0x1F800];
	_ =	sdelay $0x4  }
0x16d: {  	v4 =	vxor.u32 $0x80000000, v4  }
0x16e: {  	(xrf0) =	vmax.scan.msk.u32 $0xffff, v4;
	_ =	sdelay $0x5  }
0x16f: {  	v4, _, _ =	vpop (xrf0)  }
0x170: {  	(v2sf) =	vpush v4, $0xF;
	_ =	sdelay $0xe  }
0x171: {  	s5 =	spop (v2sf)  }
0x172: {  	s30 =	sxor.u32 $0x80000000, s5  }
0x173: {  	s7 =	ssub.s32 $0xF4240, s30  }
0x174: {  	p1 =	slt.s32 s7, $0x4000;
	s23 =	smov.u32 s7  }
0x175: {  	s23 =	simm.s32 @!p1 $0x4000  }
0x176: {  	p1 =	sgt.s32 s23, $0x1;
	s24 =	smov.u32 s23  }
0x177: {  	s25 =	sshra.s32 s30, $0x1F;
	s26 =	smulhi.u32 $0x10624DD3, s30;
	s24 =	simm.s32 @!p1 $0x1  }
0x178: {  	s9 =	smul.u32 $0x10624DD3, s25;
	s0 =	sadd.s32 s24, s5  }
0x179: {  	s0 =	sadd.s32 $0x7FFFFFFF, s0  }
0x17a: {  	s24 =	sadd.s32 s9, s26;
	s28 =	smulhi.u32 $0x10624DD3, s0;
	s0 =	sshra.s32 s0, $0x1F  }
0x17b: {  	s26 =	sshrl.u32 s24, $0x1F;
	s24 =	sshra.s32 s24, $0x6;
	s0 =	smul.u32 $0x10624DD3, s0  }
0x17c: {  	s24 =	sadd.s32 s26, s24  }
0x17d: {  	s11 =	ssub.s32 s4, s24;
	s0 =	sadd.s32 s0, s28  }
0x17e: {  	s29 =	sand.u32 $0x1F, s11;
	s10 =	sshrl.u32 s0, $0x1F;
	s0 =	sshra.s32 s0, $0x6  }
0x17f: {  	p1 =	slt.s32 s7, $0x1;
	s26 =	sadd.s32 s10, s0;
	s0 =	sadd.s32 s24, s29  }
0x180: {  	p2 =	sgt.s32 @!p1 s0, s26  }
0x181: {  	p1 =	por p1, p2  }
.Ltmp2:
0x182: {  	_ = 	snop;
	(pc) =	sbr.rel @p1 .LBB2_7-.Ltmp2, $4  }
0x183: {  	s31 =	sshrl.u32 s25, $0x1D  }
0x184: {  	s1 =	sadd.s32 s31, s30  }
0x185: {  	s1 =	sand.u32 $0xFFFFFFF8, s1  }
0x186: {  	s24 =	ssub.s32 s30, s1  }
0x187: {  	s1 =	smul.u32 $0x1F400, s0  }
0x188: {  	s28 =	smul.u32 $0x3E8, s0;
	_ =	sdelay $0x1  }
0x189: {  	s1 =	sshrl.u32 s1, $0x3;
	p1 =	sgt.s32 s30, s28;
	s26 =	smov.u32 s28  }
0x18a: {  	s0 =	sadd.s32 $0x3E8, s28;
	s25 =	sadd.s32 s6, s1;
	s1 =	sadd.s32 s30, s23  }
0x18b: {  	[tilespmem:s3], [sflag:$0x1] =	stream.linear.gather [hbm4b:s25+s3], $0x1F400, $0x38;
	[tilespmem:$0x1F880] =	vst v63  }
0x18c: {  	s26 =	smov.u32 @p1 s30;
	p1 =	slt.s32 s1, s0  }
0x18d: {  	s9 =	sadd.s32 $0x7, s26;
	s0 =	smov.u32 @p1 s1  }
0x18e: {  	s29 =	sshra.s32 s9, $0x1F;
	s31 =	sshra.s32 s0, $0x1F  }
0x18f: {  	s29 =	sshrl.u32 s29, $0x1D;
	s31 =	sshrl.u32 s31, $0x1D  }
0x190: {  	s1 =	sadd.s32 s29, s9;
	s29 =	sadd.s32 s31, s0  }
0x191: {  	s1 =	sand.u32 $0xFFFFFFF8, s1;
	s31 =	sand.u32 $0xFFFFFFF8, s29  }
0x192: {  	s29 =	ssub.s32 s31, s1  }
0x193: {  	p1 =	sgt.s32 s29, $0x0  }
0x194: {  	s29 =	simm.s32 @!p1 $0x0  }
0x195: {  	s5 =	sand.u32 $0x200, s29  }
0x196: {  	s30 =	ssub.s32 s24, s30;
	p1 =	seq.s32 s5, $0x0  }
0x197: {  	_ =	swait.ge [sflag:s21], $0x1F400;
	s7 =	sadd.s32 @!p1 s30, s1  }
0x198: {  	[sflag:s21] =	ssyncset.done $0x0;
	s9 =	ssub.s32 @!p1 s1, s28;
	s7 =	sshll.u32 @!p1 s7, $0x4  }
0x199: {  	[sflag:s21] =	ssyncadd.s32 $0xFFFE0C00;
	s9 =	sshll.u32 @!p1 s9, $0x9;
	s7 =	sand.u32 @!p1 $0xFFFFF80, s7  }
0x19a: {  	s10 =	simm.s32 @!p1 $0x0;
	s9 =	sshra.s32 @!p1 s9, $0x2;
	s7 =	sadd.s32 @!p1 s2, s7  }
0x19b: {  	[tilespmem:s9], [sflag:$0x1] =	stream.linear.gather @!p1 [hbm4b:s7+s10], $0x10000, $0x38;
	[tilespmem:$0x1F880] =	vst v63  }
0x19c: {  	s10 =	sand.u32 $0x100, s29  }
0x19d: {  	s7 =	simm.s32 @!p1 $0x1;
	p2 =	seq.s32 s10, $0x0  }
0x19e: {  	s11 =	sand.u32 $0x80, s29;
	_ =	swait.ge @!p1 [sflag:s7], $0x10000;
	s9 =	sadd.s32 @!p2 s30, s1  }
0x19f: {  	s10 =	ssub.s32 @!p2 s1, s28;
	[sflag:s7] =	ssyncset.done @!p1 $0x0;
	s9 =	sadd.s32 @!p2 s5, s9  }
0x1a0: {  	s5 =	sadd.s32 @!p2 s5, s10;
	[sflag:s7] =	ssyncadd.s32 @!p1 $0xFFFF0000;
	s9 =	sshll.u32 @!p2 s9, $0x4  }
0x1a1: {  	p1 =	seq.s32 s11, $0x0;
	s5 =	sshll.u32 @!p2 s5, $0x9;
	s7 =	sand.u32 @!p2 $0xFFFFF80, s9  }
0x1a2: {  	s5 =	sshra.s32 @!p2 s5, $0x2;
	s9 =	simm.s32 @!p2 $0x0;
	s7 =	sadd.s32 @!p2 s2, s7  }
0x1a3: {  	[tilespmem:s5], [sflag:$0x1] =	stream.linear.gather @!p2 [hbm4b:s7+s9], $0x8000, $0x38;
	[tilespmem:$0x1F880] =	vst v63  }
0x1a4: {  	s5 =	simm.s32 @!p2 $0x1;
	s7 =	sand.u32 @!p1 $0x300, s29;
	s9 =	sadd.s32 @!p1 s30, s1  }
0x1a5: {  	s10 =	ssub.s32 @!p1 s1, s28;
	_ =	swait.ge @!p2 [sflag:s5], $0x8000;
	s9 =	sadd.s32 @!p1 s7, s9  }
0x1a6: {  	s7 =	sadd.s32 @!p1 s7, s10;
	[sflag:s5] =	ssyncset.done @!p2 $0x0;
	s9 =	sshll.u32 @!p1 s9, $0x4  }
0x1a7: {  	[sflag:s5] =	ssyncadd.s32 @!p2 $0xFFFF8000;
	s5 =	sshll.u32 @!p1 s7, $0x9;
	s7 =	sand.u32 @!p1 $0xFFFFF80, s9  }
0x1a8: {  	s9 =	simm.s32 @!p1 $0x0;
	s5 =	sshra.s32 @!p1 s5, $0x2;
	s7 =	sadd.s32 @!p1 s2, s7  }
0x1a9: {  	[tilespmem:s5], [sflag:$0x1] =	stream.linear.gather @!p1 [hbm4b:s7+s9], $0x4000, $0x38;
	[tilespmem:$0x1F880] =	vst v63  }
0x1aa: {  	s7 =	sand.u32 $0x40, s29  }
0x1ab: {  	p2 =	seq.s32 s7, $0x0  }
0x1ac: {  	s5 =	simm.s32 @!p1 $0x1;
	s7 =	sand.u32 @!p2 $0x380, s29;
	s9 =	sadd.s32 @!p2 s30, s1  }
0x1ad: {  	_ =	swait.ge @!p1 [sflag:s5], $0x4000;
	s10 =	ssub.s32 @!p2 s1, s28;
	s9 =	sadd.s32 @!p2 s7, s9  }
0x1ae: {  	[sflag:s5] =	ssyncset.done @!p1 $0x0;
	s7 =	sadd.s32 @!p2 s7, s10;
	s9 =	sshll.u32 @!p2 s9, $0x4  }
0x1af: {  	[sflag:s5] =	ssyncadd.s32 @!p1 $0xFFFFC000;
	s5 =	sshll.u32 @!p2 s7, $0x9;
	s7 =	sand.u32 @!p2 $0xFFFFF80, s9  }
0x1b0: {  	s5 =	sshra.s32 @!p2 s5, $0x2;
	s9 =	simm.s32 @!p2 $0x0;
	s7 =	sadd.s32 @!p2 s2, s7  }
0x1b1: {  	[tilespmem:s5], [sflag:$0x1] =	stream.linear.gather @!p2 [hbm4b:s7+s9], $0x2000, $0x38;
	[tilespmem:$0x1F880] =	vst v63  }
0x1b2: {  	s9 =	sand.u32 $0x20, s29  }
0x1b3: {  	s5 =	simm.s32 @!p2 $0x1;
	p1 =	seq.s32 s9, $0x0  }
0x1b4: {  	_ =	swait.ge @!p2 [sflag:s5], $0x2000;
	s7 =	sand.u32 @!p1 $0x3C0, s29;
	s9 =	sadd.s32 @!p1 s30, s1  }
0x1b5: {  	s10 =	ssub.s32 @!p1 s1, s28;
	[sflag:s5] =	ssyncset.done @!p2 $0x0;
	s9 =	sadd.s32 @!p1 s7, s9  }
0x1b6: {  	s7 =	sadd.s32 @!p1 s7, s10;
	[sflag:s5] =	ssyncadd.s32 @!p2 $0xFFFFE000;
	s9 =	sshll.u32 @!p1 s9, $0x4  }
0x1b7: {  	s10 =	sand.u32 $0x10, s29;
	s5 =	sshll.u32 @!p1 s7, $0x9;
	s7 =	sand.u32 @!p1 $0xFFFFF80, s9  }
0x1b8: {  	s5 =	sshra.s32 @!p1 s5, $0x2;
	s9 =	simm.s32 @!p1 $0x0;
	s7 =	sadd.s32 @!p1 s2, s7  }
0x1b9: {  	[tilespmem:s5], [sflag:$0x1] =	stream.linear.gather @!p1 [hbm4b:s7+s9], $0x1000, $0x38;
	[tilespmem:$0x1F880] =	vst v63  }
0x1ba: {  	s11 =	sand.u32 $0x8, s29;
	p2 =	seq.s32 s10, $0x0;
	s5 =	simm.s32 @!p1 $0x1  }
0x1bb: {  	s7 =	sand.u32 @!p2 $0x3E0, s29;
	s9 =	sadd.s32 @!p2 s30, s1;
	_ =	swait.ge @!p1 [sflag:s5], $0x1000  }
0x1bc: {  	s10 =	ssub.s32 @!p2 s1, s28;
	s9 =	sadd.s32 @!p2 s7, s9;
	[sflag:s5] =	ssyncset.done @!p1 $0x0  }
0x1bd: {  	s7 =	sadd.s32 @!p2 s7, s10;
	s9 =	sshll.u32 @!p2 s9, $0x4;
	[sflag:s5] =	ssyncadd.s32 @!p1 $0xFFFFF000  }
0x1be: {  	s5 =	sshll.u32 @!p2 s7, $0x9;
	s7 =	sand.u32 @!p2 $0xFFFFF80, s9;
	s9 =	simm.s32 @!p2 $0x0  }
0x1bf: {  	p1 =	seq.s32 s11, $0x0;
	s5 =	sshra.s32 @!p2 s5, $0x2;
	s7 =	sadd.s32 @!p2 s2, s7  }
0x1c0: {  	[tilespmem:s5], [sflag:$0x1] =	stream.linear.gather @!p2 [hbm4b:s7+s9], $0x800, $0x38;
	[tilespmem:$0x1F880] =	vst v63  }
0x1c1: {  	s10 =	ssub.s32 @!p1 s1, s28;
	s5 =	simm.s32 @!p2 $0x1;
	s7 =	sand.u32 @!p1 $0x3F0, s29  }
0x1c2: {  	s9 =	sadd.s32 @!p1 s30, s1;
	s29 =	smov.u32 s0;
	_ =	swait.ge @!p2 [sflag:s5], $0x800  }
0x1c3: {  	s9 =	sadd.s32 @!p1 s7, s9;
	s7 =	sadd.s32 @!p1 s7, s10;
	[sflag:s5] =	ssyncset.done @!p2 $0x0  }
0x1c4: {  	s9 =	sshll.u32 @!p1 s9, $0x4;
	[sflag:s5] =	ssyncadd.s32 @!p2 $0xFFFFF800;
	s5 =	sshll.u32 @!p1 s7, $0x9  }
0x1c5: {  	s7 =	sand.u32 @!p1 $0xFFFFF80, s9;
	s9 =	simm.s32 @!p1 $0x0;
	p2 =	slt.s32 s1, s0  }
0x1c6: {  	s5 =	sshra.s32 @!p1 s5, $0x2;
	s7 =	sadd.s32 @!p1 s2, s7;
	s29 =	smov.u32 @p2 s1  }
0x1c7: {  	[tilespmem:s5], [sflag:$0x1] =	stream.linear.gather @!p1 [hbm4b:s7+s9], $0x400, $0x38;
	[tilespmem:$0x1F880] =	vst v63  }
0x1c8: {  	p2 =	sle.s32 s29, s26  }
.Ltmp3:
0x1c9: {  	_ = 	snop;
	(pc) =	sbr.rel @p2 .LBB2_4-.Ltmp3, $4  }
0x1ca: {  	s5 =	simm.s32 @!p1 $0x1  }
0x1cb: {  	_ =	swait.ge @!p1 [sflag:s5], $0x400  }
0x1cc: {  	[sflag:s5] =	ssyncset.done @!p1 $0x0  }
0x1cd: {  	[sflag:s5] =	ssyncadd.s32 @!p1 $0xFFFFFC00  }
0x1ce: {  	s1 =	sshra.s32 s26, $0x1F  }
0x1cf: {  	s1 =	sshrl.u32 s1, $0x1D  }
0x1d0: {  	s1 =	sadd.s32 s1, s26  }
0x1d1: {  	s1 =	sand.u32 $0xFFFFFFF8, s1  }
0x1d2: {  	s5 =	sadd.s32 s30, s1  }
0x1d3: {  	s7 =	ssub.s32 s26, s1;
	s5 =	sshll.u32 s5, $0x4  }
0x1d4: {  	s7 =	sshll.u32 s7, $0x7;
	s5 =	sand.u32 $0xFFFFF80, s5  }
0x1d5: {  	v4 =	vor.u32 s7, v0;
	s5 =	sadd.s32 s2, s5  }
0x1d6: {  	[tilespmem:s22], [sflag:$0x1] =	stream.linear.gather [hbm4b:s5+s3], $0x400, $0x38;
	[tilespmem:$0x1F880] =	vst v63  }
0x1d7: {  	_ =	swait.ge [sflag:s21], $0x400  }
0x1d8: {  	s11 =	ssub.s32 s26, s28;
	[sflag:s21] =	ssyncset.done $0x0  }
0x1d9: {  	s5 =	sshll.u32 s11, $0x7;
	[sflag:s21] =	ssyncadd.s32 $0xFFFFFC00  }
0x1da: {  	v5 =	vor.u32 s5, v0;
	v4 =	vld.idx.msk [tilespmem:v4+s22+$0x0], $0xffff  }
0x1db: {  	v6 =	vor.u32 s7, v1;
	_ =	sdelay $0x3  }
0x1dc: {  	[tilespmem:v5+s3+$0x0] =	vst.idx.msk $0xffff, v4  }
0x1dd: {  	v5 =	vor.u32 s5, v1;
	v4 =	vld.idx.msk [tilespmem:v6+s22+$0x0], $0xffff  }
0x1de: {  	v62 =	vor.u32 s7, v2;
	_ =	sdelay $0x3  }
0x1df: {  	[tilespmem:v5+s3+$0x0] =	vst.idx.msk $0xffff, v4  }
0x1e0: {  	v5 =	vor.u32 s5, v2;
	v4 =	vld.idx.msk [tilespmem:v62+s22+$0x0], $0xffff  }
0x1e1: {  	v63 =	vor.u32 s7, v3;
	_ =	sdelay $0x1  }
0x1e2: {  	s7 =	sadd.s32 $0x1, s26  }
0x1e3: {  	p1 =	sge.s32 s7, s29  }
0x1e4: {  	s9 =	ssub.s32 @!p1 s7, s1;
	[tilespmem:v5+s3+$0x0] =	vst.idx.msk $0xffff, v4  }
0x1e5: {  	v6 =	vlaneseq.u32 @!p1;
	v5 =	vor.u32 s5, v3;
	s5 =	sshll.u32 @!p1 s9, $0x7;
	v4 =	vld.idx.msk [tilespmem:v63+s22+$0x0], $0xffff  }
0x1e6: {  	v7 =	vor.u32 @!p1 s5, v6;
	_ =	sdelay $0x2  }
0x1e7: {  	s7 =	ssub.s32 @!p1 s7, s28  }
0x1e8: {  	s7 =	sshll.u32 @!p1 s7, $0x7;
	s9 =	simm.s32 @!p1 $0x1F400;
	[tilespmem:v5+s3+$0x0] =	vst.idx.msk $0xffff, v4  }
0x1e9: {  	v5 =	vor.u32 @!p1 s7, v6;
	v4 =	vld.idx.msk @!p1 [tilespmem:v7+s9+$0x0], $0xffff;
	v7 =	vor.u32 @!p1 $0x10, v6  }
0x1ea: {  	v8 =	vor.u32 @!p1 s5, v7;
	_ =	sdelay $0x2  }
0x1eb: {  	s10 =	simm.s32 @!p1 $0x0  }
0x1ec: {  	[tilespmem:v5+s10+$0x0] =	vst.idx.msk @!p1 $0xffff, v4  }
0x1ed: {  	v5 =	vor.u32 @!p1 s7, v7;
	v7 =	vor.u32 @!p1 $0x20, v6;
	v4 =	vld.idx.msk @!p1 [tilespmem:v8+s9+$0x0], $0xffff  }
0x1ee: {  	v8 =	vor.u32 @!p1 s5, v7;
	_ =	sdelay $0x3  }
0x1ef: {  	[tilespmem:v5+s10+$0x0] =	vst.idx.msk @!p1 $0xffff, v4  }
0x1f0: {  	v6 =	vor.u32 @!p1 $0x30, v6;
	v5 =	vor.u32 @!p1 s7, v7;
	v4 =	vld.idx.msk @!p1 [tilespmem:v8+s9+$0x0], $0xffff  }
0x1f1: {  	v7 =	vor.u32 @!p1 s5, v6;
	_ =	sdelay $0x1  }
0x1f2: {  	s5 =	sadd.s32 $0x2, s26  }
0x1f3: {  	p2 =	sge.s32 s5, s29  }
0x1f4: {  	s11 =	ssub.s32 @!p2 s5, s1;
	[tilespmem:v5+s10+$0x0] =	vst.idx.msk @!p1 $0xffff, v4  }
0x1f5: {  	v5 =	vor.u32 @!p1 s7, v6;
	s7 =	sshll.u32 @!p2 s11, $0x7;
	v6 =	vlaneseq.u32 @!p2;
	v4 =	vld.idx.msk @!p1 [tilespmem:v7+s9+$0x0], $0xffff  }
0x1f6: {  	v7 =	vor.u32 @!p2 s7, v6;
	_ =	sdelay $0x2  }
0x1f7: {  	s5 =	ssub.s32 @!p2 s5, s28  }
0x1f8: {  	s5 =	sshll.u32 @!p2 s5, $0x7;
	s9 =	simm.s32 @!p2 $0x1F400;
	[tilespmem:v5+s10+$0x0] =	vst.idx.msk @!p1 $0xffff, v4  }
0x1f9: {  	v5 =	vor.u32 @!p2 s5, v6;
	v4 =	vld.idx.msk @!p2 [tilespmem:v7+s9+$0x0], $0xffff;
	v7 =	vor.u32 @!p2 $0x10, v6  }
0x1fa: {  	v8 =	vor.u32 @!p2 s7, v7;
	_ =	sdelay $0x2  }
0x1fb: {  	s10 =	simm.s32 @!p2 $0x0  }
0x1fc: {  	[tilespmem:v5+s10+$0x0] =	vst.idx.msk @!p2 $0xffff, v4  }
0x1fd: {  	v5 =	vor.u32 @!p2 s5, v7;
	v7 =	vor.u32 @!p2 $0x20, v6;
	v4 =	vld.idx.msk @!p2 [tilespmem:v8+s9+$0x0], $0xffff  }
0x1fe: {  	v8 =	vor.u32 @!p2 s7, v7;
	_ =	sdelay $0x3  }
0x1ff: {  	[tilespmem:v5+s10+$0x0] =	vst.idx.msk @!p2 $0xffff, v4  }
0x200: {  	v6 =	vor.u32 @!p2 $0x30, v6;
	v5 =	vor.u32 @!p2 s5, v7;
	v4 =	vld.idx.msk @!p2 [tilespmem:v8+s9+$0x0], $0xffff  }
0x201: {  	v7 =	vor.u32 @!p2 s7, v6;
	_ =	sdelay $0x1  }
0x202: {  	s7 =	sadd.s32 $0x3, s26  }
0x203: {  	p1 =	sge.s32 s7, s29  }
0x204: {  	s11 =	ssub.s32 @!p1 s7, s1;
	[tilespmem:v5+s10+$0x0] =	vst.idx.msk @!p2 $0xffff, v4  }
0x205: {  	v5 =	vor.u32 @!p2 s5, v6;
	s5 =	sshll.u32 @!p1 s11, $0x7;
	v6 =	vlaneseq.u32 @!p1;
	v4 =	vld.idx.msk @!p2 [tilespmem:v7+s9+$0x0], $0xffff  }
0x206: {  	v7 =	vor.u32 @!p1 s5, v6;
	_ =	sdelay $0x2  }
0x207: {  	s7 =	ssub.s32 @!p1 s7, s28  }
0x208: {  	s7 =	sshll.u32 @!p1 s7, $0x7;
	s9 =	simm.s32 @!p1 $0x1F400;
	[tilespmem:v5+s10+$0x0] =	vst.idx.msk @!p2 $0xffff, v4  }
0x209: {  	v5 =	vor.u32 @!p1 s7, v6;
	v4 =	vld.idx.msk @!p1 [tilespmem:v7+s9+$0x0], $0xffff;
	v7 =	vor.u32 @!p1 $0x10, v6  }
0x20a: {  	v8 =	vor.u32 @!p1 s5, v7;
	_ =	sdelay $0x2  }
0x20b: {  	s10 =	simm.s32 @!p1 $0x0  }
0x20c: {  	[tilespmem:v5+s10+$0x0] =	vst.idx.msk @!p1 $0xffff, v4  }
0x20d: {  	v5 =	vor.u32 @!p1 s7, v7;
	v7 =	vor.u32 @!p1 $0x20, v6;
	v4 =	vld.idx.msk @!p1 [tilespmem:v8+s9+$0x0], $0xffff  }
0x20e: {  	v8 =	vor.u32 @!p1 s5, v7;
	_ =	sdelay $0x3  }
0x20f: {  	[tilespmem:v5+s10+$0x0] =	vst.idx.msk @!p1 $0xffff, v4  }
0x210: {  	v6 =	vor.u32 @!p1 $0x30, v6;
	v5 =	vor.u32 @!p1 s7, v7;
	v4 =	vld.idx.msk @!p1 [tilespmem:v8+s9+$0x0], $0xffff  }
0x211: {  	v7 =	vor.u32 @!p1 s5, v6;
	_ =	sdelay $0x1  }
0x212: {  	s5 =	sadd.s32 $0x4, s26  }
0x213: {  	p2 =	sge.s32 s5, s29  }
0x214: {  	s11 =	ssub.s32 @!p2 s5, s1;
	[tilespmem:v5+s10+$0x0] =	vst.idx.msk @!p1 $0xffff, v4  }
0x215: {  	v5 =	vor.u32 @!p1 s7, v6;
	s7 =	sshll.u32 @!p2 s11, $0x7;
	v6 =	vlaneseq.u32 @!p2;
	v4 =	vld.idx.msk @!p1 [tilespmem:v7+s9+$0x0], $0xffff  }
0x216: {  	v7 =	vor.u32 @!p2 s7, v6;
	_ =	sdelay $0x2  }
0x217: {  	s5 =	ssub.s32 @!p2 s5, s28  }
0x218: {  	s5 =	sshll.u32 @!p2 s5, $0x7;
	s9 =	simm.s32 @!p2 $0x1F400;
	[tilespmem:v5+s10+$0x0] =	vst.idx.msk @!p1 $0xffff, v4  }
0x219: {  	v5 =	vor.u32 @!p2 s5, v6;
	v4 =	vld.idx.msk @!p2 [tilespmem:v7+s9+$0x0], $0xffff;
	v7 =	vor.u32 @!p2 $0x10, v6  }
0x21a: {  	v8 =	vor.u32 @!p2 s7, v7;
	_ =	sdelay $0x2  }
0x21b: {  	s10 =	simm.s32 @!p2 $0x0  }
0x21c: {  	[tilespmem:v5+s10+$0x0] =	vst.idx.msk @!p2 $0xffff, v4  }
0x21d: {  	v5 =	vor.u32 @!p2 s5, v7;
	v7 =	vor.u32 @!p2 $0x20, v6;
	v4 =	vld.idx.msk @!p2 [tilespmem:v8+s9+$0x0], $0xffff  }
0x21e: {  	v8 =	vor.u32 @!p2 s7, v7;
	_ =	sdelay $0x3  }
0x21f: {  	[tilespmem:v5+s10+$0x0] =	vst.idx.msk @!p2 $0xffff, v4  }
0x220: {  	v6 =	vor.u32 @!p2 $0x30, v6;
	v5 =	vor.u32 @!p2 s5, v7;
	v4 =	vld.idx.msk @!p2 [tilespmem:v8+s9+$0x0], $0xffff  }
0x221: {  	v7 =	vor.u32 @!p2 s7, v6;
	_ =	sdelay $0x1  }
0x222: {  	s7 =	sadd.s32 $0x5, s26  }
0x223: {  	p1 =	sge.s32 s7, s29  }
0x224: {  	s11 =	ssub.s32 @!p1 s7, s1;
	[tilespmem:v5+s10+$0x0] =	vst.idx.msk @!p2 $0xffff, v4  }
0x225: {  	v5 =	vor.u32 @!p2 s5, v6;
	s5 =	sshll.u32 @!p1 s11, $0x7;
	v6 =	vlaneseq.u32 @!p1;
	v4 =	vld.idx.msk @!p2 [tilespmem:v7+s9+$0x0], $0xffff  }
0x226: {  	v7 =	vor.u32 @!p1 s5, v6;
	_ =	sdelay $0x2  }
0x227: {  	s7 =	ssub.s32 @!p1 s7, s28  }
0x228: {  	s7 =	sshll.u32 @!p1 s7, $0x7;
	s9 =	simm.s32 @!p1 $0x1F400;
	[tilespmem:v5+s10+$0x0] =	vst.idx.msk @!p2 $0xffff, v4  }
0x229: {  	v5 =	vor.u32 @!p1 s7, v6;
	v4 =	vld.idx.msk @!p1 [tilespmem:v7+s9+$0x0], $0xffff;
	v7 =	vor.u32 @!p1 $0x10, v6  }
0x22a: {  	v8 =	vor.u32 @!p1 s5, v7;
	_ =	sdelay $0x2  }
0x22b: {  	s10 =	simm.s32 @!p1 $0x0  }
0x22c: {  	[tilespmem:v5+s10+$0x0] =	vst.idx.msk @!p1 $0xffff, v4  }
0x22d: {  	v5 =	vor.u32 @!p1 s7, v7;
	v7 =	vor.u32 @!p1 $0x20, v6;
	v4 =	vld.idx.msk @!p1 [tilespmem:v8+s9+$0x0], $0xffff  }
0x22e: {  	v8 =	vor.u32 @!p1 s5, v7;
	_ =	sdelay $0x3  }
0x22f: {  	[tilespmem:v5+s10+$0x0] =	vst.idx.msk @!p1 $0xffff, v4  }
0x230: {  	v6 =	vor.u32 @!p1 $0x30, v6;
	v5 =	vor.u32 @!p1 s7, v7;
	v4 =	vld.idx.msk @!p1 [tilespmem:v8+s9+$0x0], $0xffff  }
0x231: {  	v7 =	vor.u32 @!p1 s5, v6;
	_ =	sdelay $0x1  }
0x232: {  	s5 =	sadd.s32 $0x6, s26  }
0x233: {  	p2 =	sge.s32 s5, s29  }
0x234: {  	s1 =	ssub.s32 @!p2 s5, s1;
	[tilespmem:v5+s10+$0x0] =	vst.idx.msk @!p1 $0xffff, v4  }
0x235: {  	s1 =	sshll.u32 @!p2 s1, $0x7;
	v5 =	vor.u32 @!p1 s7, v6;
	v6 =	vlaneseq.u32 @!p2;
	v4 =	vld.idx.msk @!p1 [tilespmem:v7+s9+$0x0], $0xffff  }
0x236: {  	v7 =	vor.u32 @!p2 s1, v6;
	_ =	sdelay $0x2  }
0x237: {  	s5 =	ssub.s32 @!p2 s5, s28  }
0x238: {  	s5 =	sshll.u32 @!p2 s5, $0x7;
	s7 =	simm.s32 @!p2 $0x1F400;
	[tilespmem:v5+s10+$0x0] =	vst.idx.msk @!p1 $0xffff, v4  }
0x239: {  	v5 =	vor.u32 @!p2 s5, v6;
	v4 =	vld.idx.msk @!p2 [tilespmem:v7+s7+$0x0], $0xffff;
	v7 =	vor.u32 @!p2 $0x10, v6  }
0x23a: {  	v8 =	vor.u32 @!p2 s1, v7;
	_ =	sdelay $0x2  }
0x23b: {  	s9 =	simm.s32 @!p2 $0x0  }
0x23c: {  	[tilespmem:v5+s9+$0x0] =	vst.idx.msk @!p2 $0xffff, v4  }
0x23d: {  	v5 =	vor.u32 @!p2 s5, v7;
	v7 =	vor.u32 @!p2 $0x20, v6;
	v4 =	vld.idx.msk @!p2 [tilespmem:v8+s7+$0x0], $0xffff  }
0x23e: {  	v8 =	vor.u32 @!p2 s1, v7;
	_ =	sdelay $0x3  }
0x23f: {  	[tilespmem:v5+s9+$0x0] =	vst.idx.msk @!p2 $0xffff, v4  }
0x240: {  	v6 =	vor.u32 @!p2 $0x30, v6;
	v5 =	vor.u32 @!p2 s5, v7;
	v4 =	vld.idx.msk @!p2 [tilespmem:v8+s7+$0x0], $0xffff  }
0x241: {  	v7 =	vor.u32 @!p2 s1, v6;
	_ =	sdelay $0x3  }
0x242: {  	[tilespmem:v5+s9+$0x0] =	vst.idx.msk @!p2 $0xffff, v4  }
0x243: {  	v5 =	vor.u32 @!p2 s5, v6;
	v4 =	vld.idx.msk @!p2 [tilespmem:v7+s7+$0x0], $0xffff;
	_ =	sdelay $0x4  }
0x244: {  	[tilespmem:v5+s9+$0x0] =	vst.idx.msk @!p2 $0xffff, v4  }
.LBB2_4:
0x245: {  	p1 =	sgt.s32 s31, s26  }
0x246: {  	s26 =	smov.u32 @p1 s31  }
0x247: {  	p1 =	sle.s32 s0, s26  }
.Ltmp4:
0x248: {  	_ = 	snop;
	(pc) =	sbr.rel @p1 .LBB2_6-.Ltmp4, $1  }
0x249: {  	_ =	sdelay $0x3  }
0x24a: {  	s1 =	sshra.s32 s26, $0x1F  }
0x24b: {  	s1 =	sshrl.u32 s1, $0x1D  }
0x24c: {  	s1 =	sadd.s32 s1, s26  }
0x24d: {  	s1 =	sand.u32 $0xFFFFFFF8, s1  }
0x24e: {  	s5 =	sadd.s32 s30, s1  }
0x24f: {  	s7 =	ssub.s32 s26, s1;
	s5 =	sshll.u32 s5, $0x4  }
0x250: {  	s7 =	sshll.u32 s7, $0x7;
	s5 =	sand.u32 $0xFFFFF80, s5  }
0x251: {  	v4 =	vor.u32 s7, v0;
	s5 =	sadd.s32 s2, s5  }
0x252: {  	[tilespmem:s22], [sflag:$0x1] =	stream.linear.gather [hbm4b:s5+s3], $0x400, $0x38;
	[tilespmem:$0x1F880] =	vst v63  }
0x253: {  	_ =	swait.ge [sflag:s21], $0x400  }
0x254: {  	s31 =	ssub.s32 s26, s28;
	[sflag:s21] =	ssyncset.done $0x0  }
0x255: {  	s5 =	sshll.u32 s31, $0x7;
	[sflag:s21] =	ssyncadd.s32 $0xFFFFFC00  }
0x256: {  	v5 =	vor.u32 s5, v0;
	v4 =	vld.idx.msk [tilespmem:v4+s22+$0x0], $0xffff  }
0x257: {  	v6 =	vor.u32 s7, v1;
	_ =	sdelay $0x3  }
0x258: {  	[tilespmem:v5+s3+$0x0] =	vst.idx.msk $0xffff, v4  }
0x259: {  	v5 =	vor.u32 s5, v1;
	v4 =	vld.idx.msk [tilespmem:v6+s22+$0x0], $0xffff  }
0x25a: {  	v62 =	vor.u32 s7, v2;
	_ =	sdelay $0x3  }
0x25b: {  	[tilespmem:v5+s3+$0x0] =	vst.idx.msk $0xffff, v4  }
0x25c: {  	v5 =	vor.u32 s5, v2;
	v4 =	vld.idx.msk [tilespmem:v62+s22+$0x0], $0xffff  }
0x25d: {  	v63 =	vor.u32 s7, v3;
	_ =	sdelay $0x1  }
0x25e: {  	s7 =	sadd.s32 $0x1, s26  }
0x25f: {  	p1 =	sge.s32 s7, s0  }
0x260: {  	s9 =	ssub.s32 @!p1 s7, s1;
	[tilespmem:v5+s3+$0x0] =	vst.idx.msk $0xffff, v4  }
0x261: {  	v6 =	vlaneseq.u32 @!p1;
	v5 =	vor.u32 s5, v3;
	s5 =	sshll.u32 @!p1 s9, $0x7;
	v4 =	vld.idx.msk [tilespmem:v63+s22+$0x0], $0xffff  }
0x262: {  	v7 =	vor.u32 @!p1 s5, v6;
	_ =	sdelay $0x2  }
0x263: {  	s7 =	ssub.s32 @!p1 s7, s28  }
0x264: {  	s7 =	sshll.u32 @!p1 s7, $0x7;
	s9 =	simm.s32 @!p1 $0x1F400;
	[tilespmem:v5+s3+$0x0] =	vst.idx.msk $0xffff, v4  }
0x265: {  	v5 =	vor.u32 @!p1 s7, v6;
	v4 =	vld.idx.msk @!p1 [tilespmem:v7+s9+$0x0], $0xffff;
	v7 =	vor.u32 @!p1 $0x10, v6  }
0x266: {  	v8 =	vor.u32 @!p1 s5, v7;
	_ =	sdelay $0x2  }
0x267: {  	s10 =	simm.s32 @!p1 $0x0  }
0x268: {  	[tilespmem:v5+s10+$0x0] =	vst.idx.msk @!p1 $0xffff, v4  }
0x269: {  	v5 =	vor.u32 @!p1 s7, v7;
	v7 =	vor.u32 @!p1 $0x20, v6;
	v4 =	vld.idx.msk @!p1 [tilespmem:v8+s9+$0x0], $0xffff  }
0x26a: {  	v8 =	vor.u32 @!p1 s5, v7;
	_ =	sdelay $0x3  }
0x26b: {  	[tilespmem:v5+s10+$0x0] =	vst.idx.msk @!p1 $0xffff, v4  }
0x26c: {  	v6 =	vor.u32 @!p1 $0x30, v6;
	v5 =	vor.u32 @!p1 s7, v7;
	v4 =	vld.idx.msk @!p1 [tilespmem:v8+s9+$0x0], $0xffff  }
0x26d: {  	v7 =	vor.u32 @!p1 s5, v6;
	_ =	sdelay $0x1  }
0x26e: {  	s5 =	sadd.s32 $0x2, s26  }
0x26f: {  	p2 =	sge.s32 s5, s0  }
0x270: {  	s11 =	ssub.s32 @!p2 s5, s1;
	[tilespmem:v5+s10+$0x0] =	vst.idx.msk @!p1 $0xffff, v4  }
0x271: {  	v5 =	vor.u32 @!p1 s7, v6;
	s7 =	sshll.u32 @!p2 s11, $0x7;
	v6 =	vlaneseq.u32 @!p2;
	v4 =	vld.idx.msk @!p1 [tilespmem:v7+s9+$0x0], $0xffff  }
0x272: {  	v7 =	vor.u32 @!p2 s7, v6;
	_ =	sdelay $0x2  }
0x273: {  	s5 =	ssub.s32 @!p2 s5, s28  }
0x274: {  	s5 =	sshll.u32 @!p2 s5, $0x7;
	s9 =	simm.s32 @!p2 $0x1F400;
	[tilespmem:v5+s10+$0x0] =	vst.idx.msk @!p1 $0xffff, v4  }
0x275: {  	v5 =	vor.u32 @!p2 s5, v6;
	v4 =	vld.idx.msk @!p2 [tilespmem:v7+s9+$0x0], $0xffff;
	v7 =	vor.u32 @!p2 $0x10, v6  }
0x276: {  	v8 =	vor.u32 @!p2 s7, v7;
	_ =	sdelay $0x2  }
0x277: {  	s10 =	simm.s32 @!p2 $0x0  }
0x278: {  	[tilespmem:v5+s10+$0x0] =	vst.idx.msk @!p2 $0xffff, v4  }
0x279: {  	v5 =	vor.u32 @!p2 s5, v7;
	v7 =	vor.u32 @!p2 $0x20, v6;
	v4 =	vld.idx.msk @!p2 [tilespmem:v8+s9+$0x0], $0xffff  }
0x27a: {  	v8 =	vor.u32 @!p2 s7, v7;
	_ =	sdelay $0x3  }
0x27b: {  	[tilespmem:v5+s10+$0x0] =	vst.idx.msk @!p2 $0xffff, v4  }
0x27c: {  	v6 =	vor.u32 @!p2 $0x30, v6;
	v5 =	vor.u32 @!p2 s5, v7;
	v4 =	vld.idx.msk @!p2 [tilespmem:v8+s9+$0x0], $0xffff  }
0x27d: {  	v7 =	vor.u32 @!p2 s7, v6;
	_ =	sdelay $0x1  }
0x27e: {  	s7 =	sadd.s32 $0x3, s26  }
0x27f: {  	p1 =	sge.s32 s7, s0  }
0x280: {  	s11 =	ssub.s32 @!p1 s7, s1;
	[tilespmem:v5+s10+$0x0] =	vst.idx.msk @!p2 $0xffff, v4  }
0x281: {  	v5 =	vor.u32 @!p2 s5, v6;
	s5 =	sshll.u32 @!p1 s11, $0x7;
	v6 =	vlaneseq.u32 @!p1;
	v4 =	vld.idx.msk @!p2 [tilespmem:v7+s9+$0x0], $0xffff  }
0x282: {  	v7 =	vor.u32 @!p1 s5, v6;
	_ =	sdelay $0x2  }
0x283: {  	s7 =	ssub.s32 @!p1 s7, s28  }
0x284: {  	s7 =	sshll.u32 @!p1 s7, $0x7;
	s9 =	simm.s32 @!p1 $0x1F400;
	[tilespmem:v5+s10+$0x0] =	vst.idx.msk @!p2 $0xffff, v4  }
0x285: {  	v5 =	vor.u32 @!p1 s7, v6;
	v4 =	vld.idx.msk @!p1 [tilespmem:v7+s9+$0x0], $0xffff;
	v7 =	vor.u32 @!p1 $0x10, v6  }
0x286: {  	v8 =	vor.u32 @!p1 s5, v7;
	_ =	sdelay $0x2  }
0x287: {  	s10 =	simm.s32 @!p1 $0x0  }
0x288: {  	[tilespmem:v5+s10+$0x0] =	vst.idx.msk @!p1 $0xffff, v4  }
0x289: {  	v5 =	vor.u32 @!p1 s7, v7;
	v7 =	vor.u32 @!p1 $0x20, v6;
	v4 =	vld.idx.msk @!p1 [tilespmem:v8+s9+$0x0], $0xffff  }
0x28a: {  	v8 =	vor.u32 @!p1 s5, v7;
	_ =	sdelay $0x3  }
0x28b: {  	[tilespmem:v5+s10+$0x0] =	vst.idx.msk @!p1 $0xffff, v4  }
0x28c: {  	v6 =	vor.u32 @!p1 $0x30, v6;
	v5 =	vor.u32 @!p1 s7, v7;
	v4 =	vld.idx.msk @!p1 [tilespmem:v8+s9+$0x0], $0xffff  }
0x28d: {  	v7 =	vor.u32 @!p1 s5, v6;
	_ =	sdelay $0x1  }
0x28e: {  	s5 =	sadd.s32 $0x4, s26  }
0x28f: {  	p2 =	sge.s32 s5, s0  }
0x290: {  	s11 =	ssub.s32 @!p2 s5, s1;
	[tilespmem:v5+s10+$0x0] =	vst.idx.msk @!p1 $0xffff, v4  }
0x291: {  	v5 =	vor.u32 @!p1 s7, v6;
	s7 =	sshll.u32 @!p2 s11, $0x7;
	v6 =	vlaneseq.u32 @!p2;
	v4 =	vld.idx.msk @!p1 [tilespmem:v7+s9+$0x0], $0xffff  }
0x292: {  	v7 =	vor.u32 @!p2 s7, v6;
	_ =	sdelay $0x2  }
0x293: {  	s5 =	ssub.s32 @!p2 s5, s28  }
0x294: {  	s5 =	sshll.u32 @!p2 s5, $0x7;
	s9 =	simm.s32 @!p2 $0x1F400;
	[tilespmem:v5+s10+$0x0] =	vst.idx.msk @!p1 $0xffff, v4  }
0x295: {  	v5 =	vor.u32 @!p2 s5, v6;
	v4 =	vld.idx.msk @!p2 [tilespmem:v7+s9+$0x0], $0xffff;
	v7 =	vor.u32 @!p2 $0x10, v6  }
0x296: {  	v8 =	vor.u32 @!p2 s7, v7;
	_ =	sdelay $0x2  }
0x297: {  	s10 =	simm.s32 @!p2 $0x0  }
0x298: {  	[tilespmem:v5+s10+$0x0] =	vst.idx.msk @!p2 $0xffff, v4  }
0x299: {  	v5 =	vor.u32 @!p2 s5, v7;
	v7 =	vor.u32 @!p2 $0x20, v6;
	v4 =	vld.idx.msk @!p2 [tilespmem:v8+s9+$0x0], $0xffff  }
0x29a: {  	v8 =	vor.u32 @!p2 s7, v7;
	_ =	sdelay $0x3  }
0x29b: {  	[tilespmem:v5+s10+$0x0] =	vst.idx.msk @!p2 $0xffff, v4  }
0x29c: {  	v6 =	vor.u32 @!p2 $0x30, v6;
	v5 =	vor.u32 @!p2 s5, v7;
	v4 =	vld.idx.msk @!p2 [tilespmem:v8+s9+$0x0], $0xffff  }
0x29d: {  	v7 =	vor.u32 @!p2 s7, v6;
	_ =	sdelay $0x1  }
0x29e: {  	s7 =	sadd.s32 $0x5, s26  }
0x29f: {  	p1 =	sge.s32 s7, s0  }
0x2a0: {  	s11 =	ssub.s32 @!p1 s7, s1;
	[tilespmem:v5+s10+$0x0] =	vst.idx.msk @!p2 $0xffff, v4  }
0x2a1: {  	v5 =	vor.u32 @!p2 s5, v6;
	s5 =	sshll.u32 @!p1 s11, $0x7;
	v6 =	vlaneseq.u32 @!p1;
	v4 =	vld.idx.msk @!p2 [tilespmem:v7+s9+$0x0], $0xffff  }
0x2a2: {  	v7 =	vor.u32 @!p1 s5, v6;
	_ =	sdelay $0x2  }
0x2a3: {  	s7 =	ssub.s32 @!p1 s7, s28  }
0x2a4: {  	s7 =	sshll.u32 @!p1 s7, $0x7;
	s9 =	simm.s32 @!p1 $0x1F400;
	[tilespmem:v5+s10+$0x0] =	vst.idx.msk @!p2 $0xffff, v4  }
0x2a5: {  	v5 =	vor.u32 @!p1 s7, v6;
	v4 =	vld.idx.msk @!p1 [tilespmem:v7+s9+$0x0], $0xffff;
	v7 =	vor.u32 @!p1 $0x10, v6  }
0x2a6: {  	v8 =	vor.u32 @!p1 s5, v7;
	_ =	sdelay $0x2  }
0x2a7: {  	s10 =	simm.s32 @!p1 $0x0  }
0x2a8: {  	[tilespmem:v5+s10+$0x0] =	vst.idx.msk @!p1 $0xffff, v4  }
0x2a9: {  	v5 =	vor.u32 @!p1 s7, v7;
	v7 =	vor.u32 @!p1 $0x20, v6;
	v4 =	vld.idx.msk @!p1 [tilespmem:v8+s9+$0x0], $0xffff  }
0x2aa: {  	v8 =	vor.u32 @!p1 s5, v7;
	_ =	sdelay $0x3  }
0x2ab: {  	[tilespmem:v5+s10+$0x0] =	vst.idx.msk @!p1 $0xffff, v4  }
0x2ac: {  	v6 =	vor.u32 @!p1 $0x30, v6;
	v5 =	vor.u32 @!p1 s7, v7;
	v4 =	vld.idx.msk @!p1 [tilespmem:v8+s9+$0x0], $0xffff  }
0x2ad: {  	v7 =	vor.u32 @!p1 s5, v6;
	_ =	sdelay $0x1  }
0x2ae: {  	s5 =	sadd.s32 $0x6, s26  }
0x2af: {  	p2 =	sge.s32 s5, s0  }
0x2b0: {  	s0 =	ssub.s32 @!p2 s5, s1;
	[tilespmem:v5+s10+$0x0] =	vst.idx.msk @!p1 $0xffff, v4  }
0x2b1: {  	s0 =	sshll.u32 @!p2 s0, $0x7;
	v5 =	vor.u32 @!p1 s7, v6;
	v6 =	vlaneseq.u32 @!p2;
	v4 =	vld.idx.msk @!p1 [tilespmem:v7+s9+$0x0], $0xffff  }
0x2b2: {  	v7 =	vor.u32 @!p2 s0, v6;
	_ =	sdelay $0x2  }
0x2b3: {  	s1 =	ssub.s32 @!p2 s5, s28  }
0x2b4: {  	s5 =	simm.s32 @!p2 $0x1F400;
	s1 =	sshll.u32 @!p2 s1, $0x7;
	[tilespmem:v5+s10+$0x0] =	vst.idx.msk @!p1 $0xffff, v4  }
0x2b5: {  	v5 =	vor.u32 @!p2 s1, v6;
	v4 =	vld.idx.msk @!p2 [tilespmem:v7+s5+$0x0], $0xffff;
	v7 =	vor.u32 @!p2 $0x10, v6  }
0x2b6: {  	v8 =	vor.u32 @!p2 s0, v7;
	_ =	sdelay $0x2  }
0x2b7: {  	s7 =	simm.s32 @!p2 $0x0  }
0x2b8: {  	[tilespmem:v5+s7+$0x0] =	vst.idx.msk @!p2 $0xffff, v4  }
0x2b9: {  	v5 =	vor.u32 @!p2 s1, v7;
	v7 =	vor.u32 @!p2 $0x20, v6;
	v4 =	vld.idx.msk @!p2 [tilespmem:v8+s5+$0x0], $0xffff  }
0x2ba: {  	v8 =	vor.u32 @!p2 s0, v7;
	_ =	sdelay $0x3  }
0x2bb: {  	[tilespmem:v5+s7+$0x0] =	vst.idx.msk @!p2 $0xffff, v4  }
0x2bc: {  	v6 =	vor.u32 @!p2 $0x30, v6;
	v5 =	vor.u32 @!p2 s1, v7;
	v4 =	vld.idx.msk @!p2 [tilespmem:v8+s5+$0x0], $0xffff  }
0x2bd: {  	v7 =	vor.u32 @!p2 s0, v6;
	_ =	sdelay $0x3  }
0x2be: {  	[tilespmem:v5+s7+$0x0] =	vst.idx.msk @!p2 $0xffff, v4  }
0x2bf: {  	v5 =	vor.u32 @!p2 s1, v6;
	v4 =	vld.idx.msk @!p2 [tilespmem:v7+s5+$0x0], $0xffff;
	_ =	sdelay $0x4  }
0x2c0: {  	[tilespmem:v5+s7+$0x0] =	vst.idx.msk @!p2 $0xffff, v4  }
.LBB2_6:
0x2c1: {  	[hbm4b:s25+s3] =	stream.linear.scatter [tilespmem:s3], [sflag:$0x1], $0x1F400, $0x38;
	[tilespmem:$0x1F880] =	vst v63  }
0x2c2: {  	_ =	swait.ge [sflag:s21], $0x1F400  }
0x2c3: {  	[sflag:s21] =	ssyncset.done $0x0  }
0x2c4: {  	[sflag:s21] =	ssyncadd.s32 $0xFFFE0C00  }
.LBB2_7:
0x2c5: {  	s0 =	ssub.s32 $0x4000, s23  }
0x2c6: {  	p1 =	sgt.s32 s0, $0x1;
	s1 =	smov.u32 s0  }
0x2c7: {  	s1 =	simm.s32 @!p1 $0x1  }
0x2c8: {  	s1 =	sadd.s32 $0xFFFFFFFF, s1  }
0x2c9: {  	s1 =	smulhi.u32 $0x10624DD3, s1;
	_ =	sdelay $0x1  }
0x2ca: {  	p1 =	slt.s32 s0, $0x1;
	s1 =	sshrl.u32 s1, $0x6  }
0x2cb: {  	p2 =	sgt.u32 @!p1 s4, s1  }
0x2cc: {  	p1 =	por p1, p2  }
.Ltmp5:
0x2cd: {  	_ = 	snop;
	(pc) =	sbr.rel @p1 .LBB2_11-.Ltmp5, $1  }
0x2ce: {  	_ =	sdelay $0x3  }
0x2cf: {  	s1 =	sld [smem:$0x7FD];
	_ =	sdelay $0x1  }
0x2d0: {  	[tilespmem:s3], [sflag:$0x1] =	stream.linear.gather [hbm4b:s8+s3], $0x1F400, $0x38;
	[tilespmem:$0x1F880] =	vst v63  }
0x2d1: {  	s25 =	smin.u32 s0, s1  }
0x2d2: {  	s0 =	sand.u32 $0xFFF8, s25  }
0x2d3: {  	s26 =	ssub.s32 s0, s16  }
0x2d4: {  	p1 =	sgt.s32 s26, $0x0  }
0x2d5: {  	s26 =	simm.s32 @!p1 $0x0  }
0x2d6: {  	s5 =	sand.u32 $0x200, s26  }
0x2d7: {  	s1 =	sadd.s32 s24, s23;
	p1 =	seq.s32 s5, $0x0  }
0x2d8: {  	_ =	swait.ge [sflag:s21], $0x1F400;
	s7 =	sadd.s32 @!p1 s16, s1  }
0x2d9: {  	[sflag:s21] =	ssyncset.done $0x0;
	s7 =	sshll.u32 @!p1 s7, $0x4  }
0x2da: {  	[sflag:s21] =	ssyncadd.s32 $0xFFFE0C00;
	s23 =	sand.u32 $0x100, s26;
	s7 =	sand.u32 @!p1 $0xFFFFF80, s7  }
0x2db: {  	p2 =	seq.s32 s23, $0x0;
	s9 =	simm.s32 @!p1 $0x0;
	s7 =	sadd.s32 @!p1 s2, s7  }
0x2dc: {  	[tilespmem:s9], [sflag:$0x1] =	stream.linear.gather @!p1 [hbm4b:s7+s9], $0x10000, $0x38;
	[tilespmem:$0x1F880] =	vst v63  }
0x2dd: {  	s7 =	simm.s32 @!p1 $0x1;
	s9 =	sadd.s32 @!p2 s16, s1  }
0x2de: {  	_ =	swait.ge @!p1 [sflag:s7], $0x10000;
	s9 =	sadd.s32 @!p2 s5, s9  }
0x2df: {  	s24 =	sand.u32 $0x80, s26;
	[sflag:s7] =	ssyncset.done @!p1 $0x0;
	s9 =	sshll.u32 @!p2 s9, $0x4  }
0x2e0: {  	s5 =	sshll.u32 @!p2 s5, $0x7;
	[sflag:s7] =	ssyncadd.s32 @!p1 $0xFFFF0000;
	s7 =	sand.u32 @!p2 $0xFFFFF80, s9  }
0x2e1: {  	s9 =	simm.s32 @!p2 $0x0;
	p1 =	seq.s32 s24, $0x0;
	s7 =	sadd.s32 @!p2 s2, s7  }
0x2e2: {  	[tilespmem:s5], [sflag:$0x1] =	stream.linear.gather @!p2 [hbm4b:s7+s9], $0x8000, $0x38;
	[tilespmem:$0x1F880] =	vst v63  }
0x2e3: {  	s5 =	simm.s32 @!p2 $0x1;
	s7 =	sand.u32 @!p1 $0x300, s26;
	s9 =	sadd.s32 @!p1 s16, s1  }
0x2e4: {  	_ =	swait.ge @!p2 [sflag:s5], $0x8000;
	s9 =	sadd.s32 @!p1 s7, s9  }
0x2e5: {  	s28 =	sand.u32 $0x40, s26;
	[sflag:s5] =	ssyncset.done @!p2 $0x0;
	s9 =	sshll.u32 @!p1 s9, $0x4  }
0x2e6: {  	s7 =	sshll.u32 @!p1 s7, $0x7;
	[sflag:s5] =	ssyncadd.s32 @!p2 $0xFFFF8000;
	s5 =	sand.u32 @!p1 $0xFFFFF80, s9  }
0x2e7: {  	s9 =	simm.s32 @!p1 $0x0;
	p2 =	seq.s32 s28, $0x0;
	s5 =	sadd.s32 @!p1 s2, s5  }
0x2e8: {  	[tilespmem:s7], [sflag:$0x1] =	stream.linear.gather @!p1 [hbm4b:s5+s9], $0x4000, $0x38;
	[tilespmem:$0x1F880] =	vst v63  }
0x2e9: {  	s5 =	simm.s32 @!p1 $0x1;
	s7 =	sand.u32 @!p2 $0x380, s26;
	s9 =	sadd.s32 @!p2 s16, s1  }
0x2ea: {  	_ =	swait.ge @!p1 [sflag:s5], $0x4000;
	s9 =	sadd.s32 @!p2 s7, s9  }
0x2eb: {  	s29 =	sand.u32 $0x20, s26;
	[sflag:s5] =	ssyncset.done @!p1 $0x0;
	s9 =	sshll.u32 @!p2 s9, $0x4  }
0x2ec: {  	s7 =	sshll.u32 @!p2 s7, $0x7;
	[sflag:s5] =	ssyncadd.s32 @!p1 $0xFFFFC000;
	s5 =	sand.u32 @!p2 $0xFFFFF80, s9  }
0x2ed: {  	s9 =	simm.s32 @!p2 $0x0;
	p1 =	seq.s32 s29, $0x0;
	s5 =	sadd.s32 @!p2 s2, s5  }
0x2ee: {  	[tilespmem:s7], [sflag:$0x1] =	stream.linear.gather @!p2 [hbm4b:s5+s9], $0x2000, $0x38;
	[tilespmem:$0x1F880] =	vst v63  }
0x2ef: {  	s5 =	simm.s32 @!p2 $0x1;
	s7 =	sand.u32 @!p1 $0x3C0, s26;
	s9 =	sadd.s32 @!p1 s16, s1  }
0x2f0: {  	_ =	swait.ge @!p2 [sflag:s5], $0x2000;
	s9 =	sadd.s32 @!p1 s7, s9  }
0x2f1: {  	s30 =	sand.u32 $0x10, s26;
	[sflag:s5] =	ssyncset.done @!p2 $0x0;
	s9 =	sshll.u32 @!p1 s9, $0x4  }
0x2f2: {  	s7 =	sshll.u32 @!p1 s7, $0x7;
	[sflag:s5] =	ssyncadd.s32 @!p2 $0xFFFFE000;
	s5 =	sand.u32 @!p1 $0xFFFFF80, s9  }
0x2f3: {  	s9 =	simm.s32 @!p1 $0x0;
	p2 =	seq.s32 s30, $0x0;
	s5 =	sadd.s32 @!p1 s2, s5  }
0x2f4: {  	[tilespmem:s7], [sflag:$0x1] =	stream.linear.gather @!p1 [hbm4b:s5+s9], $0x1000, $0x38;
	[tilespmem:$0x1F880] =	vst v63  }
0x2f5: {  	s5 =	simm.s32 @!p1 $0x1;
	s7 =	sand.u32 @!p2 $0x3E0, s26;
	s9 =	sadd.s32 @!p2 s16, s1  }
0x2f6: {  	_ =	swait.ge @!p1 [sflag:s5], $0x1000;
	s9 =	sadd.s32 @!p2 s7, s9  }
0x2f7: {  	s31 =	sand.u32 $0x8, s26;
	[sflag:s5] =	ssyncset.done @!p1 $0x0;
	s9 =	sshll.u32 @!p2 s9, $0x4  }
0x2f8: {  	s7 =	sshll.u32 @!p2 s7, $0x7;
	[sflag:s5] =	ssyncadd.s32 @!p1 $0xFFFFF000;
	s5 =	sand.u32 @!p2 $0xFFFFF80, s9  }
0x2f9: {  	s9 =	simm.s32 @!p2 $0x0;
	p1 =	seq.s32 s31, $0x0;
	s5 =	sadd.s32 @!p2 s2, s5  }
0x2fa: {  	[tilespmem:s7], [sflag:$0x1] =	stream.linear.gather @!p2 [hbm4b:s5+s9], $0x800, $0x38;
	[tilespmem:$0x1F880] =	vst v63  }
0x2fb: {  	s5 =	simm.s32 @!p2 $0x1;
	s7 =	sand.u32 @!p1 $0x3F0, s26;
	s9 =	sadd.s32 @!p1 s16, s1  }
0x2fc: {  	_ =	swait.ge @!p2 [sflag:s5], $0x800;
	s9 =	sadd.s32 @!p1 s7, s9  }
0x2fd: {  	s0 =	smax.u32 s0, s16;
	[sflag:s5] =	ssyncset.done @!p2 $0x0;
	s9 =	sshll.u32 @!p1 s9, $0x4  }
0x2fe: {  	s7 =	sshll.u32 @!p1 s7, $0x7;
	[sflag:s5] =	ssyncadd.s32 @!p2 $0xFFFFF800;
	s5 =	sand.u32 @!p1 $0xFFFFF80, s9  }
0x2ff: {  	s9 =	simm.s32 @!p1 $0x0;
	p2 =	sle.u32 s25, s0;
	s5 =	sadd.s32 @!p1 s2, s5  }
0x300: {  	[tilespmem:s7], [sflag:$0x1] =	stream.linear.gather @!p1 [hbm4b:s5+s9], $0x400, $0x38;
	[tilespmem:$0x1F880] =	vst v63  }
.Ltmp6:
0x301: {  	_ = 	snop;
	(pc) =	sbr.rel @p2 .LBB2_10-.Ltmp6, $4  }
0x302: {  	s5 =	simm.s32 @!p1 $0x1  }
0x303: {  	_ =	swait.ge @!p1 [sflag:s5], $0x400  }
0x304: {  	[sflag:s5] =	ssyncset.done @!p1 $0x0  }
0x305: {  	[sflag:s5] =	ssyncadd.s32 @!p1 $0xFFFFFC00  }
0x306: {  	s1 =	sadd.s32 s1, s0  }
0x307: {  	s1 =	sshll.u32 s1, $0x4  }
0x308: {  	s1 =	sand.u32 $0xFFFFF80, s1  }
0x309: {  	s1 =	sadd.s32 s2, s1  }
0x30a: {  	[tilespmem:s22], [sflag:$0x1] =	stream.linear.gather [hbm4b:s1+s3], $0x400, $0x38;
	[tilespmem:$0x1F880] =	vst v63  }
0x30b: {  	_ =	swait.ge [sflag:s21], $0x400  }
0x30c: {  	s31 =	ssub.s32 s0, s16;
	[sflag:s21] =	ssyncset.done $0x0  }
0x30d: {  	s1 =	sshll.u32 s31, $0x7;
	[sflag:s21] =	ssyncadd.s32 $0xFFFFFC00  }
0x30e: {  	v5 =	vor.u32 s1, v0;
	v4 =	vld.idx.msk [tilespmem:v0+s22+$0x0], $0xffff;
	_ =	sdelay $0x4  }
0x30f: {  	[tilespmem:v5+s3+$0x0] =	vst.idx.msk $0xffff, v4  }
0x310: {  	v5 =	vor.u32 s1, v1;
	v4 =	vld.idx.msk [tilespmem:v1+s22+$0x0], $0xffff;
	_ =	sdelay $0x4  }
0x311: {  	[tilespmem:v5+s3+$0x0] =	vst.idx.msk $0xffff, v4  }
0x312: {  	v5 =	vor.u32 s1, v2;
	v4 =	vld.idx.msk [tilespmem:v2+s22+$0x0], $0xffff;
	_ =	sdelay $0x2  }
0x313: {  	s5 =	sor.u32 $0x1, s0  }
0x314: {  	p1 =	sge.u32 s5, s25  }
0x315: {  	s7 =	ssub.s32 @!p1 s5, s0;
	[tilespmem:v5+s3+$0x0] =	vst.idx.msk $0xffff, v4  }
0x316: {  	v6 =	vlaneseq.u32 @!p1;
	v5 =	vor.u32 s1, v3;
	s1 =	sshll.u32 @!p1 s7, $0x7;
	v4 =	vld.idx.msk [tilespmem:v3+s22+$0x0], $0xffff  }
0x317: {  	v7 =	vor.u32 @!p1 s1, v6;
	_ =	sdelay $0x2  }
0x318: {  	s5 =	ssub.s32 @!p1 s5, s16  }
0x319: {  	s5 =	sshll.u32 @!p1 s5, $0x7;
	s7 =	simm.s32 @!p1 $0x1F400;
	[tilespmem:v5+s3+$0x0] =	vst.idx.msk $0xffff, v4  }
0x31a: {  	v5 =	vor.u32 @!p1 s5, v6;
	v4 =	vld.idx.msk @!p1 [tilespmem:v7+s7+$0x0], $0xffff;
	v7 =	vor.u32 @!p1 $0x10, v6  }
0x31b: {  	v8 =	vor.u32 @!p1 s1, v7;
	_ =	sdelay $0x2  }
0x31c: {  	s9 =	simm.s32 @!p1 $0x0  }
0x31d: {  	[tilespmem:v5+s9+$0x0] =	vst.idx.msk @!p1 $0xffff, v4  }
0x31e: {  	v5 =	vor.u32 @!p1 s5, v7;
	v7 =	vor.u32 @!p1 $0x20, v6;
	v4 =	vld.idx.msk @!p1 [tilespmem:v8+s7+$0x0], $0xffff  }
0x31f: {  	v8 =	vor.u32 @!p1 s1, v7;
	_ =	sdelay $0x3  }
0x320: {  	[tilespmem:v5+s9+$0x0] =	vst.idx.msk @!p1 $0xffff, v4  }
0x321: {  	v6 =	vor.u32 @!p1 $0x30, v6;
	v5 =	vor.u32 @!p1 s5, v7;
	v4 =	vld.idx.msk @!p1 [tilespmem:v8+s7+$0x0], $0xffff  }
0x322: {  	v7 =	vor.u32 @!p1 s1, v6;
	_ =	sdelay $0x1  }
0x323: {  	s1 =	sor.u32 $0x2, s0  }
0x324: {  	p2 =	sge.u32 s1, s25  }
0x325: {  	s10 =	ssub.s32 @!p2 s1, s0;
	[tilespmem:v5+s9+$0x0] =	vst.idx.msk @!p1 $0xffff, v4  }
0x326: {  	v5 =	vor.u32 @!p1 s5, v6;
	s5 =	sshll.u32 @!p2 s10, $0x7;
	v6 =	vlaneseq.u32 @!p2;
	v4 =	vld.idx.msk @!p1 [tilespmem:v7+s7+$0x0], $0xffff  }
0x327: {  	v7 =	vor.u32 @!p2 s5, v6;
	_ =	sdelay $0x2  }
0x328: {  	s1 =	ssub.s32 @!p2 s1, s16  }
0x329: {  	s1 =	sshll.u32 @!p2 s1, $0x7;
	s7 =	simm.s32 @!p2 $0x1F400;
	[tilespmem:v5+s9+$0x0] =	vst.idx.msk @!p1 $0xffff, v4  }
0x32a: {  	v5 =	vor.u32 @!p2 s1, v6;
	v4 =	vld.idx.msk @!p2 [tilespmem:v7+s7+$0x0], $0xffff;
	v7 =	vor.u32 @!p2 $0x10, v6  }
0x32b: {  	v8 =	vor.u32 @!p2 s5, v7;
	_ =	sdelay $0x2  }
0x32c: {  	s9 =	simm.s32 @!p2 $0x0  }
0x32d: {  	[tilespmem:v5+s9+$0x0] =	vst.idx.msk @!p2 $0xffff, v4  }
0x32e: {  	v5 =	vor.u32 @!p2 s1, v7;
	v7 =	vor.u32 @!p2 $0x20, v6;
	v4 =	vld.idx.msk @!p2 [tilespmem:v8+s7+$0x0], $0xffff  }
0x32f: {  	v8 =	vor.u32 @!p2 s5, v7;
	_ =	sdelay $0x3  }
0x330: {  	[tilespmem:v5+s9+$0x0] =	vst.idx.msk @!p2 $0xffff, v4  }
0x331: {  	v6 =	vor.u32 @!p2 $0x30, v6;
	v5 =	vor.u32 @!p2 s1, v7;
	v4 =	vld.idx.msk @!p2 [tilespmem:v8+s7+$0x0], $0xffff  }
0x332: {  	v7 =	vor.u32 @!p2 s5, v6;
	_ =	sdelay $0x1  }
0x333: {  	s5 =	sor.u32 $0x3, s0  }
0x334: {  	p1 =	sge.u32 s5, s25  }
0x335: {  	s10 =	ssub.s32 @!p1 s5, s0;
	[tilespmem:v5+s9+$0x0] =	vst.idx.msk @!p2 $0xffff, v4  }
0x336: {  	v5 =	vor.u32 @!p2 s1, v6;
	s1 =	sshll.u32 @!p1 s10, $0x7;
	v6 =	vlaneseq.u32 @!p1;
	v4 =	vld.idx.msk @!p2 [tilespmem:v7+s7+$0x0], $0xffff  }
0x337: {  	v7 =	vor.u32 @!p1 s1, v6;
	_ =	sdelay $0x2  }
0x338: {  	s5 =	ssub.s32 @!p1 s5, s16  }
0x339: {  	s5 =	sshll.u32 @!p1 s5, $0x7;
	s7 =	simm.s32 @!p1 $0x1F400;
	[tilespmem:v5+s9+$0x0] =	vst.idx.msk @!p2 $0xffff, v4  }
0x33a: {  	v5 =	vor.u32 @!p1 s5, v6;
	v4 =	vld.idx.msk @!p1 [tilespmem:v7+s7+$0x0], $0xffff;
	v7 =	vor.u32 @!p1 $0x10, v6  }
0x33b: {  	v8 =	vor.u32 @!p1 s1, v7;
	_ =	sdelay $0x2  }
0x33c: {  	s9 =	simm.s32 @!p1 $0x0  }
0x33d: {  	[tilespmem:v5+s9+$0x0] =	vst.idx.msk @!p1 $0xffff, v4  }
0x33e: {  	v5 =	vor.u32 @!p1 s5, v7;
	v7 =	vor.u32 @!p1 $0x20, v6;
	v4 =	vld.idx.msk @!p1 [tilespmem:v8+s7+$0x0], $0xffff  }
0x33f: {  	v8 =	vor.u32 @!p1 s1, v7;
	_ =	sdelay $0x3  }
0x340: {  	[tilespmem:v5+s9+$0x0] =	vst.idx.msk @!p1 $0xffff, v4  }
0x341: {  	v6 =	vor.u32 @!p1 $0x30, v6;
	v5 =	vor.u32 @!p1 s5, v7;
	v4 =	vld.idx.msk @!p1 [tilespmem:v8+s7+$0x0], $0xffff  }
0x342: {  	v7 =	vor.u32 @!p1 s1, v6;
	_ =	sdelay $0x1  }
0x343: {  	s1 =	sor.u32 $0x4, s0  }
0x344: {  	p2 =	sge.u32 s1, s25  }
0x345: {  	s10 =	ssub.s32 @!p2 s1, s0;
	[tilespmem:v5+s9+$0x0] =	vst.idx.msk @!p1 $0xffff, v4  }
0x346: {  	v5 =	vor.u32 @!p1 s5, v6;
	s5 =	sshll.u32 @!p2 s10, $0x7;
	v6 =	vlaneseq.u32 @!p2;
	v4 =	vld.idx.msk @!p1 [tilespmem:v7+s7+$0x0], $0xffff  }
0x347: {  	v7 =	vor.u32 @!p2 s5, v6;
	_ =	sdelay $0x2  }
0x348: {  	s1 =	ssub.s32 @!p2 s1, s16  }
0x349: {  	s1 =	sshll.u32 @!p2 s1, $0x7;
	s7 =	simm.s32 @!p2 $0x1F400;
	[tilespmem:v5+s9+$0x0] =	vst.idx.msk @!p1 $0xffff, v4  }
0x34a: {  	v5 =	vor.u32 @!p2 s1, v6;
	v4 =	vld.idx.msk @!p2 [tilespmem:v7+s7+$0x0], $0xffff;
	v7 =	vor.u32 @!p2 $0x10, v6  }
0x34b: {  	v8 =	vor.u32 @!p2 s5, v7;
	_ =	sdelay $0x2  }
0x34c: {  	s9 =	simm.s32 @!p2 $0x0  }
0x34d: {  	[tilespmem:v5+s9+$0x0] =	vst.idx.msk @!p2 $0xffff, v4  }
0x34e: {  	v5 =	vor.u32 @!p2 s1, v7;
	v7 =	vor.u32 @!p2 $0x20, v6;
	v4 =	vld.idx.msk @!p2 [tilespmem:v8+s7+$0x0], $0xffff  }
0x34f: {  	v8 =	vor.u32 @!p2 s5, v7;
	_ =	sdelay $0x3  }
0x350: {  	[tilespmem:v5+s9+$0x0] =	vst.idx.msk @!p2 $0xffff, v4  }
0x351: {  	v6 =	vor.u32 @!p2 $0x30, v6;
	v5 =	vor.u32 @!p2 s1, v7;
	v4 =	vld.idx.msk @!p2 [tilespmem:v8+s7+$0x0], $0xffff  }
0x352: {  	v7 =	vor.u32 @!p2 s5, v6;
	_ =	sdelay $0x1  }
0x353: {  	s5 =	sor.u32 $0x5, s0  }
0x354: {  	p1 =	sge.u32 s5, s25  }
0x355: {  	s10 =	ssub.s32 @!p1 s5, s0;
	[tilespmem:v5+s9+$0x0] =	vst.idx.msk @!p2 $0xffff, v4  }
0x356: {  	v5 =	vor.u32 @!p2 s1, v6;
	s1 =	sshll.u32 @!p1 s10, $0x7;
	v6 =	vlaneseq.u32 @!p1;
	v4 =	vld.idx.msk @!p2 [tilespmem:v7+s7+$0x0], $0xffff  }
0x357: {  	v7 =	vor.u32 @!p1 s1, v6;
	_ =	sdelay $0x2  }
0x358: {  	s5 =	ssub.s32 @!p1 s5, s16  }
0x359: {  	s5 =	sshll.u32 @!p1 s5, $0x7;
	s7 =	simm.s32 @!p1 $0x1F400;
	[tilespmem:v5+s9+$0x0] =	vst.idx.msk @!p2 $0xffff, v4  }
0x35a: {  	v5 =	vor.u32 @!p1 s5, v6;
	v4 =	vld.idx.msk @!p1 [tilespmem:v7+s7+$0x0], $0xffff;
	v7 =	vor.u32 @!p1 $0x10, v6  }
0x35b: {  	v8 =	vor.u32 @!p1 s1, v7;
	_ =	sdelay $0x2  }
0x35c: {  	s9 =	simm.s32 @!p1 $0x0  }
0x35d: {  	[tilespmem:v5+s9+$0x0] =	vst.idx.msk @!p1 $0xffff, v4  }
0x35e: {  	v5 =	vor.u32 @!p1 s5, v7;
	v7 =	vor.u32 @!p1 $0x20, v6;
	v4 =	vld.idx.msk @!p1 [tilespmem:v8+s7+$0x0], $0xffff  }
0x35f: {  	v8 =	vor.u32 @!p1 s1, v7;
	_ =	sdelay $0x3  }
0x360: {  	[tilespmem:v5+s9+$0x0] =	vst.idx.msk @!p1 $0xffff, v4  }
0x361: {  	v6 =	vor.u32 @!p1 $0x30, v6;
	v5 =	vor.u32 @!p1 s5, v7;
	v4 =	vld.idx.msk @!p1 [tilespmem:v8+s7+$0x0], $0xffff  }
0x362: {  	v7 =	vor.u32 @!p1 s1, v6;
	_ =	sdelay $0x1  }
0x363: {  	s1 =	sor.u32 $0x6, s0  }
0x364: {  	p2 =	sge.u32 s1, s25  }
0x365: {  	s0 =	ssub.s32 @!p2 s1, s0;
	[tilespmem:v5+s9+$0x0] =	vst.idx.msk @!p1 $0xffff, v4  }
0x366: {  	s0 =	sshll.u32 @!p2 s0, $0x7;
	v5 =	vor.u32 @!p1 s5, v6;
	v6 =	vlaneseq.u32 @!p2;
	v4 =	vld.idx.msk @!p1 [tilespmem:v7+s7+$0x0], $0xffff  }
0x367: {  	v7 =	vor.u32 @!p2 s0, v6;
	_ =	sdelay $0x2  }
0x368: {  	s1 =	ssub.s32 @!p2 s1, s16  }
0x369: {  	s1 =	sshll.u32 @!p2 s1, $0x7;
	s5 =	simm.s32 @!p2 $0x1F400;
	[tilespmem:v5+s9+$0x0] =	vst.idx.msk @!p1 $0xffff, v4  }
0x36a: {  	v5 =	vor.u32 @!p2 s1, v6;
	v4 =	vld.idx.msk @!p2 [tilespmem:v7+s5+$0x0], $0xffff;
	v7 =	vor.u32 @!p2 $0x10, v6  }
0x36b: {  	v8 =	vor.u32 @!p2 s0, v7;
	_ =	sdelay $0x2  }
0x36c: {  	s7 =	simm.s32 @!p2 $0x0  }
0x36d: {  	[tilespmem:v5+s7+$0x0] =	vst.idx.msk @!p2 $0xffff, v4  }
0x36e: {  	v5 =	vor.u32 @!p2 s1, v7;
	v7 =	vor.u32 @!p2 $0x20, v6;
	v4 =	vld.idx.msk @!p2 [tilespmem:v8+s5+$0x0], $0xffff  }
0x36f: {  	v8 =	vor.u32 @!p2 s0, v7;
	_ =	sdelay $0x3  }
0x370: {  	[tilespmem:v5+s7+$0x0] =	vst.idx.msk @!p2 $0xffff, v4  }
0x371: {  	v6 =	vor.u32 @!p2 $0x30, v6;
	v5 =	vor.u32 @!p2 s1, v7;
	v4 =	vld.idx.msk @!p2 [tilespmem:v8+s5+$0x0], $0xffff  }
0x372: {  	v7 =	vor.u32 @!p2 s0, v6;
	_ =	sdelay $0x3  }
0x373: {  	[tilespmem:v5+s7+$0x0] =	vst.idx.msk @!p2 $0xffff, v4  }
0x374: {  	v5 =	vor.u32 @!p2 s1, v6;
	v4 =	vld.idx.msk @!p2 [tilespmem:v7+s5+$0x0], $0xffff  }
.Ltmp7:
0x375: {  	_ = 	snop;
	(pc) =	sbr.rel .LBB2_10-.Ltmp7, $2  }
0x376: {  	_ =	sdelay $0x2  }
0x377: {  	[tilespmem:v5+s7+$0x0] =	vst.idx.msk @!p2 $0xffff, v4  }
.LBB2_12:
0x378: {  	_ =	sfence.sel $0x180000  }
0x379: {  	[bflag:$0x0] =	sbarrier.arrive $0xFFFF  }
0x37a: {  	_ =	strace $0x90000047  }
0x37b: {  	s0 =	stileid.u32;
	[bflag:$0x2] =	sbarrier.arrive $0xFFFF  }
0x37c: {  	p0 =	sne.s32 s0, $0x0;
	s0 =	rddreg [dreg:$0x2]  }
0x37d: {  	s0 =	sadd.s32 @!p0 $0x100000, s0  }
0x37e: {  	[sflag:s0] =	ssyncadd.tile.s32 @!p0 $0x1;
	_ =	shalt  }
.Lfunc_end2:
_tile_overlayer_lowered:
.L_overlay_start_2:
0x37f: {  	(tag) =	ssettag $0x2  }
0x380: {  	s0 =	rddreg [dreg:$0x0];
	s2 =	stileid.u32  }
0x381: {  	s1 =	rddreg [dreg:$0x1];
	p0 =	sne.s32 s2, $0x0  }
0x382: {  	s3 =	rddreg [dreg:$0x2];
	[bflag:$0x3] =	sbarrier.arrive $0xFFFF;
	s2 =	simm.s32 @!p0 $0x1C01  }
0x383: {  	[timem:s3], [sflag:s2] =	dma.local @!p0 [hbm:s0], s1  }
0x384: {  	s0 =	simm.s32 @!p0 $0x1  }
0x385: {  	_ =	swait.ge @!p0 [sflag:s0], s1  }
0x386: {  	s1 =	ssub.s32 @!p0 $0x0, s1;
	[sflag:s0] =	ssyncset.done @!p0 $0x0  }
0x387: {  	[sflag:s0] =	ssyncadd.s32 @!p0 s1  }
0x388: {  	[bflag:$0x3] =	sbarrier.arrive $0xFFFF  }
0x389: {  	_ =	shalt  }

</sc_bundles>
